<compile_context>
chip_gen: v7x
topology: tpu7x:2x2x1
jax: 0.10.2.dev20260603
libtpu: 0.0.44.dev20260713+nightly
codegen_flags: <defaults>
</compile_context>

<pallas_src>
import functools

import jax
import jax.numpy as jnp
from jax import lax
from jax.experimental import pallas as pl
from jax.experimental.pallas import tpu as pltpu
from jax.experimental.pallas import tpu_sc as plsc

N = 10000
E = 320000
G = 128
DIN = 136
DP = 64
NC = 2
NS = 16
NW = NC * NS
EPW = E // NW
CHUNK = 128
NCHUNK = EPW // CHUNK
TAIL = EPW - NCHUNK * CHUNK
STG = 624
LAST = N - STG * (NS - 1)
RB = 2000
GRID = N // RB

_MESH = plsc.VectorSubcoreMesh(core_axis_name="c", subcore_axis_name="s")


def _split_rows(body):
    sid = lax.axis_index("s")
    r0 = pl.multiple_of(sid * STG, 8)

    @pl.when(sid < NS - 1)
    def _():
        body(r0, STG)

    @pl.when(sid == NS - 1)
    def _():
        body(N - LAST, LAST)


DEG_GRP = 6
NGRP_D = NCHUNK // DEG_GRP
NPAIR_D = (NGRP_D - 1) // 2


@functools.partial(
    pl.kernel,
    out_type=jax.ShapeDtypeStruct((NC, N, 8), jnp.float32),
    mesh=_MESH,
    scratch_types=[
        [pltpu.VMEM((CHUNK,), jnp.int32) for _ in range(2 * DEG_GRP)],
        pltpu.VMEM((TAIL,), jnp.int32),
        pltpu.VMEM((CHUNK, 8), jnp.float32),
        pltpu.VMEM_SHARED((N, 8), jnp.float32),
        pltpu.SemaphoreType.DMA,
        [pltpu.SemaphoreType.DMA for _ in range(2 * DEG_GRP)],
    ],
    compiler_params=pltpu.CompilerParams(use_tc_tiling_on_sc=False),
)
def _deg_sc(ei_hbm, ones_hbm, zeros_hbm, out_hbm, didx, didx_t, ones_v,
            deg_sh, sem, isems):
    cid = lax.axis_index("c")
    sid = lax.axis_index("s")
    wid = cid * NS + sid
    ebase = wid * EPW
    _split_rows(lambda r0, n: pltpu.sync_copy(
        zeros_hbm.at[pl.ds(0, n), :], deg_sh.at[pl.ds(r0, n), :]))
    pltpu.sync_copy(ones_hbm, ones_v)
    plsc.subcore_barrier()

    def fire_idx(grp, s):
        for k in range(DEG_GRP):
            b = s * DEG_GRP + k
            pltpu.async_copy(
                ei_hbm.at[1, pl.ds(ebase + (grp * DEG_GRP + k) * CHUNK,
                                   CHUNK)], didx[b], isems[b])

    def scatter_idx_group(grp, s):
        descs = []
        for k in range(DEG_GRP):
            b = s * DEG_GRP + k
            pltpu.make_async_copy(
                ei_hbm.at[1, pl.ds(ebase + (grp * DEG_GRP + k) * CHUNK,
                                   CHUNK)], didx[b], isems[b]).wait()
            descs.append(pltpu.async_copy(ones_v, deg_sh.at[didx[b]],
                                          sem, add=True))
        return descs

    fire_idx(0, 0)

    def step(j, carry):
        ga = 2 * j
        fire_idx(ga + 1, 1)
        for d in scatter_idx_group(ga, 0):
            d.wait()
        fire_idx(ga + 2, 0)
        for d in scatter_idx_group(ga + 1, 1):
            d.wait()
        return carry

    lax.fori_loop(0, NPAIR_D, step, 0)
    for d in scatter_idx_group(NGRP_D - 1, 0):
        d.wait()
    pltpu.sync_copy(ei_hbm.at[1, pl.ds(ebase + NCHUNK * CHUNK, TAIL)],
                    didx_t)
    pltpu.async_copy(ones_v.at[pl.ds(0, TAIL), :], deg_sh.at[didx_t],
                     sem, add=True).wait()
    plsc.subcore_barrier()
    _split_rows(lambda r0, n: pltpu.sync_copy(
        deg_sh.at[pl.ds(r0, n), :], out_hbm.at[cid, pl.ds(r0, n), :]))


NBUF = 3
NGRP = NCHUNK // NBUF
NPAIR = (NGRP - 2) // 2


@functools.partial(
    pl.kernel,
    out_type=jax.ShapeDtypeStruct((NC, N, DP), jnp.float32),
    mesh=_MESH,
    scratch_types=[
        pltpu.VMEM((EPW,), jnp.int32),
        [pltpu.VMEM((CHUNK,), jnp.int32) for _ in range(2 * NBUF)],
        pltpu.VMEM((TAIL,), jnp.int32),
        [pltpu.VMEM((CHUNK, DP), jnp.float32) for _ in range(2 * NBUF)],
        pltpu.VMEM((TAIL, DP), jnp.float32),
        pltpu.VMEM_SHARED((N, DP), jnp.float32),
        [pltpu.SemaphoreType.DMA for _ in range(2 * NBUF)],
        [pltpu.SemaphoreType.DMA for _ in range(2 * NBUF)],
        [pltpu.SemaphoreType.DMA for _ in range(2 * NBUF)],
    ],
    compiler_params=pltpu.CompilerParams(use_tc_tiling_on_sc=False),
)
def _agg_sc(hp_hbm, ei_hbm, zeros_hbm, out_hbm,
            sidx_all, didx, didx_t, rows, rows_t, acc_sh,
            gsems, ssems, isems):
    cid = lax.axis_index("c")
    sid = lax.axis_index("s")
    wid = cid * NS + sid
    ebase = wid * EPW

    pltpu.sync_copy(ei_hbm.at[0, pl.ds(ebase, EPW)], sidx_all)

    @pl.when(cid == 0)
    def _():
        _split_rows(lambda r0, n: pltpu.sync_copy(
            hp_hbm.at[pl.ds(r0, n), :], acc_sh.at[pl.ds(r0, n), :]))

    @pl.when(cid != 0)
    def _():
        _split_rows(lambda r0, n: pltpu.sync_copy(
            zeros_hbm.at[pl.ds(0, n), :], acc_sh.at[pl.ds(r0, n), :]))

    plsc.subcore_barrier()

    def fire_gathers(grp, s):
        for b in range(NBUF):
            i = s * NBUF + b
            off = (grp * NBUF + b) * CHUNK
            pltpu.async_copy(ei_hbm.at[1, pl.ds(ebase + off, CHUNK)],
                             didx[i], isems[i])
            pltpu.async_copy(hp_hbm.at[sidx_all.at[pl.ds(off, CHUNK)]],
                             rows[i], gsems[i])

    def scatter_group(grp, s):
        sds = []
        for b in range(NBUF):
            i = s * NBUF + b
            off = (grp * NBUF + b) * CHUNK
            pltpu.make_async_copy(ei_hbm.at[1, pl.ds(ebase + off, CHUNK)],
                                  didx[i], isems[i]).wait()
            pltpu.make_async_copy(hp_hbm.at[sidx_all.at[pl.ds(off, CHUNK)]],
                                  rows[i], gsems[i]).wait()
            sds.append(pltpu.async_copy(rows[i], acc_sh.at[didx[i]],
                                        ssems[i], add=True))
        return sds

    fire_gathers(0, 0)

    def step(k, carry):
        ga = 2 * k
        fire_gathers(ga + 1, 1)
        sds_a = scatter_group(ga, 0)
        for d in sds_a:
            d.wait()
        fire_gathers(ga + 2, 0)
        sds_b = scatter_group(ga + 1, 1)
        for d in sds_b:
            d.wait()
        return carry

    lax.fori_loop(0, NPAIR, step, 0)
    fire_gathers(NGRP - 1, 1)
    for d in scatter_group(NGRP - 2, 0):
        d.wait()
    for d in scatter_group(NGRP - 1, 1):
        d.wait()
    toff = NCHUNK * CHUNK
    pltpu.sync_copy(ei_hbm.at[1, pl.ds(ebase + toff, TAIL)], didx_t)
    pltpu.async_copy(hp_hbm.at[sidx_all.at[pl.ds(toff, TAIL)]],
                     rows_t, gsems[0]).wait()
    pltpu.async_copy(rows_t, acc_sh.at[didx_t], ssems[0], add=True).wait()

    plsc.subcore_barrier()
    _split_rows(lambda r0, n: pltpu.sync_copy(
        acc_sh.at[pl.ds(r0, n), :], out_hbm.at[cid, pl.ds(r0, n), :]))


def _dinv_of(deg_ref):
    cnt = deg_ref[0, :, 0] + deg_ref[1, :, 0] + 1.0
    return lax.rsqrt(cnt)[:, None]


def _mm1_body(x_ref, w_ref, o_ref):
    o_ref[...] = jnp.dot(x_ref[...], w_ref[...],
                         preferred_element_type=jnp.float32)


def _scale_body(h_ref, deg_ref, o_ref):
    o_ref[...] = _dinv_of(deg_ref) * h_ref[...]


def _mid_body(acc_ref, deg_ref, b_ref, w_ref, o_ref):
    dinv = _dinv_of(deg_ref)
    out1 = jnp.maximum(dinv * (acc_ref[0] + acc_ref[1]) + b_ref[...], 0.0)
    o_ref[...] = dinv * jnp.dot(out1, w_ref[...],
                                preferred_element_type=jnp.float32)


def _fin_body(acc_ref, deg_ref, b_ref, batch_ref, wl_ref, bl_ref,
              sums_ref, out_ref):
    i = pl.program_id(0)
    dinv = _dinv_of(deg_ref)
    h2 = jnp.maximum(dinv * (acc_ref[0] + acc_ref[1]) + b_ref[...], 0.0)
    ones_col = (lax.broadcasted_iota(jnp.int32, (RB, DP), 1) == DP - 1)
    h2 = h2 + ones_col.astype(jnp.float32)
    seg = batch_ref[0]
    gids = lax.broadcasted_iota(jnp.int32, (G, RB), 0)
    onehot = (gids == jnp.broadcast_to(seg, (G, RB))).astype(jnp.float32)
    psum = jnp.dot(onehot, h2, preferred_element_type=jnp.float32)

    @pl.when(i == 0)
    def _():
        sums_ref[...] = jnp.zeros_like(sums_ref)

    sums_ref[...] += psum

    @pl.when(i == pl.num_programs(0) - 1)
    def _():
        cnt = jnp.maximum(sums_ref[:, DP - 1:DP], 1.0)
        pooled = sums_ref[...] / cnt
        z = jnp.dot(pooled, wl_ref[...],
                    preferred_element_type=jnp.float32) + bl_ref[0, 0]
        out_ref[...] = 1.0 / (1.0 + jnp.exp(-z))


def kernel(x, edge_index, batch, W1, b1, W2, b2, Wl, bl):
    f32 = jnp.float32
    W1p = jnp.pad(W1, ((0, 0), (0, DP - W1.shape[1])))
    W2p = jnp.pad(W2, ((0, DP - W2.shape[0]), (0, DP - W2.shape[1])))
    b1p = jnp.pad(b1, (0, DP - b1.shape[0]))[None, :]
    b2p = jnp.pad(b2, (0, DP - b2.shape[0]))[None, :]
    Wlp = jnp.pad(Wl, ((0, DP - Wl.shape[0]), (0, 128 - Wl.shape[1])))
    blv = bl.reshape(1, 1)
    ones8 = jnp.ones((CHUNK, 8), f32)
    zeros8 = jnp.zeros((LAST, 8), f32)
    zeros64 = jnp.zeros((LAST, DP), f32)
    batch3 = batch.reshape(GRID, 1, RB)

    h1raw = pl.pallas_call(
        _mm1_body,
        grid=(GRID,),
        in_specs=[
            pl.BlockSpec((RB, DIN), lambda i: (i, 0)),
            pl.BlockSpec((DIN, DP), lambda i: (0, 0)),
        ],
        out_specs=pl.BlockSpec((RB, DP), lambda i: (i, 0)),
        out_shape=jax.ShapeDtypeStruct((N, DP), f32),
    )(x, W1p)

    deg2 = _deg_sc(edge_index, ones8, zeros8)

    h1p = pl.pallas_call(
        _scale_body,
        grid=(GRID,),
        in_specs=[
            pl.BlockSpec((RB, DP), lambda i: (i, 0)),
            pl.BlockSpec((NC, RB, 8), lambda i: (0, i, 0)),
        ],
        out_specs=pl.BlockSpec((RB, DP), lambda i: (i, 0)),
        out_shape=jax.ShapeDtypeStruct((N, DP), f32),
    )(h1raw, deg2)

    a1 = _agg_sc(h1p, edge_index, zeros64)

    h2p = pl.pallas_call(
        _mid_body,
        grid=(GRID,),
        in_specs=[
            pl.BlockSpec((NC, RB, DP), lambda i: (0, i, 0)),
            pl.BlockSpec((NC, RB, 8), lambda i: (0, i, 0)),
            pl.BlockSpec((1, DP), lambda i: (0, 0)),
            pl.BlockSpec((DP, DP), lambda i: (0, 0)),
        ],
        out_specs=pl.BlockSpec((RB, DP), lambda i: (i, 0)),
        out_shape=jax.ShapeDtypeStruct((N, DP), f32),
    )(a1, deg2, b1p, W2p)

    a2 = _agg_sc(h2p, edge_index, zeros64)

    _, out = pl.pallas_call(
        _fin_body,
        grid=(GRID,),
        in_specs=[
            pl.BlockSpec((NC, RB, DP), lambda i: (0, i, 0)),
            pl.BlockSpec((NC, RB, 8), lambda i: (0, i, 0)),
            pl.BlockSpec((1, DP), lambda i: (0, 0)),
            pl.BlockSpec((1, 1, RB), lambda i: (i, 0, 0)),
            pl.BlockSpec((DP, 128), lambda i: (0, 0)),
            pl.BlockSpec((1, 1), lambda i: (0, 0)),
        ],
        out_specs=[
            pl.BlockSpec((G, DP), lambda i: (0, 0)),
            pl.BlockSpec((G, 128), lambda i: (0, 0)),
        ],
        out_shape=[
            jax.ShapeDtypeStruct((G, DP), f32),
            jax.ShapeDtypeStruct((G, 128), f32),
        ],
    )(a2, deg2, b2p, batch3, Wlp, blv)

    return out[:, 0].reshape(-1)

# --- scband reference (transcript-rebuilt; emitter-appended) ---
"""Pipeline reference for scband-gcn-45715631898727 (READ-ONLY COPY).

The authoritative reference and input builder live on the scoring server;
editing this copy changes nothing except your own understanding.
"""

import jax, jax.numpy as jnp
import numpy as np

N_NODES = 10000
N_EDGES = 320000
N_GRAPHS = 128
D_IN = 136
D_HID = 50


def gcn_conv(x, edge_index, W, b, num_nodes):
    # PyG GCNConv: x' = D^{-1/2} (A + I) D^{-1/2} X W + b
    src = edge_index[0]
    dst = edge_index[1]
    loop = jnp.arange(num_nodes, dtype=src.dtype)
    src = jnp.concatenate([src, loop])
    dst = jnp.concatenate([dst, loop])
    h = x @ W
    deg = jnp.zeros((num_nodes,), dtype=h.dtype).at[dst].add(1.0)
    dinv = jnp.where(deg > 0, 1.0 / jnp.sqrt(deg), 0.0)
    norm = dinv[src] * dinv[dst]
    msg = h[src] * norm[:, None]
    out = jnp.zeros((num_nodes, h.shape[1]), dtype=h.dtype).at[dst].add(msg)
    return out + b


def setup_inputs(seed: int = 0):
    key = jax.random.key(seed)
    ks = jax.random.split(key, 9)
    x = jax.random.normal(ks[0], (N_NODES, D_IN), dtype=jnp.float32)
    edge_index = jax.random.randint(ks[1], (2, N_EDGES), 0, N_NODES, dtype=jnp.int32)
    batch = jnp.sort(jax.random.randint(ks[2], (N_NODES,), 0, N_GRAPHS, dtype=jnp.int32))
    W1 = jax.random.normal(ks[3], (D_IN, D_HID), dtype=jnp.float32) * 0.05
    b1 = jnp.zeros((D_HID,), dtype=jnp.float32)
    W2 = jax.random.normal(ks[4], (D_HID, D_HID), dtype=jnp.float32) * 0.05
    b2 = jnp.zeros((D_HID,), dtype=jnp.float32)
    Wl = jax.random.normal(ks[5], (D_HID, 1), dtype=jnp.float32) * 0.05
    bl = jnp.zeros((1,), dtype=jnp.float32)
    return {"x": x, "edge_index": edge_index, "batch": batch,
            "W1": W1, "b1": b1, "W2": W2, "b2": b2, "Wl": Wl, "bl": bl}


def reference(x, edge_index, batch, W1, b1, W2, b2, Wl, bl):
    h = jax.nn.relu(gcn_conv(x, edge_index, W1, b1, N_NODES))
    h = jax.nn.relu(gcn_conv(h, edge_index, W2, b2, N_NODES))
    # global_mean_pool over graph ids in `batch`
    sums = jnp.zeros((N_GRAPHS, h.shape[1]), dtype=h.dtype).at[batch].add(h)
    cnt = jnp.zeros((N_GRAPHS,), dtype=h.dtype).at[batch].add(1.0)
    pooled = sums / jnp.maximum(cnt, 1.0)[:, None]
    # Dropout(0.5) is identity in eval mode
    out = pooled @ Wl + bl
    return jax.nn.sigmoid(out).reshape(-1)

if __name__ == "__main__":
    import jax
    _d = setup_inputs()
    print(jax.jit(kernel)(*tuple(_d.values())))

</pallas_src>

<mosaic_0001>
#map = affine_map<(d0, d1) -> (0, 0)>
#map1 = affine_map<(d0, d1) -> (0, 0, 0)>
module attributes {stable_mosaic.version = 14 : i64} {
  func.func @_agg_sc(%arg0: i32, %arg1: i32, %arg2: memref<10000x64xf32, #tpu.memory_space<hbm>>, %arg3: memref<2x320000xi32, #tpu.memory_space<hbm>>, %arg4: memref<640x64xf32, #tpu.memory_space<hbm>>, %arg5: memref<2x10000x64xf32, #tpu.memory_space<hbm>>, %arg6: memref<10000xi32, #tpu.memory_space<vmem>>, %arg7: memref<128xi32, #tpu.memory_space<vmem>>, %arg8: memref<128xi32, #tpu.memory_space<vmem>>, %arg9: memref<128xi32, #tpu.memory_space<vmem>>, %arg10: memref<128xi32, #tpu.memory_space<vmem>>, %arg11: memref<128xi32, #tpu.memory_space<vmem>>, %arg12: memref<128xi32, #tpu.memory_space<vmem>>, %arg13: memref<16xi32, #tpu.memory_space<vmem>>, %arg14: memref<128x64xf32, #tpu.memory_space<vmem>>, %arg15: memref<128x64xf32, #tpu.memory_space<vmem>>, %arg16: memref<128x64xf32, #tpu.memory_space<vmem>>, %arg17: memref<128x64xf32, #tpu.memory_space<vmem>>, %arg18: memref<128x64xf32, #tpu.memory_space<vmem>>, %arg19: memref<128x64xf32, #tpu.memory_space<vmem>>, %arg20: memref<16x64xf32, #tpu.memory_space<vmem>>, %arg21: memref<10000x64xf32, #tpu.memory_space<vmem_shared>>, %arg22: memref<!tpu.dma_semaphore, #tpu.memory_space<semaphore_mem>>, %arg23: memref<!tpu.dma_semaphore, #tpu.memory_space<semaphore_mem>>, %arg24: memref<!tpu.dma_semaphore, #tpu.memory_space<semaphore_mem>>, %arg25: memref<!tpu.dma_semaphore, #tpu.memory_space<semaphore_mem>>, %arg26: memref<!tpu.dma_semaphore, #tpu.memory_space<semaphore_mem>>, %arg27: memref<!tpu.dma_semaphore, #tpu.memory_space<semaphore_mem>>, %arg28: memref<!tpu.dma_semaphore, #tpu.memory_space<semaphore_mem>>, %arg29: memref<!tpu.dma_semaphore, #tpu.memory_space<semaphore_mem>>, %arg30: memref<!tpu.dma_semaphore, #tpu.memory_space<semaphore_mem>>, %arg31: memref<!tpu.dma_semaphore, #tpu.memory_space<semaphore_mem>>, %arg32: memref<!tpu.dma_semaphore, #tpu.memory_space<semaphore_mem>>, %arg33: memref<!tpu.dma_semaphore, #tpu.memory_space<semaphore_mem>>, %arg34: memref<!tpu.dma_semaphore, #tpu.memory_space<semaphore_mem>>, %arg35: memref<!tpu.dma_semaphore, #tpu.memory_space<semaphore_mem>>, %arg36: memref<!tpu.dma_semaphore, #tpu.memory_space<semaphore_mem>>, %arg37: memref<!tpu.dma_semaphore, #tpu.memory_space<semaphore_mem>>, %arg38: memref<!tpu.dma_semaphore, #tpu.memory_space<semaphore_mem>>, %arg39: memref<!tpu.dma_semaphore, #tpu.memory_space<semaphore_mem>>) attributes {dimension_semantics = [#tpu.dimension_semantics<core_parallel>, #tpu.dimension_semantics<subcore_parallel>], iteration_bounds = array<i64: 2, 16>, scalar_prefetch = 0 : i64, scratch_operands = 34 : i64, tpu.core_type = #tpu.core_type<sc_vector_subcore>, window_params = [{transform_indices = #map}, {transform_indices = #map}, {transform_indices = #map}, {transform_indices = #map1}]} {
    %mul3A = arith.constant 16 : i32
    %mul3A_0 = arith.muli %arg0, %mul3A : i32
    %add3A = arith.addi %mul3A_0, %arg1 : i32
    %mul3A_1 = arith.constant 10000 : i32
    %mul3A_2 = arith.muli %add3A, %mul3A_1 : i32
    %run_scoped3A = arith.constant 0 : i32
    "tpu.region"() ({
      %run_scoped3A_223 = tpu.sem_alloc : memref<!tpu.dma_semaphore, #tpu.memory_space<semaphore_mem>>
      %dma_start3A_224 = tpu.memref_slice %arg3[%run_scoped3A, %mul3A_2] : memref<2x320000xi32, #tpu.memory_space<hbm>> -> memref<1x10000xi32, #tpu.memory_space<hbm>>
      %dma_start3A_225 = tpu.memref_squeeze %dma_start3A_224 : memref<1x10000xi32, #tpu.memory_space<hbm>> -> memref<10000xi32, #tpu.memory_space<hbm>>
      %dma_start3A_226 = tpu.memref_slice %arg3[%run_scoped3A, %mul3A_2] : memref<2x320000xi32, #tpu.memory_space<hbm>> -> memref<1x10000xi32, #tpu.memory_space<hbm>>
      %dma_start3A_227 = tpu.memref_squeeze %dma_start3A_226 : memref<1x10000xi32, #tpu.memory_space<hbm>> -> memref<10000xi32, #tpu.memory_space<hbm>>
      tpu.enqueue_dma source(%dma_start3A_227 : memref<10000xi32, #tpu.memory_space<hbm>>) target(%arg6 : memref<10000xi32, #tpu.memory_space<vmem>>) target_semaphore(%run_scoped3A_223 : memref<!tpu.dma_semaphore, #tpu.memory_space<semaphore_mem>>)
      %dma_wait3A_228 = tpu.memref_slice %arg3[%run_scoped3A, %mul3A_2] : memref<2x320000xi32, #tpu.memory_space<hbm>> -> memref<1x10000xi32, #tpu.memory_space<hbm>>
      %dma_wait3A_229 = tpu.memref_squeeze %dma_wait3A_228 : memref<1x10000xi32, #tpu.memory_space<hbm>> -> memref<10000xi32, #tpu.memory_space<hbm>>
      %dma_wait3A_230 = tpu.memref_slice %arg3[%run_scoped3A, %mul3A_2] : memref<2x320000xi32, #tpu.memory_space<hbm>> -> memref<1x10000xi32, #tpu.memory_space<hbm>>
      %dma_wait3A_231 = tpu.memref_squeeze %dma_wait3A_230 : memref<1x10000xi32, #tpu.memory_space<hbm>> -> memref<10000xi32, #tpu.memory_space<hbm>>
      tpu.wait_dma2 semaphore(%run_scoped3A_223 : memref<!tpu.dma_semaphore, #tpu.memory_space<semaphore_mem>>) src(%dma_wait3A_231 : memref<10000xi32, #tpu.memory_space<hbm>>) dst(%arg6 : memref<10000xi32, #tpu.memory_space<vmem>>)
      tpu.yield
    }) : () -> ()
    %eq3A = arith.constant 0 : i32
    %eq3A_3 = arith.cmpi eq, %arg0, %eq3A : i32
    %convert_element_type3A = arith.extui %eq3A_3 : i1 to i32
    %cond3A = arith.constant 0 : i32
    %cond3A_4 = arith.cmpi ne, %convert_element_type3A, %cond3A : i32
    scf.if %cond3A_4 {
      %mul3A_223 = arith.constant 624 : i32
      %mul3A_224 = arith.muli %arg1, %mul3A_223 : i32
      %multiple_of3A_225 = tpu.assume_multiple %mul3A_224, 8 : i32
      %lt3A_226 = arith.constant 15 : i32
      %lt3A_227 = arith.cmpi slt, %arg1, %lt3A_226 : i32
      %convert_element_type3A_228 = arith.extui %lt3A_227 : i1 to i32
      %cond3A_229 = arith.constant 0 : i32
      %cond3A_230 = arith.cmpi ne, %convert_element_type3A_228, %cond3A_229 : i32
      scf.if %cond3A_230 {
        "tpu.region"() ({
          %run_scoped3A_236 = tpu.sem_alloc : memref<!tpu.dma_semaphore, #tpu.memory_space<semaphore_mem>>
          %dma_start3A_237 = arith.constant 0 : i32
          %dma_start3A_238 = tpu.memref_slice %arg21[%multiple_of3A_225, %dma_start3A_237] : memref<10000x64xf32, #tpu.memory_space<vmem_shared>> -> memref<624x64xf32, #tpu.memory_space<vmem_shared>>
          %dma_start3A_239 = arith.constant 0 : i32
          %dma_start3A_240 = tpu.memref_slice %arg2[%multiple_of3A_225, %dma_start3A_239] : memref<10000x64xf32, #tpu.memory_space<hbm>> -> memref<624x64xf32, #tpu.memory_space<hbm>>
          tpu.enqueue_dma source(%dma_start3A_240 : memref<624x64xf32, #tpu.memory_space<hbm>>) target(%dma_start3A_238 : memref<624x64xf32, #tpu.memory_space<vmem_shared>>) target_semaphore(%run_scoped3A_236 : memref<!tpu.dma_semaphore, #tpu.memory_space<semaphore_mem>>)
          %dma_wait3A_241 = arith.constant 0 : i32
          %dma_wait3A_242 = tpu.memref_slice %arg21[%multiple_of3A_225, %dma_wait3A_241] : memref<10000x64xf32, #tpu.memory_space<vmem_shared>> -> memref<624x64xf32, #tpu.memory_space<vmem_shared>>
          %dma_wait3A_243 = arith.constant 0 : i32
          %dma_wait3A_244 = tpu.memref_slice %arg2[%multiple_of3A_225, %dma_wait3A_243] : memref<10000x64xf32, #tpu.memory_space<hbm>> -> memref<624x64xf32, #tpu.memory_space<hbm>>
          tpu.wait_dma2 semaphore(%run_scoped3A_236 : memref<!tpu.dma_semaphore, #tpu.memory_space<semaphore_mem>>) src(%dma_wait3A_244 : memref<624x64xf32, #tpu.memory_space<hbm>>) dst(%dma_wait3A_242 : memref<624x64xf32, #tpu.memory_space<vmem_shared>>)
          tpu.yield
        }) : () -> ()
      } else {
      }
      %eq3A_231 = arith.constant 15 : i32
      %eq3A_232 = arith.cmpi eq, %arg1, %eq3A_231 : i32
      %convert_element_type3A_233 = arith.extui %eq3A_232 : i1 to i32
      %cond3A_234 = arith.constant 0 : i32
      %cond3A_235 = arith.cmpi ne, %convert_element_type3A_233, %cond3A_234 : i32
      scf.if %cond3A_235 {
        "tpu.region"() ({
          %run_scoped3A_236 = tpu.sem_alloc : memref<!tpu.dma_semaphore, #tpu.memory_space<semaphore_mem>>
          %dma_start3A_237 = arith.constant 9360 : i32
          %dma_start3A_238 = arith.constant 0 : i32
          %dma_start3A_239 = tpu.memref_slice %arg21[%dma_start3A_237, %dma_start3A_238] : memref<10000x64xf32, #tpu.memory_space<vmem_shared>> -> memref<640x64xf32, #tpu.memory_space<vmem_shared>>
          %dma_start3A_240 = arith.constant 9360 : i32
          %dma_start3A_241 = arith.constant 0 : i32
          %dma_start3A_242 = tpu.memref_slice %arg2[%dma_start3A_240, %dma_start3A_241] : memref<10000x64xf32, #tpu.memory_space<hbm>> -> memref<640x64xf32, #tpu.memory_space<hbm>>
          tpu.enqueue_dma source(%dma_start3A_242 : memref<640x64xf32, #tpu.memory_space<hbm>>) target(%dma_start3A_239 : memref<640x64xf32, #tpu.memory_space<vmem_shared>>) target_semaphore(%run_scoped3A_236 : memref<!tpu.dma_semaphore, #tpu.memory_space<semaphore_mem>>)
          %dma_wait3A_243 = arith.constant 9360 : i32
          %dma_wait3A_244 = arith.constant 0 : i32
          %dma_wait3A_245 = tpu.memref_slice %arg21[%dma_wait3A_243, %dma_wait3A_244] : memref<10000x64xf32, #tpu.memory_space<vmem_shared>> -> memref<640x64xf32, #tpu.memory_space<vmem_shared>>
          %dma_wait3A_246 = arith.constant 9360 : i32
          %dma_wait3A_247 = arith.constant 0 : i32
          %dma_wait3A_248 = tpu.memref_slice %arg2[%dma_wait3A_246, %dma_wait3A_247] : memref<10000x64xf32, #tpu.memory_space<hbm>> -> memref<640x64xf32, #tpu.memory_space<hbm>>
          tpu.wait_dma2 semaphore(%run_scoped3A_236 : memref<!tpu.dma_semaphore, #tpu.memory_space<semaphore_mem>>) src(%dma_wait3A_248 : memref<640x64xf32, #tpu.memory_space<hbm>>) dst(%dma_wait3A_245 : memref<640x64xf32, #tpu.memory_space<vmem_shared>>)
          tpu.yield
        }) : () -> ()
      } else {
      }
    } else {
    }
    %ne3A = arith.constant 0 : i32
    %ne3A_5 = arith.cmpi ne, %arg0, %ne3A : i32
    %convert_element_type3A_6 = arith.extui %ne3A_5 : i1 to i32
    %cond3A_7 = arith.constant 0 : i32
    %cond3A_8 = arith.cmpi ne, %convert_element_type3A_6, %cond3A_7 : i32
    scf.if %cond3A_8 {
      %mul3A_223 = arith.constant 624 : i32
      %mul3A_224 = arith.muli %arg1, %mul3A_223 : i32
      %multiple_of3A_225 = tpu.assume_multiple %mul3A_224, 8 : i32
      %lt3A_226 = arith.constant 15 : i32
      %lt3A_227 = arith.cmpi slt, %arg1, %lt3A_226 : i32
      %convert_element_type3A_228 = arith.extui %lt3A_227 : i1 to i32
      %cond3A_229 = arith.constant 0 : i32
      %cond3A_230 = arith.cmpi ne, %convert_element_type3A_228, %cond3A_229 : i32
      scf.if %cond3A_230 {
        "tpu.region"() ({
          %run_scoped3A_236 = tpu.sem_alloc : memref<!tpu.dma_semaphore, #tpu.memory_space<semaphore_mem>>
          %dma_start3A_237 = arith.constant 0 : i32
          %dma_start3A_238 = tpu.memref_slice %arg21[%multiple_of3A_225, %dma_start3A_237] : memref<10000x64xf32, #tpu.memory_space<vmem_shared>> -> memref<624x64xf32, #tpu.memory_space<vmem_shared>>
          %dma_start3A_239 = arith.constant 0 : i32
          %dma_start3A_240 = arith.constant 0 : i32
          %dma_start3A_241 = tpu.memref_slice %arg4[%dma_start3A_239, %dma_start3A_240] : memref<640x64xf32, #tpu.memory_space<hbm>> -> memref<624x64xf32, #tpu.memory_space<hbm>>
          tpu.enqueue_dma source(%dma_start3A_241 : memref<624x64xf32, #tpu.memory_space<hbm>>) target(%dma_start3A_238 : memref<624x64xf32, #tpu.memory_space<vmem_shared>>) target_semaphore(%run_scoped3A_236 : memref<!tpu.dma_semaphore, #tpu.memory_space<semaphore_mem>>)
          %dma_wait3A_242 = arith.constant 0 : i32
          %dma_wait3A_243 = tpu.memref_slice %arg21[%multiple_of3A_225, %dma_wait3A_242] : memref<10000x64xf32, #tpu.memory_space<vmem_shared>> -> memref<624x64xf32, #tpu.memory_space<vmem_shared>>
          %dma_wait3A_244 = arith.constant 0 : i32
          %dma_wait3A_245 = arith.constant 0 : i32
          %dma_wait3A_246 = tpu.memref_slice %arg4[%dma_wait3A_244, %dma_wait3A_245] : memref<640x64xf32, #tpu.memory_space<hbm>> -> memref<624x64xf32, #tpu.memory_space<hbm>>
          tpu.wait_dma2 semaphore(%run_scoped3A_236 : memref<!tpu.dma_semaphore, #tpu.memory_space<semaphore_mem>>) src(%dma_wait3A_246 : memref<624x64xf32, #tpu.memory_space<hbm>>) dst(%dma_wait3A_243 : memref<624x64xf32, #tpu.memory_space<vmem_shared>>)
          tpu.yield
        }) : () -> ()
      } else {
      }
      %eq3A_231 = arith.constant 15 : i32
      %eq3A_232 = arith.cmpi eq, %arg1, %eq3A_231 : i32
      %convert_element_type3A_233 = arith.extui %eq3A_232 : i1 to i32
      %cond3A_234 = arith.constant 0 : i32
      %cond3A_235 = arith.cmpi ne, %convert_element_type3A_233, %cond3A_234 : i32
      scf.if %cond3A_235 {
        "tpu.region"() ({
          %run_scoped3A_236 = tpu.sem_alloc : memref<!tpu.dma_semaphore, #tpu.memory_space<semaphore_mem>>
          %dma_start3A_237 = arith.constant 9360 : i32
          %dma_start3A_238 = arith.constant 0 : i32
          %dma_start3A_239 = tpu.memref_slice %arg21[%dma_start3A_237, %dma_start3A_238] : memref<10000x64xf32, #tpu.memory_space<vmem_shared>> -> memref<640x64xf32, #tpu.memory_space<vmem_shared>>
          %dma_start3A_240 = arith.constant 0 : i32
          %dma_start3A_241 = arith.constant 0 : i32
          %dma_start3A_242 = tpu.memref_slice %arg4[%dma_start3A_240, %dma_start3A_241] : memref<640x64xf32, #tpu.memory_space<hbm>> -> memref<640x64xf32, #tpu.memory_space<hbm>>
          tpu.enqueue_dma source(%dma_start3A_242 : memref<640x64xf32, #tpu.memory_space<hbm>>) target(%dma_start3A_239 : memref<640x64xf32, #tpu.memory_space<vmem_shared>>) target_semaphore(%run_scoped3A_236 : memref<!tpu.dma_semaphore, #tpu.memory_space<semaphore_mem>>)
          %dma_wait3A_243 = arith.constant 9360 : i32
          %dma_wait3A_244 = arith.constant 0 : i32
          %dma_wait3A_245 = tpu.memref_slice %arg21[%dma_wait3A_243, %dma_wait3A_244] : memref<10000x64xf32, #tpu.memory_space<vmem_shared>> -> memref<640x64xf32, #tpu.memory_space<vmem_shared>>
          %dma_wait3A_246 = arith.constant 0 : i32
          %dma_wait3A_247 = arith.constant 0 : i32
          %dma_wait3A_248 = tpu.memref_slice %arg4[%dma_wait3A_246, %dma_wait3A_247] : memref<640x64xf32, #tpu.memory_space<hbm>> -> memref<640x64xf32, #tpu.memory_space<hbm>>
          tpu.wait_dma2 semaphore(%run_scoped3A_236 : memref<!tpu.dma_semaphore, #tpu.memory_space<semaphore_mem>>) src(%dma_wait3A_248 : memref<640x64xf32, #tpu.memory_space<hbm>>) dst(%dma_wait3A_245 : memref<640x64xf32, #tpu.memory_space<vmem_shared>>)
          tpu.yield
        }) : () -> ()
      } else {
      }
    } else {
    }
    %barrier3A = arith.constant 0 : index
    tpu.barrier barrier_id(%barrier3A)
    %add3A_9 = arith.constant 0 : i32
    %add3A_10 = arith.addi %mul3A_2, %add3A_9 : i32
    %dma_start3A = arith.constant 1 : i32
    %dma_start3A_11 = tpu.memref_slice %arg3[%dma_start3A, %add3A_10] : memref<2x320000xi32, #tpu.memory_space<hbm>> -> memref<1x128xi32, #tpu.memory_space<hbm>>
    %dma_start3A_12 = tpu.memref_squeeze %dma_start3A_11 : memref<1x128xi32, #tpu.memory_space<hbm>> -> memref<128xi32, #tpu.memory_space<hbm>>
    %dma_start3A_13 = tpu.memref_slice %arg3[%dma_start3A, %add3A_10] : memref<2x320000xi32, #tpu.memory_space<hbm>> -> memref<1x128xi32, #tpu.memory_space<hbm>>
    %dma_start3A_14 = tpu.memref_squeeze %dma_start3A_13 : memref<1x128xi32, #tpu.memory_space<hbm>> -> memref<128xi32, #tpu.memory_space<hbm>>
    tpu.enqueue_dma source(%dma_start3A_14 : memref<128xi32, #tpu.memory_space<hbm>>) target(%arg7 : memref<128xi32, #tpu.memory_space<vmem>>) target_semaphore(%arg34 : memref<!tpu.dma_semaphore, #tpu.memory_space<semaphore_mem>>)
    %dma_start3A_15 = arith.constant 0 : i32
    %dma_start3A_16 = tpu.memref_slice %arg6[%dma_start3A_15] : memref<10000xi32, #tpu.memory_space<vmem>> -> memref<128xi32, #tpu.memory_space<vmem>>
    %dma_start3A_17 = arith.constant 0 : i32
    %dma_start3A_18 = arith.constant 0 : i32
    %dma_start3A_19 = tpu.memref_slice %arg2[%dma_start3A_17, %dma_start3A_18] : memref<10000x64xf32, #tpu.memory_space<hbm>> -> memref<10000x64xf32, #tpu.memory_space<hbm>>
    tpu.enqueue_indirect_dma source(%dma_start3A_19 : memref<10000x64xf32, #tpu.memory_space<hbm>>) target(%arg14 : memref<128x64xf32, #tpu.memory_space<vmem>>) offsets(%dma_start3A_16 : memref<128xi32, #tpu.memory_space<vmem>>) semaphore(%arg22 : memref<!tpu.dma_semaphore, #tpu.memory_space<semaphore_mem>>)
    %add3A_20 = arith.constant 128 : i32
    %add3A_21 = arith.addi %mul3A_2, %add3A_20 : i32
    %dma_start3A_22 = arith.constant 1 : i32
    %dma_start3A_23 = tpu.memref_slice %arg3[%dma_start3A_22, %add3A_21] : memref<2x320000xi32, #tpu.memory_space<hbm>> -> memref<1x128xi32, #tpu.memory_space<hbm>>
    %dma_start3A_24 = tpu.memref_squeeze %dma_start3A_23 : memref<1x128xi32, #tpu.memory_space<hbm>> -> memref<128xi32, #tpu.memory_space<hbm>>
    %dma_start3A_25 = tpu.memref_slice %arg3[%dma_start3A_22, %add3A_21] : memref<2x320000xi32, #tpu.memory_space<hbm>> -> memref<1x128xi32, #tpu.memory_space<hbm>>
    %dma_start3A_26 = tpu.memref_squeeze %dma_start3A_25 : memref<1x128xi32, #tpu.memory_space<hbm>> -> memref<128xi32, #tpu.memory_space<hbm>>
    tpu.enqueue_dma source(%dma_start3A_26 : memref<128xi32, #tpu.memory_space<hbm>>) target(%arg8 : memref<128xi32, #tpu.memory_space<vmem>>) target_semaphore(%arg35 : memref<!tpu.dma_semaphore, #tpu.memory_space<semaphore_mem>>)
    %dma_start3A_27 = arith.constant 128 : i32
    %dma_start3A_28 = tpu.memref_slice %arg6[%dma_start3A_27] : memref<10000xi32, #tpu.memory_space<vmem>> -> memref<128xi32, #tpu.memory_space<vmem>>
    %dma_start3A_29 = arith.constant 0 : i32
    %dma_start3A_30 = arith.constant 0 : i32
    %dma_start3A_31 = tpu.memref_slice %arg2[%dma_start3A_29, %dma_start3A_30] : memref<10000x64xf32, #tpu.memory_space<hbm>> -> memref<10000x64xf32, #tpu.memory_space<hbm>>
    tpu.enqueue_indirect_dma source(%dma_start3A_31 : memref<10000x64xf32, #tpu.memory_space<hbm>>) target(%arg15 : memref<128x64xf32, #tpu.memory_space<vmem>>) offsets(%dma_start3A_28 : memref<128xi32, #tpu.memory_space<vmem>>) semaphore(%arg23 : memref<!tpu.dma_semaphore, #tpu.memory_space<semaphore_mem>>)
    %add3A_32 = arith.constant 256 : i32
    %add3A_33 = arith.addi %mul3A_2, %add3A_32 : i32
    %dma_start3A_34 = arith.constant 1 : i32
    %dma_start3A_35 = tpu.memref_slice %arg3[%dma_start3A_34, %add3A_33] : memref<2x320000xi32, #tpu.memory_space<hbm>> -> memref<1x128xi32, #tpu.memory_space<hbm>>
    %dma_start3A_36 = tpu.memref_squeeze %dma_start3A_35 : memref<1x128xi32, #tpu.memory_space<hbm>> -> memref<128xi32, #tpu.memory_space<hbm>>
    %dma_start3A_37 = tpu.memref_slice %arg3[%dma_start3A_34, %add3A_33] : memref<2x320000xi32, #tpu.memory_space<hbm>> -> memref<1x128xi32, #tpu.memory_space<hbm>>
    %dma_start3A_38 = tpu.memref_squeeze %dma_start3A_37 : memref<1x128xi32, #tpu.memory_space<hbm>> -> memref<128xi32, #tpu.memory_space<hbm>>
    tpu.enqueue_dma source(%dma_start3A_38 : memref<128xi32, #tpu.memory_space<hbm>>) target(%arg9 : memref<128xi32, #tpu.memory_space<vmem>>) target_semaphore(%arg36 : memref<!tpu.dma_semaphore, #tpu.memory_space<semaphore_mem>>)
    %dma_start3A_39 = arith.constant 256 : i32
    %dma_start3A_40 = tpu.memref_slice %arg6[%dma_start3A_39] : memref<10000xi32, #tpu.memory_space<vmem>> -> memref<128xi32, #tpu.memory_space<vmem>>
    %dma_start3A_41 = arith.constant 0 : i32
    %dma_start3A_42 = arith.constant 0 : i32
    %dma_start3A_43 = tpu.memref_slice %arg2[%dma_start3A_41, %dma_start3A_42] : memref<10000x64xf32, #tpu.memory_space<hbm>> -> memref<10000x64xf32, #tpu.memory_space<hbm>>
    tpu.enqueue_indirect_dma source(%dma_start3A_43 : memref<10000x64xf32, #tpu.memory_space<hbm>>) target(%arg16 : memref<128x64xf32, #tpu.memory_space<vmem>>) offsets(%dma_start3A_40 : memref<128xi32, #tpu.memory_space<vmem>>) semaphore(%arg24 : memref<!tpu.dma_semaphore, #tpu.memory_space<semaphore_mem>>)
    %scan3A = arith.constant 0 : i32
    %scan3A_44 = arith.constant 0 : i32
    %scan3A_45 = arith.constant 12 : i32
    %scan3A_46 = arith.addi %scan3A_44, %scan3A_45 : i32
    %scan3A_47 = arith.constant 1 : i32
    scf.for %scan3A_223 = %scan3A_44 to %scan3A_46 step %scan3A_47  : i32 {
      %mul3A_224 = arith.constant 2 : i32
      %mul3A_225 = arith.muli %mul3A_224, %scan3A_223 : i32
      %add3A_226 = arith.constant 1 : i32
      %add3A_227 = arith.addi %mul3A_225, %add3A_226 : i32
      %mul3A_228 = arith.constant 3 : i32
      %mul3A_229 = arith.muli %add3A_227, %mul3A_228 : i32
      %add3A_230 = arith.constant 0 : i32
      %add3A_231 = arith.addi %mul3A_229, %add3A_230 : i32
      %mul3A_232 = arith.constant 128 : i32
      %mul3A_233 = arith.muli %add3A_231, %mul3A_232 : i32
      %add3A_234 = arith.addi %mul3A_2, %mul3A_233 : i32
      %dma_start3A_235 = arith.constant 1 : i32
      %dma_start3A_236 = tpu.memref_slice %arg3[%dma_start3A_235, %add3A_234] : memref<2x320000xi32, #tpu.memory_space<hbm>> -> memref<1x128xi32, #tpu.memory_space<hbm>>
      %dma_start3A_237 = tpu.memref_squeeze %dma_start3A_236 : memref<1x128xi32, #tpu.memory_space<hbm>> -> memref<128xi32, #tpu.memory_space<hbm>>
      %dma_start3A_238 = tpu.memref_slice %arg3[%dma_start3A_235, %add3A_234] : memref<2x320000xi32, #tpu.memory_space<hbm>> -> memref<1x128xi32, #tpu.memory_space<hbm>>
      %dma_start3A_239 = tpu.memref_squeeze %dma_start3A_238 : memref<1x128xi32, #tpu.memory_space<hbm>> -> memref<128xi32, #tpu.memory_space<hbm>>
      tpu.enqueue_dma source(%dma_start3A_239 : memref<128xi32, #tpu.memory_space<hbm>>) target(%arg10 : memref<128xi32, #tpu.memory_space<vmem>>) target_semaphore(%arg37 : memref<!tpu.dma_semaphore, #tpu.memory_space<semaphore_mem>>)
      %dma_start3A_240 = tpu.memref_slice %arg6[%mul3A_233] : memref<10000xi32, #tpu.memory_space<vmem>> -> memref<128xi32, #tpu.memory_space<vmem>>
      %dma_start3A_241 = arith.constant 0 : i32
      %dma_start3A_242 = arith.constant 0 : i32
      %dma_start3A_243 = tpu.memref_slice %arg2[%dma_start3A_241, %dma_start3A_242] : memref<10000x64xf32, #tpu.memory_space<hbm>> -> memref<10000x64xf32, #tpu.memory_space<hbm>>
      tpu.enqueue_indirect_dma source(%dma_start3A_243 : memref<10000x64xf32, #tpu.memory_space<hbm>>) target(%arg17 : memref<128x64xf32, #tpu.memory_space<vmem>>) offsets(%dma_start3A_240 : memref<128xi32, #tpu.memory_space<vmem>>) semaphore(%arg25 : memref<!tpu.dma_semaphore, #tpu.memory_space<semaphore_mem>>)
      %mul3A_244 = arith.constant 3 : i32
      %mul3A_245 = arith.muli %add3A_227, %mul3A_244 : i32
      %add3A_246 = arith.constant 1 : i32
      %add3A_247 = arith.addi %mul3A_245, %add3A_246 : i32
      %mul3A_248 = arith.constant 128 : i32
      %mul3A_249 = arith.muli %add3A_247, %mul3A_248 : i32
      %add3A_250 = arith.addi %mul3A_2, %mul3A_249 : i32
      %dma_start3A_251 = arith.constant 1 : i32
      %dma_start3A_252 = tpu.memref_slice %arg3[%dma_start3A_251, %add3A_250] : memref<2x320000xi32, #tpu.memory_space<hbm>> -> memref<1x128xi32, #tpu.memory_space<hbm>>
      %dma_start3A_253 = tpu.memref_squeeze %dma_start3A_252 : memref<1x128xi32, #tpu.memory_space<hbm>> -> memref<128xi32, #tpu.memory_space<hbm>>
      %dma_start3A_254 = tpu.memref_slice %arg3[%dma_start3A_251, %add3A_250] : memref<2x320000xi32, #tpu.memory_space<hbm>> -> memref<1x128xi32, #tpu.memory_space<hbm>>
      %dma_start3A_255 = tpu.memref_squeeze %dma_start3A_254 : memref<1x128xi32, #tpu.memory_space<hbm>> -> memref<128xi32, #tpu.memory_space<hbm>>
      tpu.enqueue_dma source(%dma_start3A_255 : memref<128xi32, #tpu.memory_space<hbm>>) target(%arg11 : memref<128xi32, #tpu.memory_space<vmem>>) target_semaphore(%arg38 : memref<!tpu.dma_semaphore, #tpu.memory_space<semaphore_mem>>)
      %dma_start3A_256 = tpu.memref_slice %arg6[%mul3A_249] : memref<10000xi32, #tpu.memory_space<vmem>> -> memref<128xi32, #tpu.memory_space<vmem>>
      %dma_start3A_257 = arith.constant 0 : i32
      %dma_start3A_258 = arith.constant 0 : i32
      %dma_start3A_259 = tpu.memref_slice %arg2[%dma_start3A_257, %dma_start3A_258] : memref<10000x64xf32, #tpu.memory_space<hbm>> -> memref<10000x64xf32, #tpu.memory_space<hbm>>
      tpu.enqueue_indirect_dma source(%dma_start3A_259 : memref<10000x64xf32, #tpu.memory_space<hbm>>) target(%arg18 : memref<128x64xf32, #tpu.memory_space<vmem>>) offsets(%dma_start3A_256 : memref<128xi32, #tpu.memory_space<vmem>>) semaphore(%arg26 : memref<!tpu.dma_semaphore, #tpu.memory_space<semaphore_mem>>)
      %mul3A_260 = arith.constant 3 : i32
      %mul3A_261 = arith.muli %add3A_227, %mul3A_260 : i32
      %add3A_262 = arith.constant 2 : i32
      %add3A_263 = arith.addi %mul3A_261, %add3A_262 : i32
      %mul3A_264 = arith.constant 128 : i32
      %mul3A_265 = arith.muli %add3A_263, %mul3A_264 : i32
      %add3A_266 = arith.addi %mul3A_2, %mul3A_265 : i32
      %dma_start3A_267 = arith.constant 1 : i32
      %dma_start3A_268 = tpu.memref_slice %arg3[%dma_start3A_267, %add3A_266] : memref<2x320000xi32, #tpu.memory_space<hbm>> -> memref<1x128xi32, #tpu.memory_space<hbm>>
      %dma_start3A_269 = tpu.memref_squeeze %dma_start3A_268 : memref<1x128xi32, #tpu.memory_space<hbm>> -> memref<128xi32, #tpu.memory_space<hbm>>
      %dma_start3A_270 = tpu.memref_slice %arg3[%dma_start3A_267, %add3A_266] : memref<2x320000xi32, #tpu.memory_space<hbm>> -> memref<1x128xi32, #tpu.memory_space<hbm>>
      %dma_start3A_271 = tpu.memref_squeeze %dma_start3A_270 : memref<1x128xi32, #tpu.memory_space<hbm>> -> memref<128xi32, #tpu.memory_space<hbm>>
      tpu.enqueue_dma source(%dma_start3A_271 : memref<128xi32, #tpu.memory_space<hbm>>) target(%arg12 : memref<128xi32, #tpu.memory_space<vmem>>) target_semaphore(%arg39 : memref<!tpu.dma_semaphore, #tpu.memory_space<semaphore_mem>>)
      %dma_start3A_272 = tpu.memref_slice %arg6[%mul3A_265] : memref<10000xi32, #tpu.memory_space<vmem>> -> memref<128xi32, #tpu.memory_space<vmem>>
      %dma_start3A_273 = arith.constant 0 : i32
      %dma_start3A_274 = arith.constant 0 : i32
      %dma_start3A_275 = tpu.memref_slice %arg2[%dma_start3A_273, %dma_start3A_274] : memref<10000x64xf32, #tpu.memory_space<hbm>> -> memref<10000x64xf32, #tpu.memory_space<hbm>>
      tpu.enqueue_indirect_dma source(%dma_start3A_275 : memref<10000x64xf32, #tpu.memory_space<hbm>>) target(%arg19 : memref<128x64xf32, #tpu.memory_space<vmem>>) offsets(%dma_start3A_272 : memref<128xi32, #tpu.memory_space<vmem>>) semaphore(%arg27 : memref<!tpu.dma_semaphore, #tpu.memory_space<semaphore_mem>>)
      %mul3A_276 = arith.constant 3 : i32
      %mul3A_277 = arith.muli %mul3A_225, %mul3A_276 : i32
      %add3A_278 = arith.constant 0 : i32
      %add3A_279 = arith.addi %mul3A_277, %add3A_278 : i32
      %mul3A_280 = arith.constant 128 : i32
      %mul3A_281 = arith.muli %add3A_279, %mul3A_280 : i32
      %add3A_282 = arith.addi %mul3A_2, %mul3A_281 : i32
      %dma_wait3A_283 = arith.constant 1 : i32
      %dma_wait3A_284 = tpu.memref_slice %arg3[%dma_wait3A_283, %add3A_282] : memref<2x320000xi32, #tpu.memory_space<hbm>> -> memref<1x128xi32, #tpu.memory_space<hbm>>
      %dma_wait3A_285 = tpu.memref_squeeze %dma_wait3A_284 : memref<1x128xi32, #tpu.memory_space<hbm>> -> memref<128xi32, #tpu.memory_space<hbm>>
      %dma_wait3A_286 = tpu.memref_slice %arg3[%dma_wait3A_283, %add3A_282] : memref<2x320000xi32, #tpu.memory_space<hbm>> -> memref<1x128xi32, #tpu.memory_space<hbm>>
      %dma_wait3A_287 = tpu.memref_squeeze %dma_wait3A_286 : memref<1x128xi32, #tpu.memory_space<hbm>> -> memref<128xi32, #tpu.memory_space<hbm>>
      tpu.wait_dma2 semaphore(%arg34 : memref<!tpu.dma_semaphore, #tpu.memory_space<semaphore_mem>>) src(%dma_wait3A_287 : memref<128xi32, #tpu.memory_space<hbm>>) dst(%arg7 : memref<128xi32, #tpu.memory_space<vmem>>)
      %dma_wait3A_288 = tpu.memref_slice %arg6[%mul3A_281] : memref<10000xi32, #tpu.memory_space<vmem>> -> memref<128xi32, #tpu.memory_space<vmem>>
      %dma_wait3A_289 = arith.constant 0 : i32
      %dma_wait3A_290 = arith.constant 0 : i32
      %dma_wait3A_291 = tpu.memref_slice %arg2[%dma_wait3A_289, %dma_wait3A_290] : memref<10000x64xf32, #tpu.memory_space<hbm>> -> memref<10000x64xf32, #tpu.memory_space<hbm>>
      tpu.wait_indirect_dma semaphore(%arg22 : memref<!tpu.dma_semaphore, #tpu.memory_space<semaphore_mem>>) src(%dma_wait3A_291 : memref<10000x64xf32, #tpu.memory_space<hbm>>) dst(%arg14 : memref<128x64xf32, #tpu.memory_space<vmem>>)
      %dma_start3A_292 = arith.constant 0 : i32
      %dma_start3A_293 = arith.constant 0 : i32
      %dma_start3A_294 = tpu.memref_slice %arg21[%dma_start3A_292, %dma_start3A_293] : memref<10000x64xf32, #tpu.memory_space<vmem_shared>> -> memref<10000x64xf32, #tpu.memory_space<vmem_shared>>
      tpu.enqueue_indirect_dma source(%arg14 : memref<128x64xf32, #tpu.memory_space<vmem>>) target(%dma_start3A_294 : memref<10000x64xf32, #tpu.memory_space<vmem_shared>>) offsets(%arg7 : memref<128xi32, #tpu.memory_space<vmem>>) semaphore(%arg28 : memref<!tpu.dma_semaphore, #tpu.memory_space<semaphore_mem>>) {add = true}
      %mul3A_295 = arith.constant 3 : i32
      %mul3A_296 = arith.muli %mul3A_225, %mul3A_295 : i32
      %add3A_297 = arith.constant 1 : i32
      %add3A_298 = arith.addi %mul3A_296, %add3A_297 : i32
      %mul3A_299 = arith.constant 128 : i32
      %mul3A_300 = arith.muli %add3A_298, %mul3A_299 : i32
      %add3A_301 = arith.addi %mul3A_2, %mul3A_300 : i32
      %dma_wait3A_302 = arith.constant 1 : i32
      %dma_wait3A_303 = tpu.memref_slice %arg3[%dma_wait3A_302, %add3A_301] : memref<2x320000xi32, #tpu.memory_space<hbm>> -> memref<1x128xi32, #tpu.memory_space<hbm>>
      %dma_wait3A_304 = tpu.memref_squeeze %dma_wait3A_303 : memref<1x128xi32, #tpu.memory_space<hbm>> -> memref<128xi32, #tpu.memory_space<hbm>>
      %dma_wait3A_305 = tpu.memref_slice %arg3[%dma_wait3A_302, %add3A_301] : memref<2x320000xi32, #tpu.memory_space<hbm>> -> memref<1x128xi32, #tpu.memory_space<hbm>>
      %dma_wait3A_306 = tpu.memref_squeeze %dma_wait3A_305 : memref<1x128xi32, #tpu.memory_space<hbm>> -> memref<128xi32, #tpu.memory_space<hbm>>
      tpu.wait_dma2 semaphore(%arg35 : memref<!tpu.dma_semaphore, #tpu.memory_space<semaphore_mem>>) src(%dma_wait3A_306 : memref<128xi32, #tpu.memory_space<hbm>>) dst(%arg8 : memref<128xi32, #tpu.memory_space<vmem>>)
      %dma_wait3A_307 = tpu.memref_slice %arg6[%mul3A_300] : memref<10000xi32, #tpu.memory_space<vmem>> -> memref<128xi32, #tpu.memory_space<vmem>>
      %dma_wait3A_308 = arith.constant 0 : i32
      %dma_wait3A_309 = arith.constant 0 : i32
      %dma_wait3A_310 = tpu.memref_slice %arg2[%dma_wait3A_308, %dma_wait3A_309] : memref<10000x64xf32, #tpu.memory_space<hbm>> -> memref<10000x64xf32, #tpu.memory_space<hbm>>
      tpu.wait_indirect_dma semaphore(%arg23 : memref<!tpu.dma_semaphore, #tpu.memory_space<semaphore_mem>>) src(%dma_wait3A_310 : memref<10000x64xf32, #tpu.memory_space<hbm>>) dst(%arg15 : memref<128x64xf32, #tpu.memory_space<vmem>>)
      %dma_start3A_311 = arith.constant 0 : i32
      %dma_start3A_312 = arith.constant 0 : i32
      %dma_start3A_313 = tpu.memref_slice %arg21[%dma_start3A_311, %dma_start3A_312] : memref<10000x64xf32, #tpu.memory_space<vmem_shared>> -> memref<10000x64xf32, #tpu.memory_space<vmem_shared>>
      tpu.enqueue_indirect_dma source(%arg15 : memref<128x64xf32, #tpu.memory_space<vmem>>) target(%dma_start3A_313 : memref<10000x64xf32, #tpu.memory_space<vmem_shared>>) offsets(%arg8 : memref<128xi32, #tpu.memory_space<vmem>>) semaphore(%arg29 : memref<!tpu.dma_semaphore, #tpu.memory_space<semaphore_mem>>) {add = true}
      %mul3A_314 = arith.constant 3 : i32
      %mul3A_315 = arith.muli %mul3A_225, %mul3A_314 : i32
      %add3A_316 = arith.constant 2 : i32
      %add3A_317 = arith.addi %mul3A_315, %add3A_316 : i32
      %mul3A_318 = arith.constant 128 : i32
      %mul3A_319 = arith.muli %add3A_317, %mul3A_318 : i32
      %add3A_320 = arith.addi %mul3A_2, %mul3A_319 : i32
      %dma_wait3A_321 = arith.constant 1 : i32
      %dma_wait3A_322 = tpu.memref_slice %arg3[%dma_wait3A_321, %add3A_320] : memref<2x320000xi32, #tpu.memory_space<hbm>> -> memref<1x128xi32, #tpu.memory_space<hbm>>
      %dma_wait3A_323 = tpu.memref_squeeze %dma_wait3A_322 : memref<1x128xi32, #tpu.memory_space<hbm>> -> memref<128xi32, #tpu.memory_space<hbm>>
      %dma_wait3A_324 = tpu.memref_slice %arg3[%dma_wait3A_321, %add3A_320] : memref<2x320000xi32, #tpu.memory_space<hbm>> -> memref<1x128xi32, #tpu.memory_space<hbm>>
      %dma_wait3A_325 = tpu.memref_squeeze %dma_wait3A_324 : memref<1x128xi32, #tpu.memory_space<hbm>> -> memref<128xi32, #tpu.memory_space<hbm>>
      tpu.wait_dma2 semaphore(%arg36 : memref<!tpu.dma_semaphore, #tpu.memory_space<semaphore_mem>>) src(%dma_wait3A_325 : memref<128xi32, #tpu.memory_space<hbm>>) dst(%arg9 : memref<128xi32, #tpu.memory_space<vmem>>)
      %dma_wait3A_326 = tpu.memref_slice %arg6[%mul3A_319] : memref<10000xi32, #tpu.memory_space<vmem>> -> memref<128xi32, #tpu.memory_space<vmem>>
      %dma_wait3A_327 = arith.constant 0 : i32
      %dma_wait3A_328 = arith.constant 0 : i32
      %dma_wait3A_329 = tpu.memref_slice %arg2[%dma_wait3A_327, %dma_wait3A_328] : memref<10000x64xf32, #tpu.memory_space<hbm>> -> memref<10000x64xf32, #tpu.memory_space<hbm>>
      tpu.wait_indirect_dma semaphore(%arg24 : memref<!tpu.dma_semaphore, #tpu.memory_space<semaphore_mem>>) src(%dma_wait3A_329 : memref<10000x64xf32, #tpu.memory_space<hbm>>) dst(%arg16 : memref<128x64xf32, #tpu.memory_space<vmem>>)
      %dma_start3A_330 = arith.constant 0 : i32
      %dma_start3A_331 = arith.constant 0 : i32
      %dma_start3A_332 = tpu.memref_slice %arg21[%dma_start3A_330, %dma_start3A_331] : memref<10000x64xf32, #tpu.memory_space<vmem_shared>> -> memref<10000x64xf32, #tpu.memory_space<vmem_shared>>
      tpu.enqueue_indirect_dma source(%arg16 : memref<128x64xf32, #tpu.memory_space<vmem>>) target(%dma_start3A_332 : memref<10000x64xf32, #tpu.memory_space<vmem_shared>>) offsets(%arg9 : memref<128xi32, #tpu.memory_space<vmem>>) semaphore(%arg30 : memref<!tpu.dma_semaphore, #tpu.memory_space<semaphore_mem>>) {add = true}
      %dma_wait3A_333 = arith.constant 0 : i32
      %dma_wait3A_334 = arith.constant 0 : i32
      %dma_wait3A_335 = tpu.memref_slice %arg21[%dma_wait3A_333, %dma_wait3A_334] : memref<10000x64xf32, #tpu.memory_space<vmem_shared>> -> memref<10000x64xf32, #tpu.memory_space<vmem_shared>>
      tpu.wait_indirect_dma semaphore(%arg28 : memref<!tpu.dma_semaphore, #tpu.memory_space<semaphore_mem>>) src(%arg14 : memref<128x64xf32, #tpu.memory_space<vmem>>) dst(%dma_wait3A_335 : memref<10000x64xf32, #tpu.memory_space<vmem_shared>>)
      %dma_wait3A_336 = arith.constant 0 : i32
      %dma_wait3A_337 = arith.constant 0 : i32
      %dma_wait3A_338 = tpu.memref_slice %arg21[%dma_wait3A_336, %dma_wait3A_337] : memref<10000x64xf32, #tpu.memory_space<vmem_shared>> -> memref<10000x64xf32, #tpu.memory_space<vmem_shared>>
      tpu.wait_indirect_dma semaphore(%arg29 : memref<!tpu.dma_semaphore, #tpu.memory_space<semaphore_mem>>) src(%arg15 : memref<128x64xf32, #tpu.memory_space<vmem>>) dst(%dma_wait3A_338 : memref<10000x64xf32, #tpu.memory_space<vmem_shared>>)
      %dma_wait3A_339 = arith.constant 0 : i32
      %dma_wait3A_340 = arith.constant 0 : i32
      %dma_wait3A_341 = tpu.memref_slice %arg21[%dma_wait3A_339, %dma_wait3A_340] : memref<10000x64xf32, #tpu.memory_space<vmem_shared>> -> memref<10000x64xf32, #tpu.memory_space<vmem_shared>>
      tpu.wait_indirect_dma semaphore(%arg30 : memref<!tpu.dma_semaphore, #tpu.memory_space<semaphore_mem>>) src(%arg16 : memref<128x64xf32, #tpu.memory_space<vmem>>) dst(%dma_wait3A_341 : memref<10000x64xf32, #tpu.memory_space<vmem_shared>>)
      %add3A_342 = arith.constant 2 : i32
      %add3A_343 = arith.addi %mul3A_225, %add3A_342 : i32
      %mul3A_344 = arith.constant 3 : i32
      %mul3A_345 = arith.muli %add3A_343, %mul3A_344 : i32
      %add3A_346 = arith.constant 0 : i32
      %add3A_347 = arith.addi %mul3A_345, %add3A_346 : i32
      %mul3A_348 = arith.constant 128 : i32
      %mul3A_349 = arith.muli %add3A_347, %mul3A_348 : i32
      %add3A_350 = arith.addi %mul3A_2, %mul3A_349 : i32
      %dma_start3A_351 = arith.constant 1 : i32
      %dma_start3A_352 = tpu.memref_slice %arg3[%dma_start3A_351, %add3A_350] : memref<2x320000xi32, #tpu.memory_space<hbm>> -> memref<1x128xi32, #tpu.memory_space<hbm>>
      %dma_start3A_353 = tpu.memref_squeeze %dma_start3A_352 : memref<1x128xi32, #tpu.memory_space<hbm>> -> memref<128xi32, #tpu.memory_space<hbm>>
      %dma_start3A_354 = tpu.memref_slice %arg3[%dma_start3A_351, %add3A_350] : memref<2x320000xi32, #tpu.memory_space<hbm>> -> memref<1x128xi32, #tpu.memory_space<hbm>>
      %dma_start3A_355 = tpu.memref_squeeze %dma_start3A_354 : memref<1x128xi32, #tpu.memory_space<hbm>> -> memref<128xi32, #tpu.memory_space<hbm>>
      tpu.enqueue_dma source(%dma_start3A_355 : memref<128xi32, #tpu.memory_space<hbm>>) target(%arg7 : memref<128xi32, #tpu.memory_space<vmem>>) target_semaphore(%arg34 : memref<!tpu.dma_semaphore, #tpu.memory_space<semaphore_mem>>)
      %dma_start3A_356 = tpu.memref_slice %arg6[%mul3A_349] : memref<10000xi32, #tpu.memory_space<vmem>> -> memref<128xi32, #tpu.memory_space<vmem>>
      %dma_start3A_357 = arith.constant 0 : i32
      %dma_start3A_358 = arith.constant 0 : i32
      %dma_start3A_359 = tpu.memref_slice %arg2[%dma_start3A_357, %dma_start3A_358] : memref<10000x64xf32, #tpu.memory_space<hbm>> -> memref<10000x64xf32, #tpu.memory_space<hbm>>
      tpu.enqueue_indirect_dma source(%dma_start3A_359 : memref<10000x64xf32, #tpu.memory_space<hbm>>) target(%arg14 : memref<128x64xf32, #tpu.memory_space<vmem>>) offsets(%dma_start3A_356 : memref<128xi32, #tpu.memory_space<vmem>>) semaphore(%arg22 : memref<!tpu.dma_semaphore, #tpu.memory_space<semaphore_mem>>)
      %mul3A_360 = arith.constant 3 : i32
      %mul3A_361 = arith.muli %add3A_343, %mul3A_360 : i32
      %add3A_362 = arith.constant 1 : i32
      %add3A_363 = arith.addi %mul3A_361, %add3A_362 : i32
      %mul3A_364 = arith.constant 128 : i32
      %mul3A_365 = arith.muli %add3A_363, %mul3A_364 : i32
      %add3A_366 = arith.addi %mul3A_2, %mul3A_365 : i32
      %dma_start3A_367 = arith.constant 1 : i32
      %dma_start3A_368 = tpu.memref_slice %arg3[%dma_start3A_367, %add3A_366] : memref<2x320000xi32, #tpu.memory_space<hbm>> -> memref<1x128xi32, #tpu.memory_space<hbm>>
      %dma_start3A_369 = tpu.memref_squeeze %dma_start3A_368 : memref<1x128xi32, #tpu.memory_space<hbm>> -> memref<128xi32, #tpu.memory_space<hbm>>
      %dma_start3A_370 = tpu.memref_slice %arg3[%dma_start3A_367, %add3A_366] : memref<2x320000xi32, #tpu.memory_space<hbm>> -> memref<1x128xi32, #tpu.memory_space<hbm>>
      %dma_start3A_371 = tpu.memref_squeeze %dma_start3A_370 : memref<1x128xi32, #tpu.memory_space<hbm>> -> memref<128xi32, #tpu.memory_space<hbm>>
      tpu.enqueue_dma source(%dma_start3A_371 : memref<128xi32, #tpu.memory_space<hbm>>) target(%arg8 : memref<128xi32, #tpu.memory_space<vmem>>) target_semaphore(%arg35 : memref<!tpu.dma_semaphore, #tpu.memory_space<semaphore_mem>>)
      %dma_start3A_372 = tpu.memref_slice %arg6[%mul3A_365] : memref<10000xi32, #tpu.memory_space<vmem>> -> memref<128xi32, #tpu.memory_space<vmem>>
      %dma_start3A_373 = arith.constant 0 : i32
      %dma_start3A_374 = arith.constant 0 : i32
      %dma_start3A_375 = tpu.memref_slice %arg2[%dma_start3A_373, %dma_start3A_374] : memref<10000x64xf32, #tpu.memory_space<hbm>> -> memref<10000x64xf32, #tpu.memory_space<hbm>>
      tpu.enqueue_indirect_dma source(%dma_start3A_375 : memref<10000x64xf32, #tpu.memory_space<hbm>>) target(%arg15 : memref<128x64xf32, #tpu.memory_space<vmem>>) offsets(%dma_start3A_372 : memref<128xi32, #tpu.memory_space<vmem>>) semaphore(%arg23 : memref<!tpu.dma_semaphore, #tpu.memory_space<semaphore_mem>>)
      %mul3A_376 = arith.constant 3 : i32
      %mul3A_377 = arith.muli %add3A_343, %mul3A_376 : i32
      %add3A_378 = arith.constant 2 : i32
      %add3A_379 = arith.addi %mul3A_377, %add3A_378 : i32
      %mul3A_380 = arith.constant 128 : i32
      %mul3A_381 = arith.muli %add3A_379, %mul3A_380 : i32
      %add3A_382 = arith.addi %mul3A_2, %mul3A_381 : i32
      %dma_start3A_383 = arith.constant 1 : i32
      %dma_start3A_384 = tpu.memref_slice %arg3[%dma_start3A_383, %add3A_382] : memref<2x320000xi32, #tpu.memory_space<hbm>> -> memref<1x128xi32, #tpu.memory_space<hbm>>
      %dma_start3A_385 = tpu.memref_squeeze %dma_start3A_384 : memref<1x128xi32, #tpu.memory_space<hbm>> -> memref<128xi32, #tpu.memory_space<hbm>>
      %dma_start3A_386 = tpu.memref_slice %arg3[%dma_start3A_383, %add3A_382] : memref<2x320000xi32, #tpu.memory_space<hbm>> -> memref<1x128xi32, #tpu.memory_space<hbm>>
      %dma_start3A_387 = tpu.memref_squeeze %dma_start3A_386 : memref<1x128xi32, #tpu.memory_space<hbm>> -> memref<128xi32, #tpu.memory_space<hbm>>
      tpu.enqueue_dma source(%dma_start3A_387 : memref<128xi32, #tpu.memory_space<hbm>>) target(%arg9 : memref<128xi32, #tpu.memory_space<vmem>>) target_semaphore(%arg36 : memref<!tpu.dma_semaphore, #tpu.memory_space<semaphore_mem>>)
      %dma_start3A_388 = tpu.memref_slice %arg6[%mul3A_381] : memref<10000xi32, #tpu.memory_space<vmem>> -> memref<128xi32, #tpu.memory_space<vmem>>
      %dma_start3A_389 = arith.constant 0 : i32
      %dma_start3A_390 = arith.constant 0 : i32
      %dma_start3A_391 = tpu.memref_slice %arg2[%dma_start3A_389, %dma_start3A_390] : memref<10000x64xf32, #tpu.memory_space<hbm>> -> memref<10000x64xf32, #tpu.memory_space<hbm>>
      tpu.enqueue_indirect_dma source(%dma_start3A_391 : memref<10000x64xf32, #tpu.memory_space<hbm>>) target(%arg16 : memref<128x64xf32, #tpu.memory_space<vmem>>) offsets(%dma_start3A_388 : memref<128xi32, #tpu.memory_space<vmem>>) semaphore(%arg24 : memref<!tpu.dma_semaphore, #tpu.memory_space<semaphore_mem>>)
      %add3A_392 = arith.constant 1 : i32
      %add3A_393 = arith.addi %mul3A_225, %add3A_392 : i32
      %mul3A_394 = arith.constant 3 : i32
      %mul3A_395 = arith.muli %add3A_393, %mul3A_394 : i32
      %add3A_396 = arith.constant 0 : i32
      %add3A_397 = arith.addi %mul3A_395, %add3A_396 : i32
      %mul3A_398 = arith.constant 128 : i32
      %mul3A_399 = arith.muli %add3A_397, %mul3A_398 : i32
      %add3A_400 = arith.addi %mul3A_2, %mul3A_399 : i32
      %dma_wait3A_401 = arith.constant 1 : i32
      %dma_wait3A_402 = tpu.memref_slice %arg3[%dma_wait3A_401, %add3A_400] : memref<2x320000xi32, #tpu.memory_space<hbm>> -> memref<1x128xi32, #tpu.memory_space<hbm>>
      %dma_wait3A_403 = tpu.memref_squeeze %dma_wait3A_402 : memref<1x128xi32, #tpu.memory_space<hbm>> -> memref<128xi32, #tpu.memory_space<hbm>>
      %dma_wait3A_404 = tpu.memref_slice %arg3[%dma_wait3A_401, %add3A_400] : memref<2x320000xi32, #tpu.memory_space<hbm>> -> memref<1x128xi32, #tpu.memory_space<hbm>>
      %dma_wait3A_405 = tpu.memref_squeeze %dma_wait3A_404 : memref<1x128xi32, #tpu.memory_space<hbm>> -> memref<128xi32, #tpu.memory_space<hbm>>
      tpu.wait_dma2 semaphore(%arg37 : memref<!tpu.dma_semaphore, #tpu.memory_space<semaphore_mem>>) src(%dma_wait3A_405 : memref<128xi32, #tpu.memory_space<hbm>>) dst(%arg10 : memref<128xi32, #tpu.memory_space<vmem>>)
      %dma_wait3A_406 = tpu.memref_slice %arg6[%mul3A_399] : memref<10000xi32, #tpu.memory_space<vmem>> -> memref<128xi32, #tpu.memory_space<vmem>>
      %dma_wait3A_407 = arith.constant 0 : i32
      %dma_wait3A_408 = arith.constant 0 : i32
      %dma_wait3A_409 = tpu.memref_slice %arg2[%dma_wait3A_407, %dma_wait3A_408] : memref<10000x64xf32, #tpu.memory_space<hbm>> -> memref<10000x64xf32, #tpu.memory_space<hbm>>
      tpu.wait_indirect_dma semaphore(%arg25 : memref<!tpu.dma_semaphore, #tpu.memory_space<semaphore_mem>>) src(%dma_wait3A_409 : memref<10000x64xf32, #tpu.memory_space<hbm>>) dst(%arg17 : memref<128x64xf32, #tpu.memory_space<vmem>>)
      %dma_start3A_410 = arith.constant 0 : i32
      %dma_start3A_411 = arith.constant 0 : i32
      %dma_start3A_412 = tpu.memref_slice %arg21[%dma_start3A_410, %dma_start3A_411] : memref<10000x64xf32, #tpu.memory_space<vmem_shared>> -> memref<10000x64xf32, #tpu.memory_space<vmem_shared>>
      tpu.enqueue_indirect_dma source(%arg17 : memref<128x64xf32, #tpu.memory_space<vmem>>) target(%dma_start3A_412 : memref<10000x64xf32, #tpu.memory_space<vmem_shared>>) offsets(%arg10 : memref<128xi32, #tpu.memory_space<vmem>>) semaphore(%arg31 : memref<!tpu.dma_semaphore, #tpu.memory_space<semaphore_mem>>) {add = true}
      %mul3A_413 = arith.constant 3 : i32
      %mul3A_414 = arith.muli %add3A_393, %mul3A_413 : i32
      %add3A_415 = arith.constant 1 : i32
      %add3A_416 = arith.addi %mul3A_414, %add3A_415 : i32
      %mul3A_417 = arith.constant 128 : i32
      %mul3A_418 = arith.muli %add3A_416, %mul3A_417 : i32
      %add3A_419 = arith.addi %mul3A_2, %mul3A_418 : i32
      %dma_wait3A_420 = arith.constant 1 : i32
      %dma_wait3A_421 = tpu.memref_slice %arg3[%dma_wait3A_420, %add3A_419] : memref<2x320000xi32, #tpu.memory_space<hbm>> -> memref<1x128xi32, #tpu.memory_space<hbm>>
      %dma_wait3A_422 = tpu.memref_squeeze %dma_wait3A_421 : memref<1x128xi32, #tpu.memory_space<hbm>> -> memref<128xi32, #tpu.memory_space<hbm>>
      %dma_wait3A_423 = tpu.memref_slice %arg3[%dma_wait3A_420, %add3A_419] : memref<2x320000xi32, #tpu.memory_space<hbm>> -> memref<1x128xi32, #tpu.memory_space<hbm>>
      %dma_wait3A_424 = tpu.memref_squeeze %dma_wait3A_423 : memref<1x128xi32, #tpu.memory_space<hbm>> -> memref<128xi32, #tpu.memory_space<hbm>>
      tpu.wait_dma2 semaphore(%arg38 : memref<!tpu.dma_semaphore, #tpu.memory_space<semaphore_mem>>) src(%dma_wait3A_424 : memref<128xi32, #tpu.memory_space<hbm>>) dst(%arg11 : memref<128xi32, #tpu.memory_space<vmem>>)
      %dma_wait3A_425 = tpu.memref_slice %arg6[%mul3A_418] : memref<10000xi32, #tpu.memory_space<vmem>> -> memref<128xi32, #tpu.memory_space<vmem>>
      %dma_wait3A_426 = arith.constant 0 : i32
      %dma_wait3A_427 = arith.constant 0 : i32
      %dma_wait3A_428 = tpu.memref_slice %arg2[%dma_wait3A_426, %dma_wait3A_427] : memref<10000x64xf32, #tpu.memory_space<hbm>> -> memref<10000x64xf32, #tpu.memory_space<hbm>>
      tpu.wait_indirect_dma semaphore(%arg26 : memref<!tpu.dma_semaphore, #tpu.memory_space<semaphore_mem>>) src(%dma_wait3A_428 : memref<10000x64xf32, #tpu.memory_space<hbm>>) dst(%arg18 : memref<128x64xf32, #tpu.memory_space<vmem>>)
      %dma_start3A_429 = arith.constant 0 : i32
      %dma_start3A_430 = arith.constant 0 : i32
      %dma_start3A_431 = tpu.memref_slice %arg21[%dma_start3A_429, %dma_start3A_430] : memref<10000x64xf32, #tpu.memory_space<vmem_shared>> -> memref<10000x64xf32, #tpu.memory_space<vmem_shared>>
      tpu.enqueue_indirect_dma source(%arg18 : memref<128x64xf32, #tpu.memory_space<vmem>>) target(%dma_start3A_431 : memref<10000x64xf32, #tpu.memory_space<vmem_shared>>) offsets(%arg11 : memref<128xi32, #tpu.memory_space<vmem>>) semaphore(%arg32 : memref<!tpu.dma_semaphore, #tpu.memory_space<semaphore_mem>>) {add = true}
      %mul3A_432 = arith.constant 3 : i32
      %mul3A_433 = arith.muli %add3A_393, %mul3A_432 : i32
      %add3A_434 = arith.constant 2 : i32
      %add3A_435 = arith.addi %mul3A_433, %add3A_434 : i32
      %mul3A_436 = arith.constant 128 : i32
      %mul3A_437 = arith.muli %add3A_435, %mul3A_436 : i32
      %add3A_438 = arith.addi %mul3A_2, %mul3A_437 : i32
      %dma_wait3A_439 = arith.constant 1 : i32
      %dma_wait3A_440 = tpu.memref_slice %arg3[%dma_wait3A_439, %add3A_438] : memref<2x320000xi32, #tpu.memory_space<hbm>> -> memref<1x128xi32, #tpu.memory_space<hbm>>
      %dma_wait3A_441 = tpu.memref_squeeze %dma_wait3A_440 : memref<1x128xi32, #tpu.memory_space<hbm>> -> memref<128xi32, #tpu.memory_space<hbm>>
      %dma_wait3A_442 = tpu.memref_slice %arg3[%dma_wait3A_439, %add3A_438] : memref<2x320000xi32, #tpu.memory_space<hbm>> -> memref<1x128xi32, #tpu.memory_space<hbm>>
      %dma_wait3A_443 = tpu.memref_squeeze %dma_wait3A_442 : memref<1x128xi32, #tpu.memory_space<hbm>> -> memref<128xi32, #tpu.memory_space<hbm>>
      tpu.wait_dma2 semaphore(%arg39 : memref<!tpu.dma_semaphore, #tpu.memory_space<semaphore_mem>>) src(%dma_wait3A_443 : memref<128xi32, #tpu.memory_space<hbm>>) dst(%arg12 : memref<128xi32, #tpu.memory_space<vmem>>)
      %dma_wait3A_444 = tpu.memref_slice %arg6[%mul3A_437] : memref<10000xi32, #tpu.memory_space<vmem>> -> memref<128xi32, #tpu.memory_space<vmem>>
      %dma_wait3A_445 = arith.constant 0 : i32
      %dma_wait3A_446 = arith.constant 0 : i32
      %dma_wait3A_447 = tpu.memref_slice %arg2[%dma_wait3A_445, %dma_wait3A_446] : memref<10000x64xf32, #tpu.memory_space<hbm>> -> memref<10000x64xf32, #tpu.memory_space<hbm>>
      tpu.wait_indirect_dma semaphore(%arg27 : memref<!tpu.dma_semaphore, #tpu.memory_space<semaphore_mem>>) src(%dma_wait3A_447 : memref<10000x64xf32, #tpu.memory_space<hbm>>) dst(%arg19 : memref<128x64xf32, #tpu.memory_space<vmem>>)
      %dma_start3A_448 = arith.constant 0 : i32
      %dma_start3A_449 = arith.constant 0 : i32
      %dma_start3A_450 = tpu.memref_slice %arg21[%dma_start3A_448, %dma_start3A_449] : memref<10000x64xf32, #tpu.memory_space<vmem_shared>> -> memref<10000x64xf32, #tpu.memory_space<vmem_shared>>
      tpu.enqueue_indirect_dma source(%arg19 : memref<128x64xf32, #tpu.memory_space<vmem>>) target(%dma_start3A_450 : memref<10000x64xf32, #tpu.memory_space<vmem_shared>>) offsets(%arg12 : memref<128xi32, #tpu.memory_space<vmem>>) semaphore(%arg33 : memref<!tpu.dma_semaphore, #tpu.memory_space<semaphore_mem>>) {add = true}
      %dma_wait3A_451 = arith.constant 0 : i32
      %dma_wait3A_452 = arith.constant 0 : i32
      %dma_wait3A_453 = tpu.memref_slice %arg21[%dma_wait3A_451, %dma_wait3A_452] : memref<10000x64xf32, #tpu.memory_space<vmem_shared>> -> memref<10000x64xf32, #tpu.memory_space<vmem_shared>>
      tpu.wait_indirect_dma semaphore(%arg31 : memref<!tpu.dma_semaphore, #tpu.memory_space<semaphore_mem>>) src(%arg17 : memref<128x64xf32, #tpu.memory_space<vmem>>) dst(%dma_wait3A_453 : memref<10000x64xf32, #tpu.memory_space<vmem_shared>>)
      %dma_wait3A_454 = arith.constant 0 : i32
      %dma_wait3A_455 = arith.constant 0 : i32
      %dma_wait3A_456 = tpu.memref_slice %arg21[%dma_wait3A_454, %dma_wait3A_455] : memref<10000x64xf32, #tpu.memory_space<vmem_shared>> -> memref<10000x64xf32, #tpu.memory_space<vmem_shared>>
      tpu.wait_indirect_dma semaphore(%arg32 : memref<!tpu.dma_semaphore, #tpu.memory_space<semaphore_mem>>) src(%arg18 : memref<128x64xf32, #tpu.memory_space<vmem>>) dst(%dma_wait3A_456 : memref<10000x64xf32, #tpu.memory_space<vmem_shared>>)
      %dma_wait3A_457 = arith.constant 0 : i32
      %dma_wait3A_458 = arith.constant 0 : i32
      %dma_wait3A_459 = tpu.memref_slice %arg21[%dma_wait3A_457, %dma_wait3A_458] : memref<10000x64xf32, #tpu.memory_space<vmem_shared>> -> memref<10000x64xf32, #tpu.memory_space<vmem_shared>>
      tpu.wait_indirect_dma semaphore(%arg33 : memref<!tpu.dma_semaphore, #tpu.memory_space<semaphore_mem>>) src(%arg19 : memref<128x64xf32, #tpu.memory_space<vmem>>) dst(%dma_wait3A_459 : memref<10000x64xf32, #tpu.memory_space<vmem_shared>>)
    }
    %scan3A_48 = arith.constant 12 : i32
    %add3A_49 = arith.constant 9600 : i32
    %add3A_50 = arith.addi %mul3A_2, %add3A_49 : i32
    %dma_start3A_51 = arith.constant 1 : i32
    %dma_start3A_52 = tpu.memref_slice %arg3[%dma_start3A_51, %add3A_50] : memref<2x320000xi32, #tpu.memory_space<hbm>> -> memref<1x128xi32, #tpu.memory_space<hbm>>
    %dma_start3A_53 = tpu.memref_squeeze %dma_start3A_52 : memref<1x128xi32, #tpu.memory_space<hbm>> -> memref<128xi32, #tpu.memory_space<hbm>>
    %dma_start3A_54 = tpu.memref_slice %arg3[%dma_start3A_51, %add3A_50] : memref<2x320000xi32, #tpu.memory_space<hbm>> -> memref<1x128xi32, #tpu.memory_space<hbm>>
    %dma_start3A_55 = tpu.memref_squeeze %dma_start3A_54 : memref<1x128xi32, #tpu.memory_space<hbm>> -> memref<128xi32, #tpu.memory_space<hbm>>
    tpu.enqueue_dma source(%dma_start3A_55 : memref<128xi32, #tpu.memory_space<hbm>>) target(%arg10 : memref<128xi32, #tpu.memory_space<vmem>>) target_semaphore(%arg37 : memref<!tpu.dma_semaphore, #tpu.memory_space<semaphore_mem>>)
    %dma_start3A_56 = arith.constant 9600 : i32
    %dma_start3A_57 = tpu.memref_slice %arg6[%dma_start3A_56] : memref<10000xi32, #tpu.memory_space<vmem>> -> memref<128xi32, #tpu.memory_space<vmem>>
    %dma_start3A_58 = arith.constant 0 : i32
    %dma_start3A_59 = arith.constant 0 : i32
    %dma_start3A_60 = tpu.memref_slice %arg2[%dma_start3A_58, %dma_start3A_59] : memref<10000x64xf32, #tpu.memory_space<hbm>> -> memref<10000x64xf32, #tpu.memory_space<hbm>>
    tpu.enqueue_indirect_dma source(%dma_start3A_60 : memref<10000x64xf32, #tpu.memory_space<hbm>>) target(%arg17 : memref<128x64xf32, #tpu.memory_space<vmem>>) offsets(%dma_start3A_57 : memref<128xi32, #tpu.memory_space<vmem>>) semaphore(%arg25 : memref<!tpu.dma_semaphore, #tpu.memory_space<semaphore_mem>>)
    %add3A_61 = arith.constant 9728 : i32
    %add3A_62 = arith.addi %mul3A_2, %add3A_61 : i32
    %dma_start3A_63 = arith.constant 1 : i32
    %dma_start3A_64 = tpu.memref_slice %arg3[%dma_start3A_63, %add3A_62] : memref<2x320000xi32, #tpu.memory_space<hbm>> -> memref<1x128xi32, #tpu.memory_space<hbm>>
    %dma_start3A_65 = tpu.memref_squeeze %dma_start3A_64 : memref<1x128xi32, #tpu.memory_space<hbm>> -> memref<128xi32, #tpu.memory_space<hbm>>
    %dma_start3A_66 = tpu.memref_slice %arg3[%dma_start3A_63, %add3A_62] : memref<2x320000xi32, #tpu.memory_space<hbm>> -> memref<1x128xi32, #tpu.memory_space<hbm>>
    %dma_start3A_67 = tpu.memref_squeeze %dma_start3A_66 : memref<1x128xi32, #tpu.memory_space<hbm>> -> memref<128xi32, #tpu.memory_space<hbm>>
    tpu.enqueue_dma source(%dma_start3A_67 : memref<128xi32, #tpu.memory_space<hbm>>) target(%arg11 : memref<128xi32, #tpu.memory_space<vmem>>) target_semaphore(%arg38 : memref<!tpu.dma_semaphore, #tpu.memory_space<semaphore_mem>>)
    %dma_start3A_68 = arith.constant 9728 : i32
    %dma_start3A_69 = tpu.memref_slice %arg6[%dma_start3A_68] : memref<10000xi32, #tpu.memory_space<vmem>> -> memref<128xi32, #tpu.memory_space<vmem>>
    %dma_start3A_70 = arith.constant 0 : i32
    %dma_start3A_71 = arith.constant 0 : i32
    %dma_start3A_72 = tpu.memref_slice %arg2[%dma_start3A_70, %dma_start3A_71] : memref<10000x64xf32, #tpu.memory_space<hbm>> -> memref<10000x64xf32, #tpu.memory_space<hbm>>
    tpu.enqueue_indirect_dma source(%dma_start3A_72 : memref<10000x64xf32, #tpu.memory_space<hbm>>) target(%arg18 : memref<128x64xf32, #tpu.memory_space<vmem>>) offsets(%dma_start3A_69 : memref<128xi32, #tpu.memory_space<vmem>>) semaphore(%arg26 : memref<!tpu.dma_semaphore, #tpu.memory_space<semaphore_mem>>)
    %add3A_73 = arith.constant 9856 : i32
    %add3A_74 = arith.addi %mul3A_2, %add3A_73 : i32
    %dma_start3A_75 = arith.constant 1 : i32
    %dma_start3A_76 = tpu.memref_slice %arg3[%dma_start3A_75, %add3A_74] : memref<2x320000xi32, #tpu.memory_space<hbm>> -> memref<1x128xi32, #tpu.memory_space<hbm>>
    %dma_start3A_77 = tpu.memref_squeeze %dma_start3A_76 : memref<1x128xi32, #tpu.memory_space<hbm>> -> memref<128xi32, #tpu.memory_space<hbm>>
    %dma_start3A_78 = tpu.memref_slice %arg3[%dma_start3A_75, %add3A_74] : memref<2x320000xi32, #tpu.memory_space<hbm>> -> memref<1x128xi32, #tpu.memory_space<hbm>>
    %dma_start3A_79 = tpu.memref_squeeze %dma_start3A_78 : memref<1x128xi32, #tpu.memory_space<hbm>> -> memref<128xi32, #tpu.memory_space<hbm>>
    tpu.enqueue_dma source(%dma_start3A_79 : memref<128xi32, #tpu.memory_space<hbm>>) target(%arg12 : memref<128xi32, #tpu.memory_space<vmem>>) target_semaphore(%arg39 : memref<!tpu.dma_semaphore, #tpu.memory_space<semaphore_mem>>)
    %dma_start3A_80 = arith.constant 9856 : i32
    %dma_start3A_81 = tpu.memref_slice %arg6[%dma_start3A_80] : memref<10000xi32, #tpu.memory_space<vmem>> -> memref<128xi32, #tpu.memory_space<vmem>>
    %dma_start3A_82 = arith.constant 0 : i32
    %dma_start3A_83 = arith.constant 0 : i32
    %dma_start3A_84 = tpu.memref_slice %arg2[%dma_start3A_82, %dma_start3A_83] : memref<10000x64xf32, #tpu.memory_space<hbm>> -> memref<10000x64xf32, #tpu.memory_space<hbm>>
    tpu.enqueue_indirect_dma source(%dma_start3A_84 : memref<10000x64xf32, #tpu.memory_space<hbm>>) target(%arg19 : memref<128x64xf32, #tpu.memory_space<vmem>>) offsets(%dma_start3A_81 : memref<128xi32, #tpu.memory_space<vmem>>) semaphore(%arg27 : memref<!tpu.dma_semaphore, #tpu.memory_space<semaphore_mem>>)
    %add3A_85 = arith.constant 9216 : i32
    %add3A_86 = arith.addi %mul3A_2, %add3A_85 : i32
    %dma_wait3A = arith.constant 1 : i32
    %dma_wait3A_87 = tpu.memref_slice %arg3[%dma_wait3A, %add3A_86] : memref<2x320000xi32, #tpu.memory_space<hbm>> -> memref<1x128xi32, #tpu.memory_space<hbm>>
    %dma_wait3A_88 = tpu.memref_squeeze %dma_wait3A_87 : memref<1x128xi32, #tpu.memory_space<hbm>> -> memref<128xi32, #tpu.memory_space<hbm>>
    %dma_wait3A_89 = tpu.memref_slice %arg3[%dma_wait3A, %add3A_86] : memref<2x320000xi32, #tpu.memory_space<hbm>> -> memref<1x128xi32, #tpu.memory_space<hbm>>
    %dma_wait3A_90 = tpu.memref_squeeze %dma_wait3A_89 : memref<1x128xi32, #tpu.memory_space<hbm>> -> memref<128xi32, #tpu.memory_space<hbm>>
    tpu.wait_dma2 semaphore(%arg34 : memref<!tpu.dma_semaphore, #tpu.memory_space<semaphore_mem>>) src(%dma_wait3A_90 : memref<128xi32, #tpu.memory_space<hbm>>) dst(%arg7 : memref<128xi32, #tpu.memory_space<vmem>>)
    %dma_wait3A_91 = arith.constant 9216 : i32
    %dma_wait3A_92 = tpu.memref_slice %arg6[%dma_wait3A_91] : memref<10000xi32, #tpu.memory_space<vmem>> -> memref<128xi32, #tpu.memory_space<vmem>>
    %dma_wait3A_93 = arith.constant 0 : i32
    %dma_wait3A_94 = arith.constant 0 : i32
    %dma_wait3A_95 = tpu.memref_slice %arg2[%dma_wait3A_93, %dma_wait3A_94] : memref<10000x64xf32, #tpu.memory_space<hbm>> -> memref<10000x64xf32, #tpu.memory_space<hbm>>
    tpu.wait_indirect_dma semaphore(%arg22 : memref<!tpu.dma_semaphore, #tpu.memory_space<semaphore_mem>>) src(%dma_wait3A_95 : memref<10000x64xf32, #tpu.memory_space<hbm>>) dst(%arg14 : memref<128x64xf32, #tpu.memory_space<vmem>>)
    %dma_start3A_96 = arith.constant 0 : i32
    %dma_start3A_97 = arith.constant 0 : i32
    %dma_start3A_98 = tpu.memref_slice %arg21[%dma_start3A_96, %dma_start3A_97] : memref<10000x64xf32, #tpu.memory_space<vmem_shared>> -> memref<10000x64xf32, #tpu.memory_space<vmem_shared>>
    tpu.enqueue_indirect_dma source(%arg14 : memref<128x64xf32, #tpu.memory_space<vmem>>) target(%dma_start3A_98 : memref<10000x64xf32, #tpu.memory_space<vmem_shared>>) offsets(%arg7 : memref<128xi32, #tpu.memory_space<vmem>>) semaphore(%arg28 : memref<!tpu.dma_semaphore, #tpu.memory_space<semaphore_mem>>) {add = true}
    %add3A_99 = arith.constant 9344 : i32
    %add3A_100 = arith.addi %mul3A_2, %add3A_99 : i32
    %dma_wait3A_101 = arith.constant 1 : i32
    %dma_wait3A_102 = tpu.memref_slice %arg3[%dma_wait3A_101, %add3A_100] : memref<2x320000xi32, #tpu.memory_space<hbm>> -> memref<1x128xi32, #tpu.memory_space<hbm>>
    %dma_wait3A_103 = tpu.memref_squeeze %dma_wait3A_102 : memref<1x128xi32, #tpu.memory_space<hbm>> -> memref<128xi32, #tpu.memory_space<hbm>>
    %dma_wait3A_104 = tpu.memref_slice %arg3[%dma_wait3A_101, %add3A_100] : memref<2x320000xi32, #tpu.memory_space<hbm>> -> memref<1x128xi32, #tpu.memory_space<hbm>>
    %dma_wait3A_105 = tpu.memref_squeeze %dma_wait3A_104 : memref<1x128xi32, #tpu.memory_space<hbm>> -> memref<128xi32, #tpu.memory_space<hbm>>
    tpu.wait_dma2 semaphore(%arg35 : memref<!tpu.dma_semaphore, #tpu.memory_space<semaphore_mem>>) src(%dma_wait3A_105 : memref<128xi32, #tpu.memory_space<hbm>>) dst(%arg8 : memref<128xi32, #tpu.memory_space<vmem>>)
    %dma_wait3A_106 = arith.constant 9344 : i32
    %dma_wait3A_107 = tpu.memref_slice %arg6[%dma_wait3A_106] : memref<10000xi32, #tpu.memory_space<vmem>> -> memref<128xi32, #tpu.memory_space<vmem>>
    %dma_wait3A_108 = arith.constant 0 : i32
    %dma_wait3A_109 = arith.constant 0 : i32
    %dma_wait3A_110 = tpu.memref_slice %arg2[%dma_wait3A_108, %dma_wait3A_109] : memref<10000x64xf32, #tpu.memory_space<hbm>> -> memref<10000x64xf32, #tpu.memory_space<hbm>>
    tpu.wait_indirect_dma semaphore(%arg23 : memref<!tpu.dma_semaphore, #tpu.memory_space<semaphore_mem>>) src(%dma_wait3A_110 : memref<10000x64xf32, #tpu.memory_space<hbm>>) dst(%arg15 : memref<128x64xf32, #tpu.memory_space<vmem>>)
    %dma_start3A_111 = arith.constant 0 : i32
    %dma_start3A_112 = arith.constant 0 : i32
    %dma_start3A_113 = tpu.memref_slice %arg21[%dma_start3A_111, %dma_start3A_112] : memref<10000x64xf32, #tpu.memory_space<vmem_shared>> -> memref<10000x64xf32, #tpu.memory_space<vmem_shared>>
    tpu.enqueue_indirect_dma source(%arg15 : memref<128x64xf32, #tpu.memory_space<vmem>>) target(%dma_start3A_113 : memref<10000x64xf32, #tpu.memory_space<vmem_shared>>) offsets(%arg8 : memref<128xi32, #tpu.memory_space<vmem>>) semaphore(%arg29 : memref<!tpu.dma_semaphore, #tpu.memory_space<semaphore_mem>>) {add = true}
    %add3A_114 = arith.constant 9472 : i32
    %add3A_115 = arith.addi %mul3A_2, %add3A_114 : i32
    %dma_wait3A_116 = arith.constant 1 : i32
    %dma_wait3A_117 = tpu.memref_slice %arg3[%dma_wait3A_116, %add3A_115] : memref<2x320000xi32, #tpu.memory_space<hbm>> -> memref<1x128xi32, #tpu.memory_space<hbm>>
    %dma_wait3A_118 = tpu.memref_squeeze %dma_wait3A_117 : memref<1x128xi32, #tpu.memory_space<hbm>> -> memref<128xi32, #tpu.memory_space<hbm>>
    %dma_wait3A_119 = tpu.memref_slice %arg3[%dma_wait3A_116, %add3A_115] : memref<2x320000xi32, #tpu.memory_space<hbm>> -> memref<1x128xi32, #tpu.memory_space<hbm>>
    %dma_wait3A_120 = tpu.memref_squeeze %dma_wait3A_119 : memref<1x128xi32, #tpu.memory_space<hbm>> -> memref<128xi32, #tpu.memory_space<hbm>>
    tpu.wait_dma2 semaphore(%arg36 : memref<!tpu.dma_semaphore, #tpu.memory_space<semaphore_mem>>) src(%dma_wait3A_120 : memref<128xi32, #tpu.memory_space<hbm>>) dst(%arg9 : memref<128xi32, #tpu.memory_space<vmem>>)
    %dma_wait3A_121 = arith.constant 9472 : i32
    %dma_wait3A_122 = tpu.memref_slice %arg6[%dma_wait3A_121] : memref<10000xi32, #tpu.memory_space<vmem>> -> memref<128xi32, #tpu.memory_space<vmem>>
    %dma_wait3A_123 = arith.constant 0 : i32
    %dma_wait3A_124 = arith.constant 0 : i32
    %dma_wait3A_125 = tpu.memref_slice %arg2[%dma_wait3A_123, %dma_wait3A_124] : memref<10000x64xf32, #tpu.memory_space<hbm>> -> memref<10000x64xf32, #tpu.memory_space<hbm>>
    tpu.wait_indirect_dma semaphore(%arg24 : memref<!tpu.dma_semaphore, #tpu.memory_space<semaphore_mem>>) src(%dma_wait3A_125 : memref<10000x64xf32, #tpu.memory_space<hbm>>) dst(%arg16 : memref<128x64xf32, #tpu.memory_space<vmem>>)
    %dma_start3A_126 = arith.constant 0 : i32
    %dma_start3A_127 = arith.constant 0 : i32
    %dma_start3A_128 = tpu.memref_slice %arg21[%dma_start3A_126, %dma_start3A_127] : memref<10000x64xf32, #tpu.memory_space<vmem_shared>> -> memref<10000x64xf32, #tpu.memory_space<vmem_shared>>
    tpu.enqueue_indirect_dma source(%arg16 : memref<128x64xf32, #tpu.memory_space<vmem>>) target(%dma_start3A_128 : memref<10000x64xf32, #tpu.memory_space<vmem_shared>>) offsets(%arg9 : memref<128xi32, #tpu.memory_space<vmem>>) semaphore(%arg30 : memref<!tpu.dma_semaphore, #tpu.memory_space<semaphore_mem>>) {add = true}
    %dma_wait3A_129 = arith.constant 0 : i32
    %dma_wait3A_130 = arith.constant 0 : i32
    %dma_wait3A_131 = tpu.memref_slice %arg21[%dma_wait3A_129, %dma_wait3A_130] : memref<10000x64xf32, #tpu.memory_space<vmem_shared>> -> memref<10000x64xf32, #tpu.memory_space<vmem_shared>>
    tpu.wait_indirect_dma semaphore(%arg28 : memref<!tpu.dma_semaphore, #tpu.memory_space<semaphore_mem>>) src(%arg14 : memref<128x64xf32, #tpu.memory_space<vmem>>) dst(%dma_wait3A_131 : memref<10000x64xf32, #tpu.memory_space<vmem_shared>>)
    %dma_wait3A_132 = arith.constant 0 : i32
    %dma_wait3A_133 = arith.constant 0 : i32
    %dma_wait3A_134 = tpu.memref_slice %arg21[%dma_wait3A_132, %dma_wait3A_133] : memref<10000x64xf32, #tpu.memory_space<vmem_shared>> -> memref<10000x64xf32, #tpu.memory_space<vmem_shared>>
    tpu.wait_indirect_dma semaphore(%arg29 : memref<!tpu.dma_semaphore, #tpu.memory_space<semaphore_mem>>) src(%arg15 : memref<128x64xf32, #tpu.memory_space<vmem>>) dst(%dma_wait3A_134 : memref<10000x64xf32, #tpu.memory_space<vmem_shared>>)
    %dma_wait3A_135 = arith.constant 0 : i32
    %dma_wait3A_136 = arith.constant 0 : i32
    %dma_wait3A_137 = tpu.memref_slice %arg21[%dma_wait3A_135, %dma_wait3A_136] : memref<10000x64xf32, #tpu.memory_space<vmem_shared>> -> memref<10000x64xf32, #tpu.memory_space<vmem_shared>>
    tpu.wait_indirect_dma semaphore(%arg30 : memref<!tpu.dma_semaphore, #tpu.memory_space<semaphore_mem>>) src(%arg16 : memref<128x64xf32, #tpu.memory_space<vmem>>) dst(%dma_wait3A_137 : memref<10000x64xf32, #tpu.memory_space<vmem_shared>>)
    %add3A_138 = arith.constant 9600 : i32
    %add3A_139 = arith.addi %mul3A_2, %add3A_138 : i32
    %dma_wait3A_140 = arith.constant 1 : i32
    %dma_wait3A_141 = tpu.memref_slice %arg3[%dma_wait3A_140, %add3A_139] : memref<2x320000xi32, #tpu.memory_space<hbm>> -> memref<1x128xi32, #tpu.memory_space<hbm>>
    %dma_wait3A_142 = tpu.memref_squeeze %dma_wait3A_141 : memref<1x128xi32, #tpu.memory_space<hbm>> -> memref<128xi32, #tpu.memory_space<hbm>>
    %dma_wait3A_143 = tpu.memref_slice %arg3[%dma_wait3A_140, %add3A_139] : memref<2x320000xi32, #tpu.memory_space<hbm>> -> memref<1x128xi32, #tpu.memory_space<hbm>>
    %dma_wait3A_144 = tpu.memref_squeeze %dma_wait3A_143 : memref<1x128xi32, #tpu.memory_space<hbm>> -> memref<128xi32, #tpu.memory_space<hbm>>
    tpu.wait_dma2 semaphore(%arg37 : memref<!tpu.dma_semaphore, #tpu.memory_space<semaphore_mem>>) src(%dma_wait3A_144 : memref<128xi32, #tpu.memory_space<hbm>>) dst(%arg10 : memref<128xi32, #tpu.memory_space<vmem>>)
    %dma_wait3A_145 = arith.constant 9600 : i32
    %dma_wait3A_146 = tpu.memref_slice %arg6[%dma_wait3A_145] : memref<10000xi32, #tpu.memory_space<vmem>> -> memref<128xi32, #tpu.memory_space<vmem>>
    %dma_wait3A_147 = arith.constant 0 : i32
    %dma_wait3A_148 = arith.constant 0 : i32
    %dma_wait3A_149 = tpu.memref_slice %arg2[%dma_wait3A_147, %dma_wait3A_148] : memref<10000x64xf32, #tpu.memory_space<hbm>> -> memref<10000x64xf32, #tpu.memory_space<hbm>>
    tpu.wait_indirect_dma semaphore(%arg25 : memref<!tpu.dma_semaphore, #tpu.memory_space<semaphore_mem>>) src(%dma_wait3A_149 : memref<10000x64xf32, #tpu.memory_space<hbm>>) dst(%arg17 : memref<128x64xf32, #tpu.memory_space<vmem>>)
    %dma_start3A_150 = arith.constant 0 : i32
    %dma_start3A_151 = arith.constant 0 : i32
    %dma_start3A_152 = tpu.memref_slice %arg21[%dma_start3A_150, %dma_start3A_151] : memref<10000x64xf32, #tpu.memory_space<vmem_shared>> -> memref<10000x64xf32, #tpu.memory_space<vmem_shared>>
    tpu.enqueue_indirect_dma source(%arg17 : memref<128x64xf32, #tpu.memory_space<vmem>>) target(%dma_start3A_152 : memref<10000x64xf32, #tpu.memory_space<vmem_shared>>) offsets(%arg10 : memref<128xi32, #tpu.memory_space<vmem>>) semaphore(%arg31 : memref<!tpu.dma_semaphore, #tpu.memory_space<semaphore_mem>>) {add = true}
    %add3A_153 = arith.constant 9728 : i32
    %add3A_154 = arith.addi %mul3A_2, %add3A_153 : i32
    %dma_wait3A_155 = arith.constant 1 : i32
    %dma_wait3A_156 = tpu.memref_slice %arg3[%dma_wait3A_155, %add3A_154] : memref<2x320000xi32, #tpu.memory_space<hbm>> -> memref<1x128xi32, #tpu.memory_space<hbm>>
    %dma_wait3A_157 = tpu.memref_squeeze %dma_wait3A_156 : memref<1x128xi32, #tpu.memory_space<hbm>> -> memref<128xi32, #tpu.memory_space<hbm>>
    %dma_wait3A_158 = tpu.memref_slice %arg3[%dma_wait3A_155, %add3A_154] : memref<2x320000xi32, #tpu.memory_space<hbm>> -> memref<1x128xi32, #tpu.memory_space<hbm>>
    %dma_wait3A_159 = tpu.memref_squeeze %dma_wait3A_158 : memref<1x128xi32, #tpu.memory_space<hbm>> -> memref<128xi32, #tpu.memory_space<hbm>>
    tpu.wait_dma2 semaphore(%arg38 : memref<!tpu.dma_semaphore, #tpu.memory_space<semaphore_mem>>) src(%dma_wait3A_159 : memref<128xi32, #tpu.memory_space<hbm>>) dst(%arg11 : memref<128xi32, #tpu.memory_space<vmem>>)
    %dma_wait3A_160 = arith.constant 9728 : i32
    %dma_wait3A_161 = tpu.memref_slice %arg6[%dma_wait3A_160] : memref<10000xi32, #tpu.memory_space<vmem>> -> memref<128xi32, #tpu.memory_space<vmem>>
    %dma_wait3A_162 = arith.constant 0 : i32
    %dma_wait3A_163 = arith.constant 0 : i32
    %dma_wait3A_164 = tpu.memref_slice %arg2[%dma_wait3A_162, %dma_wait3A_163] : memref<10000x64xf32, #tpu.memory_space<hbm>> -> memref<10000x64xf32, #tpu.memory_space<hbm>>
    tpu.wait_indirect_dma semaphore(%arg26 : memref<!tpu.dma_semaphore, #tpu.memory_space<semaphore_mem>>) src(%dma_wait3A_164 : memref<10000x64xf32, #tpu.memory_space<hbm>>) dst(%arg18 : memref<128x64xf32, #tpu.memory_space<vmem>>)
    %dma_start3A_165 = arith.constant 0 : i32
    %dma_start3A_166 = arith.constant 0 : i32
    %dma_start3A_167 = tpu.memref_slice %arg21[%dma_start3A_165, %dma_start3A_166] : memref<10000x64xf32, #tpu.memory_space<vmem_shared>> -> memref<10000x64xf32, #tpu.memory_space<vmem_shared>>
    tpu.enqueue_indirect_dma source(%arg18 : memref<128x64xf32, #tpu.memory_space<vmem>>) target(%dma_start3A_167 : memref<10000x64xf32, #tpu.memory_space<vmem_shared>>) offsets(%arg11 : memref<128xi32, #tpu.memory_space<vmem>>) semaphore(%arg32 : memref<!tpu.dma_semaphore, #tpu.memory_space<semaphore_mem>>) {add = true}
    %add3A_168 = arith.constant 9856 : i32
    %add3A_169 = arith.addi %mul3A_2, %add3A_168 : i32
    %dma_wait3A_170 = arith.constant 1 : i32
    %dma_wait3A_171 = tpu.memref_slice %arg3[%dma_wait3A_170, %add3A_169] : memref<2x320000xi32, #tpu.memory_space<hbm>> -> memref<1x128xi32, #tpu.memory_space<hbm>>
    %dma_wait3A_172 = tpu.memref_squeeze %dma_wait3A_171 : memref<1x128xi32, #tpu.memory_space<hbm>> -> memref<128xi32, #tpu.memory_space<hbm>>
    %dma_wait3A_173 = tpu.memref_slice %arg3[%dma_wait3A_170, %add3A_169] : memref<2x320000xi32, #tpu.memory_space<hbm>> -> memref<1x128xi32, #tpu.memory_space<hbm>>
    %dma_wait3A_174 = tpu.memref_squeeze %dma_wait3A_173 : memref<1x128xi32, #tpu.memory_space<hbm>> -> memref<128xi32, #tpu.memory_space<hbm>>
    tpu.wait_dma2 semaphore(%arg39 : memref<!tpu.dma_semaphore, #tpu.memory_space<semaphore_mem>>) src(%dma_wait3A_174 : memref<128xi32, #tpu.memory_space<hbm>>) dst(%arg12 : memref<128xi32, #tpu.memory_space<vmem>>)
    %dma_wait3A_175 = arith.constant 9856 : i32
    %dma_wait3A_176 = tpu.memref_slice %arg6[%dma_wait3A_175] : memref<10000xi32, #tpu.memory_space<vmem>> -> memref<128xi32, #tpu.memory_space<vmem>>
    %dma_wait3A_177 = arith.constant 0 : i32
    %dma_wait3A_178 = arith.constant 0 : i32
    %dma_wait3A_179 = tpu.memref_slice %arg2[%dma_wait3A_177, %dma_wait3A_178] : memref<10000x64xf32, #tpu.memory_space<hbm>> -> memref<10000x64xf32, #tpu.memory_space<hbm>>
    tpu.wait_indirect_dma semaphore(%arg27 : memref<!tpu.dma_semaphore, #tpu.memory_space<semaphore_mem>>) src(%dma_wait3A_179 : memref<10000x64xf32, #tpu.memory_space<hbm>>) dst(%arg19 : memref<128x64xf32, #tpu.memory_space<vmem>>)
    %dma_start3A_180 = arith.constant 0 : i32
    %dma_start3A_181 = arith.constant 0 : i32
    %dma_start3A_182 = tpu.memref_slice %arg21[%dma_start3A_180, %dma_start3A_181] : memref<10000x64xf32, #tpu.memory_space<vmem_shared>> -> memref<10000x64xf32, #tpu.memory_space<vmem_shared>>
    tpu.enqueue_indirect_dma source(%arg19 : memref<128x64xf32, #tpu.memory_space<vmem>>) target(%dma_start3A_182 : memref<10000x64xf32, #tpu.memory_space<vmem_shared>>) offsets(%arg12 : memref<128xi32, #tpu.memory_space<vmem>>) semaphore(%arg33 : memref<!tpu.dma_semaphore, #tpu.memory_space<semaphore_mem>>) {add = true}
    %dma_wait3A_183 = arith.constant 0 : i32
    %dma_wait3A_184 = arith.constant 0 : i32
    %dma_wait3A_185 = tpu.memref_slice %arg21[%dma_wait3A_183, %dma_wait3A_184] : memref<10000x64xf32, #tpu.memory_space<vmem_shared>> -> memref<10000x64xf32, #tpu.memory_space<vmem_shared>>
    tpu.wait_indirect_dma semaphore(%arg31 : memref<!tpu.dma_semaphore, #tpu.memory_space<semaphore_mem>>) src(%arg17 : memref<128x64xf32, #tpu.memory_space<vmem>>) dst(%dma_wait3A_185 : memref<10000x64xf32, #tpu.memory_space<vmem_shared>>)
    %dma_wait3A_186 = arith.constant 0 : i32
    %dma_wait3A_187 = arith.constant 0 : i32
    %dma_wait3A_188 = tpu.memref_slice %arg21[%dma_wait3A_186, %dma_wait3A_187] : memref<10000x64xf32, #tpu.memory_space<vmem_shared>> -> memref<10000x64xf32, #tpu.memory_space<vmem_shared>>
    tpu.wait_indirect_dma semaphore(%arg32 : memref<!tpu.dma_semaphore, #tpu.memory_space<semaphore_mem>>) src(%arg18 : memref<128x64xf32, #tpu.memory_space<vmem>>) dst(%dma_wait3A_188 : memref<10000x64xf32, #tpu.memory_space<vmem_shared>>)
    %dma_wait3A_189 = arith.constant 0 : i32
    %dma_wait3A_190 = arith.constant 0 : i32
    %dma_wait3A_191 = tpu.memref_slice %arg21[%dma_wait3A_189, %dma_wait3A_190] : memref<10000x64xf32, #tpu.memory_space<vmem_shared>> -> memref<10000x64xf32, #tpu.memory_space<vmem_shared>>
    tpu.wait_indirect_dma semaphore(%arg33 : memref<!tpu.dma_semaphore, #tpu.memory_space<semaphore_mem>>) src(%arg19 : memref<128x64xf32, #tpu.memory_space<vmem>>) dst(%dma_wait3A_191 : memref<10000x64xf32, #tpu.memory_space<vmem_shared>>)
    %add3A_192 = arith.constant 9984 : i32
    %add3A_193 = arith.addi %mul3A_2, %add3A_192 : i32
    %run_scoped3A_194 = arith.constant 1 : i32
    "tpu.region"() ({
      %run_scoped3A_223 = tpu.sem_alloc : memref<!tpu.dma_semaphore, #tpu.memory_space<semaphore_mem>>
      %dma_start3A_224 = tpu.memref_slice %arg3[%run_scoped3A_194, %add3A_193] : memref<2x320000xi32, #tpu.memory_space<hbm>> -> memref<1x16xi32, #tpu.memory_space<hbm>>
      %dma_start3A_225 = tpu.memref_squeeze %dma_start3A_224 : memref<1x16xi32, #tpu.memory_space<hbm>> -> memref<16xi32, #tpu.memory_space<hbm>>
      %dma_start3A_226 = tpu.memref_slice %arg3[%run_scoped3A_194, %add3A_193] : memref<2x320000xi32, #tpu.memory_space<hbm>> -> memref<1x16xi32, #tpu.memory_space<hbm>>
      %dma_start3A_227 = tpu.memref_squeeze %dma_start3A_226 : memref<1x16xi32, #tpu.memory_space<hbm>> -> memref<16xi32, #tpu.memory_space<hbm>>
      tpu.enqueue_dma source(%dma_start3A_227 : memref<16xi32, #tpu.memory_space<hbm>>) target(%arg13 : memref<16xi32, #tpu.memory_space<vmem>>) target_semaphore(%run_scoped3A_223 : memref<!tpu.dma_semaphore, #tpu.memory_space<semaphore_mem>>)
      %dma_wait3A_228 = tpu.memref_slice %arg3[%run_scoped3A_194, %add3A_193] : memref<2x320000xi32, #tpu.memory_space<hbm>> -> memref<1x16xi32, #tpu.memory_space<hbm>>
      %dma_wait3A_229 = tpu.memref_squeeze %dma_wait3A_228 : memref<1x16xi32, #tpu.memory_space<hbm>> -> memref<16xi32, #tpu.memory_space<hbm>>
      %dma_wait3A_230 = tpu.memref_slice %arg3[%run_scoped3A_194, %add3A_193] : memref<2x320000xi32, #tpu.memory_space<hbm>> -> memref<1x16xi32, #tpu.memory_space<hbm>>
      %dma_wait3A_231 = tpu.memref_squeeze %dma_wait3A_230 : memref<1x16xi32, #tpu.memory_space<hbm>> -> memref<16xi32, #tpu.memory_space<hbm>>
      tpu.wait_dma2 semaphore(%run_scoped3A_223 : memref<!tpu.dma_semaphore, #tpu.memory_space<semaphore_mem>>) src(%dma_wait3A_231 : memref<16xi32, #tpu.memory_space<hbm>>) dst(%arg13 : memref<16xi32, #tpu.memory_space<vmem>>)
      tpu.yield
    }) : () -> ()
    %dma_start3A_195 = arith.constant 9984 : i32
    %dma_start3A_196 = tpu.memref_slice %arg6[%dma_start3A_195] : memref<10000xi32, #tpu.memory_space<vmem>> -> memref<16xi32, #tpu.memory_space<vmem>>
    %dma_start3A_197 = arith.constant 0 : i32
    %dma_start3A_198 = arith.constant 0 : i32
    %dma_start3A_199 = tpu.memref_slice %arg2[%dma_start3A_197, %dma_start3A_198] : memref<10000x64xf32, #tpu.memory_space<hbm>> -> memref<10000x64xf32, #tpu.memory_space<hbm>>
    tpu.enqueue_indirect_dma source(%dma_start3A_199 : memref<10000x64xf32, #tpu.memory_space<hbm>>) target(%arg20 : memref<16x64xf32, #tpu.memory_space<vmem>>) offsets(%dma_start3A_196 : memref<16xi32, #tpu.memory_space<vmem>>) semaphore(%arg22 : memref<!tpu.dma_semaphore, #tpu.memory_space<semaphore_mem>>)
    %dma_wait3A_200 = arith.constant 9984 : i32
    %dma_wait3A_201 = tpu.memref_slice %arg6[%dma_wait3A_200] : memref<10000xi32, #tpu.memory_space<vmem>> -> memref<16xi32, #tpu.memory_space<vmem>>
    %dma_wait3A_202 = arith.constant 0 : i32
    %dma_wait3A_203 = arith.constant 0 : i32
    %dma_wait3A_204 = tpu.memref_slice %arg2[%dma_wait3A_202, %dma_wait3A_203] : memref<10000x64xf32, #tpu.memory_space<hbm>> -> memref<10000x64xf32, #tpu.memory_space<hbm>>
    tpu.wait_indirect_dma semaphore(%arg22 : memref<!tpu.dma_semaphore, #tpu.memory_space<semaphore_mem>>) src(%dma_wait3A_204 : memref<10000x64xf32, #tpu.memory_space<hbm>>) dst(%arg20 : memref<16x64xf32, #tpu.memory_space<vmem>>)
    %dma_start3A_205 = arith.constant 0 : i32
    %dma_start3A_206 = arith.constant 0 : i32
    %dma_start3A_207 = tpu.memref_slice %arg21[%dma_start3A_205, %dma_start3A_206] : memref<10000x64xf32, #tpu.memory_space<vmem_shared>> -> memref<10000x64xf32, #tpu.memory_space<vmem_shared>>
    tpu.enqueue_indirect_dma source(%arg20 : memref<16x64xf32, #tpu.memory_space<vmem>>) target(%dma_start3A_207 : memref<10000x64xf32, #tpu.memory_space<vmem_shared>>) offsets(%arg13 : memref<16xi32, #tpu.memory_space<vmem>>) semaphore(%arg28 : memref<!tpu.dma_semaphore, #tpu.memory_space<semaphore_mem>>) {add = true}
    %dma_wait3A_208 = arith.constant 0 : i32
    %dma_wait3A_209 = arith.constant 0 : i32
    %dma_wait3A_210 = tpu.memref_slice %arg21[%dma_wait3A_208, %dma_wait3A_209] : memref<10000x64xf32, #tpu.memory_space<vmem_shared>> -> memref<10000x64xf32, #tpu.memory_space<vmem_shared>>
    tpu.wait_indirect_dma semaphore(%arg28 : memref<!tpu.dma_semaphore, #tpu.memory_space<semaphore_mem>>) src(%arg20 : memref<16x64xf32, #tpu.memory_space<vmem>>) dst(%dma_wait3A_210 : memref<10000x64xf32, #tpu.memory_space<vmem_shared>>)
    %barrier3A_211 = arith.constant 0 : index
    tpu.barrier barrier_id(%barrier3A_211)
    %mul3A_212 = arith.constant 624 : i32
    %mul3A_213 = arith.muli %arg1, %mul3A_212 : i32
    %multiple_of3A = tpu.assume_multiple %mul3A_213, 8 : i32
    %lt3A = arith.constant 15 : i32
    %lt3A_214 = arith.cmpi slt, %arg1, %lt3A : i32
    %convert_element_type3A_215 = arith.extui %lt3A_214 : i1 to i32
    %cond3A_216 = arith.constant 0 : i32
    %cond3A_217 = arith.cmpi ne, %convert_element_type3A_215, %cond3A_216 : i32
    scf.if %cond3A_217 {
      "tpu.region"() ({
        %run_scoped3A_223 = tpu.sem_alloc : memref<!tpu.dma_semaphore, #tpu.memory_space<semaphore_mem>>
        %dma_start3A_224 = arith.constant 0 : i32
        %dma_start3A_225 = tpu.memref_slice %arg5[%arg0, %multiple_of3A, %dma_start3A_224] : memref<2x10000x64xf32, #tpu.memory_space<hbm>> -> memref<1x624x64xf32, #tpu.memory_space<hbm>>
        %dma_start3A_226 = tpu.memref_squeeze %dma_start3A_225 : memref<1x624x64xf32, #tpu.memory_space<hbm>> -> memref<624x64xf32, #tpu.memory_space<hbm>>
        %dma_start3A_227 = arith.constant 0 : i32
        %dma_start3A_228 = tpu.memref_slice %arg21[%multiple_of3A, %dma_start3A_227] : memref<10000x64xf32, #tpu.memory_space<vmem_shared>> -> memref<624x64xf32, #tpu.memory_space<vmem_shared>>
        tpu.enqueue_dma source(%dma_start3A_228 : memref<624x64xf32, #tpu.memory_space<vmem_shared>>) target(%dma_start3A_226 : memref<624x64xf32, #tpu.memory_space<hbm>>) target_semaphore(%run_scoped3A_223 : memref<!tpu.dma_semaphore, #tpu.memory_space<semaphore_mem>>)
        %dma_wait3A_229 = arith.constant 0 : i32
        %dma_wait3A_230 = tpu.memref_slice %arg5[%arg0, %multiple_of3A, %dma_wait3A_229] : memref<2x10000x64xf32, #tpu.memory_space<hbm>> -> memref<1x624x64xf32, #tpu.memory_space<hbm>>
        %dma_wait3A_231 = tpu.memref_squeeze %dma_wait3A_230 : memref<1x624x64xf32, #tpu.memory_space<hbm>> -> memref<624x64xf32, #tpu.memory_space<hbm>>
        %dma_wait3A_232 = arith.constant 0 : i32
        %dma_wait3A_233 = tpu.memref_slice %arg21[%multiple_of3A, %dma_wait3A_232] : memref<10000x64xf32, #tpu.memory_space<vmem_shared>> -> memref<624x64xf32, #tpu.memory_space<vmem_shared>>
        tpu.wait_dma2 semaphore(%run_scoped3A_223 : memref<!tpu.dma_semaphore, #tpu.memory_space<semaphore_mem>>) src(%dma_wait3A_233 : memref<624x64xf32, #tpu.memory_space<vmem_shared>>) dst(%dma_wait3A_231 : memref<624x64xf32, #tpu.memory_space<hbm>>)
        tpu.yield
      }) : () -> ()
    } else {
    }
    %eq3A_218 = arith.constant 15 : i32
    %eq3A_219 = arith.cmpi eq, %arg1, %eq3A_218 : i32
    %convert_element_type3A_220 = arith.extui %eq3A_219 : i1 to i32
    %cond3A_221 = arith.constant 0 : i32
    %cond3A_222 = arith.cmpi ne, %convert_element_type3A_220, %cond3A_221 : i32
    scf.if %cond3A_222 {
      "tpu.region"() ({
        %run_scoped3A_223 = tpu.sem_alloc : memref<!tpu.dma_semaphore, #tpu.memory_space<semaphore_mem>>
        %dma_start3A_224 = arith.constant 9360 : i32
        %dma_start3A_225 = arith.constant 0 : i32
        %dma_start3A_226 = tpu.memref_slice %arg5[%arg0, %dma_start3A_224, %dma_start3A_225] : memref<2x10000x64xf32, #tpu.memory_space<hbm>> -> memref<1x640x64xf32, #tpu.memory_space<hbm>>
        %dma_start3A_227 = tpu.memref_squeeze %dma_start3A_226 : memref<1x640x64xf32, #tpu.memory_space<hbm>> -> memref<640x64xf32, #tpu.memory_space<hbm>>
        %dma_start3A_228 = arith.constant 9360 : i32
        %dma_start3A_229 = arith.constant 0 : i32
        %dma_start3A_230 = tpu.memref_slice %arg21[%dma_start3A_228, %dma_start3A_229] : memref<10000x64xf32, #tpu.memory_space<vmem_shared>> -> memref<640x64xf32, #tpu.memory_space<vmem_shared>>
        tpu.enqueue_dma source(%dma_start3A_230 : memref<640x64xf32, #tpu.memory_space<vmem_shared>>) target(%dma_start3A_227 : memref<640x64xf32, #tpu.memory_space<hbm>>) target_semaphore(%run_scoped3A_223 : memref<!tpu.dma_semaphore, #tpu.memory_space<semaphore_mem>>)
        %dma_wait3A_231 = arith.constant 9360 : i32
        %dma_wait3A_232 = arith.constant 0 : i32
        %dma_wait3A_233 = tpu.memref_slice %arg5[%arg0, %dma_wait3A_231, %dma_wait3A_232] : memref<2x10000x64xf32, #tpu.memory_space<hbm>> -> memref<1x640x64xf32, #tpu.memory_space<hbm>>
        %dma_wait3A_234 = tpu.memref_squeeze %dma_wait3A_233 : memref<1x640x64xf32, #tpu.memory_space<hbm>> -> memref<640x64xf32, #tpu.memory_space<hbm>>
        %dma_wait3A_235 = arith.constant 9360 : i32
        %dma_wait3A_236 = arith.constant 0 : i32
        %dma_wait3A_237 = tpu.memref_slice %arg21[%dma_wait3A_235, %dma_wait3A_236] : memref<10000x64xf32, #tpu.memory_space<vmem_shared>> -> memref<640x64xf32, #tpu.memory_space<vmem_shared>>
        tpu.wait_dma2 semaphore(%run_scoped3A_223 : memref<!tpu.dma_semaphore, #tpu.memory_space<semaphore_mem>>) src(%dma_wait3A_237 : memref<640x64xf32, #tpu.memory_space<vmem_shared>>) dst(%dma_wait3A_234 : memref<640x64xf32, #tpu.memory_space<hbm>>)
        tpu.yield
      }) : () -> ()
    } else {
    }
    return
  }
}

#map = affine_map<(d0, d1) -> (0, 0)>
#map1 = affine_map<(d0, d1) -> (0, 0, 0)>
module attributes {stable_mosaic.version = 14 : i64} {
  func.func @_deg_sc(%arg0: i32, %arg1: i32, %arg2: memref<2x320000xi32, #tpu.memory_space<hbm>>, %arg3: memref<128x8xf32, #tpu.memory_space<hbm>>, %arg4: memref<640x8xf32, #tpu.memory_space<hbm>>, %arg5: memref<2x10000x8xf32, #tpu.memory_space<hbm>>, %arg6: memref<128xi32, #tpu.memory_space<vmem>>, %arg7: memref<128xi32, #tpu.memory_space<vmem>>, %arg8: memref<128xi32, #tpu.memory_space<vmem>>, %arg9: memref<128xi32, #tpu.memory_space<vmem>>, %arg10: memref<128xi32, #tpu.memory_space<vmem>>, %arg11: memref<128xi32, #tpu.memory_space<vmem>>, %arg12: memref<128xi32, #tpu.memory_space<vmem>>, %arg13: memref<128xi32, #tpu.memory_space<vmem>>, %arg14: memref<128xi32, #tpu.memory_space<vmem>>, %arg15: memref<128xi32, #tpu.memory_space<vmem>>, %arg16: memref<128xi32, #tpu.memory_space<vmem>>, %arg17: memref<128xi32, #tpu.memory_space<vmem>>, %arg18: memref<16xi32, #tpu.memory_space<vmem>>, %arg19: memref<128x8xf32, #tpu.memory_space<vmem>>, %arg20: memref<10000x8xf32, #tpu.memory_space<vmem_shared>>, %arg21: memref<!tpu.dma_semaphore, #tpu.memory_space<semaphore_mem>>, %arg22: memref<!tpu.dma_semaphore, #tpu.memory_space<semaphore_mem>>, %arg23: memref<!tpu.dma_semaphore, #tpu.memory_space<semaphore_mem>>, %arg24: memref<!tpu.dma_semaphore, #tpu.memory_space<semaphore_mem>>, %arg25: memref<!tpu.dma_semaphore, #tpu.memory_space<semaphore_mem>>, %arg26: memref<!tpu.dma_semaphore, #tpu.memory_space<semaphore_mem>>, %arg27: memref<!tpu.dma_semaphore, #tpu.memory_space<semaphore_mem>>, %arg28: memref<!tpu.dma_semaphore, #tpu.memory_space<semaphore_mem>>, %arg29: memref<!tpu.dma_semaphore, #tpu.memory_space<semaphore_mem>>, %arg30: memref<!tpu.dma_semaphore, #tpu.memory_space<semaphore_mem>>, %arg31: memref<!tpu.dma_semaphore, #tpu.memory_space<semaphore_mem>>, %arg32: memref<!tpu.dma_semaphore, #tpu.memory_space<semaphore_mem>>, %arg33: memref<!tpu.dma_semaphore, #tpu.memory_space<semaphore_mem>>) attributes {dimension_semantics = [#tpu.dimension_semantics<core_parallel>, #tpu.dimension_semantics<subcore_parallel>], iteration_bounds = array<i64: 2, 16>, scalar_prefetch = 0 : i64, scratch_operands = 28 : i64, tpu.core_type = #tpu.core_type<sc_vector_subcore>, window_params = [{transform_indices = #map}, {transform_indices = #map}, {transform_indices = #map}, {transform_indices = #map1}]} {
    %mul3A = arith.constant 16 : i32
    %mul3A_0 = arith.muli %arg0, %mul3A : i32
    %add3A = arith.addi %mul3A_0, %arg1 : i32
    %mul3A_1 = arith.constant 10000 : i32
    %mul3A_2 = arith.muli %add3A, %mul3A_1 : i32
    %mul3A_3 = arith.constant 624 : i32
    %mul3A_4 = arith.muli %arg1, %mul3A_3 : i32
    %multiple_of3A = tpu.assume_multiple %mul3A_4, 8 : i32
    %lt3A = arith.constant 15 : i32
    %lt3A_5 = arith.cmpi slt, %arg1, %lt3A : i32
    %convert_element_type3A = arith.extui %lt3A_5 : i1 to i32
    %cond3A = arith.constant 0 : i32
    %cond3A_6 = arith.cmpi ne, %convert_element_type3A, %cond3A : i32
    scf.if %cond3A_6 {
      "tpu.region"() ({
        %run_scoped3A_162 = tpu.sem_alloc : memref<!tpu.dma_semaphore, #tpu.memory_space<semaphore_mem>>
        %dma_start3A_163 = arith.constant 0 : i32
        %dma_start3A_164 = tpu.memref_slice %arg20[%multiple_of3A, %dma_start3A_163] : memref<10000x8xf32, #tpu.memory_space<vmem_shared>> -> memref<624x8xf32, #tpu.memory_space<vmem_shared>>
        %dma_start3A_165 = arith.constant 0 : i32
        %dma_start3A_166 = arith.constant 0 : i32
        %dma_start3A_167 = tpu.memref_slice %arg4[%dma_start3A_165, %dma_start3A_166] : memref<640x8xf32, #tpu.memory_space<hbm>> -> memref<624x8xf32, #tpu.memory_space<hbm>>
        tpu.enqueue_dma source(%dma_start3A_167 : memref<624x8xf32, #tpu.memory_space<hbm>>) target(%dma_start3A_164 : memref<624x8xf32, #tpu.memory_space<vmem_shared>>) target_semaphore(%run_scoped3A_162 : memref<!tpu.dma_semaphore, #tpu.memory_space<semaphore_mem>>)
        %dma_wait3A_168 = arith.constant 0 : i32
        %dma_wait3A_169 = tpu.memref_slice %arg20[%multiple_of3A, %dma_wait3A_168] : memref<10000x8xf32, #tpu.memory_space<vmem_shared>> -> memref<624x8xf32, #tpu.memory_space<vmem_shared>>
        %dma_wait3A_170 = arith.constant 0 : i32
        %dma_wait3A_171 = arith.constant 0 : i32
        %dma_wait3A_172 = tpu.memref_slice %arg4[%dma_wait3A_170, %dma_wait3A_171] : memref<640x8xf32, #tpu.memory_space<hbm>> -> memref<624x8xf32, #tpu.memory_space<hbm>>
        tpu.wait_dma2 semaphore(%run_scoped3A_162 : memref<!tpu.dma_semaphore, #tpu.memory_space<semaphore_mem>>) src(%dma_wait3A_172 : memref<624x8xf32, #tpu.memory_space<hbm>>) dst(%dma_wait3A_169 : memref<624x8xf32, #tpu.memory_space<vmem_shared>>)
        tpu.yield
      }) : () -> ()
    } else {
    }
    %eq3A = arith.constant 15 : i32
    %eq3A_7 = arith.cmpi eq, %arg1, %eq3A : i32
    %convert_element_type3A_8 = arith.extui %eq3A_7 : i1 to i32
    %cond3A_9 = arith.constant 0 : i32
    %cond3A_10 = arith.cmpi ne, %convert_element_type3A_8, %cond3A_9 : i32
    scf.if %cond3A_10 {
      "tpu.region"() ({
        %run_scoped3A_162 = tpu.sem_alloc : memref<!tpu.dma_semaphore, #tpu.memory_space<semaphore_mem>>
        %dma_start3A_163 = arith.constant 9360 : i32
        %dma_start3A_164 = arith.constant 0 : i32
        %dma_start3A_165 = tpu.memref_slice %arg20[%dma_start3A_163, %dma_start3A_164] : memref<10000x8xf32, #tpu.memory_space<vmem_shared>> -> memref<640x8xf32, #tpu.memory_space<vmem_shared>>
        %dma_start3A_166 = arith.constant 0 : i32
        %dma_start3A_167 = arith.constant 0 : i32
        %dma_start3A_168 = tpu.memref_slice %arg4[%dma_start3A_166, %dma_start3A_167] : memref<640x8xf32, #tpu.memory_space<hbm>> -> memref<640x8xf32, #tpu.memory_space<hbm>>
        tpu.enqueue_dma source(%dma_start3A_168 : memref<640x8xf32, #tpu.memory_space<hbm>>) target(%dma_start3A_165 : memref<640x8xf32, #tpu.memory_space<vmem_shared>>) target_semaphore(%run_scoped3A_162 : memref<!tpu.dma_semaphore, #tpu.memory_space<semaphore_mem>>)
        %dma_wait3A_169 = arith.constant 9360 : i32
        %dma_wait3A_170 = arith.constant 0 : i32
        %dma_wait3A_171 = tpu.memref_slice %arg20[%dma_wait3A_169, %dma_wait3A_170] : memref<10000x8xf32, #tpu.memory_space<vmem_shared>> -> memref<640x8xf32, #tpu.memory_space<vmem_shared>>
        %dma_wait3A_172 = arith.constant 0 : i32
        %dma_wait3A_173 = arith.constant 0 : i32
        %dma_wait3A_174 = tpu.memref_slice %arg4[%dma_wait3A_172, %dma_wait3A_173] : memref<640x8xf32, #tpu.memory_space<hbm>> -> memref<640x8xf32, #tpu.memory_space<hbm>>
        tpu.wait_dma2 semaphore(%run_scoped3A_162 : memref<!tpu.dma_semaphore, #tpu.memory_space<semaphore_mem>>) src(%dma_wait3A_174 : memref<640x8xf32, #tpu.memory_space<hbm>>) dst(%dma_wait3A_171 : memref<640x8xf32, #tpu.memory_space<vmem_shared>>)
        tpu.yield
      }) : () -> ()
    } else {
    }
    "tpu.region"() ({
      %run_scoped3A_162 = tpu.sem_alloc : memref<!tpu.dma_semaphore, #tpu.memory_space<semaphore_mem>>
      tpu.enqueue_dma source(%arg3 : memref<128x8xf32, #tpu.memory_space<hbm>>) target(%arg19 : memref<128x8xf32, #tpu.memory_space<vmem>>) target_semaphore(%run_scoped3A_162 : memref<!tpu.dma_semaphore, #tpu.memory_space<semaphore_mem>>)
      tpu.wait_dma2 semaphore(%run_scoped3A_162 : memref<!tpu.dma_semaphore, #tpu.memory_space<semaphore_mem>>) src(%arg3 : memref<128x8xf32, #tpu.memory_space<hbm>>) dst(%arg19 : memref<128x8xf32, #tpu.memory_space<vmem>>)
      tpu.yield
    }) : () -> ()
    %barrier3A = arith.constant 0 : index
    tpu.barrier barrier_id(%barrier3A)
    %add3A_11 = arith.constant 0 : i32
    %add3A_12 = arith.addi %mul3A_2, %add3A_11 : i32
    %dma_start3A = arith.constant 1 : i32
    %dma_start3A_13 = tpu.memref_slice %arg2[%dma_start3A, %add3A_12] : memref<2x320000xi32, #tpu.memory_space<hbm>> -> memref<1x128xi32, #tpu.memory_space<hbm>>
    %dma_start3A_14 = tpu.memref_squeeze %dma_start3A_13 : memref<1x128xi32, #tpu.memory_space<hbm>> -> memref<128xi32, #tpu.memory_space<hbm>>
    %dma_start3A_15 = tpu.memref_slice %arg2[%dma_start3A, %add3A_12] : memref<2x320000xi32, #tpu.memory_space<hbm>> -> memref<1x128xi32, #tpu.memory_space<hbm>>
    %dma_start3A_16 = tpu.memref_squeeze %dma_start3A_15 : memref<1x128xi32, #tpu.memory_space<hbm>> -> memref<128xi32, #tpu.memory_space<hbm>>
    tpu.enqueue_dma source(%dma_start3A_16 : memref<128xi32, #tpu.memory_space<hbm>>) target(%arg6 : memref<128xi32, #tpu.memory_space<vmem>>) target_semaphore(%arg22 : memref<!tpu.dma_semaphore, #tpu.memory_space<semaphore_mem>>)
    %add3A_17 = arith.constant 128 : i32
    %add3A_18 = arith.addi %mul3A_2, %add3A_17 : i32
    %dma_start3A_19 = arith.constant 1 : i32
    %dma_start3A_20 = tpu.memref_slice %arg2[%dma_start3A_19, %add3A_18] : memref<2x320000xi32, #tpu.memory_space<hbm>> -> memref<1x128xi32, #tpu.memory_space<hbm>>
    %dma_start3A_21 = tpu.memref_squeeze %dma_start3A_20 : memref<1x128xi32, #tpu.memory_space<hbm>> -> memref<128xi32, #tpu.memory_space<hbm>>
    %dma_start3A_22 = tpu.memref_slice %arg2[%dma_start3A_19, %add3A_18] : memref<2x320000xi32, #tpu.memory_space<hbm>> -> memref<1x128xi32, #tpu.memory_space<hbm>>
    %dma_start3A_23 = tpu.memref_squeeze %dma_start3A_22 : memref<1x128xi32, #tpu.memory_space<hbm>> -> memref<128xi32, #tpu.memory_space<hbm>>
    tpu.enqueue_dma source(%dma_start3A_23 : memref<128xi32, #tpu.memory_space<hbm>>) target(%arg7 : memref<128xi32, #tpu.memory_space<vmem>>) target_semaphore(%arg23 : memref<!tpu.dma_semaphore, #tpu.memory_space<semaphore_mem>>)
    %add3A_24 = arith.constant 256 : i32
    %add3A_25 = arith.addi %mul3A_2, %add3A_24 : i32
    %dma_start3A_26 = arith.constant 1 : i32
    %dma_start3A_27 = tpu.memref_slice %arg2[%dma_start3A_26, %add3A_25] : memref<2x320000xi32, #tpu.memory_space<hbm>> -> memref<1x128xi32, #tpu.memory_space<hbm>>
    %dma_start3A_28 = tpu.memref_squeeze %dma_start3A_27 : memref<1x128xi32, #tpu.memory_space<hbm>> -> memref<128xi32, #tpu.memory_space<hbm>>
    %dma_start3A_29 = tpu.memref_slice %arg2[%dma_start3A_26, %add3A_25] : memref<2x320000xi32, #tpu.memory_space<hbm>> -> memref<1x128xi32, #tpu.memory_space<hbm>>
    %dma_start3A_30 = tpu.memref_squeeze %dma_start3A_29 : memref<1x128xi32, #tpu.memory_space<hbm>> -> memref<128xi32, #tpu.memory_space<hbm>>
    tpu.enqueue_dma source(%dma_start3A_30 : memref<128xi32, #tpu.memory_space<hbm>>) target(%arg8 : memref<128xi32, #tpu.memory_space<vmem>>) target_semaphore(%arg24 : memref<!tpu.dma_semaphore, #tpu.memory_space<semaphore_mem>>)
    %add3A_31 = arith.constant 384 : i32
    %add3A_32 = arith.addi %mul3A_2, %add3A_31 : i32
    %dma_start3A_33 = arith.constant 1 : i32
    %dma_start3A_34 = tpu.memref_slice %arg2[%dma_start3A_33, %add3A_32] : memref<2x320000xi32, #tpu.memory_space<hbm>> -> memref<1x128xi32, #tpu.memory_space<hbm>>
    %dma_start3A_35 = tpu.memref_squeeze %dma_start3A_34 : memref<1x128xi32, #tpu.memory_space<hbm>> -> memref<128xi32, #tpu.memory_space<hbm>>
    %dma_start3A_36 = tpu.memref_slice %arg2[%dma_start3A_33, %add3A_32] : memref<2x320000xi32, #tpu.memory_space<hbm>> -> memref<1x128xi32, #tpu.memory_space<hbm>>
    %dma_start3A_37 = tpu.memref_squeeze %dma_start3A_36 : memref<1x128xi32, #tpu.memory_space<hbm>> -> memref<128xi32, #tpu.memory_space<hbm>>
    tpu.enqueue_dma source(%dma_start3A_37 : memref<128xi32, #tpu.memory_space<hbm>>) target(%arg9 : memref<128xi32, #tpu.memory_space<vmem>>) target_semaphore(%arg25 : memref<!tpu.dma_semaphore, #tpu.memory_space<semaphore_mem>>)
    %add3A_38 = arith.constant 512 : i32
    %add3A_39 = arith.addi %mul3A_2, %add3A_38 : i32
    %dma_start3A_40 = arith.constant 1 : i32
    %dma_start3A_41 = tpu.memref_slice %arg2[%dma_start3A_40, %add3A_39] : memref<2x320000xi32, #tpu.memory_space<hbm>> -> memref<1x128xi32, #tpu.memory_space<hbm>>
    %dma_start3A_42 = tpu.memref_squeeze %dma_start3A_41 : memref<1x128xi32, #tpu.memory_space<hbm>> -> memref<128xi32, #tpu.memory_space<hbm>>
    %dma_start3A_43 = tpu.memref_slice %arg2[%dma_start3A_40, %add3A_39] : memref<2x320000xi32, #tpu.memory_space<hbm>> -> memref<1x128xi32, #tpu.memory_space<hbm>>
    %dma_start3A_44 = tpu.memref_squeeze %dma_start3A_43 : memref<1x128xi32, #tpu.memory_space<hbm>> -> memref<128xi32, #tpu.memory_space<hbm>>
    tpu.enqueue_dma source(%dma_start3A_44 : memref<128xi32, #tpu.memory_space<hbm>>) target(%arg10 : memref<128xi32, #tpu.memory_space<vmem>>) target_semaphore(%arg26 : memref<!tpu.dma_semaphore, #tpu.memory_space<semaphore_mem>>)
    %add3A_45 = arith.constant 640 : i32
    %add3A_46 = arith.addi %mul3A_2, %add3A_45 : i32
    %dma_start3A_47 = arith.constant 1 : i32
    %dma_start3A_48 = tpu.memref_slice %arg2[%dma_start3A_47, %add3A_46] : memref<2x320000xi32, #tpu.memory_space<hbm>> -> memref<1x128xi32, #tpu.memory_space<hbm>>
    %dma_start3A_49 = tpu.memref_squeeze %dma_start3A_48 : memref<1x128xi32, #tpu.memory_space<hbm>> -> memref<128xi32, #tpu.memory_space<hbm>>
    %dma_start3A_50 = tpu.memref_slice %arg2[%dma_start3A_47, %add3A_46] : memref<2x320000xi32, #tpu.memory_space<hbm>> -> memref<1x128xi32, #tpu.memory_space<hbm>>
    %dma_start3A_51 = tpu.memref_squeeze %dma_start3A_50 : memref<1x128xi32, #tpu.memory_space<hbm>> -> memref<128xi32, #tpu.memory_space<hbm>>
    tpu.enqueue_dma source(%dma_start3A_51 : memref<128xi32, #tpu.memory_space<hbm>>) target(%arg11 : memref<128xi32, #tpu.memory_space<vmem>>) target_semaphore(%arg27 : memref<!tpu.dma_semaphore, #tpu.memory_space<semaphore_mem>>)
    %scan3A = arith.constant 0 : i32
    %scan3A_52 = arith.constant 0 : i32
    %scan3A_53 = arith.constant 6 : i32
    %scan3A_54 = arith.addi %scan3A_52, %scan3A_53 : i32
    %scan3A_55 = arith.constant 1 : i32
    scf.for %scan3A_162 = %scan3A_52 to %scan3A_54 step %scan3A_55  : i32 {
      %mul3A_163 = arith.constant 2 : i32
      %mul3A_164 = arith.muli %mul3A_163, %scan3A_162 : i32
      %add3A_165 = arith.constant 1 : i32
      %add3A_166 = arith.addi %mul3A_164, %add3A_165 : i32
      %mul3A_167 = arith.constant 6 : i32
      %mul3A_168 = arith.muli %add3A_166, %mul3A_167 : i32
      %add3A_169 = arith.constant 0 : i32
      %add3A_170 = arith.addi %mul3A_168, %add3A_169 : i32
      %mul3A_171 = arith.constant 128 : i32
      %mul3A_172 = arith.muli %add3A_170, %mul3A_171 : i32
      %add3A_173 = arith.addi %mul3A_2, %mul3A_172 : i32
      %dma_start3A_174 = arith.constant 1 : i32
      %dma_start3A_175 = tpu.memref_slice %arg2[%dma_start3A_174, %add3A_173] : memref<2x320000xi32, #tpu.memory_space<hbm>> -> memref<1x128xi32, #tpu.memory_space<hbm>>
      %dma_start3A_176 = tpu.memref_squeeze %dma_start3A_175 : memref<1x128xi32, #tpu.memory_space<hbm>> -> memref<128xi32, #tpu.memory_space<hbm>>
      %dma_start3A_177 = tpu.memref_slice %arg2[%dma_start3A_174, %add3A_173] : memref<2x320000xi32, #tpu.memory_space<hbm>> -> memref<1x128xi32, #tpu.memory_space<hbm>>
      %dma_start3A_178 = tpu.memref_squeeze %dma_start3A_177 : memref<1x128xi32, #tpu.memory_space<hbm>> -> memref<128xi32, #tpu.memory_space<hbm>>
      tpu.enqueue_dma source(%dma_start3A_178 : memref<128xi32, #tpu.memory_space<hbm>>) target(%arg12 : memref<128xi32, #tpu.memory_space<vmem>>) target_semaphore(%arg28 : memref<!tpu.dma_semaphore, #tpu.memory_space<semaphore_mem>>)
      %mul3A_179 = arith.constant 6 : i32
      %mul3A_180 = arith.muli %add3A_166, %mul3A_179 : i32
      %add3A_181 = arith.constant 1 : i32
      %add3A_182 = arith.addi %mul3A_180, %add3A_181 : i32
      %mul3A_183 = arith.constant 128 : i32
      %mul3A_184 = arith.muli %add3A_182, %mul3A_183 : i32
      %add3A_185 = arith.addi %mul3A_2, %mul3A_184 : i32
      %dma_start3A_186 = arith.constant 1 : i32
      %dma_start3A_187 = tpu.memref_slice %arg2[%dma_start3A_186, %add3A_185] : memref<2x320000xi32, #tpu.memory_space<hbm>> -> memref<1x128xi32, #tpu.memory_space<hbm>>
      %dma_start3A_188 = tpu.memref_squeeze %dma_start3A_187 : memref<1x128xi32, #tpu.memory_space<hbm>> -> memref<128xi32, #tpu.memory_space<hbm>>
      %dma_start3A_189 = tpu.memref_slice %arg2[%dma_start3A_186, %add3A_185] : memref<2x320000xi32, #tpu.memory_space<hbm>> -> memref<1x128xi32, #tpu.memory_space<hbm>>
      %dma_start3A_190 = tpu.memref_squeeze %dma_start3A_189 : memref<1x128xi32, #tpu.memory_space<hbm>> -> memref<128xi32, #tpu.memory_space<hbm>>
      tpu.enqueue_dma source(%dma_start3A_190 : memref<128xi32, #tpu.memory_space<hbm>>) target(%arg13 : memref<128xi32, #tpu.memory_space<vmem>>) target_semaphore(%arg29 : memref<!tpu.dma_semaphore, #tpu.memory_space<semaphore_mem>>)
      %mul3A_191 = arith.constant 6 : i32
      %mul3A_192 = arith.muli %add3A_166, %mul3A_191 : i32
      %add3A_193 = arith.constant 2 : i32
      %add3A_194 = arith.addi %mul3A_192, %add3A_193 : i32
      %mul3A_195 = arith.constant 128 : i32
      %mul3A_196 = arith.muli %add3A_194, %mul3A_195 : i32
      %add3A_197 = arith.addi %mul3A_2, %mul3A_196 : i32
      %dma_start3A_198 = arith.constant 1 : i32
      %dma_start3A_199 = tpu.memref_slice %arg2[%dma_start3A_198, %add3A_197] : memref<2x320000xi32, #tpu.memory_space<hbm>> -> memref<1x128xi32, #tpu.memory_space<hbm>>
      %dma_start3A_200 = tpu.memref_squeeze %dma_start3A_199 : memref<1x128xi32, #tpu.memory_space<hbm>> -> memref<128xi32, #tpu.memory_space<hbm>>
      %dma_start3A_201 = tpu.memref_slice %arg2[%dma_start3A_198, %add3A_197] : memref<2x320000xi32, #tpu.memory_space<hbm>> -> memref<1x128xi32, #tpu.memory_space<hbm>>
      %dma_start3A_202 = tpu.memref_squeeze %dma_start3A_201 : memref<1x128xi32, #tpu.memory_space<hbm>> -> memref<128xi32, #tpu.memory_space<hbm>>
      tpu.enqueue_dma source(%dma_start3A_202 : memref<128xi32, #tpu.memory_space<hbm>>) target(%arg14 : memref<128xi32, #tpu.memory_space<vmem>>) target_semaphore(%arg30 : memref<!tpu.dma_semaphore, #tpu.memory_space<semaphore_mem>>)
      %mul3A_203 = arith.constant 6 : i32
      %mul3A_204 = arith.muli %add3A_166, %mul3A_203 : i32
      %add3A_205 = arith.constant 3 : i32
      %add3A_206 = arith.addi %mul3A_204, %add3A_205 : i32
      %mul3A_207 = arith.constant 128 : i32
      %mul3A_208 = arith.muli %add3A_206, %mul3A_207 : i32
      %add3A_209 = arith.addi %mul3A_2, %mul3A_208 : i32
      %dma_start3A_210 = arith.constant 1 : i32
      %dma_start3A_211 = tpu.memref_slice %arg2[%dma_start3A_210, %add3A_209] : memref<2x320000xi32, #tpu.memory_space<hbm>> -> memref<1x128xi32, #tpu.memory_space<hbm>>
      %dma_start3A_212 = tpu.memref_squeeze %dma_start3A_211 : memref<1x128xi32, #tpu.memory_space<hbm>> -> memref<128xi32, #tpu.memory_space<hbm>>
      %dma_start3A_213 = tpu.memref_slice %arg2[%dma_start3A_210, %add3A_209] : memref<2x320000xi32, #tpu.memory_space<hbm>> -> memref<1x128xi32, #tpu.memory_space<hbm>>
      %dma_start3A_214 = tpu.memref_squeeze %dma_start3A_213 : memref<1x128xi32, #tpu.memory_space<hbm>> -> memref<128xi32, #tpu.memory_space<hbm>>
      tpu.enqueue_dma source(%dma_start3A_214 : memref<128xi32, #tpu.memory_space<hbm>>) target(%arg15 : memref<128xi32, #tpu.memory_space<vmem>>) target_semaphore(%arg31 : memref<!tpu.dma_semaphore, #tpu.memory_space<semaphore_mem>>)
      %mul3A_215 = arith.constant 6 : i32
      %mul3A_216 = arith.muli %add3A_166, %mul3A_215 : i32
      %add3A_217 = arith.constant 4 : i32
      %add3A_218 = arith.addi %mul3A_216, %add3A_217 : i32
      %mul3A_219 = arith.constant 128 : i32
      %mul3A_220 = arith.muli %add3A_218, %mul3A_219 : i32
      %add3A_221 = arith.addi %mul3A_2, %mul3A_220 : i32
      %dma_start3A_222 = arith.constant 1 : i32
      %dma_start3A_223 = tpu.memref_slice %arg2[%dma_start3A_222, %add3A_221] : memref<2x320000xi32, #tpu.memory_space<hbm>> -> memref<1x128xi32, #tpu.memory_space<hbm>>
      %dma_start3A_224 = tpu.memref_squeeze %dma_start3A_223 : memref<1x128xi32, #tpu.memory_space<hbm>> -> memref<128xi32, #tpu.memory_space<hbm>>
      %dma_start3A_225 = tpu.memref_slice %arg2[%dma_start3A_222, %add3A_221] : memref<2x320000xi32, #tpu.memory_space<hbm>> -> memref<1x128xi32, #tpu.memory_space<hbm>>
      %dma_start3A_226 = tpu.memref_squeeze %dma_start3A_225 : memref<1x128xi32, #tpu.memory_space<hbm>> -> memref<128xi32, #tpu.memory_space<hbm>>
      tpu.enqueue_dma source(%dma_start3A_226 : memref<128xi32, #tpu.memory_space<hbm>>) target(%arg16 : memref<128xi32, #tpu.memory_space<vmem>>) target_semaphore(%arg32 : memref<!tpu.dma_semaphore, #tpu.memory_space<semaphore_mem>>)
      %mul3A_227 = arith.constant 6 : i32
      %mul3A_228 = arith.muli %add3A_166, %mul3A_227 : i32
      %add3A_229 = arith.constant 5 : i32
      %add3A_230 = arith.addi %mul3A_228, %add3A_229 : i32
      %mul3A_231 = arith.constant 128 : i32
      %mul3A_232 = arith.muli %add3A_230, %mul3A_231 : i32
      %add3A_233 = arith.addi %mul3A_2, %mul3A_232 : i32
      %dma_start3A_234 = arith.constant 1 : i32
      %dma_start3A_235 = tpu.memref_slice %arg2[%dma_start3A_234, %add3A_233] : memref<2x320000xi32, #tpu.memory_space<hbm>> -> memref<1x128xi32, #tpu.memory_space<hbm>>
      %dma_start3A_236 = tpu.memref_squeeze %dma_start3A_235 : memref<1x128xi32, #tpu.memory_space<hbm>> -> memref<128xi32, #tpu.memory_space<hbm>>
      %dma_start3A_237 = tpu.memref_slice %arg2[%dma_start3A_234, %add3A_233] : memref<2x320000xi32, #tpu.memory_space<hbm>> -> memref<1x128xi32, #tpu.memory_space<hbm>>
      %dma_start3A_238 = tpu.memref_squeeze %dma_start3A_237 : memref<1x128xi32, #tpu.memory_space<hbm>> -> memref<128xi32, #tpu.memory_space<hbm>>
      tpu.enqueue_dma source(%dma_start3A_238 : memref<128xi32, #tpu.memory_space<hbm>>) target(%arg17 : memref<128xi32, #tpu.memory_space<vmem>>) target_semaphore(%arg33 : memref<!tpu.dma_semaphore, #tpu.memory_space<semaphore_mem>>)
      %mul3A_239 = arith.constant 6 : i32
      %mul3A_240 = arith.muli %mul3A_164, %mul3A_239 : i32
      %add3A_241 = arith.constant 0 : i32
      %add3A_242 = arith.addi %mul3A_240, %add3A_241 : i32
      %mul3A_243 = arith.constant 128 : i32
      %mul3A_244 = arith.muli %add3A_242, %mul3A_243 : i32
      %add3A_245 = arith.addi %mul3A_2, %mul3A_244 : i32
      %dma_wait3A_246 = arith.constant 1 : i32
      %dma_wait3A_247 = tpu.memref_slice %arg2[%dma_wait3A_246, %add3A_245] : memref<2x320000xi32, #tpu.memory_space<hbm>> -> memref<1x128xi32, #tpu.memory_space<hbm>>
      %dma_wait3A_248 = tpu.memref_squeeze %dma_wait3A_247 : memref<1x128xi32, #tpu.memory_space<hbm>> -> memref<128xi32, #tpu.memory_space<hbm>>
      %dma_wait3A_249 = tpu.memref_slice %arg2[%dma_wait3A_246, %add3A_245] : memref<2x320000xi32, #tpu.memory_space<hbm>> -> memref<1x128xi32, #tpu.memory_space<hbm>>
      %dma_wait3A_250 = tpu.memref_squeeze %dma_wait3A_249 : memref<1x128xi32, #tpu.memory_space<hbm>> -> memref<128xi32, #tpu.memory_space<hbm>>
      tpu.wait_dma2 semaphore(%arg22 : memref<!tpu.dma_semaphore, #tpu.memory_space<semaphore_mem>>) src(%dma_wait3A_250 : memref<128xi32, #tpu.memory_space<hbm>>) dst(%arg6 : memref<128xi32, #tpu.memory_space<vmem>>)
      %dma_start3A_251 = arith.constant 0 : i32
      %dma_start3A_252 = arith.constant 0 : i32
      %dma_start3A_253 = tpu.memref_slice %arg20[%dma_start3A_251, %dma_start3A_252] : memref<10000x8xf32, #tpu.memory_space<vmem_shared>> -> memref<10000x8xf32, #tpu.memory_space<vmem_shared>>
      tpu.enqueue_indirect_dma source(%arg19 : memref<128x8xf32, #tpu.memory_space<vmem>>) target(%dma_start3A_253 : memref<10000x8xf32, #tpu.memory_space<vmem_shared>>) offsets(%arg6 : memref<128xi32, #tpu.memory_space<vmem>>) semaphore(%arg21 : memref<!tpu.dma_semaphore, #tpu.memory_space<semaphore_mem>>) {add = true}
      %mul3A_254 = arith.constant 6 : i32
      %mul3A_255 = arith.muli %mul3A_164, %mul3A_254 : i32
      %add3A_256 = arith.constant 1 : i32
      %add3A_257 = arith.addi %mul3A_255, %add3A_256 : i32
      %mul3A_258 = arith.constant 128 : i32
      %mul3A_259 = arith.muli %add3A_257, %mul3A_258 : i32
      %add3A_260 = arith.addi %mul3A_2, %mul3A_259 : i32
      %dma_wait3A_261 = arith.constant 1 : i32
      %dma_wait3A_262 = tpu.memref_slice %arg2[%dma_wait3A_261, %add3A_260] : memref<2x320000xi32, #tpu.memory_space<hbm>> -> memref<1x128xi32, #tpu.memory_space<hbm>>
      %dma_wait3A_263 = tpu.memref_squeeze %dma_wait3A_262 : memref<1x128xi32, #tpu.memory_space<hbm>> -> memref<128xi32, #tpu.memory_space<hbm>>
      %dma_wait3A_264 = tpu.memref_slice %arg2[%dma_wait3A_261, %add3A_260] : memref<2x320000xi32, #tpu.memory_space<hbm>> -> memref<1x128xi32, #tpu.memory_space<hbm>>
      %dma_wait3A_265 = tpu.memref_squeeze %dma_wait3A_264 : memref<1x128xi32, #tpu.memory_space<hbm>> -> memref<128xi32, #tpu.memory_space<hbm>>
      tpu.wait_dma2 semaphore(%arg23 : memref<!tpu.dma_semaphore, #tpu.memory_space<semaphore_mem>>) src(%dma_wait3A_265 : memref<128xi32, #tpu.memory_space<hbm>>) dst(%arg7 : memref<128xi32, #tpu.memory_space<vmem>>)
      %dma_start3A_266 = arith.constant 0 : i32
      %dma_start3A_267 = arith.constant 0 : i32
      %dma_start3A_268 = tpu.memref_slice %arg20[%dma_start3A_266, %dma_start3A_267] : memref<10000x8xf32, #tpu.memory_space<vmem_shared>> -> memref<10000x8xf32, #tpu.memory_space<vmem_shared>>
      tpu.enqueue_indirect_dma source(%arg19 : memref<128x8xf32, #tpu.memory_space<vmem>>) target(%dma_start3A_268 : memref<10000x8xf32, #tpu.memory_space<vmem_shared>>) offsets(%arg7 : memref<128xi32, #tpu.memory_space<vmem>>) semaphore(%arg21 : memref<!tpu.dma_semaphore, #tpu.memory_space<semaphore_mem>>) {add = true}
      %mul3A_269 = arith.constant 6 : i32
      %mul3A_270 = arith.muli %mul3A_164, %mul3A_269 : i32
      %add3A_271 = arith.constant 2 : i32
      %add3A_272 = arith.addi %mul3A_270, %add3A_271 : i32
      %mul3A_273 = arith.constant 128 : i32
      %mul3A_274 = arith.muli %add3A_272, %mul3A_273 : i32
      %add3A_275 = arith.addi %mul3A_2, %mul3A_274 : i32
      %dma_wait3A_276 = arith.constant 1 : i32
      %dma_wait3A_277 = tpu.memref_slice %arg2[%dma_wait3A_276, %add3A_275] : memref<2x320000xi32, #tpu.memory_space<hbm>> -> memref<1x128xi32, #tpu.memory_space<hbm>>
      %dma_wait3A_278 = tpu.memref_squeeze %dma_wait3A_277 : memref<1x128xi32, #tpu.memory_space<hbm>> -> memref<128xi32, #tpu.memory_space<hbm>>
      %dma_wait3A_279 = tpu.memref_slice %arg2[%dma_wait3A_276, %add3A_275] : memref<2x320000xi32, #tpu.memory_space<hbm>> -> memref<1x128xi32, #tpu.memory_space<hbm>>
      %dma_wait3A_280 = tpu.memref_squeeze %dma_wait3A_279 : memref<1x128xi32, #tpu.memory_space<hbm>> -> memref<128xi32, #tpu.memory_space<hbm>>
      tpu.wait_dma2 semaphore(%arg24 : memref<!tpu.dma_semaphore, #tpu.memory_space<semaphore_mem>>) src(%dma_wait3A_280 : memref<128xi32, #tpu.memory_space<hbm>>) dst(%arg8 : memref<128xi32, #tpu.memory_space<vmem>>)
      %dma_start3A_281 = arith.constant 0 : i32
      %dma_start3A_282 = arith.constant 0 : i32
      %dma_start3A_283 = tpu.memref_slice %arg20[%dma_start3A_281, %dma_start3A_282] : memref<10000x8xf32, #tpu.memory_space<vmem_shared>> -> memref<10000x8xf32, #tpu.memory_space<vmem_shared>>
      tpu.enqueue_indirect_dma source(%arg19 : memref<128x8xf32, #tpu.memory_space<vmem>>) target(%dma_start3A_283 : memref<10000x8xf32, #tpu.memory_space<vmem_shared>>) offsets(%arg8 : memref<128xi32, #tpu.memory_space<vmem>>) semaphore(%arg21 : memref<!tpu.dma_semaphore, #tpu.memory_space<semaphore_mem>>) {add = true}
      %mul3A_284 = arith.constant 6 : i32
      %mul3A_285 = arith.muli %mul3A_164, %mul3A_284 : i32
      %add3A_286 = arith.constant 3 : i32
      %add3A_287 = arith.addi %mul3A_285, %add3A_286 : i32
      %mul3A_288 = arith.constant 128 : i32
      %mul3A_289 = arith.muli %add3A_287, %mul3A_288 : i32
      %add3A_290 = arith.addi %mul3A_2, %mul3A_289 : i32
      %dma_wait3A_291 = arith.constant 1 : i32
      %dma_wait3A_292 = tpu.memref_slice %arg2[%dma_wait3A_291, %add3A_290] : memref<2x320000xi32, #tpu.memory_space<hbm>> -> memref<1x128xi32, #tpu.memory_space<hbm>>
      %dma_wait3A_293 = tpu.memref_squeeze %dma_wait3A_292 : memref<1x128xi32, #tpu.memory_space<hbm>> -> memref<128xi32, #tpu.memory_space<hbm>>
      %dma_wait3A_294 = tpu.memref_slice %arg2[%dma_wait3A_291, %add3A_290] : memref<2x320000xi32, #tpu.memory_space<hbm>> -> memref<1x128xi32, #tpu.memory_space<hbm>>
      %dma_wait3A_295 = tpu.memref_squeeze %dma_wait3A_294 : memref<1x128xi32, #tpu.memory_space<hbm>> -> memref<128xi32, #tpu.memory_space<hbm>>
      tpu.wait_dma2 semaphore(%arg25 : memref<!tpu.dma_semaphore, #tpu.memory_space<semaphore_mem>>) src(%dma_wait3A_295 : memref<128xi32, #tpu.memory_space<hbm>>) dst(%arg9 : memref<128xi32, #tpu.memory_space<vmem>>)
      %dma_start3A_296 = arith.constant 0 : i32
      %dma_start3A_297 = arith.constant 0 : i32
      %dma_start3A_298 = tpu.memref_slice %arg20[%dma_start3A_296, %dma_start3A_297] : memref<10000x8xf32, #tpu.memory_space<vmem_shared>> -> memref<10000x8xf32, #tpu.memory_space<vmem_shared>>
      tpu.enqueue_indirect_dma source(%arg19 : memref<128x8xf32, #tpu.memory_space<vmem>>) target(%dma_start3A_298 : memref<10000x8xf32, #tpu.memory_space<vmem_shared>>) offsets(%arg9 : memref<128xi32, #tpu.memory_space<vmem>>) semaphore(%arg21 : memref<!tpu.dma_semaphore, #tpu.memory_space<semaphore_mem>>) {add = true}
      %mul3A_299 = arith.constant 6 : i32
      %mul3A_300 = arith.muli %mul3A_164, %mul3A_299 : i32
      %add3A_301 = arith.constant 4 : i32
      %add3A_302 = arith.addi %mul3A_300, %add3A_301 : i32
      %mul3A_303 = arith.constant 128 : i32
      %mul3A_304 = arith.muli %add3A_302, %mul3A_303 : i32
      %add3A_305 = arith.addi %mul3A_2, %mul3A_304 : i32
      %dma_wait3A_306 = arith.constant 1 : i32
      %dma_wait3A_307 = tpu.memref_slice %arg2[%dma_wait3A_306, %add3A_305] : memref<2x320000xi32, #tpu.memory_space<hbm>> -> memref<1x128xi32, #tpu.memory_space<hbm>>
      %dma_wait3A_308 = tpu.memref_squeeze %dma_wait3A_307 : memref<1x128xi32, #tpu.memory_space<hbm>> -> memref<128xi32, #tpu.memory_space<hbm>>
      %dma_wait3A_309 = tpu.memref_slice %arg2[%dma_wait3A_306, %add3A_305] : memref<2x320000xi32, #tpu.memory_space<hbm>> -> memref<1x128xi32, #tpu.memory_space<hbm>>
      %dma_wait3A_310 = tpu.memref_squeeze %dma_wait3A_309 : memref<1x128xi32, #tpu.memory_space<hbm>> -> memref<128xi32, #tpu.memory_space<hbm>>
      tpu.wait_dma2 semaphore(%arg26 : memref<!tpu.dma_semaphore, #tpu.memory_space<semaphore_mem>>) src(%dma_wait3A_310 : memref<128xi32, #tpu.memory_space<hbm>>) dst(%arg10 : memref<128xi32, #tpu.memory_space<vmem>>)
      %dma_start3A_311 = arith.constant 0 : i32
      %dma_start3A_312 = arith.constant 0 : i32
      %dma_start3A_313 = tpu.memref_slice %arg20[%dma_start3A_311, %dma_start3A_312] : memref<10000x8xf32, #tpu.memory_space<vmem_shared>> -> memref<10000x8xf32, #tpu.memory_space<vmem_shared>>
      tpu.enqueue_indirect_dma source(%arg19 : memref<128x8xf32, #tpu.memory_space<vmem>>) target(%dma_start3A_313 : memref<10000x8xf32, #tpu.memory_space<vmem_shared>>) offsets(%arg10 : memref<128xi32, #tpu.memory_space<vmem>>) semaphore(%arg21 : memref<!tpu.dma_semaphore, #tpu.memory_space<semaphore_mem>>) {add = true}
      %mul3A_314 = arith.constant 6 : i32
      %mul3A_315 = arith.muli %mul3A_164, %mul3A_314 : i32
      %add3A_316 = arith.constant 5 : i32
      %add3A_317 = arith.addi %mul3A_315, %add3A_316 : i32
      %mul3A_318 = arith.constant 128 : i32
      %mul3A_319 = arith.muli %add3A_317, %mul3A_318 : i32
      %add3A_320 = arith.addi %mul3A_2, %mul3A_319 : i32
      %dma_wait3A_321 = arith.constant 1 : i32
      %dma_wait3A_322 = tpu.memref_slice %arg2[%dma_wait3A_321, %add3A_320] : memref<2x320000xi32, #tpu.memory_space<hbm>> -> memref<1x128xi32, #tpu.memory_space<hbm>>
      %dma_wait3A_323 = tpu.memref_squeeze %dma_wait3A_322 : memref<1x128xi32, #tpu.memory_space<hbm>> -> memref<128xi32, #tpu.memory_space<hbm>>
      %dma_wait3A_324 = tpu.memref_slice %arg2[%dma_wait3A_321, %add3A_320] : memref<2x320000xi32, #tpu.memory_space<hbm>> -> memref<1x128xi32, #tpu.memory_space<hbm>>
      %dma_wait3A_325 = tpu.memref_squeeze %dma_wait3A_324 : memref<1x128xi32, #tpu.memory_space<hbm>> -> memref<128xi32, #tpu.memory_space<hbm>>
      tpu.wait_dma2 semaphore(%arg27 : memref<!tpu.dma_semaphore, #tpu.memory_space<semaphore_mem>>) src(%dma_wait3A_325 : memref<128xi32, #tpu.memory_space<hbm>>) dst(%arg11 : memref<128xi32, #tpu.memory_space<vmem>>)
      %dma_start3A_326 = arith.constant 0 : i32
      %dma_start3A_327 = arith.constant 0 : i32
      %dma_start3A_328 = tpu.memref_slice %arg20[%dma_start3A_326, %dma_start3A_327] : memref<10000x8xf32, #tpu.memory_space<vmem_shared>> -> memref<10000x8xf32, #tpu.memory_space<vmem_shared>>
      tpu.enqueue_indirect_dma source(%arg19 : memref<128x8xf32, #tpu.memory_space<vmem>>) target(%dma_start3A_328 : memref<10000x8xf32, #tpu.memory_space<vmem_shared>>) offsets(%arg11 : memref<128xi32, #tpu.memory_space<vmem>>) semaphore(%arg21 : memref<!tpu.dma_semaphore, #tpu.memory_space<semaphore_mem>>) {add = true}
      %dma_wait3A_329 = arith.constant 0 : i32
      %dma_wait3A_330 = arith.constant 0 : i32
      %dma_wait3A_331 = tpu.memref_slice %arg20[%dma_wait3A_329, %dma_wait3A_330] : memref<10000x8xf32, #tpu.memory_space<vmem_shared>> -> memref<10000x8xf32, #tpu.memory_space<vmem_shared>>
      tpu.wait_indirect_dma semaphore(%arg21 : memref<!tpu.dma_semaphore, #tpu.memory_space<semaphore_mem>>) src(%arg19 : memref<128x8xf32, #tpu.memory_space<vmem>>) dst(%dma_wait3A_331 : memref<10000x8xf32, #tpu.memory_space<vmem_shared>>)
      %dma_wait3A_332 = arith.constant 0 : i32
      %dma_wait3A_333 = arith.constant 0 : i32
      %dma_wait3A_334 = tpu.memref_slice %arg20[%dma_wait3A_332, %dma_wait3A_333] : memref<10000x8xf32, #tpu.memory_space<vmem_shared>> -> memref<10000x8xf32, #tpu.memory_space<vmem_shared>>
      tpu.wait_indirect_dma semaphore(%arg21 : memref<!tpu.dma_semaphore, #tpu.memory_space<semaphore_mem>>) src(%arg19 : memref<128x8xf32, #tpu.memory_space<vmem>>) dst(%dma_wait3A_334 : memref<10000x8xf32, #tpu.memory_space<vmem_shared>>)
      %dma_wait3A_335 = arith.constant 0 : i32
      %dma_wait3A_336 = arith.constant 0 : i32
      %dma_wait3A_337 = tpu.memref_slice %arg20[%dma_wait3A_335, %dma_wait3A_336] : memref<10000x8xf32, #tpu.memory_space<vmem_shared>> -> memref<10000x8xf32, #tpu.memory_space<vmem_shared>>
      tpu.wait_indirect_dma semaphore(%arg21 : memref<!tpu.dma_semaphore, #tpu.memory_space<semaphore_mem>>) src(%arg19 : memref<128x8xf32, #tpu.memory_space<vmem>>) dst(%dma_wait3A_337 : memref<10000x8xf32, #tpu.memory_space<vmem_shared>>)
      %dma_wait3A_338 = arith.constant 0 : i32
      %dma_wait3A_339 = arith.constant 0 : i32
      %dma_wait3A_340 = tpu.memref_slice %arg20[%dma_wait3A_338, %dma_wait3A_339] : memref<10000x8xf32, #tpu.memory_space<vmem_shared>> -> memref<10000x8xf32, #tpu.memory_space<vmem_shared>>
      tpu.wait_indirect_dma semaphore(%arg21 : memref<!tpu.dma_semaphore, #tpu.memory_space<semaphore_mem>>) src(%arg19 : memref<128x8xf32, #tpu.memory_space<vmem>>) dst(%dma_wait3A_340 : memref<10000x8xf32, #tpu.memory_space<vmem_shared>>)
      %dma_wait3A_341 = arith.constant 0 : i32
      %dma_wait3A_342 = arith.constant 0 : i32
      %dma_wait3A_343 = tpu.memref_slice %arg20[%dma_wait3A_341, %dma_wait3A_342] : memref<10000x8xf32, #tpu.memory_space<vmem_shared>> -> memref<10000x8xf32, #tpu.memory_space<vmem_shared>>
      tpu.wait_indirect_dma semaphore(%arg21 : memref<!tpu.dma_semaphore, #tpu.memory_space<semaphore_mem>>) src(%arg19 : memref<128x8xf32, #tpu.memory_space<vmem>>) dst(%dma_wait3A_343 : memref<10000x8xf32, #tpu.memory_space<vmem_shared>>)
      %dma_wait3A_344 = arith.constant 0 : i32
      %dma_wait3A_345 = arith.constant 0 : i32
      %dma_wait3A_346 = tpu.memref_slice %arg20[%dma_wait3A_344, %dma_wait3A_345] : memref<10000x8xf32, #tpu.memory_space<vmem_shared>> -> memref<10000x8xf32, #tpu.memory_space<vmem_shared>>
      tpu.wait_indirect_dma semaphore(%arg21 : memref<!tpu.dma_semaphore, #tpu.memory_space<semaphore_mem>>) src(%arg19 : memref<128x8xf32, #tpu.memory_space<vmem>>) dst(%dma_wait3A_346 : memref<10000x8xf32, #tpu.memory_space<vmem_shared>>)
      %add3A_347 = arith.constant 2 : i32
      %add3A_348 = arith.addi %mul3A_164, %add3A_347 : i32
      %mul3A_349 = arith.constant 6 : i32
      %mul3A_350 = arith.muli %add3A_348, %mul3A_349 : i32
      %add3A_351 = arith.constant 0 : i32
      %add3A_352 = arith.addi %mul3A_350, %add3A_351 : i32
      %mul3A_353 = arith.constant 128 : i32
      %mul3A_354 = arith.muli %add3A_352, %mul3A_353 : i32
      %add3A_355 = arith.addi %mul3A_2, %mul3A_354 : i32
      %dma_start3A_356 = arith.constant 1 : i32
      %dma_start3A_357 = tpu.memref_slice %arg2[%dma_start3A_356, %add3A_355] : memref<2x320000xi32, #tpu.memory_space<hbm>> -> memref<1x128xi32, #tpu.memory_space<hbm>>
      %dma_start3A_358 = tpu.memref_squeeze %dma_start3A_357 : memref<1x128xi32, #tpu.memory_space<hbm>> -> memref<128xi32, #tpu.memory_space<hbm>>
      %dma_start3A_359 = tpu.memref_slice %arg2[%dma_start3A_356, %add3A_355] : memref<2x320000xi32, #tpu.memory_space<hbm>> -> memref<1x128xi32, #tpu.memory_space<hbm>>
      %dma_start3A_360 = tpu.memref_squeeze %dma_start3A_359 : memref<1x128xi32, #tpu.memory_space<hbm>> -> memref<128xi32, #tpu.memory_space<hbm>>
      tpu.enqueue_dma source(%dma_start3A_360 : memref<128xi32, #tpu.memory_space<hbm>>) target(%arg6 : memref<128xi32, #tpu.memory_space<vmem>>) target_semaphore(%arg22 : memref<!tpu.dma_semaphore, #tpu.memory_space<semaphore_mem>>)
      %mul3A_361 = arith.constant 6 : i32
      %mul3A_362 = arith.muli %add3A_348, %mul3A_361 : i32
      %add3A_363 = arith.constant 1 : i32
      %add3A_364 = arith.addi %mul3A_362, %add3A_363 : i32
      %mul3A_365 = arith.constant 128 : i32
      %mul3A_366 = arith.muli %add3A_364, %mul3A_365 : i32
      %add3A_367 = arith.addi %mul3A_2, %mul3A_366 : i32
      %dma_start3A_368 = arith.constant 1 : i32
      %dma_start3A_369 = tpu.memref_slice %arg2[%dma_start3A_368, %add3A_367] : memref<2x320000xi32, #tpu.memory_space<hbm>> -> memref<1x128xi32, #tpu.memory_space<hbm>>
      %dma_start3A_370 = tpu.memref_squeeze %dma_start3A_369 : memref<1x128xi32, #tpu.memory_space<hbm>> -> memref<128xi32, #tpu.memory_space<hbm>>
      %dma_start3A_371 = tpu.memref_slice %arg2[%dma_start3A_368, %add3A_367] : memref<2x320000xi32, #tpu.memory_space<hbm>> -> memref<1x128xi32, #tpu.memory_space<hbm>>
      %dma_start3A_372 = tpu.memref_squeeze %dma_start3A_371 : memref<1x128xi32, #tpu.memory_space<hbm>> -> memref<128xi32, #tpu.memory_space<hbm>>
      tpu.enqueue_dma source(%dma_start3A_372 : memref<128xi32, #tpu.memory_space<hbm>>) target(%arg7 : memref<128xi32, #tpu.memory_space<vmem>>) target_semaphore(%arg23 : memref<!tpu.dma_semaphore, #tpu.memory_space<semaphore_mem>>)
      %mul3A_373 = arith.constant 6 : i32
      %mul3A_374 = arith.muli %add3A_348, %mul3A_373 : i32
      %add3A_375 = arith.constant 2 : i32
      %add3A_376 = arith.addi %mul3A_374, %add3A_375 : i32
      %mul3A_377 = arith.constant 128 : i32
      %mul3A_378 = arith.muli %add3A_376, %mul3A_377 : i32
      %add3A_379 = arith.addi %mul3A_2, %mul3A_378 : i32
      %dma_start3A_380 = arith.constant 1 : i32
      %dma_start3A_381 = tpu.memref_slice %arg2[%dma_start3A_380, %add3A_379] : memref<2x320000xi32, #tpu.memory_space<hbm>> -> memref<1x128xi32, #tpu.memory_space<hbm>>
      %dma_start3A_382 = tpu.memref_squeeze %dma_start3A_381 : memref<1x128xi32, #tpu.memory_space<hbm>> -> memref<128xi32, #tpu.memory_space<hbm>>
      %dma_start3A_383 = tpu.memref_slice %arg2[%dma_start3A_380, %add3A_379] : memref<2x320000xi32, #tpu.memory_space<hbm>> -> memref<1x128xi32, #tpu.memory_space<hbm>>
      %dma_start3A_384 = tpu.memref_squeeze %dma_start3A_383 : memref<1x128xi32, #tpu.memory_space<hbm>> -> memref<128xi32, #tpu.memory_space<hbm>>
      tpu.enqueue_dma source(%dma_start3A_384 : memref<128xi32, #tpu.memory_space<hbm>>) target(%arg8 : memref<128xi32, #tpu.memory_space<vmem>>) target_semaphore(%arg24 : memref<!tpu.dma_semaphore, #tpu.memory_space<semaphore_mem>>)
      %mul3A_385 = arith.constant 6 : i32
      %mul3A_386 = arith.muli %add3A_348, %mul3A_385 : i32
      %add3A_387 = arith.constant 3 : i32
      %add3A_388 = arith.addi %mul3A_386, %add3A_387 : i32
      %mul3A_389 = arith.constant 128 : i32
      %mul3A_390 = arith.muli %add3A_388, %mul3A_389 : i32
      %add3A_391 = arith.addi %mul3A_2, %mul3A_390 : i32
      %dma_start3A_392 = arith.constant 1 : i32
      %dma_start3A_393 = tpu.memref_slice %arg2[%dma_start3A_392, %add3A_391] : memref<2x320000xi32, #tpu.memory_space<hbm>> -> memref<1x128xi32, #tpu.memory_space<hbm>>
      %dma_start3A_394 = tpu.memref_squeeze %dma_start3A_393 : memref<1x128xi32, #tpu.memory_space<hbm>> -> memref<128xi32, #tpu.memory_space<hbm>>
      %dma_start3A_395 = tpu.memref_slice %arg2[%dma_start3A_392, %add3A_391] : memref<2x320000xi32, #tpu.memory_space<hbm>> -> memref<1x128xi32, #tpu.memory_space<hbm>>
      %dma_start3A_396 = tpu.memref_squeeze %dma_start3A_395 : memref<1x128xi32, #tpu.memory_space<hbm>> -> memref<128xi32, #tpu.memory_space<hbm>>
      tpu.enqueue_dma source(%dma_start3A_396 : memref<128xi32, #tpu.memory_space<hbm>>) target(%arg9 : memref<128xi32, #tpu.memory_space<vmem>>) target_semaphore(%arg25 : memref<!tpu.dma_semaphore, #tpu.memory_space<semaphore_mem>>)
      %mul3A_397 = arith.constant 6 : i32
      %mul3A_398 = arith.muli %add3A_348, %mul3A_397 : i32
      %add3A_399 = arith.constant 4 : i32
      %add3A_400 = arith.addi %mul3A_398, %add3A_399 : i32
      %mul3A_401 = arith.constant 128 : i32
      %mul3A_402 = arith.muli %add3A_400, %mul3A_401 : i32
      %add3A_403 = arith.addi %mul3A_2, %mul3A_402 : i32
      %dma_start3A_404 = arith.constant 1 : i32
      %dma_start3A_405 = tpu.memref_slice %arg2[%dma_start3A_404, %add3A_403] : memref<2x320000xi32, #tpu.memory_space<hbm>> -> memref<1x128xi32, #tpu.memory_space<hbm>>
      %dma_start3A_406 = tpu.memref_squeeze %dma_start3A_405 : memref<1x128xi32, #tpu.memory_space<hbm>> -> memref<128xi32, #tpu.memory_space<hbm>>
      %dma_start3A_407 = tpu.memref_slice %arg2[%dma_start3A_404, %add3A_403] : memref<2x320000xi32, #tpu.memory_space<hbm>> -> memref<1x128xi32, #tpu.memory_space<hbm>>
      %dma_start3A_408 = tpu.memref_squeeze %dma_start3A_407 : memref<1x128xi32, #tpu.memory_space<hbm>> -> memref<128xi32, #tpu.memory_space<hbm>>
      tpu.enqueue_dma source(%dma_start3A_408 : memref<128xi32, #tpu.memory_space<hbm>>) target(%arg10 : memref<128xi32, #tpu.memory_space<vmem>>) target_semaphore(%arg26 : memref<!tpu.dma_semaphore, #tpu.memory_space<semaphore_mem>>)
      %mul3A_409 = arith.constant 6 : i32
      %mul3A_410 = arith.muli %add3A_348, %mul3A_409 : i32
      %add3A_411 = arith.constant 5 : i32
      %add3A_412 = arith.addi %mul3A_410, %add3A_411 : i32
      %mul3A_413 = arith.constant 128 : i32
      %mul3A_414 = arith.muli %add3A_412, %mul3A_413 : i32
      %add3A_415 = arith.addi %mul3A_2, %mul3A_414 : i32
      %dma_start3A_416 = arith.constant 1 : i32
      %dma_start3A_417 = tpu.memref_slice %arg2[%dma_start3A_416, %add3A_415] : memref<2x320000xi32, #tpu.memory_space<hbm>> -> memref<1x128xi32, #tpu.memory_space<hbm>>
      %dma_start3A_418 = tpu.memref_squeeze %dma_start3A_417 : memref<1x128xi32, #tpu.memory_space<hbm>> -> memref<128xi32, #tpu.memory_space<hbm>>
      %dma_start3A_419 = tpu.memref_slice %arg2[%dma_start3A_416, %add3A_415] : memref<2x320000xi32, #tpu.memory_space<hbm>> -> memref<1x128xi32, #tpu.memory_space<hbm>>
      %dma_start3A_420 = tpu.memref_squeeze %dma_start3A_419 : memref<1x128xi32, #tpu.memory_space<hbm>> -> memref<128xi32, #tpu.memory_space<hbm>>
      tpu.enqueue_dma source(%dma_start3A_420 : memref<128xi32, #tpu.memory_space<hbm>>) target(%arg11 : memref<128xi32, #tpu.memory_space<vmem>>) target_semaphore(%arg27 : memref<!tpu.dma_semaphore, #tpu.memory_space<semaphore_mem>>)
      %add3A_421 = arith.constant 1 : i32
      %add3A_422 = arith.addi %mul3A_164, %add3A_421 : i32
      %mul3A_423 = arith.constant 6 : i32
      %mul3A_424 = arith.muli %add3A_422, %mul3A_423 : i32
      %add3A_425 = arith.constant 0 : i32
      %add3A_426 = arith.addi %mul3A_424, %add3A_425 : i32
      %mul3A_427 = arith.constant 128 : i32
      %mul3A_428 = arith.muli %add3A_426, %mul3A_427 : i32
      %add3A_429 = arith.addi %mul3A_2, %mul3A_428 : i32
      %dma_wait3A_430 = arith.constant 1 : i32
      %dma_wait3A_431 = tpu.memref_slice %arg2[%dma_wait3A_430, %add3A_429] : memref<2x320000xi32, #tpu.memory_space<hbm>> -> memref<1x128xi32, #tpu.memory_space<hbm>>
      %dma_wait3A_432 = tpu.memref_squeeze %dma_wait3A_431 : memref<1x128xi32, #tpu.memory_space<hbm>> -> memref<128xi32, #tpu.memory_space<hbm>>
      %dma_wait3A_433 = tpu.memref_slice %arg2[%dma_wait3A_430, %add3A_429] : memref<2x320000xi32, #tpu.memory_space<hbm>> -> memref<1x128xi32, #tpu.memory_space<hbm>>
      %dma_wait3A_434 = tpu.memref_squeeze %dma_wait3A_433 : memref<1x128xi32, #tpu.memory_space<hbm>> -> memref<128xi32, #tpu.memory_space<hbm>>
      tpu.wait_dma2 semaphore(%arg28 : memref<!tpu.dma_semaphore, #tpu.memory_space<semaphore_mem>>) src(%dma_wait3A_434 : memref<128xi32, #tpu.memory_space<hbm>>) dst(%arg12 : memref<128xi32, #tpu.memory_space<vmem>>)
      %dma_start3A_435 = arith.constant 0 : i32
      %dma_start3A_436 = arith.constant 0 : i32
      %dma_start3A_437 = tpu.memref_slice %arg20[%dma_start3A_435, %dma_start3A_436] : memref<10000x8xf32, #tpu.memory_space<vmem_shared>> -> memref<10000x8xf32, #tpu.memory_space<vmem_shared>>
      tpu.enqueue_indirect_dma source(%arg19 : memref<128x8xf32, #tpu.memory_space<vmem>>) target(%dma_start3A_437 : memref<10000x8xf32, #tpu.memory_space<vmem_shared>>) offsets(%arg12 : memref<128xi32, #tpu.memory_space<vmem>>) semaphore(%arg21 : memref<!tpu.dma_semaphore, #tpu.memory_space<semaphore_mem>>) {add = true}
      %mul3A_438 = arith.constant 6 : i32
      %mul3A_439 = arith.muli %add3A_422, %mul3A_438 : i32
      %add3A_440 = arith.constant 1 : i32
      %add3A_441 = arith.addi %mul3A_439, %add3A_440 : i32
      %mul3A_442 = arith.constant 128 : i32
      %mul3A_443 = arith.muli %add3A_441, %mul3A_442 : i32
      %add3A_444 = arith.addi %mul3A_2, %mul3A_443 : i32
      %dma_wait3A_445 = arith.constant 1 : i32
      %dma_wait3A_446 = tpu.memref_slice %arg2[%dma_wait3A_445, %add3A_444] : memref<2x320000xi32, #tpu.memory_space<hbm>> -> memref<1x128xi32, #tpu.memory_space<hbm>>
      %dma_wait3A_447 = tpu.memref_squeeze %dma_wait3A_446 : memref<1x128xi32, #tpu.memory_space<hbm>> -> memref<128xi32, #tpu.memory_space<hbm>>
      %dma_wait3A_448 = tpu.memref_slice %arg2[%dma_wait3A_445, %add3A_444] : memref<2x320000xi32, #tpu.memory_space<hbm>> -> memref<1x128xi32, #tpu.memory_space<hbm>>
      %dma_wait3A_449 = tpu.memref_squeeze %dma_wait3A_448 : memref<1x128xi32, #tpu.memory_space<hbm>> -> memref<128xi32, #tpu.memory_space<hbm>>
      tpu.wait_dma2 semaphore(%arg29 : memref<!tpu.dma_semaphore, #tpu.memory_space<semaphore_mem>>) src(%dma_wait3A_449 : memref<128xi32, #tpu.memory_space<hbm>>) dst(%arg13 : memref<128xi32, #tpu.memory_space<vmem>>)
      %dma_start3A_450 = arith.constant 0 : i32
      %dma_start3A_451 = arith.constant 0 : i32
      %dma_start3A_452 = tpu.memref_slice %arg20[%dma_start3A_450, %dma_start3A_451] : memref<10000x8xf32, #tpu.memory_space<vmem_shared>> -> memref<10000x8xf32, #tpu.memory_space<vmem_shared>>
      tpu.enqueue_indirect_dma source(%arg19 : memref<128x8xf32, #tpu.memory_space<vmem>>) target(%dma_start3A_452 : memref<10000x8xf32, #tpu.memory_space<vmem_shared>>) offsets(%arg13 : memref<128xi32, #tpu.memory_space<vmem>>) semaphore(%arg21 : memref<!tpu.dma_semaphore, #tpu.memory_space<semaphore_mem>>) {add = true}
      %mul3A_453 = arith.constant 6 : i32
      %mul3A_454 = arith.muli %add3A_422, %mul3A_453 : i32
      %add3A_455 = arith.constant 2 : i32
      %add3A_456 = arith.addi %mul3A_454, %add3A_455 : i32
      %mul3A_457 = arith.constant 128 : i32
      %mul3A_458 = arith.muli %add3A_456, %mul3A_457 : i32
      %add3A_459 = arith.addi %mul3A_2, %mul3A_458 : i32
      %dma_wait3A_460 = arith.constant 1 : i32
      %dma_wait3A_461 = tpu.memref_slice %arg2[%dma_wait3A_460, %add3A_459] : memref<2x320000xi32, #tpu.memory_space<hbm>> -> memref<1x128xi32, #tpu.memory_space<hbm>>
      %dma_wait3A_462 = tpu.memref_squeeze %dma_wait3A_461 : memref<1x128xi32, #tpu.memory_space<hbm>> -> memref<128xi32, #tpu.memory_space<hbm>>
      %dma_wait3A_463 = tpu.memref_slice %arg2[%dma_wait3A_460, %add3A_459] : memref<2x320000xi32, #tpu.memory_space<hbm>> -> memref<1x128xi32, #tpu.memory_space<hbm>>
      %dma_wait3A_464 = tpu.memref_squeeze %dma_wait3A_463 : memref<1x128xi32, #tpu.memory_space<hbm>> -> memref<128xi32, #tpu.memory_space<hbm>>
      tpu.wait_dma2 semaphore(%arg30 : memref<!tpu.dma_semaphore, #tpu.memory_space<semaphore_mem>>) src(%dma_wait3A_464 : memref<128xi32, #tpu.memory_space<hbm>>) dst(%arg14 : memref<128xi32, #tpu.memory_space<vmem>>)
      %dma_start3A_465 = arith.constant 0 : i32
      %dma_start3A_466 = arith.constant 0 : i32
      %dma_start3A_467 = tpu.memref_slice %arg20[%dma_start3A_465, %dma_start3A_466] : memref<10000x8xf32, #tpu.memory_space<vmem_shared>> -> memref<10000x8xf32, #tpu.memory_space<vmem_shared>>
      tpu.enqueue_indirect_dma source(%arg19 : memref<128x8xf32, #tpu.memory_space<vmem>>) target(%dma_start3A_467 : memref<10000x8xf32, #tpu.memory_space<vmem_shared>>) offsets(%arg14 : memref<128xi32, #tpu.memory_space<vmem>>) semaphore(%arg21 : memref<!tpu.dma_semaphore, #tpu.memory_space<semaphore_mem>>) {add = true}
      %mul3A_468 = arith.constant 6 : i32
      %mul3A_469 = arith.muli %add3A_422, %mul3A_468 : i32
      %add3A_470 = arith.constant 3 : i32
      %add3A_471 = arith.addi %mul3A_469, %add3A_470 : i32
      %mul3A_472 = arith.constant 128 : i32
      %mul3A_473 = arith.muli %add3A_471, %mul3A_472 : i32
      %add3A_474 = arith.addi %mul3A_2, %mul3A_473 : i32
      %dma_wait3A_475 = arith.constant 1 : i32
      %dma_wait3A_476 = tpu.memref_slice %arg2[%dma_wait3A_475, %add3A_474] : memref<2x320000xi32, #tpu.memory_space<hbm>> -> memref<1x128xi32, #tpu.memory_space<hbm>>
      %dma_wait3A_477 = tpu.memref_squeeze %dma_wait3A_476 : memref<1x128xi32, #tpu.memory_space<hbm>> -> memref<128xi32, #tpu.memory_space<hbm>>
      %dma_wait3A_478 = tpu.memref_slice %arg2[%dma_wait3A_475, %add3A_474] : memref<2x320000xi32, #tpu.memory_space<hbm>> -> memref<1x128xi32, #tpu.memory_space<hbm>>
      %dma_wait3A_479 = tpu.memref_squeeze %dma_wait3A_478 : memref<1x128xi32, #tpu.memory_space<hbm>> -> memref<128xi32, #tpu.memory_space<hbm>>
      tpu.wait_dma2 semaphore(%arg31 : memref<!tpu.dma_semaphore, #tpu.memory_space<semaphore_mem>>) src(%dma_wait3A_479 : memref<128xi32, #tpu.memory_space<hbm>>) dst(%arg15 : memref<128xi32, #tpu.memory_space<vmem>>)
      %dma_start3A_480 = arith.constant 0 : i32
      %dma_start3A_481 = arith.constant 0 : i32
      %dma_start3A_482 = tpu.memref_slice %arg20[%dma_start3A_480, %dma_start3A_481] : memref<10000x8xf32, #tpu.memory_space<vmem_shared>> -> memref<10000x8xf32, #tpu.memory_space<vmem_shared>>
      tpu.enqueue_indirect_dma source(%arg19 : memref<128x8xf32, #tpu.memory_space<vmem>>) target(%dma_start3A_482 : memref<10000x8xf32, #tpu.memory_space<vmem_shared>>) offsets(%arg15 : memref<128xi32, #tpu.memory_space<vmem>>) semaphore(%arg21 : memref<!tpu.dma_semaphore, #tpu.memory_space<semaphore_mem>>) {add = true}
      %mul3A_483 = arith.constant 6 : i32
      %mul3A_484 = arith.muli %add3A_422, %mul3A_483 : i32
      %add3A_485 = arith.constant 4 : i32
      %add3A_486 = arith.addi %mul3A_484, %add3A_485 : i32
      %mul3A_487 = arith.constant 128 : i32
      %mul3A_488 = arith.muli %add3A_486, %mul3A_487 : i32
      %add3A_489 = arith.addi %mul3A_2, %mul3A_488 : i32
      %dma_wait3A_490 = arith.constant 1 : i32
      %dma_wait3A_491 = tpu.memref_slice %arg2[%dma_wait3A_490, %add3A_489] : memref<2x320000xi32, #tpu.memory_space<hbm>> -> memref<1x128xi32, #tpu.memory_space<hbm>>
      %dma_wait3A_492 = tpu.memref_squeeze %dma_wait3A_491 : memref<1x128xi32, #tpu.memory_space<hbm>> -> memref<128xi32, #tpu.memory_space<hbm>>
      %dma_wait3A_493 = tpu.memref_slice %arg2[%dma_wait3A_490, %add3A_489] : memref<2x320000xi32, #tpu.memory_space<hbm>> -> memref<1x128xi32, #tpu.memory_space<hbm>>
      %dma_wait3A_494 = tpu.memref_squeeze %dma_wait3A_493 : memref<1x128xi32, #tpu.memory_space<hbm>> -> memref<128xi32, #tpu.memory_space<hbm>>
      tpu.wait_dma2 semaphore(%arg32 : memref<!tpu.dma_semaphore, #tpu.memory_space<semaphore_mem>>) src(%dma_wait3A_494 : memref<128xi32, #tpu.memory_space<hbm>>) dst(%arg16 : memref<128xi32, #tpu.memory_space<vmem>>)
      %dma_start3A_495 = arith.constant 0 : i32
      %dma_start3A_496 = arith.constant 0 : i32
      %dma_start3A_497 = tpu.memref_slice %arg20[%dma_start3A_495, %dma_start3A_496] : memref<10000x8xf32, #tpu.memory_space<vmem_shared>> -> memref<10000x8xf32, #tpu.memory_space<vmem_shared>>
      tpu.enqueue_indirect_dma source(%arg19 : memref<128x8xf32, #tpu.memory_space<vmem>>) target(%dma_start3A_497 : memref<10000x8xf32, #tpu.memory_space<vmem_shared>>) offsets(%arg16 : memref<128xi32, #tpu.memory_space<vmem>>) semaphore(%arg21 : memref<!tpu.dma_semaphore, #tpu.memory_space<semaphore_mem>>) {add = true}
      %mul3A_498 = arith.constant 6 : i32
      %mul3A_499 = arith.muli %add3A_422, %mul3A_498 : i32
      %add3A_500 = arith.constant 5 : i32
      %add3A_501 = arith.addi %mul3A_499, %add3A_500 : i32
      %mul3A_502 = arith.constant 128 : i32
      %mul3A_503 = arith.muli %add3A_501, %mul3A_502 : i32
      %add3A_504 = arith.addi %mul3A_2, %mul3A_503 : i32
      %dma_wait3A_505 = arith.constant 1 : i32
      %dma_wait3A_506 = tpu.memref_slice %arg2[%dma_wait3A_505, %add3A_504] : memref<2x320000xi32, #tpu.memory_space<hbm>> -> memref<1x128xi32, #tpu.memory_space<hbm>>
      %dma_wait3A_507 = tpu.memref_squeeze %dma_wait3A_506 : memref<1x128xi32, #tpu.memory_space<hbm>> -> memref<128xi32, #tpu.memory_space<hbm>>
      %dma_wait3A_508 = tpu.memref_slice %arg2[%dma_wait3A_505, %add3A_504] : memref<2x320000xi32, #tpu.memory_space<hbm>> -> memref<1x128xi32, #tpu.memory_space<hbm>>
      %dma_wait3A_509 = tpu.memref_squeeze %dma_wait3A_508 : memref<1x128xi32, #tpu.memory_space<hbm>> -> memref<128xi32, #tpu.memory_space<hbm>>
      tpu.wait_dma2 semaphore(%arg33 : memref<!tpu.dma_semaphore, #tpu.memory_space<semaphore_mem>>) src(%dma_wait3A_509 : memref<128xi32, #tpu.memory_space<hbm>>) dst(%arg17 : memref<128xi32, #tpu.memory_space<vmem>>)
      %dma_start3A_510 = arith.constant 0 : i32
      %dma_start3A_511 = arith.constant 0 : i32
      %dma_start3A_512 = tpu.memref_slice %arg20[%dma_start3A_510, %dma_start3A_511] : memref<10000x8xf32, #tpu.memory_space<vmem_shared>> -> memref<10000x8xf32, #tpu.memory_space<vmem_shared>>
      tpu.enqueue_indirect_dma source(%arg19 : memref<128x8xf32, #tpu.memory_space<vmem>>) target(%dma_start3A_512 : memref<10000x8xf32, #tpu.memory_space<vmem_shared>>) offsets(%arg17 : memref<128xi32, #tpu.memory_space<vmem>>) semaphore(%arg21 : memref<!tpu.dma_semaphore, #tpu.memory_space<semaphore_mem>>) {add = true}
      %dma_wait3A_513 = arith.constant 0 : i32
      %dma_wait3A_514 = arith.constant 0 : i32
      %dma_wait3A_515 = tpu.memref_slice %arg20[%dma_wait3A_513, %dma_wait3A_514] : memref<10000x8xf32, #tpu.memory_space<vmem_shared>> -> memref<10000x8xf32, #tpu.memory_space<vmem_shared>>
      tpu.wait_indirect_dma semaphore(%arg21 : memref<!tpu.dma_semaphore, #tpu.memory_space<semaphore_mem>>) src(%arg19 : memref<128x8xf32, #tpu.memory_space<vmem>>) dst(%dma_wait3A_515 : memref<10000x8xf32, #tpu.memory_space<vmem_shared>>)
      %dma_wait3A_516 = arith.constant 0 : i32
      %dma_wait3A_517 = arith.constant 0 : i32
      %dma_wait3A_518 = tpu.memref_slice %arg20[%dma_wait3A_516, %dma_wait3A_517] : memref<10000x8xf32, #tpu.memory_space<vmem_shared>> -> memref<10000x8xf32, #tpu.memory_space<vmem_shared>>
      tpu.wait_indirect_dma semaphore(%arg21 : memref<!tpu.dma_semaphore, #tpu.memory_space<semaphore_mem>>) src(%arg19 : memref<128x8xf32, #tpu.memory_space<vmem>>) dst(%dma_wait3A_518 : memref<10000x8xf32, #tpu.memory_space<vmem_shared>>)
      %dma_wait3A_519 = arith.constant 0 : i32
      %dma_wait3A_520 = arith.constant 0 : i32
      %dma_wait3A_521 = tpu.memref_slice %arg20[%dma_wait3A_519, %dma_wait3A_520] : memref<10000x8xf32, #tpu.memory_space<vmem_shared>> -> memref<10000x8xf32, #tpu.memory_space<vmem_shared>>
      tpu.wait_indirect_dma semaphore(%arg21 : memref<!tpu.dma_semaphore, #tpu.memory_space<semaphore_mem>>) src(%arg19 : memref<128x8xf32, #tpu.memory_space<vmem>>) dst(%dma_wait3A_521 : memref<10000x8xf32, #tpu.memory_space<vmem_shared>>)
      %dma_wait3A_522 = arith.constant 0 : i32
      %dma_wait3A_523 = arith.constant 0 : i32
      %dma_wait3A_524 = tpu.memref_slice %arg20[%dma_wait3A_522, %dma_wait3A_523] : memref<10000x8xf32, #tpu.memory_space<vmem_shared>> -> memref<10000x8xf32, #tpu.memory_space<vmem_shared>>
      tpu.wait_indirect_dma semaphore(%arg21 : memref<!tpu.dma_semaphore, #tpu.memory_space<semaphore_mem>>) src(%arg19 : memref<128x8xf32, #tpu.memory_space<vmem>>) dst(%dma_wait3A_524 : memref<10000x8xf32, #tpu.memory_space<vmem_shared>>)
      %dma_wait3A_525 = arith.constant 0 : i32
      %dma_wait3A_526 = arith.constant 0 : i32
      %dma_wait3A_527 = tpu.memref_slice %arg20[%dma_wait3A_525, %dma_wait3A_526] : memref<10000x8xf32, #tpu.memory_space<vmem_shared>> -> memref<10000x8xf32, #tpu.memory_space<vmem_shared>>
      tpu.wait_indirect_dma semaphore(%arg21 : memref<!tpu.dma_semaphore, #tpu.memory_space<semaphore_mem>>) src(%arg19 : memref<128x8xf32, #tpu.memory_space<vmem>>) dst(%dma_wait3A_527 : memref<10000x8xf32, #tpu.memory_space<vmem_shared>>)
      %dma_wait3A_528 = arith.constant 0 : i32
      %dma_wait3A_529 = arith.constant 0 : i32
      %dma_wait3A_530 = tpu.memref_slice %arg20[%dma_wait3A_528, %dma_wait3A_529] : memref<10000x8xf32, #tpu.memory_space<vmem_shared>> -> memref<10000x8xf32, #tpu.memory_space<vmem_shared>>
      tpu.wait_indirect_dma semaphore(%arg21 : memref<!tpu.dma_semaphore, #tpu.memory_space<semaphore_mem>>) src(%arg19 : memref<128x8xf32, #tpu.memory_space<vmem>>) dst(%dma_wait3A_530 : memref<10000x8xf32, #tpu.memory_space<vmem_shared>>)
    }
    %scan3A_56 = arith.constant 6 : i32
    %add3A_57 = arith.constant 9216 : i32
    %add3A_58 = arith.addi %mul3A_2, %add3A_57 : i32
    %dma_wait3A = arith.constant 1 : i32
    %dma_wait3A_59 = tpu.memref_slice %arg2[%dma_wait3A, %add3A_58] : memref<2x320000xi32, #tpu.memory_space<hbm>> -> memref<1x128xi32, #tpu.memory_space<hbm>>
    %dma_wait3A_60 = tpu.memref_squeeze %dma_wait3A_59 : memref<1x128xi32, #tpu.memory_space<hbm>> -> memref<128xi32, #tpu.memory_space<hbm>>
    %dma_wait3A_61 = tpu.memref_slice %arg2[%dma_wait3A, %add3A_58] : memref<2x320000xi32, #tpu.memory_space<hbm>> -> memref<1x128xi32, #tpu.memory_space<hbm>>
    %dma_wait3A_62 = tpu.memref_squeeze %dma_wait3A_61 : memref<1x128xi32, #tpu.memory_space<hbm>> -> memref<128xi32, #tpu.memory_space<hbm>>
    tpu.wait_dma2 semaphore(%arg22 : memref<!tpu.dma_semaphore, #tpu.memory_space<semaphore_mem>>) src(%dma_wait3A_62 : memref<128xi32, #tpu.memory_space<hbm>>) dst(%arg6 : memref<128xi32, #tpu.memory_space<vmem>>)
    %dma_start3A_63 = arith.constant 0 : i32
    %dma_start3A_64 = arith.constant 0 : i32
    %dma_start3A_65 = tpu.memref_slice %arg20[%dma_start3A_63, %dma_start3A_64] : memref<10000x8xf32, #tpu.memory_space<vmem_shared>> -> memref<10000x8xf32, #tpu.memory_space<vmem_shared>>
    tpu.enqueue_indirect_dma source(%arg19 : memref<128x8xf32, #tpu.memory_space<vmem>>) target(%dma_start3A_65 : memref<10000x8xf32, #tpu.memory_space<vmem_shared>>) offsets(%arg6 : memref<128xi32, #tpu.memory_space<vmem>>) semaphore(%arg21 : memref<!tpu.dma_semaphore, #tpu.memory_space<semaphore_mem>>) {add = true}
    %add3A_66 = arith.constant 9344 : i32
    %add3A_67 = arith.addi %mul3A_2, %add3A_66 : i32
    %dma_wait3A_68 = arith.constant 1 : i32
    %dma_wait3A_69 = tpu.memref_slice %arg2[%dma_wait3A_68, %add3A_67] : memref<2x320000xi32, #tpu.memory_space<hbm>> -> memref<1x128xi32, #tpu.memory_space<hbm>>
    %dma_wait3A_70 = tpu.memref_squeeze %dma_wait3A_69 : memref<1x128xi32, #tpu.memory_space<hbm>> -> memref<128xi32, #tpu.memory_space<hbm>>
    %dma_wait3A_71 = tpu.memref_slice %arg2[%dma_wait3A_68, %add3A_67] : memref<2x320000xi32, #tpu.memory_space<hbm>> -> memref<1x128xi32, #tpu.memory_space<hbm>>
    %dma_wait3A_72 = tpu.memref_squeeze %dma_wait3A_71 : memref<1x128xi32, #tpu.memory_space<hbm>> -> memref<128xi32, #tpu.memory_space<hbm>>
    tpu.wait_dma2 semaphore(%arg23 : memref<!tpu.dma_semaphore, #tpu.memory_space<semaphore_mem>>) src(%dma_wait3A_72 : memref<128xi32, #tpu.memory_space<hbm>>) dst(%arg7 : memref<128xi32, #tpu.memory_space<vmem>>)
    %dma_start3A_73 = arith.constant 0 : i32
    %dma_start3A_74 = arith.constant 0 : i32
    %dma_start3A_75 = tpu.memref_slice %arg20[%dma_start3A_73, %dma_start3A_74] : memref<10000x8xf32, #tpu.memory_space<vmem_shared>> -> memref<10000x8xf32, #tpu.memory_space<vmem_shared>>
    tpu.enqueue_indirect_dma source(%arg19 : memref<128x8xf32, #tpu.memory_space<vmem>>) target(%dma_start3A_75 : memref<10000x8xf32, #tpu.memory_space<vmem_shared>>) offsets(%arg7 : memref<128xi32, #tpu.memory_space<vmem>>) semaphore(%arg21 : memref<!tpu.dma_semaphore, #tpu.memory_space<semaphore_mem>>) {add = true}
    %add3A_76 = arith.constant 9472 : i32
    %add3A_77 = arith.addi %mul3A_2, %add3A_76 : i32
    %dma_wait3A_78 = arith.constant 1 : i32
    %dma_wait3A_79 = tpu.memref_slice %arg2[%dma_wait3A_78, %add3A_77] : memref<2x320000xi32, #tpu.memory_space<hbm>> -> memref<1x128xi32, #tpu.memory_space<hbm>>
    %dma_wait3A_80 = tpu.memref_squeeze %dma_wait3A_79 : memref<1x128xi32, #tpu.memory_space<hbm>> -> memref<128xi32, #tpu.memory_space<hbm>>
    %dma_wait3A_81 = tpu.memref_slice %arg2[%dma_wait3A_78, %add3A_77] : memref<2x320000xi32, #tpu.memory_space<hbm>> -> memref<1x128xi32, #tpu.memory_space<hbm>>
    %dma_wait3A_82 = tpu.memref_squeeze %dma_wait3A_81 : memref<1x128xi32, #tpu.memory_space<hbm>> -> memref<128xi32, #tpu.memory_space<hbm>>
    tpu.wait_dma2 semaphore(%arg24 : memref<!tpu.dma_semaphore, #tpu.memory_space<semaphore_mem>>) src(%dma_wait3A_82 : memref<128xi32, #tpu.memory_space<hbm>>) dst(%arg8 : memref<128xi32, #tpu.memory_space<vmem>>)
    %dma_start3A_83 = arith.constant 0 : i32
    %dma_start3A_84 = arith.constant 0 : i32
    %dma_start3A_85 = tpu.memref_slice %arg20[%dma_start3A_83, %dma_start3A_84] : memref<10000x8xf32, #tpu.memory_space<vmem_shared>> -> memref<10000x8xf32, #tpu.memory_space<vmem_shared>>
    tpu.enqueue_indirect_dma source(%arg19 : memref<128x8xf32, #tpu.memory_space<vmem>>) target(%dma_start3A_85 : memref<10000x8xf32, #tpu.memory_space<vmem_shared>>) offsets(%arg8 : memref<128xi32, #tpu.memory_space<vmem>>) semaphore(%arg21 : memref<!tpu.dma_semaphore, #tpu.memory_space<semaphore_mem>>) {add = true}
    %add3A_86 = arith.constant 9600 : i32
    %add3A_87 = arith.addi %mul3A_2, %add3A_86 : i32
    %dma_wait3A_88 = arith.constant 1 : i32
    %dma_wait3A_89 = tpu.memref_slice %arg2[%dma_wait3A_88, %add3A_87] : memref<2x320000xi32, #tpu.memory_space<hbm>> -> memref<1x128xi32, #tpu.memory_space<hbm>>
    %dma_wait3A_90 = tpu.memref_squeeze %dma_wait3A_89 : memref<1x128xi32, #tpu.memory_space<hbm>> -> memref<128xi32, #tpu.memory_space<hbm>>
    %dma_wait3A_91 = tpu.memref_slice %arg2[%dma_wait3A_88, %add3A_87] : memref<2x320000xi32, #tpu.memory_space<hbm>> -> memref<1x128xi32, #tpu.memory_space<hbm>>
    %dma_wait3A_92 = tpu.memref_squeeze %dma_wait3A_91 : memref<1x128xi32, #tpu.memory_space<hbm>> -> memref<128xi32, #tpu.memory_space<hbm>>
    tpu.wait_dma2 semaphore(%arg25 : memref<!tpu.dma_semaphore, #tpu.memory_space<semaphore_mem>>) src(%dma_wait3A_92 : memref<128xi32, #tpu.memory_space<hbm>>) dst(%arg9 : memref<128xi32, #tpu.memory_space<vmem>>)
    %dma_start3A_93 = arith.constant 0 : i32
    %dma_start3A_94 = arith.constant 0 : i32
    %dma_start3A_95 = tpu.memref_slice %arg20[%dma_start3A_93, %dma_start3A_94] : memref<10000x8xf32, #tpu.memory_space<vmem_shared>> -> memref<10000x8xf32, #tpu.memory_space<vmem_shared>>
    tpu.enqueue_indirect_dma source(%arg19 : memref<128x8xf32, #tpu.memory_space<vmem>>) target(%dma_start3A_95 : memref<10000x8xf32, #tpu.memory_space<vmem_shared>>) offsets(%arg9 : memref<128xi32, #tpu.memory_space<vmem>>) semaphore(%arg21 : memref<!tpu.dma_semaphore, #tpu.memory_space<semaphore_mem>>) {add = true}
    %add3A_96 = arith.constant 9728 : i32
    %add3A_97 = arith.addi %mul3A_2, %add3A_96 : i32
    %dma_wait3A_98 = arith.constant 1 : i32
    %dma_wait3A_99 = tpu.memref_slice %arg2[%dma_wait3A_98, %add3A_97] : memref<2x320000xi32, #tpu.memory_space<hbm>> -> memref<1x128xi32, #tpu.memory_space<hbm>>
    %dma_wait3A_100 = tpu.memref_squeeze %dma_wait3A_99 : memref<1x128xi32, #tpu.memory_space<hbm>> -> memref<128xi32, #tpu.memory_space<hbm>>
    %dma_wait3A_101 = tpu.memref_slice %arg2[%dma_wait3A_98, %add3A_97] : memref<2x320000xi32, #tpu.memory_space<hbm>> -> memref<1x128xi32, #tpu.memory_space<hbm>>
    %dma_wait3A_102 = tpu.memref_squeeze %dma_wait3A_101 : memref<1x128xi32, #tpu.memory_space<hbm>> -> memref<128xi32, #tpu.memory_space<hbm>>
    tpu.wait_dma2 semaphore(%arg26 : memref<!tpu.dma_semaphore, #tpu.memory_space<semaphore_mem>>) src(%dma_wait3A_102 : memref<128xi32, #tpu.memory_space<hbm>>) dst(%arg10 : memref<128xi32, #tpu.memory_space<vmem>>)
    %dma_start3A_103 = arith.constant 0 : i32
    %dma_start3A_104 = arith.constant 0 : i32
    %dma_start3A_105 = tpu.memref_slice %arg20[%dma_start3A_103, %dma_start3A_104] : memref<10000x8xf32, #tpu.memory_space<vmem_shared>> -> memref<10000x8xf32, #tpu.memory_space<vmem_shared>>
    tpu.enqueue_indirect_dma source(%arg19 : memref<128x8xf32, #tpu.memory_space<vmem>>) target(%dma_start3A_105 : memref<10000x8xf32, #tpu.memory_space<vmem_shared>>) offsets(%arg10 : memref<128xi32, #tpu.memory_space<vmem>>) semaphore(%arg21 : memref<!tpu.dma_semaphore, #tpu.memory_space<semaphore_mem>>) {add = true}
    %add3A_106 = arith.constant 9856 : i32
    %add3A_107 = arith.addi %mul3A_2, %add3A_106 : i32
    %dma_wait3A_108 = arith.constant 1 : i32
    %dma_wait3A_109 = tpu.memref_slice %arg2[%dma_wait3A_108, %add3A_107] : memref<2x320000xi32, #tpu.memory_space<hbm>> -> memref<1x128xi32, #tpu.memory_space<hbm>>
    %dma_wait3A_110 = tpu.memref_squeeze %dma_wait3A_109 : memref<1x128xi32, #tpu.memory_space<hbm>> -> memref<128xi32, #tpu.memory_space<hbm>>
    %dma_wait3A_111 = tpu.memref_slice %arg2[%dma_wait3A_108, %add3A_107] : memref<2x320000xi32, #tpu.memory_space<hbm>> -> memref<1x128xi32, #tpu.memory_space<hbm>>
    %dma_wait3A_112 = tpu.memref_squeeze %dma_wait3A_111 : memref<1x128xi32, #tpu.memory_space<hbm>> -> memref<128xi32, #tpu.memory_space<hbm>>
    tpu.wait_dma2 semaphore(%arg27 : memref<!tpu.dma_semaphore, #tpu.memory_space<semaphore_mem>>) src(%dma_wait3A_112 : memref<128xi32, #tpu.memory_space<hbm>>) dst(%arg11 : memref<128xi32, #tpu.memory_space<vmem>>)
    %dma_start3A_113 = arith.constant 0 : i32
    %dma_start3A_114 = arith.constant 0 : i32
    %dma_start3A_115 = tpu.memref_slice %arg20[%dma_start3A_113, %dma_start3A_114] : memref<10000x8xf32, #tpu.memory_space<vmem_shared>> -> memref<10000x8xf32, #tpu.memory_space<vmem_shared>>
    tpu.enqueue_indirect_dma source(%arg19 : memref<128x8xf32, #tpu.memory_space<vmem>>) target(%dma_start3A_115 : memref<10000x8xf32, #tpu.memory_space<vmem_shared>>) offsets(%arg11 : memref<128xi32, #tpu.memory_space<vmem>>) semaphore(%arg21 : memref<!tpu.dma_semaphore, #tpu.memory_space<semaphore_mem>>) {add = true}
    %dma_wait3A_116 = arith.constant 0 : i32
    %dma_wait3A_117 = arith.constant 0 : i32
    %dma_wait3A_118 = tpu.memref_slice %arg20[%dma_wait3A_116, %dma_wait3A_117] : memref<10000x8xf32, #tpu.memory_space<vmem_shared>> -> memref<10000x8xf32, #tpu.memory_space<vmem_shared>>
    tpu.wait_indirect_dma semaphore(%arg21 : memref<!tpu.dma_semaphore, #tpu.memory_space<semaphore_mem>>) src(%arg19 : memref<128x8xf32, #tpu.memory_space<vmem>>) dst(%dma_wait3A_118 : memref<10000x8xf32, #tpu.memory_space<vmem_shared>>)
    %dma_wait3A_119 = arith.constant 0 : i32
    %dma_wait3A_120 = arith.constant 0 : i32
    %dma_wait3A_121 = tpu.memref_slice %arg20[%dma_wait3A_119, %dma_wait3A_120] : memref<10000x8xf32, #tpu.memory_space<vmem_shared>> -> memref<10000x8xf32, #tpu.memory_space<vmem_shared>>
    tpu.wait_indirect_dma semaphore(%arg21 : memref<!tpu.dma_semaphore, #tpu.memory_space<semaphore_mem>>) src(%arg19 : memref<128x8xf32, #tpu.memory_space<vmem>>) dst(%dma_wait3A_121 : memref<10000x8xf32, #tpu.memory_space<vmem_shared>>)
    %dma_wait3A_122 = arith.constant 0 : i32
    %dma_wait3A_123 = arith.constant 0 : i32
    %dma_wait3A_124 = tpu.memref_slice %arg20[%dma_wait3A_122, %dma_wait3A_123] : memref<10000x8xf32, #tpu.memory_space<vmem_shared>> -> memref<10000x8xf32, #tpu.memory_space<vmem_shared>>
    tpu.wait_indirect_dma semaphore(%arg21 : memref<!tpu.dma_semaphore, #tpu.memory_space<semaphore_mem>>) src(%arg19 : memref<128x8xf32, #tpu.memory_space<vmem>>) dst(%dma_wait3A_124 : memref<10000x8xf32, #tpu.memory_space<vmem_shared>>)
    %dma_wait3A_125 = arith.constant 0 : i32
    %dma_wait3A_126 = arith.constant 0 : i32
    %dma_wait3A_127 = tpu.memref_slice %arg20[%dma_wait3A_125, %dma_wait3A_126] : memref<10000x8xf32, #tpu.memory_space<vmem_shared>> -> memref<10000x8xf32, #tpu.memory_space<vmem_shared>>
    tpu.wait_indirect_dma semaphore(%arg21 : memref<!tpu.dma_semaphore, #tpu.memory_space<semaphore_mem>>) src(%arg19 : memref<128x8xf32, #tpu.memory_space<vmem>>) dst(%dma_wait3A_127 : memref<10000x8xf32, #tpu.memory_space<vmem_shared>>)
    %dma_wait3A_128 = arith.constant 0 : i32
    %dma_wait3A_129 = arith.constant 0 : i32
    %dma_wait3A_130 = tpu.memref_slice %arg20[%dma_wait3A_128, %dma_wait3A_129] : memref<10000x8xf32, #tpu.memory_space<vmem_shared>> -> memref<10000x8xf32, #tpu.memory_space<vmem_shared>>
    tpu.wait_indirect_dma semaphore(%arg21 : memref<!tpu.dma_semaphore, #tpu.memory_space<semaphore_mem>>) src(%arg19 : memref<128x8xf32, #tpu.memory_space<vmem>>) dst(%dma_wait3A_130 : memref<10000x8xf32, #tpu.memory_space<vmem_shared>>)
    %dma_wait3A_131 = arith.constant 0 : i32
    %dma_wait3A_132 = arith.constant 0 : i32
    %dma_wait3A_133 = tpu.memref_slice %arg20[%dma_wait3A_131, %dma_wait3A_132] : memref<10000x8xf32, #tpu.memory_space<vmem_shared>> -> memref<10000x8xf32, #tpu.memory_space<vmem_shared>>
    tpu.wait_indirect_dma semaphore(%arg21 : memref<!tpu.dma_semaphore, #tpu.memory_space<semaphore_mem>>) src(%arg19 : memref<128x8xf32, #tpu.memory_space<vmem>>) dst(%dma_wait3A_133 : memref<10000x8xf32, #tpu.memory_space<vmem_shared>>)
    %add3A_134 = arith.constant 9984 : i32
    %add3A_135 = arith.addi %mul3A_2, %add3A_134 : i32
    %run_scoped3A = arith.constant 1 : i32
    "tpu.region"() ({
      %run_scoped3A_162 = tpu.sem_alloc : memref<!tpu.dma_semaphore, #tpu.memory_space<semaphore_mem>>
      %dma_start3A_163 = tpu.memref_slice %arg2[%run_scoped3A, %add3A_135] : memref<2x320000xi32, #tpu.memory_space<hbm>> -> memref<1x16xi32, #tpu.memory_space<hbm>>
      %dma_start3A_164 = tpu.memref_squeeze %dma_start3A_163 : memref<1x16xi32, #tpu.memory_space<hbm>> -> memref<16xi32, #tpu.memory_space<hbm>>
      %dma_start3A_165 = tpu.memref_slice %arg2[%run_scoped3A, %add3A_135] : memref<2x320000xi32, #tpu.memory_space<hbm>> -> memref<1x16xi32, #tpu.memory_space<hbm>>
      %dma_start3A_166 = tpu.memref_squeeze %dma_start3A_165 : memref<1x16xi32, #tpu.memory_space<hbm>> -> memref<16xi32, #tpu.memory_space<hbm>>
      tpu.enqueue_dma source(%dma_start3A_166 : memref<16xi32, #tpu.memory_space<hbm>>) target(%arg18 : memref<16xi32, #tpu.memory_space<vmem>>) target_semaphore(%run_scoped3A_162 : memref<!tpu.dma_semaphore, #tpu.memory_space<semaphore_mem>>)
      %dma_wait3A_167 = tpu.memref_slice %arg2[%run_scoped3A, %add3A_135] : memref<2x320000xi32, #tpu.memory_space<hbm>> -> memref<1x16xi32, #tpu.memory_space<hbm>>
      %dma_wait3A_168 = tpu.memref_squeeze %dma_wait3A_167 : memref<1x16xi32, #tpu.memory_space<hbm>> -> memref<16xi32, #tpu.memory_space<hbm>>
      %dma_wait3A_169 = tpu.memref_slice %arg2[%run_scoped3A, %add3A_135] : memref<2x320000xi32, #tpu.memory_space<hbm>> -> memref<1x16xi32, #tpu.memory_space<hbm>>
      %dma_wait3A_170 = tpu.memref_squeeze %dma_wait3A_169 : memref<1x16xi32, #tpu.memory_space<hbm>> -> memref<16xi32, #tpu.memory_space<hbm>>
      tpu.wait_dma2 semaphore(%run_scoped3A_162 : memref<!tpu.dma_semaphore, #tpu.memory_space<semaphore_mem>>) src(%dma_wait3A_170 : memref<16xi32, #tpu.memory_space<hbm>>) dst(%arg18 : memref<16xi32, #tpu.memory_space<vmem>>)
      tpu.yield
    }) : () -> ()
    %dma_start3A_136 = arith.constant 0 : i32
    %dma_start3A_137 = arith.constant 0 : i32
    %dma_start3A_138 = tpu.memref_slice %arg19[%dma_start3A_136, %dma_start3A_137] : memref<128x8xf32, #tpu.memory_space<vmem>> -> memref<16x8xf32, #tpu.memory_space<vmem>>
    %dma_start3A_139 = arith.constant 0 : i32
    %dma_start3A_140 = arith.constant 0 : i32
    %dma_start3A_141 = tpu.memref_slice %arg20[%dma_start3A_139, %dma_start3A_140] : memref<10000x8xf32, #tpu.memory_space<vmem_shared>> -> memref<10000x8xf32, #tpu.memory_space<vmem_shared>>
    tpu.enqueue_indirect_dma source(%dma_start3A_138 : memref<16x8xf32, #tpu.memory_space<vmem>>) target(%dma_start3A_141 : memref<10000x8xf32, #tpu.memory_space<vmem_shared>>) offsets(%arg18 : memref<16xi32, #tpu.memory_space<vmem>>) semaphore(%arg21 : memref<!tpu.dma_semaphore, #tpu.memory_space<semaphore_mem>>) {add = true}
    %dma_wait3A_142 = arith.constant 0 : i32
    %dma_wait3A_143 = arith.constant 0 : i32
    %dma_wait3A_144 = tpu.memref_slice %arg19[%dma_wait3A_142, %dma_wait3A_143] : memref<128x8xf32, #tpu.memory_space<vmem>> -> memref<16x8xf32, #tpu.memory_space<vmem>>
    %dma_wait3A_145 = arith.constant 0 : i32
    %dma_wait3A_146 = arith.constant 0 : i32
    %dma_wait3A_147 = tpu.memref_slice %arg20[%dma_wait3A_145, %dma_wait3A_146] : memref<10000x8xf32, #tpu.memory_space<vmem_shared>> -> memref<10000x8xf32, #tpu.memory_space<vmem_shared>>
    tpu.wait_indirect_dma semaphore(%arg21 : memref<!tpu.dma_semaphore, #tpu.memory_space<semaphore_mem>>) src(%dma_wait3A_144 : memref<16x8xf32, #tpu.memory_space<vmem>>) dst(%dma_wait3A_147 : memref<10000x8xf32, #tpu.memory_space<vmem_shared>>)
    %barrier3A_148 = arith.constant 0 : index
    tpu.barrier barrier_id(%barrier3A_148)
    %mul3A_149 = arith.constant 624 : i32
    %mul3A_150 = arith.muli %arg1, %mul3A_149 : i32
    %multiple_of3A_151 = tpu.assume_multiple %mul3A_150, 8 : i32
    %lt3A_152 = arith.constant 15 : i32
    %lt3A_153 = arith.cmpi slt, %arg1, %lt3A_152 : i32
    %convert_element_type3A_154 = arith.extui %lt3A_153 : i1 to i32
    %cond3A_155 = arith.constant 0 : i32
    %cond3A_156 = arith.cmpi ne, %convert_element_type3A_154, %cond3A_155 : i32
    scf.if %cond3A_156 {
      "tpu.region"() ({
        %run_scoped3A_162 = tpu.sem_alloc : memref<!tpu.dma_semaphore, #tpu.memory_space<semaphore_mem>>
        %dma_start3A_163 = arith.constant 0 : i32
        %dma_start3A_164 = tpu.memref_slice %arg5[%arg0, %multiple_of3A_151, %dma_start3A_163] : memref<2x10000x8xf32, #tpu.memory_space<hbm>> -> memref<1x624x8xf32, #tpu.memory_space<hbm>>
        %dma_start3A_165 = tpu.memref_squeeze %dma_start3A_164 : memref<1x624x8xf32, #tpu.memory_space<hbm>> -> memref<624x8xf32, #tpu.memory_space<hbm>>
        %dma_start3A_166 = arith.constant 0 : i32
        %dma_start3A_167 = tpu.memref_slice %arg20[%multiple_of3A_151, %dma_start3A_166] : memref<10000x8xf32, #tpu.memory_space<vmem_shared>> -> memref<624x8xf32, #tpu.memory_space<vmem_shared>>
        tpu.enqueue_dma source(%dma_start3A_167 : memref<624x8xf32, #tpu.memory_space<vmem_shared>>) target(%dma_start3A_165 : memref<624x8xf32, #tpu.memory_space<hbm>>) target_semaphore(%run_scoped3A_162 : memref<!tpu.dma_semaphore, #tpu.memory_space<semaphore_mem>>)
        %dma_wait3A_168 = arith.constant 0 : i32
        %dma_wait3A_169 = tpu.memref_slice %arg5[%arg0, %multiple_of3A_151, %dma_wait3A_168] : memref<2x10000x8xf32, #tpu.memory_space<hbm>> -> memref<1x624x8xf32, #tpu.memory_space<hbm>>
        %dma_wait3A_170 = tpu.memref_squeeze %dma_wait3A_169 : memref<1x624x8xf32, #tpu.memory_space<hbm>> -> memref<624x8xf32, #tpu.memory_space<hbm>>
        %dma_wait3A_171 = arith.constant 0 : i32
        %dma_wait3A_172 = tpu.memref_slice %arg20[%multiple_of3A_151, %dma_wait3A_171] : memref<10000x8xf32, #tpu.memory_space<vmem_shared>> -> memref<624x8xf32, #tpu.memory_space<vmem_shared>>
        tpu.wait_dma2 semaphore(%run_scoped3A_162 : memref<!tpu.dma_semaphore, #tpu.memory_space<semaphore_mem>>) src(%dma_wait3A_172 : memref<624x8xf32, #tpu.memory_space<vmem_shared>>) dst(%dma_wait3A_170 : memref<624x8xf32, #tpu.memory_space<hbm>>)
        tpu.yield
      }) : () -> ()
    } else {
    }
    %eq3A_157 = arith.constant 15 : i32
    %eq3A_158 = arith.cmpi eq, %arg1, %eq3A_157 : i32
    %convert_element_type3A_159 = arith.extui %eq3A_158 : i1 to i32
    %cond3A_160 = arith.constant 0 : i32
    %cond3A_161 = arith.cmpi ne, %convert_element_type3A_159, %cond3A_160 : i32
    scf.if %cond3A_161 {
      "tpu.region"() ({
        %run_scoped3A_162 = tpu.sem_alloc : memref<!tpu.dma_semaphore, #tpu.memory_space<semaphore_mem>>
        %dma_start3A_163 = arith.constant 9360 : i32
        %dma_start3A_164 = arith.constant 0 : i32
        %dma_start3A_165 = tpu.memref_slice %arg5[%arg0, %dma_start3A_163, %dma_start3A_164] : memref<2x10000x8xf32, #tpu.memory_space<hbm>> -> memref<1x640x8xf32, #tpu.memory_space<hbm>>
        %dma_start3A_166 = tpu.memref_squeeze %dma_start3A_165 : memref<1x640x8xf32, #tpu.memory_space<hbm>> -> memref<640x8xf32, #tpu.memory_space<hbm>>
        %dma_start3A_167 = arith.constant 9360 : i32
        %dma_start3A_168 = arith.constant 0 : i32
        %dma_start3A_169 = tpu.memref_slice %arg20[%dma_start3A_167, %dma_start3A_168] : memref<10000x8xf32, #tpu.memory_space<vmem_shared>> -> memref<640x8xf32, #tpu.memory_space<vmem_shared>>
        tpu.enqueue_dma source(%dma_start3A_169 : memref<640x8xf32, #tpu.memory_space<vmem_shared>>) target(%dma_start3A_166 : memref<640x8xf32, #tpu.memory_space<hbm>>) target_semaphore(%run_scoped3A_162 : memref<!tpu.dma_semaphore, #tpu.memory_space<semaphore_mem>>)
        %dma_wait3A_170 = arith.constant 9360 : i32
        %dma_wait3A_171 = arith.constant 0 : i32
        %dma_wait3A_172 = tpu.memref_slice %arg5[%arg0, %dma_wait3A_170, %dma_wait3A_171] : memref<2x10000x8xf32, #tpu.memory_space<hbm>> -> memref<1x640x8xf32, #tpu.memory_space<hbm>>
        %dma_wait3A_173 = tpu.memref_squeeze %dma_wait3A_172 : memref<1x640x8xf32, #tpu.memory_space<hbm>> -> memref<640x8xf32, #tpu.memory_space<hbm>>
        %dma_wait3A_174 = arith.constant 9360 : i32
        %dma_wait3A_175 = arith.constant 0 : i32
        %dma_wait3A_176 = tpu.memref_slice %arg20[%dma_wait3A_174, %dma_wait3A_175] : memref<10000x8xf32, #tpu.memory_space<vmem_shared>> -> memref<640x8xf32, #tpu.memory_space<vmem_shared>>
        tpu.wait_dma2 semaphore(%run_scoped3A_162 : memref<!tpu.dma_semaphore, #tpu.memory_space<semaphore_mem>>) src(%dma_wait3A_176 : memref<640x8xf32, #tpu.memory_space<vmem_shared>>) dst(%dma_wait3A_173 : memref<640x8xf32, #tpu.memory_space<hbm>>)
        tpu.yield
      }) : () -> ()
    } else {
    }
    return
  }
}

#map = affine_map<(d0, d1) -> (0, 0)>
#map1 = affine_map<(d0, d1) -> (0, 0, 0)>
module attributes {stable_mosaic.version = 14 : i64} {
  func.func @_agg_sc(%arg0: i32, %arg1: i32, %arg2: memref<10000x64xf32, #tpu.memory_space<hbm>>, %arg3: memref<2x320000xi32, #tpu.memory_space<hbm>>, %arg4: memref<640x64xf32, #tpu.memory_space<hbm>>, %arg5: memref<2x10000x64xf32, #tpu.memory_space<hbm>>, %arg6: memref<10000xi32, #tpu.memory_space<vmem>>, %arg7: memref<128xi32, #tpu.memory_space<vmem>>, %arg8: memref<128xi32, #tpu.memory_space<vmem>>, %arg9: memref<128xi32, #tpu.memory_space<vmem>>, %arg10: memref<128xi32, #tpu.memory_space<vmem>>, %arg11: memref<128xi32, #tpu.memory_space<vmem>>, %arg12: memref<128xi32, #tpu.memory_space<vmem>>, %arg13: memref<16xi32, #tpu.memory_space<vmem>>, %arg14: memref<128x64xf32, #tpu.memory_space<vmem>>, %arg15: memref<128x64xf32, #tpu.memory_space<vmem>>, %arg16: memref<128x64xf32, #tpu.memory_space<vmem>>, %arg17: memref<128x64xf32, #tpu.memory_space<vmem>>, %arg18: memref<128x64xf32, #tpu.memory_space<vmem>>, %arg19: memref<128x64xf32, #tpu.memory_space<vmem>>, %arg20: memref<16x64xf32, #tpu.memory_space<vmem>>, %arg21: memref<10000x64xf32, #tpu.memory_space<vmem_shared>>, %arg22: memref<!tpu.dma_semaphore, #tpu.memory_space<semaphore_mem>>, %arg23: memref<!tpu.dma_semaphore, #tpu.memory_space<semaphore_mem>>, %arg24: memref<!tpu.dma_semaphore, #tpu.memory_space<semaphore_mem>>, %arg25: memref<!tpu.dma_semaphore, #tpu.memory_space<semaphore_mem>>, %arg26: memref<!tpu.dma_semaphore, #tpu.memory_space<semaphore_mem>>, %arg27: memref<!tpu.dma_semaphore, #tpu.memory_space<semaphore_mem>>, %arg28: memref<!tpu.dma_semaphore, #tpu.memory_space<semaphore_mem>>, %arg29: memref<!tpu.dma_semaphore, #tpu.memory_space<semaphore_mem>>, %arg30: memref<!tpu.dma_semaphore, #tpu.memory_space<semaphore_mem>>, %arg31: memref<!tpu.dma_semaphore, #tpu.memory_space<semaphore_mem>>, %arg32: memref<!tpu.dma_semaphore, #tpu.memory_space<semaphore_mem>>, %arg33: memref<!tpu.dma_semaphore, #tpu.memory_space<semaphore_mem>>, %arg34: memref<!tpu.dma_semaphore, #tpu.memory_space<semaphore_mem>>, %arg35: memref<!tpu.dma_semaphore, #tpu.memory_space<semaphore_mem>>, %arg36: memref<!tpu.dma_semaphore, #tpu.memory_space<semaphore_mem>>, %arg37: memref<!tpu.dma_semaphore, #tpu.memory_space<semaphore_mem>>, %arg38: memref<!tpu.dma_semaphore, #tpu.memory_space<semaphore_mem>>, %arg39: memref<!tpu.dma_semaphore, #tpu.memory_space<semaphore_mem>>) attributes {dimension_semantics = [#tpu.dimension_semantics<core_parallel>, #tpu.dimension_semantics<subcore_parallel>], iteration_bounds = array<i64: 2, 16>, scalar_prefetch = 0 : i64, scratch_operands = 34 : i64, tpu.core_type = #tpu.core_type<sc_vector_subcore>, window_params = [{transform_indices = #map}, {transform_indices = #map}, {transform_indices = #map}, {transform_indices = #map1}]} {
    %mul3A = arith.constant 16 : i32
    %mul3A_0 = arith.muli %arg0, %mul3A : i32
    %add3A = arith.addi %mul3A_0, %arg1 : i32
    %mul3A_1 = arith.constant 10000 : i32
    %mul3A_2 = arith.muli %add3A, %mul3A_1 : i32
    %run_scoped3A = arith.constant 0 : i32
    "tpu.region"() ({
      %run_scoped3A_223 = tpu.sem_alloc : memref<!tpu.dma_semaphore, #tpu.memory_space<semaphore_mem>>
      %dma_start3A_224 = tpu.memref_slice %arg3[%run_scoped3A, %mul3A_2] : memref<2x320000xi32, #tpu.memory_space<hbm>> -> memref<1x10000xi32, #tpu.memory_space<hbm>>
      %dma_start3A_225 = tpu.memref_squeeze %dma_start3A_224 : memref<1x10000xi32, #tpu.memory_space<hbm>> -> memref<10000xi32, #tpu.memory_space<hbm>>
      %dma_start3A_226 = tpu.memref_slice %arg3[%run_scoped3A, %mul3A_2] : memref<2x320000xi32, #tpu.memory_space<hbm>> -> memref<1x10000xi32, #tpu.memory_space<hbm>>
      %dma_start3A_227 = tpu.memref_squeeze %dma_start3A_226 : memref<1x10000xi32, #tpu.memory_space<hbm>> -> memref<10000xi32, #tpu.memory_space<hbm>>
      tpu.enqueue_dma source(%dma_start3A_227 : memref<10000xi32, #tpu.memory_space<hbm>>) target(%arg6 : memref<10000xi32, #tpu.memory_space<vmem>>) target_semaphore(%run_scoped3A_223 : memref<!tpu.dma_semaphore, #tpu.memory_space<semaphore_mem>>)
      %dma_wait3A_228 = tpu.memref_slice %arg3[%run_scoped3A, %mul3A_2] : memref<2x320000xi32, #tpu.memory_space<hbm>> -> memref<1x10000xi32, #tpu.memory_space<hbm>>
      %dma_wait3A_229 = tpu.memref_squeeze %dma_wait3A_228 : memref<1x10000xi32, #tpu.memory_space<hbm>> -> memref<10000xi32, #tpu.memory_space<hbm>>
      %dma_wait3A_230 = tpu.memref_slice %arg3[%run_scoped3A, %mul3A_2] : memref<2x320000xi32, #tpu.memory_space<hbm>> -> memref<1x10000xi32, #tpu.memory_space<hbm>>
      %dma_wait3A_231 = tpu.memref_squeeze %dma_wait3A_230 : memref<1x10000xi32, #tpu.memory_space<hbm>> -> memref<10000xi32, #tpu.memory_space<hbm>>
      tpu.wait_dma2 semaphore(%run_scoped3A_223 : memref<!tpu.dma_semaphore, #tpu.memory_space<semaphore_mem>>) src(%dma_wait3A_231 : memref<10000xi32, #tpu.memory_space<hbm>>) dst(%arg6 : memref<10000xi32, #tpu.memory_space<vmem>>)
      tpu.yield
    }) : () -> ()
    %eq3A = arith.constant 0 : i32
    %eq3A_3 = arith.cmpi eq, %arg0, %eq3A : i32
    %convert_element_type3A = arith.extui %eq3A_3 : i1 to i32
    %cond3A = arith.constant 0 : i32
    %cond3A_4 = arith.cmpi ne, %convert_element_type3A, %cond3A : i32
    scf.if %cond3A_4 {
      %mul3A_223 = arith.constant 624 : i32
      %mul3A_224 = arith.muli %arg1, %mul3A_223 : i32
      %multiple_of3A_225 = tpu.assume_multiple %mul3A_224, 8 : i32
      %lt3A_226 = arith.constant 15 : i32
      %lt3A_227 = arith.cmpi slt, %arg1, %lt3A_226 : i32
      %convert_element_type3A_228 = arith.extui %lt3A_227 : i1 to i32
      %cond3A_229 = arith.constant 0 : i32
      %cond3A_230 = arith.cmpi ne, %convert_element_type3A_228, %cond3A_229 : i32
      scf.if %cond3A_230 {
        "tpu.region"() ({
          %run_scoped3A_236 = tpu.sem_alloc : memref<!tpu.dma_semaphore, #tpu.memory_space<semaphore_mem>>
          %dma_start3A_237 = arith.constant 0 : i32
          %dma_start3A_238 = tpu.memref_slice %arg21[%multiple_of3A_225, %dma_start3A_237] : memref<10000x64xf32, #tpu.memory_space<vmem_shared>> -> memref<624x64xf32, #tpu.memory_space<vmem_shared>>
          %dma_start3A_239 = arith.constant 0 : i32
          %dma_start3A_240 = tpu.memref_slice %arg2[%multiple_of3A_225, %dma_start3A_239] : memref<10000x64xf32, #tpu.memory_space<hbm>> -> memref<624x64xf32, #tpu.memory_space<hbm>>
          tpu.enqueue_dma source(%dma_start3A_240 : memref<624x64xf32, #tpu.memory_space<hbm>>) target(%dma_start3A_238 : memref<624x64xf32, #tpu.memory_space<vmem_shared>>) target_semaphore(%run_scoped3A_236 : memref<!tpu.dma_semaphore, #tpu.memory_space<semaphore_mem>>)
          %dma_wait3A_241 = arith.constant 0 : i32
          %dma_wait3A_242 = tpu.memref_slice %arg21[%multiple_of3A_225, %dma_wait3A_241] : memref<10000x64xf32, #tpu.memory_space<vmem_shared>> -> memref<624x64xf32, #tpu.memory_space<vmem_shared>>
          %dma_wait3A_243 = arith.constant 0 : i32
          %dma_wait3A_244 = tpu.memref_slice %arg2[%multiple_of3A_225, %dma_wait3A_243] : memref<10000x64xf32, #tpu.memory_space<hbm>> -> memref<624x64xf32, #tpu.memory_space<hbm>>
          tpu.wait_dma2 semaphore(%run_scoped3A_236 : memref<!tpu.dma_semaphore, #tpu.memory_space<semaphore_mem>>) src(%dma_wait3A_244 : memref<624x64xf32, #tpu.memory_space<hbm>>) dst(%dma_wait3A_242 : memref<624x64xf32, #tpu.memory_space<vmem_shared>>)
          tpu.yield
        }) : () -> ()
      } else {
      }
      %eq3A_231 = arith.constant 15 : i32
      %eq3A_232 = arith.cmpi eq, %arg1, %eq3A_231 : i32
      %convert_element_type3A_233 = arith.extui %eq3A_232 : i1 to i32
      %cond3A_234 = arith.constant 0 : i32
      %cond3A_235 = arith.cmpi ne, %convert_element_type3A_233, %cond3A_234 : i32
      scf.if %cond3A_235 {
        "tpu.region"() ({
          %run_scoped3A_236 = tpu.sem_alloc : memref<!tpu.dma_semaphore, #tpu.memory_space<semaphore_mem>>
          %dma_start3A_237 = arith.constant 9360 : i32
          %dma_start3A_238 = arith.constant 0 : i32
          %dma_start3A_239 = tpu.memref_slice %arg21[%dma_start3A_237, %dma_start3A_238] : memref<10000x64xf32, #tpu.memory_space<vmem_shared>> -> memref<640x64xf32, #tpu.memory_space<vmem_shared>>
          %dma_start3A_240 = arith.constant 9360 : i32
          %dma_start3A_241 = arith.constant 0 : i32
          %dma_start3A_242 = tpu.memref_slice %arg2[%dma_start3A_240, %dma_start3A_241] : memref<10000x64xf32, #tpu.memory_space<hbm>> -> memref<640x64xf32, #tpu.memory_space<hbm>>
          tpu.enqueue_dma source(%dma_start3A_242 : memref<640x64xf32, #tpu.memory_space<hbm>>) target(%dma_start3A_239 : memref<640x64xf32, #tpu.memory_space<vmem_shared>>) target_semaphore(%run_scoped3A_236 : memref<!tpu.dma_semaphore, #tpu.memory_space<semaphore_mem>>)
          %dma_wait3A_243 = arith.constant 9360 : i32
          %dma_wait3A_244 = arith.constant 0 : i32
          %dma_wait3A_245 = tpu.memref_slice %arg21[%dma_wait3A_243, %dma_wait3A_244] : memref<10000x64xf32, #tpu.memory_space<vmem_shared>> -> memref<640x64xf32, #tpu.memory_space<vmem_shared>>
          %dma_wait3A_246 = arith.constant 9360 : i32
          %dma_wait3A_247 = arith.constant 0 : i32
          %dma_wait3A_248 = tpu.memref_slice %arg2[%dma_wait3A_246, %dma_wait3A_247] : memref<10000x64xf32, #tpu.memory_space<hbm>> -> memref<640x64xf32, #tpu.memory_space<hbm>>
          tpu.wait_dma2 semaphore(%run_scoped3A_236 : memref<!tpu.dma_semaphore, #tpu.memory_space<semaphore_mem>>) src(%dma_wait3A_248 : memref<640x64xf32, #tpu.memory_space<hbm>>) dst(%dma_wait3A_245 : memref<640x64xf32, #tpu.memory_space<vmem_shared>>)
          tpu.yield
        }) : () -> ()
      } else {
      }
    } else {
    }
    %ne3A = arith.constant 0 : i32
    %ne3A_5 = arith.cmpi ne, %arg0, %ne3A : i32
    %convert_element_type3A_6 = arith.extui %ne3A_5 : i1 to i32
    %cond3A_7 = arith.constant 0 : i32
    %cond3A_8 = arith.cmpi ne, %convert_element_type3A_6, %cond3A_7 : i32
    scf.if %cond3A_8 {
      %mul3A_223 = arith.constant 624 : i32
      %mul3A_224 = arith.muli %arg1, %mul3A_223 : i32
      %multiple_of3A_225 = tpu.assume_multiple %mul3A_224, 8 : i32
      %lt3A_226 = arith.constant 15 : i32
      %lt3A_227 = arith.cmpi slt, %arg1, %lt3A_226 : i32
      %convert_element_type3A_228 = arith.extui %lt3A_227 : i1 to i32
      %cond3A_229 = arith.constant 0 : i32
      %cond3A_230 = arith.cmpi ne, %convert_element_type3A_228, %cond3A_229 : i32
      scf.if %cond3A_230 {
        "tpu.region"() ({
          %run_scoped3A_236 = tpu.sem_alloc : memref<!tpu.dma_semaphore, #tpu.memory_space<semaphore_mem>>
          %dma_start3A_237 = arith.constant 0 : i32
          %dma_start3A_238 = tpu.memref_slice %arg21[%multiple_of3A_225, %dma_start3A_237] : memref<10000x64xf32, #tpu.memory_space<vmem_shared>> -> memref<624x64xf32, #tpu.memory_space<vmem_shared>>
          %dma_start3A_239 = arith.constant 0 : i32
          %dma_start3A_240 = arith.constant 0 : i32
          %dma_start3A_241 = tpu.memref_slice %arg4[%dma_start3A_239, %dma_start3A_240] : memref<640x64xf32, #tpu.memory_space<hbm>> -> memref<624x64xf32, #tpu.memory_space<hbm>>
          tpu.enqueue_dma source(%dma_start3A_241 : memref<624x64xf32, #tpu.memory_space<hbm>>) target(%dma_start3A_238 : memref<624x64xf32, #tpu.memory_space<vmem_shared>>) target_semaphore(%run_scoped3A_236 : memref<!tpu.dma_semaphore, #tpu.memory_space<semaphore_mem>>)
          %dma_wait3A_242 = arith.constant 0 : i32
          %dma_wait3A_243 = tpu.memref_slice %arg21[%multiple_of3A_225, %dma_wait3A_242] : memref<10000x64xf32, #tpu.memory_space<vmem_shared>> -> memref<624x64xf32, #tpu.memory_space<vmem_shared>>
          %dma_wait3A_244 = arith.constant 0 : i32
          %dma_wait3A_245 = arith.constant 0 : i32
          %dma_wait3A_246 = tpu.memref_slice %arg4[%dma_wait3A_244, %dma_wait3A_245] : memref<640x64xf32, #tpu.memory_space<hbm>> -> memref<624x64xf32, #tpu.memory_space<hbm>>
          tpu.wait_dma2 semaphore(%run_scoped3A_236 : memref<!tpu.dma_semaphore, #tpu.memory_space<semaphore_mem>>) src(%dma_wait3A_246 : memref<624x64xf32, #tpu.memory_space<hbm>>) dst(%dma_wait3A_243 : memref<624x64xf32, #tpu.memory_space<vmem_shared>>)
          tpu.yield
        }) : () -> ()
      } else {
      }
      %eq3A_231 = arith.constant 15 : i32
      %eq3A_232 = arith.cmpi eq, %arg1, %eq3A_231 : i32
      %convert_element_type3A_233 = arith.extui %eq3A_232 : i1 to i32
      %cond3A_234 = arith.constant 0 : i32
      %cond3A_235 = arith.cmpi ne, %convert_element_type3A_233, %cond3A_234 : i32
      scf.if %cond3A_235 {
        "tpu.region"() ({
          %run_scoped3A_236 = tpu.sem_alloc : memref<!tpu.dma_semaphore, #tpu.memory_space<semaphore_mem>>
          %dma_start3A_237 = arith.constant 9360 : i32
          %dma_start3A_238 = arith.constant 0 : i32
          %dma_start3A_239 = tpu.memref_slice %arg21[%dma_start3A_237, %dma_start3A_238] : memref<10000x64xf32, #tpu.memory_space<vmem_shared>> -> memref<640x64xf32, #tpu.memory_space<vmem_shared>>
          %dma_start3A_240 = arith.constant 0 : i32
          %dma_start3A_241 = arith.constant 0 : i32
          %dma_start3A_242 = tpu.memref_slice %arg4[%dma_start3A_240, %dma_start3A_241] : memref<640x64xf32, #tpu.memory_space<hbm>> -> memref<640x64xf32, #tpu.memory_space<hbm>>
          tpu.enqueue_dma source(%dma_start3A_242 : memref<640x64xf32, #tpu.memory_space<hbm>>) target(%dma_start3A_239 : memref<640x64xf32, #tpu.memory_space<vmem_shared>>) target_semaphore(%run_scoped3A_236 : memref<!tpu.dma_semaphore, #tpu.memory_space<semaphore_mem>>)
          %dma_wait3A_243 = arith.constant 9360 : i32
          %dma_wait3A_244 = arith.constant 0 : i32
          %dma_wait3A_245 = tpu.memref_slice %arg21[%dma_wait3A_243, %dma_wait3A_244] : memref<10000x64xf32, #tpu.memory_space<vmem_shared>> -> memref<640x64xf32, #tpu.memory_space<vmem_shared>>
          %dma_wait3A_246 = arith.constant 0 : i32
          %dma_wait3A_247 = arith.constant 0 : i32
          %dma_wait3A_248 = tpu.memref_slice %arg4[%dma_wait3A_246, %dma_wait3A_247] : memref<640x64xf32, #tpu.memory_space<hbm>> -> memref<640x64xf32, #tpu.memory_space<hbm>>
          tpu.wait_dma2 semaphore(%run_scoped3A_236 : memref<!tpu.dma_semaphore, #tpu.memory_space<semaphore_mem>>) src(%dma_wait3A_248 : memref<640x64xf32, #tpu.memory_space<hbm>>) dst(%dma_wait3A_245 : memref<640x64xf32, #tpu.memory_space<vmem_shared>>)
          tpu.yield
        }) : () -> ()
      } else {
      }
    } else {
    }
    %barrier3A = arith.constant 0 : index
    tpu.barrier barrier_id(%barrier3A)
    %add3A_9 = arith.constant 0 : i32
    %add3A_10 = arith.addi %mul3A_2, %add3A_9 : i32
    %dma_start3A = arith.constant 1 : i32
    %dma_start3A_11 = tpu.memref_slice %arg3[%dma_start3A, %add3A_10] : memref<2x320000xi32, #tpu.memory_space<hbm>> -> memref<1x128xi32, #tpu.memory_space<hbm>>
    %dma_start3A_12 = tpu.memref_squeeze %dma_start3A_11 : memref<1x128xi32, #tpu.memory_space<hbm>> -> memref<128xi32, #tpu.memory_space<hbm>>
    %dma_start3A_13 = tpu.memref_slice %arg3[%dma_start3A, %add3A_10] : memref<2x320000xi32, #tpu.memory_space<hbm>> -> memref<1x128xi32, #tpu.memory_space<hbm>>
    %dma_start3A_14 = tpu.memref_squeeze %dma_start3A_13 : memref<1x128xi32, #tpu.memory_space<hbm>> -> memref<128xi32, #tpu.memory_space<hbm>>
    tpu.enqueue_dma source(%dma_start3A_14 : memref<128xi32, #tpu.memory_space<hbm>>) target(%arg7 : memref<128xi32, #tpu.memory_space<vmem>>) target_semaphore(%arg34 : memref<!tpu.dma_semaphore, #tpu.memory_space<semaphore_mem>>)
    %dma_start3A_15 = arith.constant 0 : i32
    %dma_start3A_16 = tpu.memref_slice %arg6[%dma_start3A_15] : memref<10000xi32, #tpu.memory_space<vmem>> -> memref<128xi32, #tpu.memory_space<vmem>>
    %dma_start3A_17 = arith.constant 0 : i32
    %dma_start3A_18 = arith.constant 0 : i32
    %dma_start3A_19 = tpu.memref_slice %arg2[%dma_start3A_17, %dma_start3A_18] : memref<10000x64xf32, #tpu.memory_space<hbm>> -> memref<10000x64xf32, #tpu.memory_space<hbm>>
    tpu.enqueue_indirect_dma source(%dma_start3A_19 : memref<10000x64xf32, #tpu.memory_space<hbm>>) target(%arg14 : memref<128x64xf32, #tpu.memory_space<vmem>>) offsets(%dma_start3A_16 : memref<128xi32, #tpu.memory_space<vmem>>) semaphore(%arg22 : memref<!tpu.dma_semaphore, #tpu.memory_space<semaphore_mem>>)
    %add3A_20 = arith.constant 128 : i32
    %add3A_21 = arith.addi %mul3A_2, %add3A_20 : i32
    %dma_start3A_22 = arith.constant 1 : i32
    %dma_start3A_23 = tpu.memref_slice %arg3[%dma_start3A_22, %add3A_21] : memref<2x320000xi32, #tpu.memory_space<hbm>> -> memref<1x128xi32, #tpu.memory_space<hbm>>
    %dma_start3A_24 = tpu.memref_squeeze %dma_start3A_23 : memref<1x128xi32, #tpu.memory_space<hbm>> -> memref<128xi32, #tpu.memory_space<hbm>>
    %dma_start3A_25 = tpu.memref_slice %arg3[%dma_start3A_22, %add3A_21] : memref<2x320000xi32, #tpu.memory_space<hbm>> -> memref<1x128xi32, #tpu.memory_space<hbm>>
    %dma_start3A_26 = tpu.memref_squeeze %dma_start3A_25 : memref<1x128xi32, #tpu.memory_space<hbm>> -> memref<128xi32, #tpu.memory_space<hbm>>
    tpu.enqueue_dma source(%dma_start3A_26 : memref<128xi32, #tpu.memory_space<hbm>>) target(%arg8 : memref<128xi32, #tpu.memory_space<vmem>>) target_semaphore(%arg35 : memref<!tpu.dma_semaphore, #tpu.memory_space<semaphore_mem>>)
    %dma_start3A_27 = arith.constant 128 : i32
    %dma_start3A_28 = tpu.memref_slice %arg6[%dma_start3A_27] : memref<10000xi32, #tpu.memory_space<vmem>> -> memref<128xi32, #tpu.memory_space<vmem>>
    %dma_start3A_29 = arith.constant 0 : i32
    %dma_start3A_30 = arith.constant 0 : i32
    %dma_start3A_31 = tpu.memref_slice %arg2[%dma_start3A_29, %dma_start3A_30] : memref<10000x64xf32, #tpu.memory_space<hbm>> -> memref<10000x64xf32, #tpu.memory_space<hbm>>
    tpu.enqueue_indirect_dma source(%dma_start3A_31 : memref<10000x64xf32, #tpu.memory_space<hbm>>) target(%arg15 : memref<128x64xf32, #tpu.memory_space<vmem>>) offsets(%dma_start3A_28 : memref<128xi32, #tpu.memory_space<vmem>>) semaphore(%arg23 : memref<!tpu.dma_semaphore, #tpu.memory_space<semaphore_mem>>)
    %add3A_32 = arith.constant 256 : i32
    %add3A_33 = arith.addi %mul3A_2, %add3A_32 : i32
    %dma_start3A_34 = arith.constant 1 : i32
    %dma_start3A_35 = tpu.memref_slice %arg3[%dma_start3A_34, %add3A_33] : memref<2x320000xi32, #tpu.memory_space<hbm>> -> memref<1x128xi32, #tpu.memory_space<hbm>>
    %dma_start3A_36 = tpu.memref_squeeze %dma_start3A_35 : memref<1x128xi32, #tpu.memory_space<hbm>> -> memref<128xi32, #tpu.memory_space<hbm>>
    %dma_start3A_37 = tpu.memref_slice %arg3[%dma_start3A_34, %add3A_33] : memref<2x320000xi32, #tpu.memory_space<hbm>> -> memref<1x128xi32, #tpu.memory_space<hbm>>
    %dma_start3A_38 = tpu.memref_squeeze %dma_start3A_37 : memref<1x128xi32, #tpu.memory_space<hbm>> -> memref<128xi32, #tpu.memory_space<hbm>>
    tpu.enqueue_dma source(%dma_start3A_38 : memref<128xi32, #tpu.memory_space<hbm>>) target(%arg9 : memref<128xi32, #tpu.memory_space<vmem>>) target_semaphore(%arg36 : memref<!tpu.dma_semaphore, #tpu.memory_space<semaphore_mem>>)
    %dma_start3A_39 = arith.constant 256 : i32
    %dma_start3A_40 = tpu.memref_slice %arg6[%dma_start3A_39] : memref<10000xi32, #tpu.memory_space<vmem>> -> memref<128xi32, #tpu.memory_space<vmem>>
    %dma_start3A_41 = arith.constant 0 : i32
    %dma_start3A_42 = arith.constant 0 : i32
    %dma_start3A_43 = tpu.memref_slice %arg2[%dma_start3A_41, %dma_start3A_42] : memref<10000x64xf32, #tpu.memory_space<hbm>> -> memref<10000x64xf32, #tpu.memory_space<hbm>>
    tpu.enqueue_indirect_dma source(%dma_start3A_43 : memref<10000x64xf32, #tpu.memory_space<hbm>>) target(%arg16 : memref<128x64xf32, #tpu.memory_space<vmem>>) offsets(%dma_start3A_40 : memref<128xi32, #tpu.memory_space<vmem>>) semaphore(%arg24 : memref<!tpu.dma_semaphore, #tpu.memory_space<semaphore_mem>>)
    %scan3A = arith.constant 0 : i32
    %scan3A_44 = arith.constant 0 : i32
    %scan3A_45 = arith.constant 12 : i32
    %scan3A_46 = arith.addi %scan3A_44, %scan3A_45 : i32
    %scan3A_47 = arith.constant 1 : i32
    scf.for %scan3A_223 = %scan3A_44 to %scan3A_46 step %scan3A_47  : i32 {
      %mul3A_224 = arith.constant 2 : i32
      %mul3A_225 = arith.muli %mul3A_224, %scan3A_223 : i32
      %add3A_226 = arith.constant 1 : i32
      %add3A_227 = arith.addi %mul3A_225, %add3A_226 : i32
      %mul3A_228 = arith.constant 3 : i32
      %mul3A_229 = arith.muli %add3A_227, %mul3A_228 : i32
      %add3A_230 = arith.constant 0 : i32
      %add3A_231 = arith.addi %mul3A_229, %add3A_230 : i32
      %mul3A_232 = arith.constant 128 : i32
      %mul3A_233 = arith.muli %add3A_231, %mul3A_232 : i32
      %add3A_234 = arith.addi %mul3A_2, %mul3A_233 : i32
      %dma_start3A_235 = arith.constant 1 : i32
      %dma_start3A_236 = tpu.memref_slice %arg3[%dma_start3A_235, %add3A_234] : memref<2x320000xi32, #tpu.memory_space<hbm>> -> memref<1x128xi32, #tpu.memory_space<hbm>>
      %dma_start3A_237 = tpu.memref_squeeze %dma_start3A_236 : memref<1x128xi32, #tpu.memory_space<hbm>> -> memref<128xi32, #tpu.memory_space<hbm>>
      %dma_start3A_238 = tpu.memref_slice %arg3[%dma_start3A_235, %add3A_234] : memref<2x320000xi32, #tpu.memory_space<hbm>> -> memref<1x128xi32, #tpu.memory_space<hbm>>
      %dma_start3A_239 = tpu.memref_squeeze %dma_start3A_238 : memref<1x128xi32, #tpu.memory_space<hbm>> -> memref<128xi32, #tpu.memory_space<hbm>>
      tpu.enqueue_dma source(%dma_start3A_239 : memref<128xi32, #tpu.memory_space<hbm>>) target(%arg10 : memref<128xi32, #tpu.memory_space<vmem>>) target_semaphore(%arg37 : memref<!tpu.dma_semaphore, #tpu.memory_space<semaphore_mem>>)
      %dma_start3A_240 = tpu.memref_slice %arg6[%mul3A_233] : memref<10000xi32, #tpu.memory_space<vmem>> -> memref<128xi32, #tpu.memory_space<vmem>>
      %dma_start3A_241 = arith.constant 0 : i32
      %dma_start3A_242 = arith.constant 0 : i32
      %dma_start3A_243 = tpu.memref_slice %arg2[%dma_start3A_241, %dma_start3A_242] : memref<10000x64xf32, #tpu.memory_space<hbm>> -> memref<10000x64xf32, #tpu.memory_space<hbm>>
      tpu.enqueue_indirect_dma source(%dma_start3A_243 : memref<10000x64xf32, #tpu.memory_space<hbm>>) target(%arg17 : memref<128x64xf32, #tpu.memory_space<vmem>>) offsets(%dma_start3A_240 : memref<128xi32, #tpu.memory_space<vmem>>) semaphore(%arg25 : memref<!tpu.dma_semaphore, #tpu.memory_space<semaphore_mem>>)
      %mul3A_244 = arith.constant 3 : i32
      %mul3A_245 = arith.muli %add3A_227, %mul3A_244 : i32
      %add3A_246 = arith.constant 1 : i32
      %add3A_247 = arith.addi %mul3A_245, %add3A_246 : i32
      %mul3A_248 = arith.constant 128 : i32
      %mul3A_249 = arith.muli %add3A_247, %mul3A_248 : i32
      %add3A_250 = arith.addi %mul3A_2, %mul3A_249 : i32
      %dma_start3A_251 = arith.constant 1 : i32
      %dma_start3A_252 = tpu.memref_slice %arg3[%dma_start3A_251, %add3A_250] : memref<2x320000xi32, #tpu.memory_space<hbm>> -> memref<1x128xi32, #tpu.memory_space<hbm>>
      %dma_start3A_253 = tpu.memref_squeeze %dma_start3A_252 : memref<1x128xi32, #tpu.memory_space<hbm>> -> memref<128xi32, #tpu.memory_space<hbm>>
      %dma_start3A_254 = tpu.memref_slice %arg3[%dma_start3A_251, %add3A_250] : memref<2x320000xi32, #tpu.memory_space<hbm>> -> memref<1x128xi32, #tpu.memory_space<hbm>>
      %dma_start3A_255 = tpu.memref_squeeze %dma_start3A_254 : memref<1x128xi32, #tpu.memory_space<hbm>> -> memref<128xi32, #tpu.memory_space<hbm>>
      tpu.enqueue_dma source(%dma_start3A_255 : memref<128xi32, #tpu.memory_space<hbm>>) target(%arg11 : memref<128xi32, #tpu.memory_space<vmem>>) target_semaphore(%arg38 : memref<!tpu.dma_semaphore, #tpu.memory_space<semaphore_mem>>)
      %dma_start3A_256 = tpu.memref_slice %arg6[%mul3A_249] : memref<10000xi32, #tpu.memory_space<vmem>> -> memref<128xi32, #tpu.memory_space<vmem>>
      %dma_start3A_257 = arith.constant 0 : i32
      %dma_start3A_258 = arith.constant 0 : i32
      %dma_start3A_259 = tpu.memref_slice %arg2[%dma_start3A_257, %dma_start3A_258] : memref<10000x64xf32, #tpu.memory_space<hbm>> -> memref<10000x64xf32, #tpu.memory_space<hbm>>
      tpu.enqueue_indirect_dma source(%dma_start3A_259 : memref<10000x64xf32, #tpu.memory_space<hbm>>) target(%arg18 : memref<128x64xf32, #tpu.memory_space<vmem>>) offsets(%dma_start3A_256 : memref<128xi32, #tpu.memory_space<vmem>>) semaphore(%arg26 : memref<!tpu.dma_semaphore, #tpu.memory_space<semaphore_mem>>)
      %mul3A_260 = arith.constant 3 : i32
      %mul3A_261 = arith.muli %add3A_227, %mul3A_260 : i32
      %add3A_262 = arith.constant 2 : i32
      %add3A_263 = arith.addi %mul3A_261, %add3A_262 : i32
      %mul3A_264 = arith.constant 128 : i32
      %mul3A_265 = arith.muli %add3A_263, %mul3A_264 : i32
      %add3A_266 = arith.addi %mul3A_2, %mul3A_265 : i32
      %dma_start3A_267 = arith.constant 1 : i32
      %dma_start3A_268 = tpu.memref_slice %arg3[%dma_start3A_267, %add3A_266] : memref<2x320000xi32, #tpu.memory_space<hbm>> -> memref<1x128xi32, #tpu.memory_space<hbm>>
      %dma_start3A_269 = tpu.memref_squeeze %dma_start3A_268 : memref<1x128xi32, #tpu.memory_space<hbm>> -> memref<128xi32, #tpu.memory_space<hbm>>
      %dma_start3A_270 = tpu.memref_slice %arg3[%dma_start3A_267, %add3A_266] : memref<2x320000xi32, #tpu.memory_space<hbm>> -> memref<1x128xi32, #tpu.memory_space<hbm>>
      %dma_start3A_271 = tpu.memref_squeeze %dma_start3A_270 : memref<1x128xi32, #tpu.memory_space<hbm>> -> memref<128xi32, #tpu.memory_space<hbm>>
      tpu.enqueue_dma source(%dma_start3A_271 : memref<128xi32, #tpu.memory_space<hbm>>) target(%arg12 : memref<128xi32, #tpu.memory_space<vmem>>) target_semaphore(%arg39 : memref<!tpu.dma_semaphore, #tpu.memory_space<semaphore_mem>>)
      %dma_start3A_272 = tpu.memref_slice %arg6[%mul3A_265] : memref<10000xi32, #tpu.memory_space<vmem>> -> memref<128xi32, #tpu.memory_space<vmem>>
      %dma_start3A_273 = arith.constant 0 : i32
      %dma_start3A_274 = arith.constant 0 : i32
      %dma_start3A_275 = tpu.memref_slice %arg2[%dma_start3A_273, %dma_start3A_274] : memref<10000x64xf32, #tpu.memory_space<hbm>> -> memref<10000x64xf32, #tpu.memory_space<hbm>>
      tpu.enqueue_indirect_dma source(%dma_start3A_275 : memref<10000x64xf32, #tpu.memory_space<hbm>>) target(%arg19 : memref<128x64xf32, #tpu.memory_space<vmem>>) offsets(%dma_start3A_272 : memref<128xi32, #tpu.memory_space<vmem>>) semaphore(%arg27 : memref<!tpu.dma_semaphore, #tpu.memory_space<semaphore_mem>>)
      %mul3A_276 = arith.constant 3 : i32
      %mul3A_277 = arith.muli %mul3A_225, %mul3A_276 : i32
      %add3A_278 = arith.constant 0 : i32
      %add3A_279 = arith.addi %mul3A_277, %add3A_278 : i32
      %mul3A_280 = arith.constant 128 : i32
      %mul3A_281 = arith.muli %add3A_279, %mul3A_280 : i32
      %add3A_282 = arith.addi %mul3A_2, %mul3A_281 : i32
      %dma_wait3A_283 = arith.constant 1 : i32
      %dma_wait3A_284 = tpu.memref_slice %arg3[%dma_wait3A_283, %add3A_282] : memref<2x320000xi32, #tpu.memory_space<hbm>> -> memref<1x128xi32, #tpu.memory_space<hbm>>
      %dma_wait3A_285 = tpu.memref_squeeze %dma_wait3A_284 : memref<1x128xi32, #tpu.memory_space<hbm>> -> memref<128xi32, #tpu.memory_space<hbm>>
      %dma_wait3A_286 = tpu.memref_slice %arg3[%dma_wait3A_283, %add3A_282] : memref<2x320000xi32, #tpu.memory_space<hbm>> -> memref<1x128xi32, #tpu.memory_space<hbm>>
      %dma_wait3A_287 = tpu.memref_squeeze %dma_wait3A_286 : memref<1x128xi32, #tpu.memory_space<hbm>> -> memref<128xi32, #tpu.memory_space<hbm>>
      tpu.wait_dma2 semaphore(%arg34 : memref<!tpu.dma_semaphore, #tpu.memory_space<semaphore_mem>>) src(%dma_wait3A_287 : memref<128xi32, #tpu.memory_space<hbm>>) dst(%arg7 : memref<128xi32, #tpu.memory_space<vmem>>)
      %dma_wait3A_288 = tpu.memref_slice %arg6[%mul3A_281] : memref<10000xi32, #tpu.memory_space<vmem>> -> memref<128xi32, #tpu.memory_space<vmem>>
      %dma_wait3A_289 = arith.constant 0 : i32
      %dma_wait3A_290 = arith.constant 0 : i32
      %dma_wait3A_291 = tpu.memref_slice %arg2[%dma_wait3A_289, %dma_wait3A_290] : memref<10000x64xf32, #tpu.memory_space<hbm>> -> memref<10000x64xf32, #tpu.memory_space<hbm>>
      tpu.wait_indirect_dma semaphore(%arg22 : memref<!tpu.dma_semaphore, #tpu.memory_space<semaphore_mem>>) src(%dma_wait3A_291 : memref<10000x64xf32, #tpu.memory_space<hbm>>) dst(%arg14 : memref<128x64xf32, #tpu.memory_space<vmem>>)
      %dma_start3A_292 = arith.constant 0 : i32
      %dma_start3A_293 = arith.constant 0 : i32
      %dma_start3A_294 = tpu.memref_slice %arg21[%dma_start3A_292, %dma_start3A_293] : memref<10000x64xf32, #tpu.memory_space<vmem_shared>> -> memref<10000x64xf32, #tpu.memory_space<vmem_shared>>
      tpu.enqueue_indirect_dma source(%arg14 : memref<128x64xf32, #tpu.memory_space<vmem>>) target(%dma_start3A_294 : memref<10000x64xf32, #tpu.memory_space<vmem_shared>>) offsets(%arg7 : memref<128xi32, #tpu.memory_space<vmem>>) semaphore(%arg28 : memref<!tpu.dma_semaphore, #tpu.memory_space<semaphore_mem>>) {add = true}
      %mul3A_295 = arith.constant 3 : i32
      %mul3A_296 = arith.muli %mul3A_225, %mul3A_295 : i32
      %add3A_297 = arith.constant 1 : i32
      %add3A_298 = arith.addi %mul3A_296, %add3A_297 : i32
      %mul3A_299 = arith.constant 128 : i32
      %mul3A_300 = arith.muli %add3A_298, %mul3A_299 : i32
      %add3A_301 = arith.addi %mul3A_2, %mul3A_300 : i32
      %dma_wait3A_302 = arith.constant 1 : i32
      %dma_wait3A_303 = tpu.memref_slice %arg3[%dma_wait3A_302, %add3A_301] : memref<2x320000xi32, #tpu.memory_space<hbm>> -> memref<1x128xi32, #tpu.memory_space<hbm>>
      %dma_wait3A_304 = tpu.memref_squeeze %dma_wait3A_303 : memref<1x128xi32, #tpu.memory_space<hbm>> -> memref<128xi32, #tpu.memory_space<hbm>>
      %dma_wait3A_305 = tpu.memref_slice %arg3[%dma_wait3A_302, %add3A_301] : memref<2x320000xi32, #tpu.memory_space<hbm>> -> memref<1x128xi32, #tpu.memory_space<hbm>>
      %dma_wait3A_306 = tpu.memref_squeeze %dma_wait3A_305 : memref<1x128xi32, #tpu.memory_space<hbm>> -> memref<128xi32, #tpu.memory_space<hbm>>
      tpu.wait_dma2 semaphore(%arg35 : memref<!tpu.dma_semaphore, #tpu.memory_space<semaphore_mem>>) src(%dma_wait3A_306 : memref<128xi32, #tpu.memory_space<hbm>>) dst(%arg8 : memref<128xi32, #tpu.memory_space<vmem>>)
      %dma_wait3A_307 = tpu.memref_slice %arg6[%mul3A_300] : memref<10000xi32, #tpu.memory_space<vmem>> -> memref<128xi32, #tpu.memory_space<vmem>>
      %dma_wait3A_308 = arith.constant 0 : i32
      %dma_wait3A_309 = arith.constant 0 : i32
      %dma_wait3A_310 = tpu.memref_slice %arg2[%dma_wait3A_308, %dma_wait3A_309] : memref<10000x64xf32, #tpu.memory_space<hbm>> -> memref<10000x64xf32, #tpu.memory_space<hbm>>
      tpu.wait_indirect_dma semaphore(%arg23 : memref<!tpu.dma_semaphore, #tpu.memory_space<semaphore_mem>>) src(%dma_wait3A_310 : memref<10000x64xf32, #tpu.memory_space<hbm>>) dst(%arg15 : memref<128x64xf32, #tpu.memory_space<vmem>>)
      %dma_start3A_311 = arith.constant 0 : i32
      %dma_start3A_312 = arith.constant 0 : i32
      %dma_start3A_313 = tpu.memref_slice %arg21[%dma_start3A_311, %dma_start3A_312] : memref<10000x64xf32, #tpu.memory_space<vmem_shared>> -> memref<10000x64xf32, #tpu.memory_space<vmem_shared>>
      tpu.enqueue_indirect_dma source(%arg15 : memref<128x64xf32, #tpu.memory_space<vmem>>) target(%dma_start3A_313 : memref<10000x64xf32, #tpu.memory_space<vmem_shared>>) offsets(%arg8 : memref<128xi32, #tpu.memory_space<vmem>>) semaphore(%arg29 : memref<!tpu.dma_semaphore, #tpu.memory_space<semaphore_mem>>) {add = true}
      %mul3A_314 = arith.constant 3 : i32
      %mul3A_315 = arith.muli %mul3A_225, %mul3A_314 : i32
      %add3A_316 = arith.constant 2 : i32
      %add3A_317 = arith.addi %mul3A_315, %add3A_316 : i32
      %mul3A_318 = arith.constant 128 : i32
      %mul3A_319 = arith.muli %add3A_317, %mul3A_318 : i32
      %add3A_320 = arith.addi %mul3A_2, %mul3A_319 : i32
      %dma_wait3A_321 = arith.constant 1 : i32
      %dma_wait3A_322 = tpu.memref_slice %arg3[%dma_wait3A_321, %add3A_320] : memref<2x320000xi32, #tpu.memory_space<hbm>> -> memref<1x128xi32, #tpu.memory_space<hbm>>
      %dma_wait3A_323 = tpu.memref_squeeze %dma_wait3A_322 : memref<1x128xi32, #tpu.memory_space<hbm>> -> memref<128xi32, #tpu.memory_space<hbm>>
      %dma_wait3A_324 = tpu.memref_slice %arg3[%dma_wait3A_321, %add3A_320] : memref<2x320000xi32, #tpu.memory_space<hbm>> -> memref<1x128xi32, #tpu.memory_space<hbm>>
      %dma_wait3A_325 = tpu.memref_squeeze %dma_wait3A_324 : memref<1x128xi32, #tpu.memory_space<hbm>> -> memref<128xi32, #tpu.memory_space<hbm>>
      tpu.wait_dma2 semaphore(%arg36 : memref<!tpu.dma_semaphore, #tpu.memory_space<semaphore_mem>>) src(%dma_wait3A_325 : memref<128xi32, #tpu.memory_space<hbm>>) dst(%arg9 : memref<128xi32, #tpu.memory_space<vmem>>)
      %dma_wait3A_326 = tpu.memref_slice %arg6[%mul3A_319] : memref<10000xi32, #tpu.memory_space<vmem>> -> memref<128xi32, #tpu.memory_space<vmem>>
      %dma_wait3A_327 = arith.constant 0 : i32
      %dma_wait3A_328 = arith.constant 0 : i32
      %dma_wait3A_329 = tpu.memref_slice %arg2[%dma_wait3A_327, %dma_wait3A_328] : memref<10000x64xf32, #tpu.memory_space<hbm>> -> memref<10000x64xf32, #tpu.memory_space<hbm>>
      tpu.wait_indirect_dma semaphore(%arg24 : memref<!tpu.dma_semaphore, #tpu.memory_space<semaphore_mem>>) src(%dma_wait3A_329 : memref<10000x64xf32, #tpu.memory_space<hbm>>) dst(%arg16 : memref<128x64xf32, #tpu.memory_space<vmem>>)
      %dma_start3A_330 = arith.constant 0 : i32
      %dma_start3A_331 = arith.constant 0 : i32
      %dma_start3A_332 = tpu.memref_slice %arg21[%dma_start3A_330, %dma_start3A_331] : memref<10000x64xf32, #tpu.memory_space<vmem_shared>> -> memref<10000x64xf32, #tpu.memory_space<vmem_shared>>
      tpu.enqueue_indirect_dma source(%arg16 : memref<128x64xf32, #tpu.memory_space<vmem>>) target(%dma_start3A_332 : memref<10000x64xf32, #tpu.memory_space<vmem_shared>>) offsets(%arg9 : memref<128xi32, #tpu.memory_space<vmem>>) semaphore(%arg30 : memref<!tpu.dma_semaphore, #tpu.memory_space<semaphore_mem>>) {add = true}
      %dma_wait3A_333 = arith.constant 0 : i32
      %dma_wait3A_334 = arith.constant 0 : i32
      %dma_wait3A_335 = tpu.memref_slice %arg21[%dma_wait3A_333, %dma_wait3A_334] : memref<10000x64xf32, #tpu.memory_space<vmem_shared>> -> memref<10000x64xf32, #tpu.memory_space<vmem_shared>>
      tpu.wait_indirect_dma semaphore(%arg28 : memref<!tpu.dma_semaphore, #tpu.memory_space<semaphore_mem>>) src(%arg14 : memref<128x64xf32, #tpu.memory_space<vmem>>) dst(%dma_wait3A_335 : memref<10000x64xf32, #tpu.memory_space<vmem_shared>>)
      %dma_wait3A_336 = arith.constant 0 : i32
      %dma_wait3A_337 = arith.constant 0 : i32
      %dma_wait3A_338 = tpu.memref_slice %arg21[%dma_wait3A_336, %dma_wait3A_337] : memref<10000x64xf32, #tpu.memory_space<vmem_shared>> -> memref<10000x64xf32, #tpu.memory_space<vmem_shared>>
      tpu.wait_indirect_dma semaphore(%arg29 : memref<!tpu.dma_semaphore, #tpu.memory_space<semaphore_mem>>) src(%arg15 : memref<128x64xf32, #tpu.memory_space<vmem>>) dst(%dma_wait3A_338 : memref<10000x64xf32, #tpu.memory_space<vmem_shared>>)
      %dma_wait3A_339 = arith.constant 0 : i32
      %dma_wait3A_340 = arith.constant 0 : i32
      %dma_wait3A_341 = tpu.memref_slice %arg21[%dma_wait3A_339, %dma_wait3A_340] : memref<10000x64xf32, #tpu.memory_space<vmem_shared>> -> memref<10000x64xf32, #tpu.memory_space<vmem_shared>>
      tpu.wait_indirect_dma semaphore(%arg30 : memref<!tpu.dma_semaphore, #tpu.memory_space<semaphore_mem>>) src(%arg16 : memref<128x64xf32, #tpu.memory_space<vmem>>) dst(%dma_wait3A_341 : memref<10000x64xf32, #tpu.memory_space<vmem_shared>>)
      %add3A_342 = arith.constant 2 : i32
      %add3A_343 = arith.addi %mul3A_225, %add3A_342 : i32
      %mul3A_344 = arith.constant 3 : i32
      %mul3A_345 = arith.muli %add3A_343, %mul3A_344 : i32
      %add3A_346 = arith.constant 0 : i32
      %add3A_347 = arith.addi %mul3A_345, %add3A_346 : i32
      %mul3A_348 = arith.constant 128 : i32
      %mul3A_349 = arith.muli %add3A_347, %mul3A_348 : i32
      %add3A_350 = arith.addi %mul3A_2, %mul3A_349 : i32
      %dma_start3A_351 = arith.constant 1 : i32
      %dma_start3A_352 = tpu.memref_slice %arg3[%dma_start3A_351, %add3A_350] : memref<2x320000xi32, #tpu.memory_space<hbm>> -> memref<1x128xi32, #tpu.memory_space<hbm>>
      %dma_start3A_353 = tpu.memref_squeeze %dma_start3A_352 : memref<1x128xi32, #tpu.memory_space<hbm>> -> memref<128xi32, #tpu.memory_space<hbm>>
      %dma_start3A_354 = tpu.memref_slice %arg3[%dma_start3A_351, %add3A_350] : memref<2x320000xi32, #tpu.memory_space<hbm>> -> memref<1x128xi32, #tpu.memory_space<hbm>>
      %dma_start3A_355 = tpu.memref_squeeze %dma_start3A_354 : memref<1x128xi32, #tpu.memory_space<hbm>> -> memref<128xi32, #tpu.memory_space<hbm>>
      tpu.enqueue_dma source(%dma_start3A_355 : memref<128xi32, #tpu.memory_space<hbm>>) target(%arg7 : memref<128xi32, #tpu.memory_space<vmem>>) target_semaphore(%arg34 : memref<!tpu.dma_semaphore, #tpu.memory_space<semaphore_mem>>)
      %dma_start3A_356 = tpu.memref_slice %arg6[%mul3A_349] : memref<10000xi32, #tpu.memory_space<vmem>> -> memref<128xi32, #tpu.memory_space<vmem>>
      %dma_start3A_357 = arith.constant 0 : i32
      %dma_start3A_358 = arith.constant 0 : i32
      %dma_start3A_359 = tpu.memref_slice %arg2[%dma_start3A_357, %dma_start3A_358] : memref<10000x64xf32, #tpu.memory_space<hbm>> -> memref<10000x64xf32, #tpu.memory_space<hbm>>
      tpu.enqueue_indirect_dma source(%dma_start3A_359 : memref<10000x64xf32, #tpu.memory_space<hbm>>) target(%arg14 : memref<128x64xf32, #tpu.memory_space<vmem>>) offsets(%dma_start3A_356 : memref<128xi32, #tpu.memory_space<vmem>>) semaphore(%arg22 : memref<!tpu.dma_semaphore, #tpu.memory_space<semaphore_mem>>)
      %mul3A_360 = arith.constant 3 : i32
      %mul3A_361 = arith.muli %add3A_343, %mul3A_360 : i32
      %add3A_362 = arith.constant 1 : i32
      %add3A_363 = arith.addi %mul3A_361, %add3A_362 : i32
      %mul3A_364 = arith.constant 128 : i32
      %mul3A_365 = arith.muli %add3A_363, %mul3A_364 : i32
      %add3A_366 = arith.addi %mul3A_2, %mul3A_365 : i32
      %dma_start3A_367 = arith.constant 1 : i32
      %dma_start3A_368 = tpu.memref_slice %arg3[%dma_start3A_367, %add3A_366] : memref<2x320000xi32, #tpu.memory_space<hbm>> -> memref<1x128xi32, #tpu.memory_space<hbm>>
      %dma_start3A_369 = tpu.memref_squeeze %dma_start3A_368 : memref<1x128xi32, #tpu.memory_space<hbm>> -> memref<128xi32, #tpu.memory_space<hbm>>
      %dma_start3A_370 = tpu.memref_slice %arg3[%dma_start3A_367, %add3A_366] : memref<2x320000xi32, #tpu.memory_space<hbm>> -> memref<1x128xi32, #tpu.memory_space<hbm>>
      %dma_start3A_371 = tpu.memref_squeeze %dma_start3A_370 : memref<1x128xi32, #tpu.memory_space<hbm>> -> memref<128xi32, #tpu.memory_space<hbm>>
      tpu.enqueue_dma source(%dma_start3A_371 : memref<128xi32, #tpu.memory_space<hbm>>) target(%arg8 : memref<128xi32, #tpu.memory_space<vmem>>) target_semaphore(%arg35 : memref<!tpu.dma_semaphore, #tpu.memory_space<semaphore_mem>>)
      %dma_start3A_372 = tpu.memref_slice %arg6[%mul3A_365] : memref<10000xi32, #tpu.memory_space<vmem>> -> memref<128xi32, #tpu.memory_space<vmem>>
      %dma_start3A_373 = arith.constant 0 : i32
      %dma_start3A_374 = arith.constant 0 : i32
      %dma_start3A_375 = tpu.memref_slice %arg2[%dma_start3A_373, %dma_start3A_374] : memref<10000x64xf32, #tpu.memory_space<hbm>> -> memref<10000x64xf32, #tpu.memory_space<hbm>>
      tpu.enqueue_indirect_dma source(%dma_start3A_375 : memref<10000x64xf32, #tpu.memory_space<hbm>>) target(%arg15 : memref<128x64xf32, #tpu.memory_space<vmem>>) offsets(%dma_start3A_372 : memref<128xi32, #tpu.memory_space<vmem>>) semaphore(%arg23 : memref<!tpu.dma_semaphore, #tpu.memory_space<semaphore_mem>>)
      %mul3A_376 = arith.constant 3 : i32
      %mul3A_377 = arith.muli %add3A_343, %mul3A_376 : i32
      %add3A_378 = arith.constant 2 : i32
      %add3A_379 = arith.addi %mul3A_377, %add3A_378 : i32
      %mul3A_380 = arith.constant 128 : i32
      %mul3A_381 = arith.muli %add3A_379, %mul3A_380 : i32
      %add3A_382 = arith.addi %mul3A_2, %mul3A_381 : i32
      %dma_start3A_383 = arith.constant 1 : i32
      %dma_start3A_384 = tpu.memref_slice %arg3[%dma_start3A_383, %add3A_382] : memref<2x320000xi32, #tpu.memory_space<hbm>> -> memref<1x128xi32, #tpu.memory_space<hbm>>
      %dma_start3A_385 = tpu.memref_squeeze %dma_start3A_384 : memref<1x128xi32, #tpu.memory_space<hbm>> -> memref<128xi32, #tpu.memory_space<hbm>>
      %dma_start3A_386 = tpu.memref_slice %arg3[%dma_start3A_383, %add3A_382] : memref<2x320000xi32, #tpu.memory_space<hbm>> -> memref<1x128xi32, #tpu.memory_space<hbm>>
      %dma_start3A_387 = tpu.memref_squeeze %dma_start3A_386 : memref<1x128xi32, #tpu.memory_space<hbm>> -> memref<128xi32, #tpu.memory_space<hbm>>
      tpu.enqueue_dma source(%dma_start3A_387 : memref<128xi32, #tpu.memory_space<hbm>>) target(%arg9 : memref<128xi32, #tpu.memory_space<vmem>>) target_semaphore(%arg36 : memref<!tpu.dma_semaphore, #tpu.memory_space<semaphore_mem>>)
      %dma_start3A_388 = tpu.memref_slice %arg6[%mul3A_381] : memref<10000xi32, #tpu.memory_space<vmem>> -> memref<128xi32, #tpu.memory_space<vmem>>
      %dma_start3A_389 = arith.constant 0 : i32
      %dma_start3A_390 = arith.constant 0 : i32
      %dma_start3A_391 = tpu.memref_slice %arg2[%dma_start3A_389, %dma_start3A_390] : memref<10000x64xf32, #tpu.memory_space<hbm>> -> memref<10000x64xf32, #tpu.memory_space<hbm>>
      tpu.enqueue_indirect_dma source(%dma_start3A_391 : memref<10000x64xf32, #tpu.memory_space<hbm>>) target(%arg16 : memref<128x64xf32, #tpu.memory_space<vmem>>) offsets(%dma_start3A_388 : memref<128xi32, #tpu.memory_space<vmem>>) semaphore(%arg24 : memref<!tpu.dma_semaphore, #tpu.memory_space<semaphore_mem>>)
      %add3A_392 = arith.constant 1 : i32
      %add3A_393 = arith.addi %mul3A_225, %add3A_392 : i32
      %mul3A_394 = arith.constant 3 : i32
      %mul3A_395 = arith.muli %add3A_393, %mul3A_394 : i32
      %add3A_396 = arith.constant 0 : i32
      %add3A_397 = arith.addi %mul3A_395, %add3A_396 : i32
      %mul3A_398 = arith.constant 128 : i32
      %mul3A_399 = arith.muli %add3A_397, %mul3A_398 : i32
      %add3A_400 = arith.addi %mul3A_2, %mul3A_399 : i32
      %dma_wait3A_401 = arith.constant 1 : i32
      %dma_wait3A_402 = tpu.memref_slice %arg3[%dma_wait3A_401, %add3A_400] : memref<2x320000xi32, #tpu.memory_space<hbm>> -> memref<1x128xi32, #tpu.memory_space<hbm>>
      %dma_wait3A_403 = tpu.memref_squeeze %dma_wait3A_402 : memref<1x128xi32, #tpu.memory_space<hbm>> -> memref<128xi32, #tpu.memory_space<hbm>>
      %dma_wait3A_404 = tpu.memref_slice %arg3[%dma_wait3A_401, %add3A_400] : memref<2x320000xi32, #tpu.memory_space<hbm>> -> memref<1x128xi32, #tpu.memory_space<hbm>>
      %dma_wait3A_405 = tpu.memref_squeeze %dma_wait3A_404 : memref<1x128xi32, #tpu.memory_space<hbm>> -> memref<128xi32, #tpu.memory_space<hbm>>
      tpu.wait_dma2 semaphore(%arg37 : memref<!tpu.dma_semaphore, #tpu.memory_space<semaphore_mem>>) src(%dma_wait3A_405 : memref<128xi32, #tpu.memory_space<hbm>>) dst(%arg10 : memref<128xi32, #tpu.memory_space<vmem>>)
      %dma_wait3A_406 = tpu.memref_slice %arg6[%mul3A_399] : memref<10000xi32, #tpu.memory_space<vmem>> -> memref<128xi32, #tpu.memory_space<vmem>>
      %dma_wait3A_407 = arith.constant 0 : i32
      %dma_wait3A_408 = arith.constant 0 : i32
      %dma_wait3A_409 = tpu.memref_slice %arg2[%dma_wait3A_407, %dma_wait3A_408] : memref<10000x64xf32, #tpu.memory_space<hbm>> -> memref<10000x64xf32, #tpu.memory_space<hbm>>
      tpu.wait_indirect_dma semaphore(%arg25 : memref<!tpu.dma_semaphore, #tpu.memory_space<semaphore_mem>>) src(%dma_wait3A_409 : memref<10000x64xf32, #tpu.memory_space<hbm>>) dst(%arg17 : memref<128x64xf32, #tpu.memory_space<vmem>>)
      %dma_start3A_410 = arith.constant 0 : i32
      %dma_start3A_411 = arith.constant 0 : i32
      %dma_start3A_412 = tpu.memref_slice %arg21[%dma_start3A_410, %dma_start3A_411] : memref<10000x64xf32, #tpu.memory_space<vmem_shared>> -> memref<10000x64xf32, #tpu.memory_space<vmem_shared>>
      tpu.enqueue_indirect_dma source(%arg17 : memref<128x64xf32, #tpu.memory_space<vmem>>) target(%dma_start3A_412 : memref<10000x64xf32, #tpu.memory_space<vmem_shared>>) offsets(%arg10 : memref<128xi32, #tpu.memory_space<vmem>>) semaphore(%arg31 : memref<!tpu.dma_semaphore, #tpu.memory_space<semaphore_mem>>) {add = true}
      %mul3A_413 = arith.constant 3 : i32
      %mul3A_414 = arith.muli %add3A_393, %mul3A_413 : i32
      %add3A_415 = arith.constant 1 : i32
      %add3A_416 = arith.addi %mul3A_414, %add3A_415 : i32
      %mul3A_417 = arith.constant 128 : i32
      %mul3A_418 = arith.muli %add3A_416, %mul3A_417 : i32
      %add3A_419 = arith.addi %mul3A_2, %mul3A_418 : i32
      %dma_wait3A_420 = arith.constant 1 : i32
      %dma_wait3A_421 = tpu.memref_slice %arg3[%dma_wait3A_420, %add3A_419] : memref<2x320000xi32, #tpu.memory_space<hbm>> -> memref<1x128xi32, #tpu.memory_space<hbm>>
      %dma_wait3A_422 = tpu.memref_squeeze %dma_wait3A_421 : memref<1x128xi32, #tpu.memory_space<hbm>> -> memref<128xi32, #tpu.memory_space<hbm>>
      %dma_wait3A_423 = tpu.memref_slice %arg3[%dma_wait3A_420, %add3A_419] : memref<2x320000xi32, #tpu.memory_space<hbm>> -> memref<1x128xi32, #tpu.memory_space<hbm>>
      %dma_wait3A_424 = tpu.memref_squeeze %dma_wait3A_423 : memref<1x128xi32, #tpu.memory_space<hbm>> -> memref<128xi32, #tpu.memory_space<hbm>>
      tpu.wait_dma2 semaphore(%arg38 : memref<!tpu.dma_semaphore, #tpu.memory_space<semaphore_mem>>) src(%dma_wait3A_424 : memref<128xi32, #tpu.memory_space<hbm>>) dst(%arg11 : memref<128xi32, #tpu.memory_space<vmem>>)
      %dma_wait3A_425 = tpu.memref_slice %arg6[%mul3A_418] : memref<10000xi32, #tpu.memory_space<vmem>> -> memref<128xi32, #tpu.memory_space<vmem>>
      %dma_wait3A_426 = arith.constant 0 : i32
      %dma_wait3A_427 = arith.constant 0 : i32
      %dma_wait3A_428 = tpu.memref_slice %arg2[%dma_wait3A_426, %dma_wait3A_427] : memref<10000x64xf32, #tpu.memory_space<hbm>> -> memref<10000x64xf32, #tpu.memory_space<hbm>>
      tpu.wait_indirect_dma semaphore(%arg26 : memref<!tpu.dma_semaphore, #tpu.memory_space<semaphore_mem>>) src(%dma_wait3A_428 : memref<10000x64xf32, #tpu.memory_space<hbm>>) dst(%arg18 : memref<128x64xf32, #tpu.memory_space<vmem>>)
      %dma_start3A_429 = arith.constant 0 : i32
      %dma_start3A_430 = arith.constant 0 : i32
      %dma_start3A_431 = tpu.memref_slice %arg21[%dma_start3A_429, %dma_start3A_430] : memref<10000x64xf32, #tpu.memory_space<vmem_shared>> -> memref<10000x64xf32, #tpu.memory_space<vmem_shared>>
      tpu.enqueue_indirect_dma source(%arg18 : memref<128x64xf32, #tpu.memory_space<vmem>>) target(%dma_start3A_431 : memref<10000x64xf32, #tpu.memory_space<vmem_shared>>) offsets(%arg11 : memref<128xi32, #tpu.memory_space<vmem>>) semaphore(%arg32 : memref<!tpu.dma_semaphore, #tpu.memory_space<semaphore_mem>>) {add = true}
      %mul3A_432 = arith.constant 3 : i32
      %mul3A_433 = arith.muli %add3A_393, %mul3A_432 : i32
      %add3A_434 = arith.constant 2 : i32
      %add3A_435 = arith.addi %mul3A_433, %add3A_434 : i32
      %mul3A_436 = arith.constant 128 : i32
      %mul3A_437 = arith.muli %add3A_435, %mul3A_436 : i32
      %add3A_438 = arith.addi %mul3A_2, %mul3A_437 : i32
      %dma_wait3A_439 = arith.constant 1 : i32
      %dma_wait3A_440 = tpu.memref_slice %arg3[%dma_wait3A_439, %add3A_438] : memref<2x320000xi32, #tpu.memory_space<hbm>> -> memref<1x128xi32, #tpu.memory_space<hbm>>
      %dma_wait3A_441 = tpu.memref_squeeze %dma_wait3A_440 : memref<1x128xi32, #tpu.memory_space<hbm>> -> memref<128xi32, #tpu.memory_space<hbm>>
      %dma_wait3A_442 = tpu.memref_slice %arg3[%dma_wait3A_439, %add3A_438] : memref<2x320000xi32, #tpu.memory_space<hbm>> -> memref<1x128xi32, #tpu.memory_space<hbm>>
      %dma_wait3A_443 = tpu.memref_squeeze %dma_wait3A_442 : memref<1x128xi32, #tpu.memory_space<hbm>> -> memref<128xi32, #tpu.memory_space<hbm>>
      tpu.wait_dma2 semaphore(%arg39 : memref<!tpu.dma_semaphore, #tpu.memory_space<semaphore_mem>>) src(%dma_wait3A_443 : memref<128xi32, #tpu.memory_space<hbm>>) dst(%arg12 : memref<128xi32, #tpu.memory_space<vmem>>)
      %dma_wait3A_444 = tpu.memref_slice %arg6[%mul3A_437] : memref<10000xi32, #tpu.memory_space<vmem>> -> memref<128xi32, #tpu.memory_space<vmem>>
      %dma_wait3A_445 = arith.constant 0 : i32
      %dma_wait3A_446 = arith.constant 0 : i32
      %dma_wait3A_447 = tpu.memref_slice %arg2[%dma_wait3A_445, %dma_wait3A_446] : memref<10000x64xf32, #tpu.memory_space<hbm>> -> memref<10000x64xf32, #tpu.memory_space<hbm>>
      tpu.wait_indirect_dma semaphore(%arg27 : memref<!tpu.dma_semaphore, #tpu.memory_space<semaphore_mem>>) src(%dma_wait3A_447 : memref<10000x64xf32, #tpu.memory_space<hbm>>) dst(%arg19 : memref<128x64xf32, #tpu.memory_space<vmem>>)
      %dma_start3A_448 = arith.constant 0 : i32
      %dma_start3A_449 = arith.constant 0 : i32
      %dma_start3A_450 = tpu.memref_slice %arg21[%dma_start3A_448, %dma_start3A_449] : memref<10000x64xf32, #tpu.memory_space<vmem_shared>> -> memref<10000x64xf32, #tpu.memory_space<vmem_shared>>
      tpu.enqueue_indirect_dma source(%arg19 : memref<128x64xf32, #tpu.memory_space<vmem>>) target(%dma_start3A_450 : memref<10000x64xf32, #tpu.memory_space<vmem_shared>>) offsets(%arg12 : memref<128xi32, #tpu.memory_space<vmem>>) semaphore(%arg33 : memref<!tpu.dma_semaphore, #tpu.memory_space<semaphore_mem>>) {add = true}
      %dma_wait3A_451 = arith.constant 0 : i32
      %dma_wait3A_452 = arith.constant 0 : i32
      %dma_wait3A_453 = tpu.memref_slice %arg21[%dma_wait3A_451, %dma_wait3A_452] : memref<10000x64xf32, #tpu.memory_space<vmem_shared>> -> memref<10000x64xf32, #tpu.memory_space<vmem_shared>>
      tpu.wait_indirect_dma semaphore(%arg31 : memref<!tpu.dma_semaphore, #tpu.memory_space<semaphore_mem>>) src(%arg17 : memref<128x64xf32, #tpu.memory_space<vmem>>) dst(%dma_wait3A_453 : memref<10000x64xf32, #tpu.memory_space<vmem_shared>>)
      %dma_wait3A_454 = arith.constant 0 : i32
      %dma_wait3A_455 = arith.constant 0 : i32
      %dma_wait3A_456 = tpu.memref_slice %arg21[%dma_wait3A_454, %dma_wait3A_455] : memref<10000x64xf32, #tpu.memory_space<vmem_shared>> -> memref<10000x64xf32, #tpu.memory_space<vmem_shared>>
      tpu.wait_indirect_dma semaphore(%arg32 : memref<!tpu.dma_semaphore, #tpu.memory_space<semaphore_mem>>) src(%arg18 : memref<128x64xf32, #tpu.memory_space<vmem>>) dst(%dma_wait3A_456 : memref<10000x64xf32, #tpu.memory_space<vmem_shared>>)
      %dma_wait3A_457 = arith.constant 0 : i32
      %dma_wait3A_458 = arith.constant 0 : i32
      %dma_wait3A_459 = tpu.memref_slice %arg21[%dma_wait3A_457, %dma_wait3A_458] : memref<10000x64xf32, #tpu.memory_space<vmem_shared>> -> memref<10000x64xf32, #tpu.memory_space<vmem_shared>>
      tpu.wait_indirect_dma semaphore(%arg33 : memref<!tpu.dma_semaphore, #tpu.memory_space<semaphore_mem>>) src(%arg19 : memref<128x64xf32, #tpu.memory_space<vmem>>) dst(%dma_wait3A_459 : memref<10000x64xf32, #tpu.memory_space<vmem_shared>>)
    }
    %scan3A_48 = arith.constant 12 : i32
    %add3A_49 = arith.constant 9600 : i32
    %add3A_50 = arith.addi %mul3A_2, %add3A_49 : i32
    %dma_start3A_51 = arith.constant 1 : i32
    %dma_start3A_52 = tpu.memref_slice %arg3[%dma_start3A_51, %add3A_50] : memref<2x320000xi32, #tpu.memory_space<hbm>> -> memref<1x128xi32, #tpu.memory_space<hbm>>
    %dma_start3A_53 = tpu.memref_squeeze %dma_start3A_52 : memref<1x128xi32, #tpu.memory_space<hbm>> -> memref<128xi32, #tpu.memory_space<hbm>>
    %dma_start3A_54 = tpu.memref_slice %arg3[%dma_start3A_51, %add3A_50] : memref<2x320000xi32, #tpu.memory_space<hbm>> -> memref<1x128xi32, #tpu.memory_space<hbm>>
    %dma_start3A_55 = tpu.memref_squeeze %dma_start3A_54 : memref<1x128xi32, #tpu.memory_space<hbm>> -> memref<128xi32, #tpu.memory_space<hbm>>
    tpu.enqueue_dma source(%dma_start3A_55 : memref<128xi32, #tpu.memory_space<hbm>>) target(%arg10 : memref<128xi32, #tpu.memory_space<vmem>>) target_semaphore(%arg37 : memref<!tpu.dma_semaphore, #tpu.memory_space<semaphore_mem>>)
    %dma_start3A_56 = arith.constant 9600 : i32
    %dma_start3A_57 = tpu.memref_slice %arg6[%dma_start3A_56] : memref<10000xi32, #tpu.memory_space<vmem>> -> memref<128xi32, #tpu.memory_space<vmem>>
    %dma_start3A_58 = arith.constant 0 : i32
    %dma_start3A_59 = arith.constant 0 : i32
    %dma_start3A_60 = tpu.memref_slice %arg2[%dma_start3A_58, %dma_start3A_59] : memref<10000x64xf32, #tpu.memory_space<hbm>> -> memref<10000x64xf32, #tpu.memory_space<hbm>>
    tpu.enqueue_indirect_dma source(%dma_start3A_60 : memref<10000x64xf32, #tpu.memory_space<hbm>>) target(%arg17 : memref<128x64xf32, #tpu.memory_space<vmem>>) offsets(%dma_start3A_57 : memref<128xi32, #tpu.memory_space<vmem>>) semaphore(%arg25 : memref<!tpu.dma_semaphore, #tpu.memory_space<semaphore_mem>>)
    %add3A_61 = arith.constant 9728 : i32
    %add3A_62 = arith.addi %mul3A_2, %add3A_61 : i32
    %dma_start3A_63 = arith.constant 1 : i32
    %dma_start3A_64 = tpu.memref_slice %arg3[%dma_start3A_63, %add3A_62] : memref<2x320000xi32, #tpu.memory_space<hbm>> -> memref<1x128xi32, #tpu.memory_space<hbm>>
    %dma_start3A_65 = tpu.memref_squeeze %dma_start3A_64 : memref<1x128xi32, #tpu.memory_space<hbm>> -> memref<128xi32, #tpu.memory_space<hbm>>
    %dma_start3A_66 = tpu.memref_slice %arg3[%dma_start3A_63, %add3A_62] : memref<2x320000xi32, #tpu.memory_space<hbm>> -> memref<1x128xi32, #tpu.memory_space<hbm>>
    %dma_start3A_67 = tpu.memref_squeeze %dma_start3A_66 : memref<1x128xi32, #tpu.memory_space<hbm>> -> memref<128xi32, #tpu.memory_space<hbm>>
    tpu.enqueue_dma source(%dma_start3A_67 : memref<128xi32, #tpu.memory_space<hbm>>) target(%arg11 : memref<128xi32, #tpu.memory_space<vmem>>) target_semaphore(%arg38 : memref<!tpu.dma_semaphore, #tpu.memory_space<semaphore_mem>>)
    %dma_start3A_68 = arith.constant 9728 : i32
    %dma_start3A_69 = tpu.memref_slice %arg6[%dma_start3A_68] : memref<10000xi32, #tpu.memory_space<vmem>> -> memref<128xi32, #tpu.memory_space<vmem>>
    %dma_start3A_70 = arith.constant 0 : i32
    %dma_start3A_71 = arith.constant 0 : i32
    %dma_start3A_72 = tpu.memref_slice %arg2[%dma_start3A_70, %dma_start3A_71] : memref<10000x64xf32, #tpu.memory_space<hbm>> -> memref<10000x64xf32, #tpu.memory_space<hbm>>
    tpu.enqueue_indirect_dma source(%dma_start3A_72 : memref<10000x64xf32, #tpu.memory_space<hbm>>) target(%arg18 : memref<128x64xf32, #tpu.memory_space<vmem>>) offsets(%dma_start3A_69 : memref<128xi32, #tpu.memory_space<vmem>>) semaphore(%arg26 : memref<!tpu.dma_semaphore, #tpu.memory_space<semaphore_mem>>)
    %add3A_73 = arith.constant 9856 : i32
    %add3A_74 = arith.addi %mul3A_2, %add3A_73 : i32
    %dma_start3A_75 = arith.constant 1 : i32
    %dma_start3A_76 = tpu.memref_slice %arg3[%dma_start3A_75, %add3A_74] : memref<2x320000xi32, #tpu.memory_space<hbm>> -> memref<1x128xi32, #tpu.memory_space<hbm>>
    %dma_start3A_77 = tpu.memref_squeeze %dma_start3A_76 : memref<1x128xi32, #tpu.memory_space<hbm>> -> memref<128xi32, #tpu.memory_space<hbm>>
    %dma_start3A_78 = tpu.memref_slice %arg3[%dma_start3A_75, %add3A_74] : memref<2x320000xi32, #tpu.memory_space<hbm>> -> memref<1x128xi32, #tpu.memory_space<hbm>>
    %dma_start3A_79 = tpu.memref_squeeze %dma_start3A_78 : memref<1x128xi32, #tpu.memory_space<hbm>> -> memref<128xi32, #tpu.memory_space<hbm>>
    tpu.enqueue_dma source(%dma_start3A_79 : memref<128xi32, #tpu.memory_space<hbm>>) target(%arg12 : memref<128xi32, #tpu.memory_space<vmem>>) target_semaphore(%arg39 : memref<!tpu.dma_semaphore, #tpu.memory_space<semaphore_mem>>)
    %dma_start3A_80 = arith.constant 9856 : i32
    %dma_start3A_81 = tpu.memref_slice %arg6[%dma_start3A_80] : memref<10000xi32, #tpu.memory_space<vmem>> -> memref<128xi32, #tpu.memory_space<vmem>>
    %dma_start3A_82 = arith.constant 0 : i32
    %dma_start3A_83 = arith.constant 0 : i32
    %dma_start3A_84 = tpu.memref_slice %arg2[%dma_start3A_82, %dma_start3A_83] : memref<10000x64xf32, #tpu.memory_space<hbm>> -> memref<10000x64xf32, #tpu.memory_space<hbm>>
    tpu.enqueue_indirect_dma source(%dma_start3A_84 : memref<10000x64xf32, #tpu.memory_space<hbm>>) target(%arg19 : memref<128x64xf32, #tpu.memory_space<vmem>>) offsets(%dma_start3A_81 : memref<128xi32, #tpu.memory_space<vmem>>) semaphore(%arg27 : memref<!tpu.dma_semaphore, #tpu.memory_space<semaphore_mem>>)
    %add3A_85 = arith.constant 9216 : i32
    %add3A_86 = arith.addi %mul3A_2, %add3A_85 : i32
    %dma_wait3A = arith.constant 1 : i32
    %dma_wait3A_87 = tpu.memref_slice %arg3[%dma_wait3A, %add3A_86] : memref<2x320000xi32, #tpu.memory_space<hbm>> -> memref<1x128xi32, #tpu.memory_space<hbm>>
    %dma_wait3A_88 = tpu.memref_squeeze %dma_wait3A_87 : memref<1x128xi32, #tpu.memory_space<hbm>> -> memref<128xi32, #tpu.memory_space<hbm>>
    %dma_wait3A_89 = tpu.memref_slice %arg3[%dma_wait3A, %add3A_86] : memref<2x320000xi32, #tpu.memory_space<hbm>> -> memref<1x128xi32, #tpu.memory_space<hbm>>
    %dma_wait3A_90 = tpu.memref_squeeze %dma_wait3A_89 : memref<1x128xi32, #tpu.memory_space<hbm>> -> memref<128xi32, #tpu.memory_space<hbm>>
    tpu.wait_dma2 semaphore(%arg34 : memref<!tpu.dma_semaphore, #tpu.memory_space<semaphore_mem>>) src(%dma_wait3A_90 : memref<128xi32, #tpu.memory_space<hbm>>) dst(%arg7 : memref<128xi32, #tpu.memory_space<vmem>>)
    %dma_wait3A_91 = arith.constant 9216 : i32
    %dma_wait3A_92 = tpu.memref_slice %arg6[%dma_wait3A_91] : memref<10000xi32, #tpu.memory_space<vmem>> -> memref<128xi32, #tpu.memory_space<vmem>>
    %dma_wait3A_93 = arith.constant 0 : i32
    %dma_wait3A_94 = arith.constant 0 : i32
    %dma_wait3A_95 = tpu.memref_slice %arg2[%dma_wait3A_93, %dma_wait3A_94] : memref<10000x64xf32, #tpu.memory_space<hbm>> -> memref<10000x64xf32, #tpu.memory_space<hbm>>
    tpu.wait_indirect_dma semaphore(%arg22 : memref<!tpu.dma_semaphore, #tpu.memory_space<semaphore_mem>>) src(%dma_wait3A_95 : memref<10000x64xf32, #tpu.memory_space<hbm>>) dst(%arg14 : memref<128x64xf32, #tpu.memory_space<vmem>>)
    %dma_start3A_96 = arith.constant 0 : i32
    %dma_start3A_97 = arith.constant 0 : i32
    %dma_start3A_98 = tpu.memref_slice %arg21[%dma_start3A_96, %dma_start3A_97] : memref<10000x64xf32, #tpu.memory_space<vmem_shared>> -> memref<10000x64xf32, #tpu.memory_space<vmem_shared>>
    tpu.enqueue_indirect_dma source(%arg14 : memref<128x64xf32, #tpu.memory_space<vmem>>) target(%dma_start3A_98 : memref<10000x64xf32, #tpu.memory_space<vmem_shared>>) offsets(%arg7 : memref<128xi32, #tpu.memory_space<vmem>>) semaphore(%arg28 : memref<!tpu.dma_semaphore, #tpu.memory_space<semaphore_mem>>) {add = true}
    %add3A_99 = arith.constant 9344 : i32
    %add3A_100 = arith.addi %mul3A_2, %add3A_99 : i32
    %dma_wait3A_101 = arith.constant 1 : i32
    %dma_wait3A_102 = tpu.memref_slice %arg3[%dma_wait3A_101, %add3A_100] : memref<2x320000xi32, #tpu.memory_space<hbm>> -> memref<1x128xi32, #tpu.memory_space<hbm>>
    %dma_wait3A_103 = tpu.memref_squeeze %dma_wait3A_102 : memref<1x128xi32, #tpu.memory_space<hbm>> -> memref<128xi32, #tpu.memory_space<hbm>>
    %dma_wait3A_104 = tpu.memref_slice %arg3[%dma_wait3A_101, %add3A_100] : memref<2x320000xi32, #tpu.memory_space<hbm>> -> memref<1x128xi32, #tpu.memory_space<hbm>>
    %dma_wait3A_105 = tpu.memref_squeeze %dma_wait3A_104 : memref<1x128xi32, #tpu.memory_space<hbm>> -> memref<128xi32, #tpu.memory_space<hbm>>
    tpu.wait_dma2 semaphore(%arg35 : memref<!tpu.dma_semaphore, #tpu.memory_space<semaphore_mem>>) src(%dma_wait3A_105 : memref<128xi32, #tpu.memory_space<hbm>>) dst(%arg8 : memref<128xi32, #tpu.memory_space<vmem>>)
    %dma_wait3A_106 = arith.constant 9344 : i32
    %dma_wait3A_107 = tpu.memref_slice %arg6[%dma_wait3A_106] : memref<10000xi32, #tpu.memory_space<vmem>> -> memref<128xi32, #tpu.memory_space<vmem>>
    %dma_wait3A_108 = arith.constant 0 : i32
    %dma_wait3A_109 = arith.constant 0 : i32
    %dma_wait3A_110 = tpu.memref_slice %arg2[%dma_wait3A_108, %dma_wait3A_109] : memref<10000x64xf32, #tpu.memory_space<hbm>> -> memref<10000x64xf32, #tpu.memory_space<hbm>>
    tpu.wait_indirect_dma semaphore(%arg23 : memref<!tpu.dma_semaphore, #tpu.memory_space<semaphore_mem>>) src(%dma_wait3A_110 : memref<10000x64xf32, #tpu.memory_space<hbm>>) dst(%arg15 : memref<128x64xf32, #tpu.memory_space<vmem>>)
    %dma_start3A_111 = arith.constant 0 : i32
    %dma_start3A_112 = arith.constant 0 : i32
    %dma_start3A_113 = tpu.memref_slice %arg21[%dma_start3A_111, %dma_start3A_112] : memref<10000x64xf32, #tpu.memory_space<vmem_shared>> -> memref<10000x64xf32, #tpu.memory_space<vmem_shared>>
    tpu.enqueue_indirect_dma source(%arg15 : memref<128x64xf32, #tpu.memory_space<vmem>>) target(%dma_start3A_113 : memref<10000x64xf32, #tpu.memory_space<vmem_shared>>) offsets(%arg8 : memref<128xi32, #tpu.memory_space<vmem>>) semaphore(%arg29 : memref<!tpu.dma_semaphore, #tpu.memory_space<semaphore_mem>>) {add = true}
    %add3A_114 = arith.constant 9472 : i32
    %add3A_115 = arith.addi %mul3A_2, %add3A_114 : i32
    %dma_wait3A_116 = arith.constant 1 : i32
    %dma_wait3A_117 = tpu.memref_slice %arg3[%dma_wait3A_116, %add3A_115] : memref<2x320000xi32, #tpu.memory_space<hbm>> -> memref<1x128xi32, #tpu.memory_space<hbm>>
    %dma_wait3A_118 = tpu.memref_squeeze %dma_wait3A_117 : memref<1x128xi32, #tpu.memory_space<hbm>> -> memref<128xi32, #tpu.memory_space<hbm>>
    %dma_wait3A_119 = tpu.memref_slice %arg3[%dma_wait3A_116, %add3A_115] : memref<2x320000xi32, #tpu.memory_space<hbm>> -> memref<1x128xi32, #tpu.memory_space<hbm>>
    %dma_wait3A_120 = tpu.memref_squeeze %dma_wait3A_119 : memref<1x128xi32, #tpu.memory_space<hbm>> -> memref<128xi32, #tpu.memory_space<hbm>>
    tpu.wait_dma2 semaphore(%arg36 : memref<!tpu.dma_semaphore, #tpu.memory_space<semaphore_mem>>) src(%dma_wait3A_120 : memref<128xi32, #tpu.memory_space<hbm>>) dst(%arg9 : memref<128xi32, #tpu.memory_space<vmem>>)
    %dma_wait3A_121 = arith.constant 9472 : i32
    %dma_wait3A_122 = tpu.memref_slice %arg6[%dma_wait3A_121] : memref<10000xi32, #tpu.memory_space<vmem>> -> memref<128xi32, #tpu.memory_space<vmem>>
    %dma_wait3A_123 = arith.constant 0 : i32
    %dma_wait3A_124 = arith.constant 0 : i32
    %dma_wait3A_125 = tpu.memref_slice %arg2[%dma_wait3A_123, %dma_wait3A_124] : memref<10000x64xf32, #tpu.memory_space<hbm>> -> memref<10000x64xf32, #tpu.memory_space<hbm>>
    tpu.wait_indirect_dma semaphore(%arg24 : memref<!tpu.dma_semaphore, #tpu.memory_space<semaphore_mem>>) src(%dma_wait3A_125 : memref<10000x64xf32, #tpu.memory_space<hbm>>) dst(%arg16 : memref<128x64xf32, #tpu.memory_space<vmem>>)
    %dma_start3A_126 = arith.constant 0 : i32
    %dma_start3A_127 = arith.constant 0 : i32
    %dma_start3A_128 = tpu.memref_slice %arg21[%dma_start3A_126, %dma_start3A_127] : memref<10000x64xf32, #tpu.memory_space<vmem_shared>> -> memref<10000x64xf32, #tpu.memory_space<vmem_shared>>
    tpu.enqueue_indirect_dma source(%arg16 : memref<128x64xf32, #tpu.memory_space<vmem>>) target(%dma_start3A_128 : memref<10000x64xf32, #tpu.memory_space<vmem_shared>>) offsets(%arg9 : memref<128xi32, #tpu.memory_space<vmem>>) semaphore(%arg30 : memref<!tpu.dma_semaphore, #tpu.memory_space<semaphore_mem>>) {add = true}
    %dma_wait3A_129 = arith.constant 0 : i32
    %dma_wait3A_130 = arith.constant 0 : i32
    %dma_wait3A_131 = tpu.memref_slice %arg21[%dma_wait3A_129, %dma_wait3A_130] : memref<10000x64xf32, #tpu.memory_space<vmem_shared>> -> memref<10000x64xf32, #tpu.memory_space<vmem_shared>>
    tpu.wait_indirect_dma semaphore(%arg28 : memref<!tpu.dma_semaphore, #tpu.memory_space<semaphore_mem>>) src(%arg14 : memref<128x64xf32, #tpu.memory_space<vmem>>) dst(%dma_wait3A_131 : memref<10000x64xf32, #tpu.memory_space<vmem_shared>>)
    %dma_wait3A_132 = arith.constant 0 : i32
    %dma_wait3A_133 = arith.constant 0 : i32
    %dma_wait3A_134 = tpu.memref_slice %arg21[%dma_wait3A_132, %dma_wait3A_133] : memref<10000x64xf32, #tpu.memory_space<vmem_shared>> -> memref<10000x64xf32, #tpu.memory_space<vmem_shared>>
    tpu.wait_indirect_dma semaphore(%arg29 : memref<!tpu.dma_semaphore, #tpu.memory_space<semaphore_mem>>) src(%arg15 : memref<128x64xf32, #tpu.memory_space<vmem>>) dst(%dma_wait3A_134 : memref<10000x64xf32, #tpu.memory_space<vmem_shared>>)
    %dma_wait3A_135 = arith.constant 0 : i32
    %dma_wait3A_136 = arith.constant 0 : i32
    %dma_wait3A_137 = tpu.memref_slice %arg21[%dma_wait3A_135, %dma_wait3A_136] : memref<10000x64xf32, #tpu.memory_space<vmem_shared>> -> memref<10000x64xf32, #tpu.memory_space<vmem_shared>>
    tpu.wait_indirect_dma semaphore(%arg30 : memref<!tpu.dma_semaphore, #tpu.memory_space<semaphore_mem>>) src(%arg16 : memref<128x64xf32, #tpu.memory_space<vmem>>) dst(%dma_wait3A_137 : memref<10000x64xf32, #tpu.memory_space<vmem_shared>>)
    %add3A_138 = arith.constant 9600 : i32
    %add3A_139 = arith.addi %mul3A_2, %add3A_138 : i32
    %dma_wait3A_140 = arith.constant 1 : i32
    %dma_wait3A_141 = tpu.memref_slice %arg3[%dma_wait3A_140, %add3A_139] : memref<2x320000xi32, #tpu.memory_space<hbm>> -> memref<1x128xi32, #tpu.memory_space<hbm>>
    %dma_wait3A_142 = tpu.memref_squeeze %dma_wait3A_141 : memref<1x128xi32, #tpu.memory_space<hbm>> -> memref<128xi32, #tpu.memory_space<hbm>>
    %dma_wait3A_143 = tpu.memref_slice %arg3[%dma_wait3A_140, %add3A_139] : memref<2x320000xi32, #tpu.memory_space<hbm>> -> memref<1x128xi32, #tpu.memory_space<hbm>>
    %dma_wait3A_144 = tpu.memref_squeeze %dma_wait3A_143 : memref<1x128xi32, #tpu.memory_space<hbm>> -> memref<128xi32, #tpu.memory_space<hbm>>
    tpu.wait_dma2 semaphore(%arg37 : memref<!tpu.dma_semaphore, #tpu.memory_space<semaphore_mem>>) src(%dma_wait3A_144 : memref<128xi32, #tpu.memory_space<hbm>>) dst(%arg10 : memref<128xi32, #tpu.memory_space<vmem>>)
    %dma_wait3A_145 = arith.constant 9600 : i32
    %dma_wait3A_146 = tpu.memref_slice %arg6[%dma_wait3A_145] : memref<10000xi32, #tpu.memory_space<vmem>> -> memref<128xi32, #tpu.memory_space<vmem>>
    %dma_wait3A_147 = arith.constant 0 : i32
    %dma_wait3A_148 = arith.constant 0 : i32
    %dma_wait3A_149 = tpu.memref_slice %arg2[%dma_wait3A_147, %dma_wait3A_148] : memref<10000x64xf32, #tpu.memory_space<hbm>> -> memref<10000x64xf32, #tpu.memory_space<hbm>>
    tpu.wait_indirect_dma semaphore(%arg25 : memref<!tpu.dma_semaphore, #tpu.memory_space<semaphore_mem>>) src(%dma_wait3A_149 : memref<10000x64xf32, #tpu.memory_space<hbm>>) dst(%arg17 : memref<128x64xf32, #tpu.memory_space<vmem>>)
    %dma_start3A_150 = arith.constant 0 : i32
    %dma_start3A_151 = arith.constant 0 : i32
    %dma_start3A_152 = tpu.memref_slice %arg21[%dma_start3A_150, %dma_start3A_151] : memref<10000x64xf32, #tpu.memory_space<vmem_shared>> -> memref<10000x64xf32, #tpu.memory_space<vmem_shared>>
    tpu.enqueue_indirect_dma source(%arg17 : memref<128x64xf32, #tpu.memory_space<vmem>>) target(%dma_start3A_152 : memref<10000x64xf32, #tpu.memory_space<vmem_shared>>) offsets(%arg10 : memref<128xi32, #tpu.memory_space<vmem>>) semaphore(%arg31 : memref<!tpu.dma_semaphore, #tpu.memory_space<semaphore_mem>>) {add = true}
    %add3A_153 = arith.constant 9728 : i32
    %add3A_154 = arith.addi %mul3A_2, %add3A_153 : i32
    %dma_wait3A_155 = arith.constant 1 : i32
    %dma_wait3A_156 = tpu.memref_slice %arg3[%dma_wait3A_155, %add3A_154] : memref<2x320000xi32, #tpu.memory_space<hbm>> -> memref<1x128xi32, #tpu.memory_space<hbm>>
    %dma_wait3A_157 = tpu.memref_squeeze %dma_wait3A_156 : memref<1x128xi32, #tpu.memory_space<hbm>> -> memref<128xi32, #tpu.memory_space<hbm>>
    %dma_wait3A_158 = tpu.memref_slice %arg3[%dma_wait3A_155, %add3A_154] : memref<2x320000xi32, #tpu.memory_space<hbm>> -> memref<1x128xi32, #tpu.memory_space<hbm>>
    %dma_wait3A_159 = tpu.memref_squeeze %dma_wait3A_158 : memref<1x128xi32, #tpu.memory_space<hbm>> -> memref<128xi32, #tpu.memory_space<hbm>>
    tpu.wait_dma2 semaphore(%arg38 : memref<!tpu.dma_semaphore, #tpu.memory_space<semaphore_mem>>) src(%dma_wait3A_159 : memref<128xi32, #tpu.memory_space<hbm>>) dst(%arg11 : memref<128xi32, #tpu.memory_space<vmem>>)
    %dma_wait3A_160 = arith.constant 9728 : i32
    %dma_wait3A_161 = tpu.memref_slice %arg6[%dma_wait3A_160] : memref<10000xi32, #tpu.memory_space<vmem>> -> memref<128xi32, #tpu.memory_space<vmem>>
    %dma_wait3A_162 = arith.constant 0 : i32
    %dma_wait3A_163 = arith.constant 0 : i32
    %dma_wait3A_164 = tpu.memref_slice %arg2[%dma_wait3A_162, %dma_wait3A_163] : memref<10000x64xf32, #tpu.memory_space<hbm>> -> memref<10000x64xf32, #tpu.memory_space<hbm>>
    tpu.wait_indirect_dma semaphore(%arg26 : memref<!tpu.dma_semaphore, #tpu.memory_space<semaphore_mem>>) src(%dma_wait3A_164 : memref<10000x64xf32, #tpu.memory_space<hbm>>) dst(%arg18 : memref<128x64xf32, #tpu.memory_space<vmem>>)
    %dma_start3A_165 = arith.constant 0 : i32
    %dma_start3A_166 = arith.constant 0 : i32
    %dma_start3A_167 = tpu.memref_slice %arg21[%dma_start3A_165, %dma_start3A_166] : memref<10000x64xf32, #tpu.memory_space<vmem_shared>> -> memref<10000x64xf32, #tpu.memory_space<vmem_shared>>
    tpu.enqueue_indirect_dma source(%arg18 : memref<128x64xf32, #tpu.memory_space<vmem>>) target(%dma_start3A_167 : memref<10000x64xf32, #tpu.memory_space<vmem_shared>>) offsets(%arg11 : memref<128xi32, #tpu.memory_space<vmem>>) semaphore(%arg32 : memref<!tpu.dma_semaphore, #tpu.memory_space<semaphore_mem>>) {add = true}
    %add3A_168 = arith.constant 9856 : i32
    %add3A_169 = arith.addi %mul3A_2, %add3A_168 : i32
    %dma_wait3A_170 = arith.constant 1 : i32
    %dma_wait3A_171 = tpu.memref_slice %arg3[%dma_wait3A_170, %add3A_169] : memref<2x320000xi32, #tpu.memory_space<hbm>> -> memref<1x128xi32, #tpu.memory_space<hbm>>
    %dma_wait3A_172 = tpu.memref_squeeze %dma_wait3A_171 : memref<1x128xi32, #tpu.memory_space<hbm>> -> memref<128xi32, #tpu.memory_space<hbm>>
    %dma_wait3A_173 = tpu.memref_slice %arg3[%dma_wait3A_170, %add3A_169] : memref<2x320000xi32, #tpu.memory_space<hbm>> -> memref<1x128xi32, #tpu.memory_space<hbm>>
    %dma_wait3A_174 = tpu.memref_squeeze %dma_wait3A_173 : memref<1x128xi32, #tpu.memory_space<hbm>> -> memref<128xi32, #tpu.memory_space<hbm>>
    tpu.wait_dma2 semaphore(%arg39 : memref<!tpu.dma_semaphore, #tpu.memory_space<semaphore_mem>>) src(%dma_wait3A_174 : memref<128xi32, #tpu.memory_space<hbm>>) dst(%arg12 : memref<128xi32, #tpu.memory_space<vmem>>)
    %dma_wait3A_175 = arith.constant 9856 : i32
    %dma_wait3A_176 = tpu.memref_slice %arg6[%dma_wait3A_175] : memref<10000xi32, #tpu.memory_space<vmem>> -> memref<128xi32, #tpu.memory_space<vmem>>
    %dma_wait3A_177 = arith.constant 0 : i32
    %dma_wait3A_178 = arith.constant 0 : i32
    %dma_wait3A_179 = tpu.memref_slice %arg2[%dma_wait3A_177, %dma_wait3A_178] : memref<10000x64xf32, #tpu.memory_space<hbm>> -> memref<10000x64xf32, #tpu.memory_space<hbm>>
    tpu.wait_indirect_dma semaphore(%arg27 : memref<!tpu.dma_semaphore, #tpu.memory_space<semaphore_mem>>) src(%dma_wait3A_179 : memref<10000x64xf32, #tpu.memory_space<hbm>>) dst(%arg19 : memref<128x64xf32, #tpu.memory_space<vmem>>)
    %dma_start3A_180 = arith.constant 0 : i32
    %dma_start3A_181 = arith.constant 0 : i32
    %dma_start3A_182 = tpu.memref_slice %arg21[%dma_start3A_180, %dma_start3A_181] : memref<10000x64xf32, #tpu.memory_space<vmem_shared>> -> memref<10000x64xf32, #tpu.memory_space<vmem_shared>>
    tpu.enqueue_indirect_dma source(%arg19 : memref<128x64xf32, #tpu.memory_space<vmem>>) target(%dma_start3A_182 : memref<10000x64xf32, #tpu.memory_space<vmem_shared>>) offsets(%arg12 : memref<128xi32, #tpu.memory_space<vmem>>) semaphore(%arg33 : memref<!tpu.dma_semaphore, #tpu.memory_space<semaphore_mem>>) {add = true}
    %dma_wait3A_183 = arith.constant 0 : i32
    %dma_wait3A_184 = arith.constant 0 : i32
    %dma_wait3A_185 = tpu.memref_slice %arg21[%dma_wait3A_183, %dma_wait3A_184] : memref<10000x64xf32, #tpu.memory_space<vmem_shared>> -> memref<10000x64xf32, #tpu.memory_space<vmem_shared>>
    tpu.wait_indirect_dma semaphore(%arg31 : memref<!tpu.dma_semaphore, #tpu.memory_space<semaphore_mem>>) src(%arg17 : memref<128x64xf32, #tpu.memory_space<vmem>>) dst(%dma_wait3A_185 : memref<10000x64xf32, #tpu.memory_space<vmem_shared>>)
    %dma_wait3A_186 = arith.constant 0 : i32
    %dma_wait3A_187 = arith.constant 0 : i32
    %dma_wait3A_188 = tpu.memref_slice %arg21[%dma_wait3A_186, %dma_wait3A_187] : memref<10000x64xf32, #tpu.memory_space<vmem_shared>> -> memref<10000x64xf32, #tpu.memory_space<vmem_shared>>
    tpu.wait_indirect_dma semaphore(%arg32 : memref<!tpu.dma_semaphore, #tpu.memory_space<semaphore_mem>>) src(%arg18 : memref<128x64xf32, #tpu.memory_space<vmem>>) dst(%dma_wait3A_188 : memref<10000x64xf32, #tpu.memory_space<vmem_shared>>)
    %dma_wait3A_189 = arith.constant 0 : i32
    %dma_wait3A_190 = arith.constant 0 : i32
    %dma_wait3A_191 = tpu.memref_slice %arg21[%dma_wait3A_189, %dma_wait3A_190] : memref<10000x64xf32, #tpu.memory_space<vmem_shared>> -> memref<10000x64xf32, #tpu.memory_space<vmem_shared>>
    tpu.wait_indirect_dma semaphore(%arg33 : memref<!tpu.dma_semaphore, #tpu.memory_space<semaphore_mem>>) src(%arg19 : memref<128x64xf32, #tpu.memory_space<vmem>>) dst(%dma_wait3A_191 : memref<10000x64xf32, #tpu.memory_space<vmem_shared>>)
    %add3A_192 = arith.constant 9984 : i32
    %add3A_193 = arith.addi %mul3A_2, %add3A_192 : i32
    %run_scoped3A_194 = arith.constant 1 : i32
    "tpu.region"() ({
      %run_scoped3A_223 = tpu.sem_alloc : memref<!tpu.dma_semaphore, #tpu.memory_space<semaphore_mem>>
      %dma_start3A_224 = tpu.memref_slice %arg3[%run_scoped3A_194, %add3A_193] : memref<2x320000xi32, #tpu.memory_space<hbm>> -> memref<1x16xi32, #tpu.memory_space<hbm>>
      %dma_start3A_225 = tpu.memref_squeeze %dma_start3A_224 : memref<1x16xi32, #tpu.memory_space<hbm>> -> memref<16xi32, #tpu.memory_space<hbm>>
      %dma_start3A_226 = tpu.memref_slice %arg3[%run_scoped3A_194, %add3A_193] : memref<2x320000xi32, #tpu.memory_space<hbm>> -> memref<1x16xi32, #tpu.memory_space<hbm>>
      %dma_start3A_227 = tpu.memref_squeeze %dma_start3A_226 : memref<1x16xi32, #tpu.memory_space<hbm>> -> memref<16xi32, #tpu.memory_space<hbm>>
      tpu.enqueue_dma source(%dma_start3A_227 : memref<16xi32, #tpu.memory_space<hbm>>) target(%arg13 : memref<16xi32, #tpu.memory_space<vmem>>) target_semaphore(%run_scoped3A_223 : memref<!tpu.dma_semaphore, #tpu.memory_space<semaphore_mem>>)
      %dma_wait3A_228 = tpu.memref_slice %arg3[%run_scoped3A_194, %add3A_193] : memref<2x320000xi32, #tpu.memory_space<hbm>> -> memref<1x16xi32, #tpu.memory_space<hbm>>
      %dma_wait3A_229 = tpu.memref_squeeze %dma_wait3A_228 : memref<1x16xi32, #tpu.memory_space<hbm>> -> memref<16xi32, #tpu.memory_space<hbm>>
      %dma_wait3A_230 = tpu.memref_slice %arg3[%run_scoped3A_194, %add3A_193] : memref<2x320000xi32, #tpu.memory_space<hbm>> -> memref<1x16xi32, #tpu.memory_space<hbm>>
      %dma_wait3A_231 = tpu.memref_squeeze %dma_wait3A_230 : memref<1x16xi32, #tpu.memory_space<hbm>> -> memref<16xi32, #tpu.memory_space<hbm>>
      tpu.wait_dma2 semaphore(%run_scoped3A_223 : memref<!tpu.dma_semaphore, #tpu.memory_space<semaphore_mem>>) src(%dma_wait3A_231 : memref<16xi32, #tpu.memory_space<hbm>>) dst(%arg13 : memref<16xi32, #tpu.memory_space<vmem>>)
      tpu.yield
    }) : () -> ()
    %dma_start3A_195 = arith.constant 9984 : i32
    %dma_start3A_196 = tpu.memref_slice %arg6[%dma_start3A_195] : memref<10000xi32, #tpu.memory_space<vmem>> -> memref<16xi32, #tpu.memory_space<vmem>>
    %dma_start3A_197 = arith.constant 0 : i32
    %dma_start3A_198 = arith.constant 0 : i32
    %dma_start3A_199 = tpu.memref_slice %arg2[%dma_start3A_197, %dma_start3A_198] : memref<10000x64xf32, #tpu.memory_space<hbm>> -> memref<10000x64xf32, #tpu.memory_space<hbm>>
    tpu.enqueue_indirect_dma source(%dma_start3A_199 : memref<10000x64xf32, #tpu.memory_space<hbm>>) target(%arg20 : memref<16x64xf32, #tpu.memory_space<vmem>>) offsets(%dma_start3A_196 : memref<16xi32, #tpu.memory_space<vmem>>) semaphore(%arg22 : memref<!tpu.dma_semaphore, #tpu.memory_space<semaphore_mem>>)
    %dma_wait3A_200 = arith.constant 9984 : i32
    %dma_wait3A_201 = tpu.memref_slice %arg6[%dma_wait3A_200] : memref<10000xi32, #tpu.memory_space<vmem>> -> memref<16xi32, #tpu.memory_space<vmem>>
    %dma_wait3A_202 = arith.constant 0 : i32
    %dma_wait3A_203 = arith.constant 0 : i32
    %dma_wait3A_204 = tpu.memref_slice %arg2[%dma_wait3A_202, %dma_wait3A_203] : memref<10000x64xf32, #tpu.memory_space<hbm>> -> memref<10000x64xf32, #tpu.memory_space<hbm>>
    tpu.wait_indirect_dma semaphore(%arg22 : memref<!tpu.dma_semaphore, #tpu.memory_space<semaphore_mem>>) src(%dma_wait3A_204 : memref<10000x64xf32, #tpu.memory_space<hbm>>) dst(%arg20 : memref<16x64xf32, #tpu.memory_space<vmem>>)
    %dma_start3A_205 = arith.constant 0 : i32
    %dma_start3A_206 = arith.constant 0 : i32
    %dma_start3A_207 = tpu.memref_slice %arg21[%dma_start3A_205, %dma_start3A_206] : memref<10000x64xf32, #tpu.memory_space<vmem_shared>> -> memref<10000x64xf32, #tpu.memory_space<vmem_shared>>
    tpu.enqueue_indirect_dma source(%arg20 : memref<16x64xf32, #tpu.memory_space<vmem>>) target(%dma_start3A_207 : memref<10000x64xf32, #tpu.memory_space<vmem_shared>>) offsets(%arg13 : memref<16xi32, #tpu.memory_space<vmem>>) semaphore(%arg28 : memref<!tpu.dma_semaphore, #tpu.memory_space<semaphore_mem>>) {add = true}
    %dma_wait3A_208 = arith.constant 0 : i32
    %dma_wait3A_209 = arith.constant 0 : i32
    %dma_wait3A_210 = tpu.memref_slice %arg21[%dma_wait3A_208, %dma_wait3A_209] : memref<10000x64xf32, #tpu.memory_space<vmem_shared>> -> memref<10000x64xf32, #tpu.memory_space<vmem_shared>>
    tpu.wait_indirect_dma semaphore(%arg28 : memref<!tpu.dma_semaphore, #tpu.memory_space<semaphore_mem>>) src(%arg20 : memref<16x64xf32, #tpu.memory_space<vmem>>) dst(%dma_wait3A_210 : memref<10000x64xf32, #tpu.memory_space<vmem_shared>>)
    %barrier3A_211 = arith.constant 0 : index
    tpu.barrier barrier_id(%barrier3A_211)
    %mul3A_212 = arith.constant 624 : i32
    %mul3A_213 = arith.muli %arg1, %mul3A_212 : i32
    %multiple_of3A = tpu.assume_multiple %mul3A_213, 8 : i32
    %lt3A = arith.constant 15 : i32
    %lt3A_214 = arith.cmpi slt, %arg1, %lt3A : i32
    %convert_element_type3A_215 = arith.extui %lt3A_214 : i1 to i32
    %cond3A_216 = arith.constant 0 : i32
    %cond3A_217 = arith.cmpi ne, %convert_element_type3A_215, %cond3A_216 : i32
    scf.if %cond3A_217 {
      "tpu.region"() ({
        %run_scoped3A_223 = tpu.sem_alloc : memref<!tpu.dma_semaphore, #tpu.memory_space<semaphore_mem>>
        %dma_start3A_224 = arith.constant 0 : i32
        %dma_start3A_225 = tpu.memref_slice %arg5[%arg0, %multiple_of3A, %dma_start3A_224] : memref<2x10000x64xf32, #tpu.memory_space<hbm>> -> memref<1x624x64xf32, #tpu.memory_space<hbm>>
        %dma_start3A_226 = tpu.memref_squeeze %dma_start3A_225 : memref<1x624x64xf32, #tpu.memory_space<hbm>> -> memref<624x64xf32, #tpu.memory_space<hbm>>
        %dma_start3A_227 = arith.constant 0 : i32
        %dma_start3A_228 = tpu.memref_slice %arg21[%multiple_of3A, %dma_start3A_227] : memref<10000x64xf32, #tpu.memory_space<vmem_shared>> -> memref<624x64xf32, #tpu.memory_space<vmem_shared>>
        tpu.enqueue_dma source(%dma_start3A_228 : memref<624x64xf32, #tpu.memory_space<vmem_shared>>) target(%dma_start3A_226 : memref<624x64xf32, #tpu.memory_space<hbm>>) target_semaphore(%run_scoped3A_223 : memref<!tpu.dma_semaphore, #tpu.memory_space<semaphore_mem>>)
        %dma_wait3A_229 = arith.constant 0 : i32
        %dma_wait3A_230 = tpu.memref_slice %arg5[%arg0, %multiple_of3A, %dma_wait3A_229] : memref<2x10000x64xf32, #tpu.memory_space<hbm>> -> memref<1x624x64xf32, #tpu.memory_space<hbm>>
        %dma_wait3A_231 = tpu.memref_squeeze %dma_wait3A_230 : memref<1x624x64xf32, #tpu.memory_space<hbm>> -> memref<624x64xf32, #tpu.memory_space<hbm>>
        %dma_wait3A_232 = arith.constant 0 : i32
        %dma_wait3A_233 = tpu.memref_slice %arg21[%multiple_of3A, %dma_wait3A_232] : memref<10000x64xf32, #tpu.memory_space<vmem_shared>> -> memref<624x64xf32, #tpu.memory_space<vmem_shared>>
        tpu.wait_dma2 semaphore(%run_scoped3A_223 : memref<!tpu.dma_semaphore, #tpu.memory_space<semaphore_mem>>) src(%dma_wait3A_233 : memref<624x64xf32, #tpu.memory_space<vmem_shared>>) dst(%dma_wait3A_231 : memref<624x64xf32, #tpu.memory_space<hbm>>)
        tpu.yield
      }) : () -> ()
    } else {
    }
    %eq3A_218 = arith.constant 15 : i32
    %eq3A_219 = arith.cmpi eq, %arg1, %eq3A_218 : i32
    %convert_element_type3A_220 = arith.extui %eq3A_219 : i1 to i32
    %cond3A_221 = arith.constant 0 : i32
    %cond3A_222 = arith.cmpi ne, %convert_element_type3A_220, %cond3A_221 : i32
    scf.if %cond3A_222 {
      "tpu.region"() ({
        %run_scoped3A_223 = tpu.sem_alloc : memref<!tpu.dma_semaphore, #tpu.memory_space<semaphore_mem>>
        %dma_start3A_224 = arith.constant 9360 : i32
        %dma_start3A_225 = arith.constant 0 : i32
        %dma_start3A_226 = tpu.memref_slice %arg5[%arg0, %dma_start3A_224, %dma_start3A_225] : memref<2x10000x64xf32, #tpu.memory_space<hbm>> -> memref<1x640x64xf32, #tpu.memory_space<hbm>>
        %dma_start3A_227 = tpu.memref_squeeze %dma_start3A_226 : memref<1x640x64xf32, #tpu.memory_space<hbm>> -> memref<640x64xf32, #tpu.memory_space<hbm>>
        %dma_start3A_228 = arith.constant 9360 : i32
        %dma_start3A_229 = arith.constant 0 : i32
        %dma_start3A_230 = tpu.memref_slice %arg21[%dma_start3A_228, %dma_start3A_229] : memref<10000x64xf32, #tpu.memory_space<vmem_shared>> -> memref<640x64xf32, #tpu.memory_space<vmem_shared>>
        tpu.enqueue_dma source(%dma_start3A_230 : memref<640x64xf32, #tpu.memory_space<vmem_shared>>) target(%dma_start3A_227 : memref<640x64xf32, #tpu.memory_space<hbm>>) target_semaphore(%run_scoped3A_223 : memref<!tpu.dma_semaphore, #tpu.memory_space<semaphore_mem>>)
        %dma_wait3A_231 = arith.constant 9360 : i32
        %dma_wait3A_232 = arith.constant 0 : i32
        %dma_wait3A_233 = tpu.memref_slice %arg5[%arg0, %dma_wait3A_231, %dma_wait3A_232] : memref<2x10000x64xf32, #tpu.memory_space<hbm>> -> memref<1x640x64xf32, #tpu.memory_space<hbm>>
        %dma_wait3A_234 = tpu.memref_squeeze %dma_wait3A_233 : memref<1x640x64xf32, #tpu.memory_space<hbm>> -> memref<640x64xf32, #tpu.memory_space<hbm>>
        %dma_wait3A_235 = arith.constant 9360 : i32
        %dma_wait3A_236 = arith.constant 0 : i32
        %dma_wait3A_237 = tpu.memref_slice %arg21[%dma_wait3A_235, %dma_wait3A_236] : memref<10000x64xf32, #tpu.memory_space<vmem_shared>> -> memref<640x64xf32, #tpu.memory_space<vmem_shared>>
        tpu.wait_dma2 semaphore(%run_scoped3A_223 : memref<!tpu.dma_semaphore, #tpu.memory_space<semaphore_mem>>) src(%dma_wait3A_237 : memref<640x64xf32, #tpu.memory_space<vmem_shared>>) dst(%dma_wait3A_234 : memref<640x64xf32, #tpu.memory_space<hbm>>)
        tpu.yield
      }) : () -> ()
    } else {
    }
    return
  }
}

module attributes {stable_mosaic.version = 14 : i64} {
  func.func @_mm1_body(%arg0: i32, %arg1: memref<2000x136xf32, #tpu.memory_space<vmem>>, %arg2: memref<136x64xf32, #tpu.memory_space<vmem>>, %arg3: memref<2000x64xf32, #tpu.memory_space<vmem>>) attributes {dimension_semantics = [#tpu.dimension_semantics<arbitrary>], iteration_bounds = array<i64: 5>, scalar_prefetch = 0 : i64, scratch_operands = 0 : i64, tpu.core_type = #tpu.core_type<tc>, window_params = [{transform_indices = @transform_0, window_bounds = array<i64: 2000, 136>}, {pipeline_mode = #tpu.pipeline_mode<synchronous>, transform_indices = @transform_1, window_bounds = array<i64: 136, 64>}, {transform_indices = @transform_2, window_bounds = array<i64: 2000, 64>}]} {
    %get3A = arith.constant 0 : index
    %get3A_0 = arith.constant 0 : index
    %get3A_1 = vector.load %arg1[%get3A, %get3A_0] : memref<2000x136xf32, #tpu.memory_space<vmem>>, vector<2000x136xf32>
    %get3A_2 = arith.constant 0 : index
    %get3A_3 = arith.constant 0 : index
    %get3A_4 = vector.load %arg2[%get3A_2, %get3A_3] : memref<136x64xf32, #tpu.memory_space<vmem>>, vector<136x64xf32>
    %dot_general3A = arith.constant dense<0.000000e+00> : vector<2000x64xf32>
    %dot_general3A_5 = tpu.matmul %get3A_1, %get3A_4, %dot_general3A {dimension_numbers = #tpu.dot_dimension_numbers<[1], [0], [0], [1], [0, 0, 1, 1], [], []>, transpose_lhs_hint = false} : vector<2000x136xf32>, vector<136x64xf32>, vector<2000x64xf32> -> vector<2000x64xf32>
    %swap3A = arith.constant 0 : index
    %swap3A_6 = arith.constant 0 : index
    %swap3A_7 = vector.load %arg3[%swap3A, %swap3A_6] : memref<2000x64xf32, #tpu.memory_space<vmem>>, vector<2000x64xf32>
    tpu.vector_store %arg3[%swap3A, %swap3A_6], %dot_general3A_5 {strides = array<i32>} : memref<2000x64xf32, #tpu.memory_space<vmem>>, vector<2000x64xf32>,
    return
  }
  func.func @transform_0(%arg0: i32) -> (i32, i32) {
    %c0_i32 = arith.constant 0 : i32
    %c0_i32_0 = arith.constant 0 : i32
    return %arg0, %c0_i32 : i32, i32
  }
  func.func @transform_1(%arg0: i32) -> (i32, i32) {
    %c0_i32 = arith.constant 0 : i32
    %c0_i32_0 = arith.constant 0 : i32
    %c0_i32_1 = arith.constant 0 : i32
    return %c0_i32, %c0_i32_0 : i32, i32
  }
  func.func @transform_2(%arg0: i32) -> (i32, i32) {
    %c0_i32 = arith.constant 0 : i32
    %c0_i32_0 = arith.constant 0 : i32
    return %arg0, %c0_i32 : i32, i32
  }
}

module attributes {stable_mosaic.version = 14 : i64} {
  func.func @_scale_body(%arg0: i32, %arg1: memref<2000x64xf32, #tpu.memory_space<vmem>>, %arg2: memref<2x2000x8xf32, #tpu.memory_space<vmem>>, %arg3: memref<2000x64xf32, #tpu.memory_space<vmem>>) attributes {dimension_semantics = [#tpu.dimension_semantics<arbitrary>], iteration_bounds = array<i64: 5>, scalar_prefetch = 0 : i64, scratch_operands = 0 : i64, tpu.core_type = #tpu.core_type<tc>, window_params = [{transform_indices = @transform_0, window_bounds = array<i64: 2000, 64>}, {transform_indices = @transform_1, window_bounds = array<i64: 2, 2000, 8>}, {transform_indices = @transform_2, window_bounds = array<i64: 2000, 64>}]} {
    %get3A = arith.constant 0 : index
    %get3A_0 = arith.constant 0 : index
    %get3A_1 = arith.constant 0 : index
    %get3A_2 = vector.load %arg2[%get3A, %get3A_0, %get3A_1] : memref<2x2000x8xf32, #tpu.memory_space<vmem>>, vector<1x2000x1xf32>
    %get3A_3 = vector.shape_cast %get3A_2 : vector<1x2000x1xf32> to vector<2000xf32>
    %get3A_4 = arith.constant 1 : index
    %get3A_5 = arith.constant 0 : index
    %get3A_6 = arith.constant 0 : index
    %get3A_7 = vector.load %arg2[%get3A_4, %get3A_5, %get3A_6] : memref<2x2000x8xf32, #tpu.memory_space<vmem>>, vector<1x2000x1xf32>
    %get3A_8 = vector.shape_cast %get3A_7 : vector<1x2000x1xf32> to vector<2000xf32>
    %add3A = arith.addf %get3A_3, %get3A_8 : vector<2000xf32>
    %add3A_9 = arith.constant 1.000000e+00 : f32
    %add3A_10 = vector.broadcast %add3A_9 : f32 to vector<2000xf32>
    %add3A_11 = arith.addf %add3A, %add3A_10 : vector<2000xf32>
    %rsqrt3A = math.rsqrt %add3A_11 : vector<2000xf32>
    %broadcast_in_dim3A = vector.shape_cast %rsqrt3A : vector<2000xf32> to vector<2000x1xf32>
    %get3A_12 = arith.constant 0 : index
    %get3A_13 = arith.constant 0 : index
    %get3A_14 = vector.load %arg1[%get3A_12, %get3A_13] : memref<2000x64xf32, #tpu.memory_space<vmem>>, vector<2000x64xf32>
    %mul3A = vector.broadcast %broadcast_in_dim3A : vector<2000x1xf32> to vector<2000x64xf32>
    %mul3A_15 = arith.mulf %mul3A, %get3A_14 : vector<2000x64xf32>
    %swap3A = arith.constant 0 : index
    %swap3A_16 = arith.constant 0 : index
    %swap3A_17 = vector.load %arg3[%swap3A, %swap3A_16] : memref<2000x64xf32, #tpu.memory_space<vmem>>, vector<2000x64xf32>
    tpu.vector_store %arg3[%swap3A, %swap3A_16], %mul3A_15 {strides = array<i32>} : memref<2000x64xf32, #tpu.memory_space<vmem>>, vector<2000x64xf32>,
    return
  }
  func.func @transform_0(%arg0: i32) -> (i32, i32) {
    %c0_i32 = arith.constant 0 : i32
    %c0_i32_0 = arith.constant 0 : i32
    return %arg0, %c0_i32 : i32, i32
  }
  func.func @transform_1(%arg0: i32) -> (i32, i32, i32) {
    %c0_i32 = arith.constant 0 : i32
    %c0_i32_0 = arith.constant 0 : i32
    %c0_i32_1 = arith.constant 0 : i32
    return %c0_i32, %arg0, %c0_i32_0 : i32, i32, i32
  }
  func.func @transform_2(%arg0: i32) -> (i32, i32) {
    %c0_i32 = arith.constant 0 : i32
    %c0_i32_0 = arith.constant 0 : i32
    return %arg0, %c0_i32 : i32, i32
  }
}

module attributes {stable_mosaic.version = 14 : i64} {
  func.func @_mid_body(%arg0: i32, %arg1: memref<2x2000x64xf32, #tpu.memory_space<vmem>>, %arg2: memref<2x2000x8xf32, #tpu.memory_space<vmem>>, %arg3: memref<1x64xf32, #tpu.memory_space<vmem>>, %arg4: memref<64x64xf32, #tpu.memory_space<vmem>>, %arg5: memref<2000x64xf32, #tpu.memory_space<vmem>>) attributes {dimension_semantics = [#tpu.dimension_semantics<arbitrary>], iteration_bounds = array<i64: 5>, scalar_prefetch = 0 : i64, scratch_operands = 0 : i64, tpu.core_type = #tpu.core_type<tc>, window_params = [{transform_indices = @transform_0, window_bounds = array<i64: 2, 2000, 64>}, {transform_indices = @transform_1, window_bounds = array<i64: 2, 2000, 8>}, {pipeline_mode = #tpu.pipeline_mode<synchronous>, transform_indices = @transform_2, window_bounds = array<i64: 1, 64>}, {pipeline_mode = #tpu.pipeline_mode<synchronous>, transform_indices = @transform_3, window_bounds = array<i64: 64, 64>}, {transform_indices = @transform_4, window_bounds = array<i64: 2000, 64>}]} {
    %get3A = arith.constant 0 : index
    %get3A_0 = arith.constant 0 : index
    %get3A_1 = arith.constant 0 : index
    %get3A_2 = vector.load %arg2[%get3A, %get3A_0, %get3A_1] : memref<2x2000x8xf32, #tpu.memory_space<vmem>>, vector<1x2000x1xf32>
    %get3A_3 = vector.shape_cast %get3A_2 : vector<1x2000x1xf32> to vector<2000xf32>
    %get3A_4 = arith.constant 1 : index
    %get3A_5 = arith.constant 0 : index
    %get3A_6 = arith.constant 0 : index
    %get3A_7 = vector.load %arg2[%get3A_4, %get3A_5, %get3A_6] : memref<2x2000x8xf32, #tpu.memory_space<vmem>>, vector<1x2000x1xf32>
    %get3A_8 = vector.shape_cast %get3A_7 : vector<1x2000x1xf32> to vector<2000xf32>
    %add3A = arith.addf %get3A_3, %get3A_8 : vector<2000xf32>
    %add3A_9 = arith.constant 1.000000e+00 : f32
    %add3A_10 = vector.broadcast %add3A_9 : f32 to vector<2000xf32>
    %add3A_11 = arith.addf %add3A, %add3A_10 : vector<2000xf32>
    %rsqrt3A = math.rsqrt %add3A_11 : vector<2000xf32>
    %broadcast_in_dim3A = vector.shape_cast %rsqrt3A : vector<2000xf32> to vector<2000x1xf32>
    %get3A_12 = arith.constant 0 : index
    %get3A_13 = arith.constant 0 : index
    %get3A_14 = arith.constant 0 : index
    %get3A_15 = vector.load %arg1[%get3A_12, %get3A_13, %get3A_14] : memref<2x2000x64xf32, #tpu.memory_space<vmem>>, vector<1x2000x64xf32>
    %get3A_16 = vector.shape_cast %get3A_15 : vector<1x2000x64xf32> to vector<2000x64xf32>
    %get3A_17 = arith.constant 1 : index
    %get3A_18 = arith.constant 0 : index
    %get3A_19 = arith.constant 0 : index
    %get3A_20 = vector.load %arg1[%get3A_17, %get3A_18, %get3A_19] : memref<2x2000x64xf32, #tpu.memory_space<vmem>>, vector<1x2000x64xf32>
    %get3A_21 = vector.shape_cast %get3A_20 : vector<1x2000x64xf32> to vector<2000x64xf32>
    %add3A_22 = arith.addf %get3A_16, %get3A_21 : vector<2000x64xf32>
    %mul3A = vector.broadcast %broadcast_in_dim3A : vector<2000x1xf32> to vector<2000x64xf32>
    %mul3A_23 = arith.mulf %mul3A, %add3A_22 : vector<2000x64xf32>
    %get3A_24 = arith.constant 0 : index
    %get3A_25 = arith.constant 0 : index
    %get3A_26 = vector.load %arg3[%get3A_24, %get3A_25] : memref<1x64xf32, #tpu.memory_space<vmem>>, vector<1x64xf32>
    %add3A_27 = vector.broadcast %get3A_26 : vector<1x64xf32> to vector<2000x64xf32>
    %add3A_28 = arith.addf %mul3A_23, %add3A_27 : vector<2000x64xf32>
    %max3A = arith.constant 0.000000e+00 : f32
    %max3A_29 = vector.broadcast %max3A : f32 to vector<2000x64xf32>
    %max3A_30 = arith.maximumf %add3A_28, %max3A_29 : vector<2000x64xf32>
    %get3A_31 = arith.constant 0 : index
    %get3A_32 = arith.constant 0 : index
    %get3A_33 = vector.load %arg4[%get3A_31, %get3A_32] : memref<64x64xf32, #tpu.memory_space<vmem>>, vector<64x64xf32>
    %dot_general3A = arith.constant dense<0.000000e+00> : vector<2000x64xf32>
    %dot_general3A_34 = tpu.matmul %max3A_30, %get3A_33, %dot_general3A {dimension_numbers = #tpu.dot_dimension_numbers<[1], [0], [0], [1], [0, 0, 1, 1], [], []>, transpose_lhs_hint = false} : vector<2000x64xf32>, vector<64x64xf32>, vector<2000x64xf32> -> vector<2000x64xf32>
    %mul3A_35 = vector.broadcast %broadcast_in_dim3A : vector<2000x1xf32> to vector<2000x64xf32>
    %mul3A_36 = arith.mulf %mul3A_35, %dot_general3A_34 : vector<2000x64xf32>
    %swap3A = arith.constant 0 : index
    %swap3A_37 = arith.constant 0 : index
    %swap3A_38 = vector.load %arg5[%swap3A, %swap3A_37] : memref<2000x64xf32, #tpu.memory_space<vmem>>, vector<2000x64xf32>
    tpu.vector_store %arg5[%swap3A, %swap3A_37], %mul3A_36 {strides = array<i32>} : memref<2000x64xf32, #tpu.memory_space<vmem>>, vector<2000x64xf32>,
    return
  }
  func.func @transform_0(%arg0: i32) -> (i32, i32, i32) {
    %c0_i32 = arith.constant 0 : i32
    %c0_i32_0 = arith.constant 0 : i32
    %c0_i32_1 = arith.constant 0 : i32
    return %c0_i32, %arg0, %c0_i32_0 : i32, i32, i32
  }
  func.func @transform_1(%arg0: i32) -> (i32, i32, i32) {
    %c0_i32 = arith.constant 0 : i32
    %c0_i32_0 = arith.constant 0 : i32
    %c0_i32_1 = arith.constant 0 : i32
    return %c0_i32, %arg0, %c0_i32_0 : i32, i32, i32
  }
  func.func @transform_2(%arg0: i32) -> (i32, i32) {
    %c0_i32 = arith.constant 0 : i32
    %c0_i32_0 = arith.constant 0 : i32
    %c0_i32_1 = arith.constant 0 : i32
    return %c0_i32, %c0_i32_0 : i32, i32
  }
  func.func @transform_3(%arg0: i32) -> (i32, i32) {
    %c0_i32 = arith.constant 0 : i32
    %c0_i32_0 = arith.constant 0 : i32
    %c0_i32_1 = arith.constant 0 : i32
    return %c0_i32, %c0_i32_0 : i32, i32
  }
  func.func @transform_4(%arg0: i32) -> (i32, i32) {
    %c0_i32 = arith.constant 0 : i32
    %c0_i32_0 = arith.constant 0 : i32
    return %arg0, %c0_i32 : i32, i32
  }
}

module attributes {stable_mosaic.version = 14 : i64} {
  func.func @_fin_body(%arg0: i32, %arg1: memref<2x2000x64xf32, #tpu.memory_space<vmem>>, %arg2: memref<2x2000x8xf32, #tpu.memory_space<vmem>>, %arg3: memref<1x64xf32, #tpu.memory_space<vmem>>, %arg4: memref<1x1x2000xi32, #tpu.memory_space<vmem>>, %arg5: memref<64x128xf32, #tpu.memory_space<vmem>>, %arg6: memref<1x1xf32, #tpu.memory_space<vmem>>, %arg7: memref<128x64xf32, #tpu.memory_space<vmem>>, %arg8: memref<128x128xf32, #tpu.memory_space<vmem>>) attributes {dimension_semantics = [#tpu.dimension_semantics<arbitrary>], iteration_bounds = array<i64: 5>, scalar_prefetch = 0 : i64, scratch_operands = 0 : i64, tpu.core_type = #tpu.core_type<tc>, window_params = [{transform_indices = @transform_0, window_bounds = array<i64: 2, 2000, 64>}, {transform_indices = @transform_1, window_bounds = array<i64: 2, 2000, 8>}, {pipeline_mode = #tpu.pipeline_mode<synchronous>, transform_indices = @transform_2, window_bounds = array<i64: 1, 64>}, {transform_indices = @transform_3, window_bounds = array<i64: 1, 1, 2000>}, {pipeline_mode = #tpu.pipeline_mode<synchronous>, transform_indices = @transform_4, window_bounds = array<i64: 64, 128>}, {pipeline_mode = #tpu.pipeline_mode<synchronous>, transform_indices = @transform_5, window_bounds = array<i64: 1, 1>}, {pipeline_mode = #tpu.pipeline_mode<synchronous>, transform_indices = @transform_6, window_bounds = array<i64: 128, 64>}, {pipeline_mode = #tpu.pipeline_mode<synchronous>, transform_indices = @transform_7, window_bounds = array<i64: 128, 128>}]} {
    %get3A = arith.constant 0 : index
    %get3A_0 = arith.constant 0 : index
    %get3A_1 = arith.constant 0 : index
    %get3A_2 = vector.load %arg2[%get3A, %get3A_0, %get3A_1] : memref<2x2000x8xf32, #tpu.memory_space<vmem>>, vector<1x2000x1xf32>
    %get3A_3 = vector.shape_cast %get3A_2 : vector<1x2000x1xf32> to vector<2000xf32>
    %get3A_4 = arith.constant 1 : index
    %get3A_5 = arith.constant 0 : index
    %get3A_6 = arith.constant 0 : index
    %get3A_7 = vector.load %arg2[%get3A_4, %get3A_5, %get3A_6] : memref<2x2000x8xf32, #tpu.memory_space<vmem>>, vector<1x2000x1xf32>
    %get3A_8 = vector.shape_cast %get3A_7 : vector<1x2000x1xf32> to vector<2000xf32>
    %add3A = arith.addf %get3A_3, %get3A_8 : vector<2000xf32>
    %add3A_9 = arith.constant 1.000000e+00 : f32
    %add3A_10 = vector.broadcast %add3A_9 : f32 to vector<2000xf32>
    %add3A_11 = arith.addf %add3A, %add3A_10 : vector<2000xf32>
    %rsqrt3A = math.rsqrt %add3A_11 : vector<2000xf32>
    %broadcast_in_dim3A = vector.shape_cast %rsqrt3A : vector<2000xf32> to vector<2000x1xf32>
    %get3A_12 = arith.constant 0 : index
    %get3A_13 = arith.constant 0 : index
    %get3A_14 = arith.constant 0 : index
    %get3A_15 = vector.load %arg1[%get3A_12, %get3A_13, %get3A_14] : memref<2x2000x64xf32, #tpu.memory_space<vmem>>, vector<1x2000x64xf32>
    %get3A_16 = vector.shape_cast %get3A_15 : vector<1x2000x64xf32> to vector<2000x64xf32>
    %get3A_17 = arith.constant 1 : index
    %get3A_18 = arith.constant 0 : index
    %get3A_19 = arith.constant 0 : index
    %get3A_20 = vector.load %arg1[%get3A_17, %get3A_18, %get3A_19] : memref<2x2000x64xf32, #tpu.memory_space<vmem>>, vector<1x2000x64xf32>
    %get3A_21 = vector.shape_cast %get3A_20 : vector<1x2000x64xf32> to vector<2000x64xf32>
    %add3A_22 = arith.addf %get3A_16, %get3A_21 : vector<2000x64xf32>
    %mul3A = vector.broadcast %broadcast_in_dim3A : vector<2000x1xf32> to vector<2000x64xf32>
    %mul3A_23 = arith.mulf %mul3A, %add3A_22 : vector<2000x64xf32>
    %get3A_24 = arith.constant 0 : index
    %get3A_25 = arith.constant 0 : index
    %get3A_26 = vector.load %arg3[%get3A_24, %get3A_25] : memref<1x64xf32, #tpu.memory_space<vmem>>, vector<1x64xf32>
    %add3A_27 = vector.broadcast %get3A_26 : vector<1x64xf32> to vector<2000x64xf32>
    %add3A_28 = arith.addf %mul3A_23, %add3A_27 : vector<2000x64xf32>
    %max3A = arith.constant 0.000000e+00 : f32
    %max3A_29 = vector.broadcast %max3A : f32 to vector<2000x64xf32>
    %max3A_30 = arith.maximumf %add3A_28, %max3A_29 : vector<2000x64xf32>
    %iota3A = tpu.iota {dimensions = array<i32: 1>} : vector<2000x64xi32>
    %eq3A = arith.constant 63 : i32
    %eq3A_31 = vector.broadcast %eq3A : i32 to vector<2000x64xi32>
    %eq3A_32 = arith.cmpi eq, %iota3A, %eq3A_31 : vector<2000x64xi32>
    %convert_element_type3A = arith.extui %eq3A_32 : vector<2000x64xi1> to vector<2000x64xi32>
    %convert_element_type3A_33 = arith.sitofp %convert_element_type3A : vector<2000x64xi32> to vector<2000x64xf32>
    %add3A_34 = arith.addf %max3A_30, %convert_element_type3A_33 : vector<2000x64xf32>
    %get3A_35 = arith.constant 0 : index
    %get3A_36 = arith.constant 0 : index
    %get3A_37 = arith.constant 0 : index
    %get3A_38 = vector.load %arg4[%get3A_35, %get3A_36, %get3A_37] : memref<1x1x2000xi32, #tpu.memory_space<vmem>>, vector<1x1x2000xi32>
    %get3A_39 = vector.shape_cast %get3A_38 : vector<1x1x2000xi32> to vector<1x2000xi32>
    %iota3A_40 = tpu.iota {dimensions = array<i32: 0>} : vector<128x2000xi32>
    %broadcast_in_dim3A_41 = vector.shape_cast %get3A_39 : vector<1x2000xi32> to vector<1x2000xi32>
    %broadcast_in_dim3A_42 = vector.broadcast %broadcast_in_dim3A_41 : vector<1x2000xi32> to vector<128x2000xi32>
    %eq3A_43 = arith.cmpi eq, %iota3A_40, %broadcast_in_dim3A_42 : vector<128x2000xi32>
    %convert_element_type3A_44 = arith.extui %eq3A_43 : vector<128x2000xi1> to vector<128x2000xi32>
    %convert_element_type3A_45 = arith.sitofp %convert_element_type3A_44 : vector<128x2000xi32> to vector<128x2000xf32>
    %dot_general3A = arith.constant dense<0.000000e+00> : vector<128x64xf32>
    %dot_general3A_46 = tpu.matmul %convert_element_type3A_45, %add3A_34, %dot_general3A {dimension_numbers = #tpu.dot_dimension_numbers<[1], [0], [0], [1], [0, 0, 1, 1], [], []>, transpose_lhs_hint = false} : vector<128x2000xf32>, vector<2000x64xf32>, vector<128x64xf32> -> vector<128x64xf32>
    %eq3A_47 = arith.constant 0 : i32
    %eq3A_48 = arith.cmpi eq, %arg0, %eq3A_47 : i32
    %convert_element_type3A_49 = arith.extui %eq3A_48 : i1 to i32
    %cond3A = arith.constant 0 : i32
    %cond3A_50 = arith.cmpi ne, %convert_element_type3A_49, %cond3A : i32
    scf.if %cond3A_50 {
      %broadcast_in_dim3A_62 = arith.constant 0.000000e+00 : f32
      %broadcast_in_dim3A_63 = vector.broadcast %broadcast_in_dim3A_62 : f32 to vector<128x64xf32>
      %swap3A_64 = arith.constant 0 : index
      %swap3A_65 = arith.constant 0 : index
      %swap3A_66 = vector.load %arg7[%swap3A_64, %swap3A_65] : memref<128x64xf32, #tpu.memory_space<vmem>>, vector<128x64xf32>
      tpu.vector_store %arg7[%swap3A_64, %swap3A_65], %broadcast_in_dim3A_63 {strides = array<i32>} : memref<128x64xf32, #tpu.memory_space<vmem>>, vector<128x64xf32>,
    } else {
    }
    %get3A_51 = arith.constant 0 : index
    %get3A_52 = arith.constant 0 : index
    %get3A_53 = vector.load %arg7[%get3A_51, %get3A_52] : memref<128x64xf32, #tpu.memory_space<vmem>>, vector<128x64xf32>
    %add3A_54 = arith.addf %get3A_53, %dot_general3A_46 : vector<128x64xf32>
    %swap3A = arith.constant 0 : index
    %swap3A_55 = arith.constant 0 : index
    %swap3A_56 = vector.load %arg7[%swap3A, %swap3A_55] : memref<128x64xf32, #tpu.memory_space<vmem>>, vector<128x64xf32>
    tpu.vector_store %arg7[%swap3A, %swap3A_55], %add3A_54 {strides = array<i32>} : memref<128x64xf32, #tpu.memory_space<vmem>>, vector<128x64xf32>,
    %eq3A_57 = arith.constant 4 : i32
    %eq3A_58 = arith.cmpi eq, %arg0, %eq3A_57 : i32
    %convert_element_type3A_59 = arith.extui %eq3A_58 : i1 to i32
    %cond3A_60 = arith.constant 0 : i32
    %cond3A_61 = arith.cmpi ne, %convert_element_type3A_59, %cond3A_60 : i32
    scf.if %cond3A_61 {
      %get3A_62 = arith.constant 0 : index
      %get3A_63 = arith.constant 63 : index
      %get3A_64 = vector.load %arg7[%get3A_62, %get3A_63] : memref<128x64xf32, #tpu.memory_space<vmem>>, vector<128x1xf32>
      %max3A_65 = arith.constant 1.000000e+00 : f32
      %max3A_66 = vector.broadcast %max3A_65 : f32 to vector<128x1xf32>
      %max3A_67 = arith.maximumf %get3A_64, %max3A_66 : vector<128x1xf32>
      %get3A_68 = arith.constant 0 : index
      %get3A_69 = arith.constant 0 : index
      %get3A_70 = vector.load %arg7[%get3A_68, %get3A_69] : memref<128x64xf32, #tpu.memory_space<vmem>>, vector<128x64xf32>
      %div3A = vector.broadcast %max3A_67 : vector<128x1xf32> to vector<128x64xf32>
      %div3A_71 = arith.divf %get3A_70, %div3A : vector<128x64xf32>
      %get3A_72 = arith.constant 0 : index
      %get3A_73 = arith.constant 0 : index
      %get3A_74 = vector.load %arg5[%get3A_72, %get3A_73] : memref<64x128xf32, #tpu.memory_space<vmem>>, vector<64x128xf32>
      %dot_general3A_75 = arith.constant dense<0.000000e+00> : vector<128x128xf32>
      %dot_general3A_76 = tpu.matmul %div3A_71, %get3A_74, %dot_general3A_75 {dimension_numbers = #tpu.dot_dimension_numbers<[1], [0], [0], [1], [0, 0, 1, 1], [], []>, transpose_lhs_hint = false} : vector<128x64xf32>, vector<64x128xf32>, vector<128x128xf32> -> vector<128x128xf32>
      %get3A_77 = arith.constant 0 : index
      %get3A_78 = arith.constant 0 : index
      %get3A_79 = vector.load %arg6[%get3A_77, %get3A_78] : memref<1x1xf32, #tpu.memory_space<vmem>>, vector<1x1xf32>
      %get3A_80 = vector.extract %get3A_79[0, 0] : f32 from vector<1x1xf32>
      %add3A_81 = vector.broadcast %get3A_80 : f32 to vector<128x128xf32>
      %add3A_82 = arith.addf %dot_general3A_76, %add3A_81 : vector<128x128xf32>
      %neg3A = arith.constant 0.000000e+00 : f32
      %neg3A_83 = vector.broadcast %neg3A : f32 to vector<128x128xf32>
      %neg3A_84 = arith.subf %neg3A_83, %add3A_82 : vector<128x128xf32>
      %exp3A = math.exp %neg3A_84 : vector<128x128xf32>
      %add3A_85 = arith.constant 1.000000e+00 : f32
      %add3A_86 = vector.broadcast %add3A_85 : f32 to vector<128x128xf32>
      %add3A_87 = arith.addf %add3A_86, %exp3A : vector<128x128xf32>
      %div3A_88 = arith.constant 1.000000e+00 : f32
      %div3A_89 = vector.broadcast %div3A_88 : f32 to vector<128x128xf32>
      %div3A_90 = arith.divf %div3A_89, %add3A_87 : vector<128x128xf32>
      %swap3A_91 = arith.constant 0 : index
      %swap3A_92 = arith.constant 0 : index
      %swap3A_93 = vector.load %arg8[%swap3A_91, %swap3A_92] : memref<128x128xf32, #tpu.memory_space<vmem>>, vector<128x128xf32>
      tpu.vector_store %arg8[%swap3A_91, %swap3A_92], %div3A_90 {strides = array<i32>} : memref<128x128xf32, #tpu.memory_space<vmem>>, vector<128x128xf32>,
    } else {
    }
    return
  }
  func.func @transform_0(%arg0: i32) -> (i32, i32, i32) {
    %c0_i32 = arith.constant 0 : i32
    %c0_i32_0 = arith.constant 0 : i32
    %c0_i32_1 = arith.constant 0 : i32
    return %c0_i32, %arg0, %c0_i32_0 : i32, i32, i32
  }
  func.func @transform_1(%arg0: i32) -> (i32, i32, i32) {
    %c0_i32 = arith.constant 0 : i32
    %c0_i32_0 = arith.constant 0 : i32
    %c0_i32_1 = arith.constant 0 : i32
    return %c0_i32, %arg0, %c0_i32_0 : i32, i32, i32
  }
  func.func @transform_2(%arg0: i32) -> (i32, i32) {
    %c0_i32 = arith.constant 0 : i32
    %c0_i32_0 = arith.constant 0 : i32
    %c0_i32_1 = arith.constant 0 : i32
    return %c0_i32, %c0_i32_0 : i32, i32
  }
  func.func @transform_3(%arg0: i32) -> (i32, i32, i32) {
    %c0_i32 = arith.constant 0 : i32
    %c0_i32_0 = arith.constant 0 : i32
    %c0_i32_1 = arith.constant 0 : i32
    return %arg0, %c0_i32, %c0_i32_0 : i32, i32, i32
  }
  func.func @transform_4(%arg0: i32) -> (i32, i32) {
    %c0_i32 = arith.constant 0 : i32
    %c0_i32_0 = arith.constant 0 : i32
    %c0_i32_1 = arith.constant 0 : i32
    return %c0_i32, %c0_i32_0 : i32, i32
  }
  func.func @transform_5(%arg0: i32) -> (i32, i32) {
    %c0_i32 = arith.constant 0 : i32
    %c0_i32_0 = arith.constant 0 : i32
    %c0_i32_1 = arith.constant 0 : i32
    return %c0_i32, %c0_i32_0 : i32, i32
  }
  func.func @transform_6(%arg0: i32) -> (i32, i32) {
    %c0_i32 = arith.constant 0 : i32
    %c0_i32_0 = arith.constant 0 : i32
    %c0_i32_1 = arith.constant 0 : i32
    return %c0_i32, %c0_i32_0 : i32, i32
  }
  func.func @transform_7(%arg0: i32) -> (i32, i32) {
    %c0_i32 = arith.constant 0 : i32
    %c0_i32_0 = arith.constant 0 : i32
    %c0_i32_1 = arith.constant 0 : i32
    return %c0_i32, %c0_i32_0 : i32, i32
  }
}

</mosaic_0001>

<sc_bundles>
// kernel: kernel.12.cloned.1.call-start
scs
__scs_entry_jumppad:
0x0: {  	(pc) =	sbr.rel $0x88, $3  }
0x1: {  	(tag) =	ssettag $0x0;
	lr =	simm.s32 $0x1  }
0x2: {  	[smem:$0x3F98] =	sst lr;
	_ =	strace $0xD0000000  }
0x3: {  	_ = 	snop  }
0x4: {  	_ = 	snop  }
0x5: {  	_ = 	snop  }
0x6: {  	_ = 	snop  }
0x7: {  	_ = 	snop  }
__scs_overlays_trampoline_lowered:
0x8: {  	[smem:$0x3FA7] =	sst s0  }
0x9: {  	[smem:$0x3FA8] =	sst s1  }
0xa: {  	[smem:$0x3FA9] =	sst s2  }
0xb: {  	[smem:$0x3FAA] =	sst s3  }
0xc: {  	[smem:$0x3FAB] =	sst s4  }
0xd: {  	[smem:$0x3FAC] =	sst s5  }
0xe: {  	[smem:$0x3FAD] =	sst s6  }
0xf: {  	[smem:$0x3FAE] =	sst s7  }
0x10: {  	[smem:$0x3FAF] =	sst s8  }
0x11: {  	[smem:$0x3FB0] =	sst s9;
	s0 =	simm.s32 @!p0 $0x0  }
0x12: {  	s1 =	sld [smem:$0x3F96];
	s0 =	simm.s32 @p0 $0x1  }
0x13: {  	[smem:$0x3FB1] =	sst s0;
	s0 =	simm.s32 @!p1 $0x0  }
0x14: {  	s2 =	sld [smem:$0x3F95];
	s0 =	simm.s32 @p1 $0x1  }
0x15: {  	[smem:$0x3FB2] =	sst s0;
	s0 =	simm.s32 @!p2 $0x0  }
0x16: {  	s3 =	sld [smem:$0x3FDB];
	s0 =	simm.s32 @p2 $0x1  }
0x17: {  	s4 =	simm.s32 $0x1BF5;
	[smem:$0x3FB4] =	sst s0  }
0x18: {  	s0 =	sld [smem:$0x3F97];
	_ =	swait.ge [sflag:s4], $0x0  }
0x19: {  	s7 =	sld [smem:$0x3F98]  }
0x1a: {  	s8 =	sadd.s32 $0xFFFFE003, lr  }
0x1b: {  	s9 =	sadd.s32 $0xFFFFFEF7, lr;
	s5 =	simm.s32 $0xFFFFFFFF;
	p2 =	slt.u32 s8, $0xFFFFF086  }
0x1c: {  	p1 =	slt.u32 s9, $0xF7A;
	s5 =	simm.s32 @!p2 $0x0  }
0x1d: {  	s5 =	simm.s32 @p1 $0x1;
	p0 =	seq.s32 s7, s2  }
0x1e: {  	s7 =	smul.u32 @!p0 $0xF7A, s2;
	p2 =	seq.s32 @!p0 s5, $0x0  }
0x1f: {  	s9 =	smul.u32 $0xF7A, s1;
	s8 =	simm.s32 @!p0 $0x1BF5;
	p2 =	por !p2, p0  }
0x20: {  	[sflag:s8] =	ssyncset.s32 @!p0 $0xFFFFF086;
	s6 =	sadd.s32 @!p0 s3, s7;
	s7 =	simm.s32 @!p0 $0x108  }
0x21: {  	s3 =	sadd.s32 s3, s9;
	s6 =	sadd.s32 @!p0 $0x88, s6;
	s7 =	simm.s32 @p2 $0x1082  }
0x22: {  	[simem:s7], [sflag:s8] =	dma.local @!p0 [hbm:s6], $0xF7A  }
0x23: {  	s9 =	sor.u32 $0xD0000000, s2;
	s6 =	simm.s32 $0x108;
	_ =	swait.ge @!p0 [sflag:s8], $0x0  }
0x24: {  	s3 =	sadd.s32 $0x88, s3;
	s6 =	simm.s32 @!p1 $0x1082;
	[sflag:s4] =	ssyncset.s32 $0xFFFFF086  }
0x25: {  	[simem:s6], [sflag:s4] =	dma.local [hbm:s3], $0xF7A  }
0x26: {  	[smem:$0x3F98] =	sst s1;
	(tag) =	ssettag s2;
	_ =	strace s9  }
0x27: {  	s1 =	sld [smem:$0x3FA8]  }
0x28: {  	s2 =	sld [smem:$0x3FA9]  }
0x29: {  	s4 =	sld [smem:$0x3FAB]  }
0x2a: {  	p0 =	seq.s32 s5, $0x0;
	s5 =	sld [smem:$0x3FAC]  }
0x2b: {  	s6 =	sld [smem:$0x3FAD]  }
0x2c: {  	s7 =	sld [smem:$0x3FAE]  }
0x2d: {  	s3 =	simm.s32 $0x108;
	s8 =	sld [smem:$0x3FAF]  }
0x2e: {  	s3 =	simm.s32 @!p0 $0x1082;
	s9 =	sld [smem:$0x3FB0]  }
0x2f: {  	lr =	sadd.s32 s0, s3;
	s0 =	sld [smem:$0x3FA7]  }
0x30: {  	s3 =	sld [smem:$0x3FAA]  }
0x31: {  	[smem:$0x3FB3] =	sst s10  }
0x32: {  	s10 =	sld [smem:$0x3FB1];
	_ =	sdelay $0x3  }
0x33: {  	p0 =	seq.s32 s10, $0x1;
	s10 =	sld [smem:$0x3FB3];
	_ =	sdelay $0x3  }
0x34: {  	[smem:$0x3FB3] =	sst s10  }
0x35: {  	s10 =	sld [smem:$0x3FB2];
	_ =	sdelay $0x3  }
0x36: {  	p1 =	seq.s32 s10, $0x1;
	s10 =	sld [smem:$0x3FB3];
	_ =	sdelay $0x3  }
0x37: {  	[smem:$0x3FB3] =	sst s10  }
0x38: {  	s10 =	sld [smem:$0x3FB4]  }
0x39: {  	_ = 	snop;
	(pc) =	sbr.ind lr, $3  }
0x3a: {  	_ = 	snop  }
0x3b: {  	_ = 	snop  }
0x3c: {  	p2 =	seq.s32 s10, $0x1;
	s10 =	sld [smem:$0x3FB3]  }
0x3d: {  	_ =	shalt  }
0x3e: {  	_ =	shalt  }
0x3f: {  	_ =	shalt  }
0x40: {  	_ =	shalt  }
0x41: {  	_ =	shalt  }
0x42: {  	_ =	shalt  }
0x43: {  	_ =	shalt  }
0x44: {  	_ =	shalt  }
0x45: {  	_ =	shalt  }
0x46: {  	_ =	shalt  }
0x47: {  	_ =	shalt  }
0x48: {  	_ =	shalt  }
0x49: {  	_ =	shalt  }
0x4a: {  	_ =	shalt  }
0x4b: {  	_ =	shalt  }
0x4c: {  	_ =	shalt  }
0x4d: {  	_ =	shalt  }
0x4e: {  	_ =	shalt  }
0x4f: {  	_ =	shalt  }
0x50: {  	_ =	shalt  }
0x51: {  	_ =	shalt  }
0x52: {  	_ =	shalt  }
0x53: {  	_ =	shalt  }
0x54: {  	_ =	shalt  }
0x55: {  	_ =	shalt  }
0x56: {  	_ =	shalt  }
0x57: {  	_ =	shalt  }
0x58: {  	_ =	shalt  }
0x59: {  	_ =	shalt  }
0x5a: {  	_ =	shalt  }
0x5b: {  	_ =	shalt  }
0x5c: {  	_ =	shalt  }
0x5d: {  	_ =	shalt  }
0x5e: {  	_ =	shalt  }
0x5f: {  	_ =	shalt  }
0x60: {  	_ =	shalt  }
0x61: {  	_ =	shalt  }
0x62: {  	_ =	shalt  }
0x63: {  	_ =	shalt  }
0x64: {  	_ =	shalt  }
0x65: {  	_ =	shalt  }
0x66: {  	_ =	shalt  }
0x67: {  	_ =	shalt  }
0x68: {  	_ =	shalt  }
0x69: {  	_ =	shalt  }
0x6a: {  	_ =	shalt  }
0x6b: {  	_ =	shalt  }
0x6c: {  	_ =	shalt  }
0x6d: {  	_ =	shalt  }
0x6e: {  	_ =	shalt  }
0x6f: {  	_ =	shalt  }
0x70: {  	_ =	shalt  }
0x71: {  	_ =	shalt  }
0x72: {  	_ =	shalt  }
0x73: {  	_ =	shalt  }
0x74: {  	_ =	shalt  }
0x75: {  	_ =	shalt  }
0x76: {  	_ =	shalt  }
0x77: {  	_ =	shalt  }
0x78: {  	_ =	shalt  }
0x79: {  	_ =	shalt  }
0x7a: {  	_ =	shalt  }
0x7b: {  	_ =	shalt  }
0x7c: {  	_ =	shalt  }
0x7d: {  	_ =	shalt  }
0x7e: {  	_ =	shalt  }
0x7f: {  	_ =	shalt  }
0x80: {  	_ =	shalt  }
0x81: {  	_ =	shalt  }
0x82: {  	_ =	shalt  }
0x83: {  	_ =	shalt  }
0x84: {  	_ =	shalt  }
0x85: {  	_ =	shalt  }
0x86: {  	_ =	shalt  }
0x87: {  	_ =	shalt  }
.Lfunc_end0:
.L_simem_size_0:
called_computation.1_lowered:
.L_overlay_start_0:
0x88: {  	s2 =	sld [smem:$0x3FD9]  }
0x89: {  	s3 =	sld [smem:$0x3FFE];
	_ =	sdelay $0x1  }
0x8a: {  	s1 =	srdreg.scid  }
0x8b: {  	s0 =	sand.u32 $0x1, s1  }
0x8c: {  	s16 =	sshll.u32 s0, $0xA;
	s2 =	sadd.s32 s3, s2  }
0x8d: {  	s2 =	sadd.s32 s2, s16  }
0x8e: {  	[smem:$0x3FBF] =	sst s2  }
0x8f: {  	_ = 	snop  }
0x90: {  	(tm) =	ssettm $0x1  }
0x91: {  	s17 =	sld [smem:$0x3FFB];
	_ =	sdelay $0x3  }
0x92: {  	_ =	strace s17  }
0x93: {  	s2 =	sld [smem:$0x3FFC];
	_ =	sdelay $0x3  }
0x94: {  	_ =	strace s2  }
0x95: {  	s2 =	sld [smem:$0x3FFD];
	_ =	sdelay $0x3  }
0x96: {  	_ =	strace s2  }
0x97: {  	_ =	strace $0x8FFFFFFF  }
0x98: {  	s18 =	sld [smem:$0x3FDB];
	_ =	sdelay $0x1  }
0x99: {  	s19 =	simm.s32 $_scs_section_size  }
0x9a: {  	s4 =	simm.s32 $_size__tile_overlayer_lowered;
	s5 =	simm.s32 $_tile_overlayer_lowered  }
0x9b: {  	s22 =	simm.s32 $0x1BFF;
	s21 =	sshll.u32 s5, $0x1;
	s2 =	sadd.s32 s19, s18  }
0x9c: {  	s6 =	simm.s32 $0x0;
	s20 =	sshll.u32 s4, $0x1;
	s4 =	sadd.s32 s21, s2  }
0x9d: {  	[timem:s6], [sflag:s22] =	dma.local [hbm:s4], s20  }
0x9e: {  	_ =	swait.ge [sflag:s22], s20  }
0x9f: {  	s3 =	ssub.s32 $0x0, s20;
	[sflag:s22] =	ssyncset.done $0x0  }
0xa0: {  	[sflag:s22] =	ssyncadd.s32 s3;
	_ =	sdelay $0x1  }
0xa1: {  	s23 =	simm.s32 $0x1B8B  }
0xa2: {  	_ =	swait.ge [sflag:s23], $0x1  }
0xa3: {  	[sflag:s23] =	ssyncset.done $0x0  }
0xa4: {  	s25 =	simm.s32 $0x1B8E;
	s24 =	sld [smem:$0x3FFE];
	[sflag:s23] =	ssyncadd.s32 $0xFFFFFFFF  }
0xa5: {  	s26 =	simm.s32 $execute0_lowered;
	[smem:$0x3FD2] =	sst s25  }
0xa6: {  	s4 =	sshll.u32 s26, $0x1;
	_ =	strace $0x80000049;
	[dreg:$0x1] =	wrdreg $0xFFFFFFFF  }
0xa7: {  	s28 =	simm.s32 $_size_execute0_lowered;
	s2 =	sadd.s32 s2, s4;
	[dreg:$0x0] =	wrdreg $0x0  }
0xa8: {  	s4 =	sshll.u32 s28, $0x1;
	[dreg:$0x2] =	wrdreg s2  }
0xa9: {  	[dreg:$0x3] =	wrdreg s4  }
0xaa: {  	[dreg:$0x4] =	wrdreg $0xC0  }
0xab: {  	_ =	task [dreg:s6], $0x5FFFF  }
0xac: {  	[dreg:$0x1] =	wrdreg $0xFFFFFFFF  }
0xad: {  	[dreg:$0x0] =	wrdreg $0x60  }
0xae: {  	[dreg:$0x2] =	wrdreg s24  }
0xaf: {  	[dreg:$0x3] =	wrdreg $0xEE200  }
0xb0: {  	[dreg:$0x4] =	wrdreg $0x9  }
0xb1: {  	_ =	task.clear_ibuf [dreg:s6], $0x5FFFF;
	_ =	strace $0x90000049  }
0xb2: {  	s29 =	simm.s32 $0x9;
	_ =	strace $0x8000004B  }
0xb3: {  	_ =	swait.ge [sflag:s29], $0x1  }
0xb4: {  	[sflag:s29] =	ssyncadd.s32 $0xFFFFFFFF  }
0xb5: {  	_ =	strace $0x9000004B  }
0xb6: {  	_ =	sfence  }
0xb7: {  	s30 =	sld [smem:$0x0];
	_ =	sdelay $0x2  }
0xb8: {  	s31 =	sshll.u32 s1, $0xD;
	s1 =	sshrl.u32 s1, $0x2  }
0xb9: {  	s3 =	sand.u32 $0x4000, s31;
	s1 =	sadd.s32 s1, s30  }
0xba: {  	s0 =	sor.u32 s3, s0;
	s1 =	sshll.u32 s1, $0x11  }
0xbb: {  	s0 =	sor.u32 s1, s0  }
0xbc: {  	s0 =	sadd.s32 $0x8F2B, s0  }
0xbd: {  	[sflag:s0] =	ssyncadd.remote.s32 $0x1  }
0xbe: {  	_ =	sfence.sel $0xFFFF  }
0xbf: {  	[dreg:$0x0] =	wrdreg $0xFFFFFFFF;
	(pc) =	sbr.abs _section_cstart, $3  }
0xc0: {  	[dreg:$0x1] =	wrdreg $0xFFFFFFFF  }
0xc1: {  	_ =	task.clear_ibuf [dreg:s6], $0x2FFFF;
	_ =	strace $0x9FFFFFFF  }
0xc2: {  	(tm) =	ssettm $0x7FFFFFFF  }
0xc3: {  	_ =	shalt  }
tec
execute0_lowered:
.L_overlay_start_1:
0x0: {  	(tag) =	ssettag $0x1  }
0x1: {  	s2 =	rddreg [dreg:$0x0]  }
0x2: {  	s1 =	rddreg [dreg:$0x1];
	s0 =	srdreg.scid;
	s3 =	simm.s32 $0x0  }
0x3: {  	s29 =	stileid.u32;
	s0 =	sand.u32 $0x1, s0;
	[smem:$0x7FF] =	sst s3  }
0x4: {  	s6 =	sadd.s32 $0x3000, s2;
	s8 =	smul.u32 $0x27000, s29;
	s9 =	sadd.s32 $0x78600, s2  }
0x5: {  	s20 =	sadd.s32 $0x79A00, s2;
	s11 =	smul.u32 $0x9C00, s29;
	s30 =	sadd.s32 $0x92400, s1  }
0x6: {  	s25 =	smul.u32 $0x2710, s29;
	s4 =	sshll.u32 s0, $0x4;
	_ =	strace $0x8000004A  }
0x7: {  	s7 =	ssub.s32 $0x2, s0;
	[dreg:$0x9] =	wrdreg s9;
	s22 =	smul.u32 $0x9C400, s0  }
0x8: {  	s23 =	smul.u32 $0x27100, s0;
	p3 =	sne.s32 s0, $0x0;
	[dreg:$0xb] =	wrdreg s30  }
0x9: {  	s5 =	sor.u32 s29, s4;
	s4 =	sadd.s32 $0x64C00, s2;
	s10 =	sshrl.u32 s7, $0x1  }
0xa: {  	s8 =	sshrl.u32 s8, $0x2;
	s21 =	sshrl.u32 s11, $0x3;
	s31 =	sadd.s32 s11, s1  }
0xb: {  	s2 =	sadd.s32 $0x77080, s2;
	p1 =	seq.s32 @p3 s29, $0xF;
	p4 =	seq.s32 @!p3 s29, $0xF  }
0xc: {  	s5 =	smul.u32 $0x2710, s5;
	s7 =	ssub.s32 s7, s10;
	[dreg:$0xe] =	wrdreg s2  }
0xd: {  	s11 =	sadd.s32 s11, s22;
	s2 =	sadd.s32 s25, s23;
	s10 =	sshrl.u32 s22, $0x3  }
0xe: {  	p0 =	por p1, !p3;
	p1 =	por !p1, !p3;
	p2 =	por !p4, p3  }
0xf: {  	p3 =	por p4, p3;
	p4 =	seq.s32 s29, $0xF;
	[dreg:$0xc] =	wrdreg s31  }
0x10: {  	s11 =	sshrl.u32 s11, $0x3;
	s15 =	sadd.s32 $0x4E500, s2;
	s16 =	sadd.s32 $0x4E580, s2  }
0x11: {  	s9 =	sadd.s32 s20, s10;
	s19 =	sadd.s32 $0x4E600, s2;
	s25 =	sadd.s32 $0x4E400, s2  }
0x12: {  	s7 =	smax.u32 s7, $0x1;
	s5 =	sshrl.u32 s5, $0x3;
	s14 =	sadd.s32 s20, s11  }
0x13: {  	s17 =	sshrl.u32 s16, $0x3;
	s20 =	sshrl.u32 s19, $0x3;
	[dreg:$0x18] =	wrdreg s7  }
0x14: {  	s9 =	sadd.s32 $0x12480, s9;
	s12 =	sadd.s32 s6, s5;
	[dreg:$0x14] =	wrdreg s14  }
0x15: {  	s5 =	sadd.s32 s8, s1;
	s8 =	sadd.s32 s4, s21;
	[dreg:$0x17] =	wrdreg s9  }
0x16: {  	s18 =	sadd.s32 s17, s6;
	s21 =	sadd.s32 $0x4E480, s2;
	[dreg:$0xd] =	wrdreg s8  }
0x17: {  	s2 =	sadd.s32 $0x4E380, s2;
	s9 =	simm.s32 $0x13;
	[dreg:$0x4] =	wrdreg s18  }
0x18: {  	s24 =	sadd.s32 $0x9C40, s12;
	s13 =	sadd.s32 $0x9C50, s12;
	[dreg:$0xa] =	wrdreg s12  }
0x19: {  	s26 =	sadd.s32 $0x9C60, s12;
	s28 =	sadd.s32 $0xA0F0, s12;
	[dreg:$0xf] =	wrdreg s24  }
0x1a: {  	s8 =	sshrl.u32 s15, $0x3;
	s22 =	sadd.s32 $0xA110, s12;
	[dreg:$0x10] =	wrdreg s13  }
0x1b: {  	s10 =	sshrl.u32 s21, $0x3;
	s23 =	sadd.s32 $0xA120, s12;
	[dreg:$0x11] =	wrdreg s26  }
0x1c: {  	s2 =	sshrl.u32 s2, $0x3;
	s0 =	sshrl.u32 @!p0 s5, $0x3;
	[dreg:$0x12] =	wrdreg s28  }
0x1d: {  	s5 =	simm.s32 $0x11;
	s21 =	simm.s32 $0x6;
	[dreg:$0x15] =	wrdreg s22  }
0x1e: {  	s13 =	sadd.s32 $0xA100, s12;
	s8 =	sadd.s32 s8, s6;
	[dreg:$0x16] =	wrdreg s23  }
0x1f: {  	s24 =	sadd.s32 s10, s6;
	s26 =	sshrl.u32 s25, $0x3;
	[dreg:$0x19] =	wrdreg s0  }
0x20: {  	s28 =	sadd.s32 s2, s6;
	s2 =	simm.s32 $0x4;
	[dreg:$0x13] =	wrdreg s13  }
0x21: {  	s23 =	simm.s32 $0xA;
	s25 =	simm.s32 $0xB;
	[dreg:$0x3] =	wrdreg s8  }
0x22: {  	s10 =	simm.s32 $0x0;
	s8 =	sadd.s32 s20, s6;
	[dreg:$0x6] =	wrdreg s24  }
0x23: {  	s7 =	sadd.s32 s26, s6;
	[dreg:$0x8] =	wrdreg s28;
	s24 =	simm.s32 $0x80  }
0x24: {  	s6 =	simm.s32 $0x10;
	s26 =	simm.s32 $0xC;
	[dreg:$0x5] =	wrdreg s8  }
0x25: {  	[dreg:$0x7] =	wrdreg s7;
	s8 =	simm.s32 $0x5;
	s7 =	simm.s32 $0x12  }
.LBB2_1:
0x26: {  	[dreg:$0x1a] =	wrdreg s10  }
0x27: {  	s0 =	rddreg [dreg:$0xa]  }
0x28: {  	[tilespmem:s3], [sflag:$0x13] =	stream.linear.gather [hbm4b:s0+s3], $0x2710, $0x38;
	[tilespmem:$0x18A60] =	vst v63  }
0x29: {  	_ =	swait.ge [sflag:s9], $0x2710  }
0x2a: {  	s28 =	simm.s32 @!p1 $0x1FD3;
	[sflag:s9] =	ssyncset.done $0x0  }
0x2b: {  	s0 =	sshrl.u32 @!p1 s30, $0x3;
	[sflag:s9] =	ssyncadd.s32 $0xFFFFD8F0;
	s9 =	rddreg [dreg:$0x9]  }
0x2c: {  	[spmem:s0], [sflag:s28] =	dma.local @!p1 [hbm:s9], $0x1400  }
0x2d: {  	s0 =	simm.s32 @!p1 $0x13  }
0x2e: {  	_ =	swait.ge @!p1 [sflag:s0], $0x1400  }
0x2f: {  	s28 =	sshll.u32 @!p0 s29, $0x6;
	[sflag:s0] =	ssyncset.done @!p1 $0x0  }
0x30: {  	[sflag:s0] =	ssyncadd.s32 @!p1 $0xFFFFEC00;
	s0 =	sor.u32 @!p0 $0x1C13, s28;
	s28 =	rddreg [dreg:$0x19]  }
0x31: {  	[spmem:s28], [sflag:s0] =	dma.local @!p0 [hbm:s9], $0x1380  }
0x32: {  	s0 =	simm.s32 @!p0 $0x13  }
0x33: {  	_ =	swait.ge @!p0 [sflag:s0], $0x1380  }
0x34: {  	s28 =	simm.s32 @!p2 $0x1FD3;
	[sflag:s0] =	ssyncset.done @!p0 $0x0  }
0x35: {  	s9 =	rddreg [dreg:$0xe];
	[sflag:s0] =	ssyncadd.s32 @!p0 $0xFFFFEC80;
	s0 =	sshrl.u32 @!p2 s30, $0x3  }
0x36: {  	[spmem:s0], [sflag:s28] =	dma.local @!p2 [hbm:s9], $0x1400  }
0x37: {  	s0 =	simm.s32 @!p2 $0x13  }
0x38: {  	_ =	swait.ge @!p2 [sflag:s0], $0x1400  }
0x39: {  	s28 =	sshll.u32 @!p3 s29, $0x6;
	[sflag:s0] =	ssyncset.done @!p2 $0x0;
	s9 =	rddreg [dreg:$0xd]  }
0x3a: {  	[sflag:s0] =	ssyncadd.s32 @!p2 $0xFFFFEC00;
	s0 =	sor.u32 @!p3 $0x1C13, s28;
	s28 =	sshrl.u32 @!p3 s31, $0x3  }
0x3b: {  	[spmem:s28], [sflag:s0] =	dma.local @!p3 [hbm:s9], $0x1380  }
0x3c: {  	s0 =	simm.s32 @!p3 $0x13  }
0x3d: {  	_ =	swait.ge @!p3 [sflag:s0], $0x1380  }
0x3e: {  	[sflag:s0] =	ssyncset.done @!p3 $0x0  }
0x3f: {  	[sflag:s0] =	ssyncadd.s32 @!p3 $0xFFFFEC80  }
0x40: {  	[bflag:$0x0] =	sbarrier.arrive $0xFFFF  }
0x41: {  	s9 =	simm.s32 $0x2710;
	s12 =	rddreg [dreg:$0xf]  }
0x42: {  	[tilespmem:s9], [sflag:$0xD] =	stream.linear.gather [hbm4b:s12+s3], $0x80, $0x38;
	[tilespmem:$0x18A60] =	vst v63  }
0x43: {  	s10 =	simm.s32 $0x2A20  }
0x44: {  	[tilespmem:s10], [sflag:$0x1] =	stream.indirect.gather [hbm4b:s4+s24], $0x40, s3, s24, $0xb8;
	[tilespmem:$0x18A60] =	vst v63  }
0x45: {  	s11 =	simm.s32 $0x2790;
	s13 =	rddreg [dreg:$0x10]  }
0x46: {  	[tilespmem:s11], [sflag:$0xE] =	stream.linear.gather [hbm4b:s13+s3], $0x80, $0x38;
	[tilespmem:$0x18A60] =	vst v63  }
0x47: {  	s12 =	simm.s32 $0x4A20  }
0x48: {  	[tilespmem:s12], [sflag:$0x2] =	stream.indirect.gather [hbm4b:s4+s24], $0x40, s24, s24, $0xb8;
	[tilespmem:$0x18A60] =	vst v63  }
0x49: {  	s14 =	rddreg [dreg:$0x11];
	s13 =	simm.s32 $0x2810  }
0x4a: {  	[tilespmem:s13], [sflag:$0xF] =	stream.linear.gather [hbm4b:s14+s3], $0x80, $0x38;
	[tilespmem:$0x18A60] =	vst v63  }
0x4b: {  	s30 =	simm.s32 $0x6A20;
	s15 =	rddreg [dreg:$0x8];
	s14 =	simm.s32 $0x100  }
0x4c: {  	[tilespmem:s30], [sflag:$0x3] =	stream.indirect.gather [hbm4b:s4+s24], $0x40, s14, s24, $0xb8;
	[tilespmem:$0x18A60] =	vst v63  }
0x4d: {  	s0 =	sadd.s32 $0x0, s15;
	s14 =	simm.s32 $0x2890  }
0x4e: {  	[tilespmem:s14], [sflag:$0x10] =	stream.linear.gather [hbm4b:s0+s3], $0x80, $0x38;
	[tilespmem:$0x18A60] =	vst v63  }
0x4f: {  	s16 =	simm.s32 $0x180;
	s28 =	rddreg [dreg:$0x7];
	s15 =	simm.s32 $0x8A20  }
0x50: {  	[tilespmem:s15], [sflag:$0x4] =	stream.indirect.gather [hbm4b:s4+s24], $0x40, s16, s24, $0xb8;
	[tilespmem:$0x18A60] =	vst v63  }
0x51: {  	s17 =	sadd.s32 $0x0, s28;
	s16 =	simm.s32 $0x2910  }
0x52: {  	[tilespmem:s16], [sflag:$0x11] =	stream.linear.gather [hbm4b:s17+s3], $0x80, $0x38;
	[tilespmem:$0x18A60] =	vst v63  }
0x53: {  	s18 =	simm.s32 $0x200;
	s28 =	rddreg [dreg:$0x6];
	s17 =	simm.s32 $0xAA20  }
0x54: {  	[tilespmem:s17], [sflag:$0x5] =	stream.indirect.gather [hbm4b:s4+s24], $0x40, s18, s24, $0xb8;
	[tilespmem:$0x18A60] =	vst v63  }
0x55: {  	s19 =	sadd.s32 $0x0, s28;
	s18 =	simm.s32 $0x2990  }
0x56: {  	[tilespmem:s18], [sflag:$0x12] =	stream.linear.gather [hbm4b:s19+s3], $0x80, $0x38;
	[tilespmem:$0x18A60] =	vst v63  }
0x57: {  	s20 =	simm.s32 $0x280;
	s22 =	simm.s32 $0xD;
	s19 =	simm.s32 $0xCA20  }
0x58: {  	[tilespmem:s19], [sflag:$0x6] =	stream.indirect.gather [hbm4b:s4+s24], $0x40, s20, s24, $0xb8;
	[tilespmem:$0x18A60] =	vst v63  }
0x59: {  	_ =	swait.ge [sflag:s22], $0x80  }
0x5a: {  	[sflag:s22] =	ssyncset.done $0x0  }
0x5b: {  	s20 =	simm.s32 $0x1;
	[sflag:s22] =	ssyncadd.s32 $0xFFFFFF80  }
0x5c: {  	_ =	swait.ge [sflag:s20], $0x2000  }
0x5d: {  	[sflag:s20] =	ssyncset.done $0x0  }
0x5e: {  	s22 =	simm.s32 $0xE;
	[sflag:s20] =	ssyncadd.s32 $0xFFFFE000  }
0x5f: {  	[spmem:s1] =	stream.indirect.scatter.add.f32 [tilespmem:s10], [sflag:$0x7], $0x40, s9, s24, $0xb8;
	[tilespmem:$0x18A60] =	vst v63  }
0x60: {  	_ =	swait.ge [sflag:s22], $0x80  }
0x61: {  	[sflag:s22] =	ssyncset.done $0x0  }
0x62: {  	s20 =	simm.s32 $0x2;
	[sflag:s22] =	ssyncadd.s32 $0xFFFFFF80  }
0x63: {  	_ =	swait.ge [sflag:s20], $0x2000  }
0x64: {  	[sflag:s20] =	ssyncset.done $0x0  }
0x65: {  	s22 =	simm.s32 $0xF;
	[sflag:s20] =	ssyncadd.s32 $0xFFFFE000  }
0x66: {  	[spmem:s1] =	stream.indirect.scatter.add.f32 [tilespmem:s12], [sflag:$0x8], $0x40, s11, s24, $0xb8;
	[tilespmem:$0x18A60] =	vst v63  }
0x67: {  	_ =	swait.ge [sflag:s22], $0x80  }
0x68: {  	[sflag:s22] =	ssyncset.done $0x0  }
0x69: {  	s20 =	simm.s32 $0x3;
	[sflag:s22] =	ssyncadd.s32 $0xFFFFFF80  }
0x6a: {  	_ =	swait.ge [sflag:s20], $0x2000  }
0x6b: {  	[sflag:s20] =	ssyncset.done $0x0  }
0x6c: {  	s22 =	simm.s32 $0x7;
	[sflag:s20] =	ssyncadd.s32 $0xFFFFE000  }
0x6d: {  	[spmem:s1] =	stream.indirect.scatter.add.f32 [tilespmem:s30], [sflag:$0x9], $0x40, s13, s24, $0xb8;
	[tilespmem:$0x18A60] =	vst v63  }
0x6e: {  	_ =	swait.ge [sflag:s22], $0x2000  }
0x6f: {  	[sflag:s22] =	ssyncset.done $0x0  }
0x70: {  	s20 =	simm.s32 $0x8;
	[sflag:s22] =	ssyncadd.s32 $0xFFFFE000  }
0x71: {  	_ =	swait.ge [sflag:s20], $0x2000  }
0x72: {  	[sflag:s20] =	ssyncset.done $0x0  }
0x73: {  	[sflag:s20] =	ssyncadd.s32 $0xFFFFE000;
	s20 =	simm.s32 $0x9  }
0x74: {  	_ =	swait.ge [sflag:s20], $0x2000  }
0x75: {  	s22 =	rddreg [dreg:$0x3];
	[sflag:s20] =	ssyncset.done $0x0  }
0x76: {  	[sflag:s20] =	ssyncadd.s32 $0xFFFFE000;
	s0 =	sadd.s32 $0x0, s22  }
0x77: {  	[tilespmem:s9], [sflag:$0xD] =	stream.linear.gather [hbm4b:s0+s3], $0x80, $0x38;
	[tilespmem:$0x18A60] =	vst v63  }
0x78: {  	s28 =	rddreg [dreg:$0x4];
	s9 =	simm.s32 $0x300  }
0x79: {  	[tilespmem:s10], [sflag:$0x1] =	stream.indirect.gather [hbm4b:s4+s24], $0x40, s9, s24, $0xb8;
	[tilespmem:$0x18A60] =	vst v63  }
0x7a: {  	s10 =	sadd.s32 $0x0, s28  }
0x7b: {  	[tilespmem:s11], [sflag:$0xE] =	stream.linear.gather [hbm4b:s10+s3], $0x80, $0x38;
	[tilespmem:$0x18A60] =	vst v63  }
0x7c: {  	s20 =	simm.s32 $0x380;
	s28 =	rddreg [dreg:$0x5]  }
0x7d: {  	[tilespmem:s12], [sflag:$0x2] =	stream.indirect.gather [hbm4b:s4+s24], $0x40, s20, s24, $0xb8;
	[tilespmem:$0x18A60] =	vst v63  }
0x7e: {  	s22 =	sadd.s32 $0x0, s28  }
0x7f: {  	[tilespmem:s13], [sflag:$0xF] =	stream.linear.gather [hbm4b:s22+s3], $0x80, $0x38;
	[tilespmem:$0x18A60] =	vst v63  }
0x80: {  	s29 =	simm.s32 $0x400  }
0x81: {  	[tilespmem:s30], [sflag:$0x3] =	stream.indirect.gather [hbm4b:s4+s24], $0x40, s29, s24, $0xb8;
	[tilespmem:$0x18A60] =	vst v63  }
0x82: {  	_ =	swait.ge [sflag:s6], $0x80  }
0x83: {  	[sflag:s6] =	ssyncset.done $0x0  }
0x84: {  	[sflag:s6] =	ssyncadd.s32 $0xFFFFFF80  }
0x85: {  	_ =	swait.ge [sflag:s2], $0x2000  }
0x86: {  	[sflag:s2] =	ssyncset.done $0x0  }
0x87: {  	[sflag:s2] =	ssyncadd.s32 $0xFFFFE000  }
0x88: {  	[spmem:s1] =	stream.indirect.scatter.add.f32 [tilespmem:s15], [sflag:$0xA], $0x40, s14, s24, $0xb8;
	[tilespmem:$0x18A60] =	vst v63  }
0x89: {  	_ =	swait.ge [sflag:s5], $0x80  }
0x8a: {  	[sflag:s5] =	ssyncset.done $0x0  }
0x8b: {  	[sflag:s5] =	ssyncadd.s32 $0xFFFFFF80  }
0x8c: {  	_ =	swait.ge [sflag:s8], $0x2000  }
0x8d: {  	[sflag:s8] =	ssyncset.done $0x0  }
0x8e: {  	[sflag:s8] =	ssyncadd.s32 $0xFFFFE000  }
0x8f: {  	[spmem:s1] =	stream.indirect.scatter.add.f32 [tilespmem:s17], [sflag:$0xB], $0x40, s16, s24, $0xb8;
	[tilespmem:$0x18A60] =	vst v63  }
0x90: {  	_ =	swait.ge [sflag:s7], $0x80  }
0x91: {  	[sflag:s7] =	ssyncset.done $0x0  }
0x92: {  	[sflag:s7] =	ssyncadd.s32 $0xFFFFFF80  }
0x93: {  	_ =	swait.ge [sflag:s21], $0x2000  }
0x94: {  	[sflag:s21] =	ssyncset.done $0x0  }
0x95: {  	[sflag:s21] =	ssyncadd.s32 $0xFFFFE000  }
0x96: {  	[spmem:s1] =	stream.indirect.scatter.add.f32 [tilespmem:s19], [sflag:$0xC], $0x40, s18, s24, $0xb8;
	[tilespmem:$0x18A60] =	vst v63  }
0x97: {  	_ =	swait.ge [sflag:s23], $0x2000  }
0x98: {  	[sflag:s23] =	ssyncset.done $0x0  }
0x99: {  	[sflag:s23] =	ssyncadd.s32 $0xFFFFE000  }
0x9a: {  	_ =	swait.ge [sflag:s25], $0x2000  }
0x9b: {  	[sflag:s25] =	ssyncset.done $0x0  }
0x9c: {  	[sflag:s25] =	ssyncadd.s32 $0xFFFFE000  }
0x9d: {  	s31 =	simm.s32 $0xC0;
	_ =	swait.ge [sflag:s26], $0x2000  }
0x9e: {  	s28 =	simm.s32 $0x60;
	s30 =	rddreg [dreg:$0x8];
	[sflag:s26] =	ssyncset.done $0x0  }
.LBB2_2:
0x9f: {  	[sflag:s26] =	ssyncadd.s32 $0xFFFFE000  }
0xa0: {  	s29 =	sadd.s32 $0x300, s29;
	s30 =	sadd.s32 s28, s30;
	s16 =	simm.s32 $0x2890  }
0xa1: {  	[tilespmem:s16], [sflag:$0x10] =	stream.linear.gather [hbm4b:s30+s3], $0x80, $0x38;
	[tilespmem:$0x18A60] =	vst v63  }
0xa2: {  	s9 =	rddreg [dreg:$0x7];
	s17 =	simm.s32 $0x8A20;
	s30 =	sadd.s32 $0xFFFFFD80, s29  }
0xa3: {  	[tilespmem:s17], [sflag:$0x4] =	stream.indirect.gather [hbm4b:s4+s24], $0x40, s30, s24, $0xb8;
	[tilespmem:$0x18A60] =	vst v63  }
0xa4: {  	s18 =	simm.s32 $0x2910;
	s9 =	sadd.s32 s28, s9  }
0xa5: {  	[tilespmem:s18], [sflag:$0x11] =	stream.linear.gather [hbm4b:s9+s3], $0x80, $0x38;
	[tilespmem:$0x18A60] =	vst v63  }
0xa6: {  	s19 =	simm.s32 $0xAA20;
	s13 =	sadd.s32 $0xFFFFFE00, s29;
	s30 =	rddreg [dreg:$0x6]  }
0xa7: {  	[tilespmem:s19], [sflag:$0x5] =	stream.indirect.gather [hbm4b:s4+s24], $0x40, s13, s24, $0xb8;
	[tilespmem:$0x18A60] =	vst v63  }
0xa8: {  	s20 =	simm.s32 $0x2990;
	s14 =	sadd.s32 s28, s30  }
0xa9: {  	[tilespmem:s20], [sflag:$0x12] =	stream.linear.gather [hbm4b:s14+s3], $0x80, $0x38;
	[tilespmem:$0x18A60] =	vst v63  }
0xaa: {  	s22 =	simm.s32 $0xCA20;
	s10 =	simm.s32 $0xD;
	s15 =	sadd.s32 $0xFFFFFE80, s29  }
0xab: {  	[tilespmem:s22], [sflag:$0x6] =	stream.indirect.gather [hbm4b:s4+s24], $0x40, s15, s24, $0xb8;
	[tilespmem:$0x18A60] =	vst v63  }
0xac: {  	_ =	swait.ge [sflag:s10], $0x80  }
0xad: {  	[sflag:s10] =	ssyncset.done $0x0  }
0xae: {  	s11 =	simm.s32 $0x1;
	[sflag:s10] =	ssyncadd.s32 $0xFFFFFF80  }
0xaf: {  	_ =	swait.ge [sflag:s11], $0x2000  }
0xb0: {  	s12 =	simm.s32 $0xE;
	[sflag:s11] =	ssyncset.done $0x0  }
0xb1: {  	s10 =	simm.s32 $0x2710;
	[sflag:s11] =	ssyncadd.s32 $0xFFFFE000;
	s11 =	simm.s32 $0x2A20  }
0xb2: {  	[spmem:s1] =	stream.indirect.scatter.add.f32 [tilespmem:s11], [sflag:$0x7], $0x40, s10, s24, $0xb8;
	[tilespmem:$0x18A60] =	vst v63  }
0xb3: {  	_ =	swait.ge [sflag:s12], $0x80  }
0xb4: {  	[sflag:s12] =	ssyncset.done $0x0  }
0xb5: {  	s13 =	simm.s32 $0x2;
	[sflag:s12] =	ssyncadd.s32 $0xFFFFFF80  }
0xb6: {  	_ =	swait.ge [sflag:s13], $0x2000  }
0xb7: {  	s14 =	simm.s32 $0xF;
	[sflag:s13] =	ssyncset.done $0x0  }
0xb8: {  	s12 =	simm.s32 $0x2790;
	[sflag:s13] =	ssyncadd.s32 $0xFFFFE000;
	s13 =	simm.s32 $0x4A20  }
0xb9: {  	[spmem:s1] =	stream.indirect.scatter.add.f32 [tilespmem:s13], [sflag:$0x8], $0x40, s12, s24, $0xb8;
	[tilespmem:$0x18A60] =	vst v63  }
0xba: {  	_ =	swait.ge [sflag:s14], $0x80  }
0xbb: {  	[sflag:s14] =	ssyncset.done $0x0  }
0xbc: {  	s15 =	simm.s32 $0x3;
	[sflag:s14] =	ssyncadd.s32 $0xFFFFFF80  }
0xbd: {  	_ =	swait.ge [sflag:s15], $0x2000  }
0xbe: {  	s9 =	simm.s32 $0x7;
	[sflag:s15] =	ssyncset.done $0x0  }
0xbf: {  	s14 =	simm.s32 $0x2810;
	[sflag:s15] =	ssyncadd.s32 $0xFFFFE000;
	s15 =	simm.s32 $0x6A20  }
0xc0: {  	[spmem:s1] =	stream.indirect.scatter.add.f32 [tilespmem:s15], [sflag:$0x9], $0x40, s14, s24, $0xb8;
	[tilespmem:$0x18A60] =	vst v63  }
0xc1: {  	_ =	swait.ge [sflag:s9], $0x2000  }
0xc2: {  	[sflag:s9] =	ssyncset.done $0x0  }
0xc3: {  	[sflag:s9] =	ssyncadd.s32 $0xFFFFE000;
	s9 =	simm.s32 $0x8  }
0xc4: {  	_ =	swait.ge [sflag:s9], $0x2000  }
0xc5: {  	[sflag:s9] =	ssyncset.done $0x0  }
0xc6: {  	s30 =	simm.s32 $0x9;
	[sflag:s9] =	ssyncadd.s32 $0xFFFFE000  }
0xc7: {  	_ =	swait.ge [sflag:s30], $0x2000  }
0xc8: {  	s9 =	rddreg [dreg:$0x3];
	[sflag:s30] =	ssyncset.done $0x0  }
0xc9: {  	[sflag:s30] =	ssyncadd.s32 $0xFFFFE000;
	s9 =	sadd.s32 s28, s9  }
0xca: {  	[tilespmem:s10], [sflag:$0xD] =	stream.linear.gather [hbm4b:s9+s3], $0x80, $0x38;
	[tilespmem:$0x18A60] =	vst v63  }
0xcb: {  	s30 =	rddreg [dreg:$0x4];
	s10 =	sadd.s32 $0xFFFFFF00, s29  }
0xcc: {  	[tilespmem:s11], [sflag:$0x1] =	stream.indirect.gather [hbm4b:s4+s24], $0x40, s10, s24, $0xb8;
	[tilespmem:$0x18A60] =	vst v63  }
0xcd: {  	s11 =	sadd.s32 s28, s30  }
0xce: {  	[tilespmem:s12], [sflag:$0xE] =	stream.linear.gather [hbm4b:s11+s3], $0x80, $0x38;
	[tilespmem:$0x18A60] =	vst v63  }
0xcf: {  	s30 =	rddreg [dreg:$0x5];
	s12 =	sadd.s32 $0xFFFFFF80, s29  }
0xd0: {  	[tilespmem:s13], [sflag:$0x2] =	stream.indirect.gather [hbm4b:s4+s24], $0x40, s12, s24, $0xb8;
	[tilespmem:$0x18A60] =	vst v63  }
0xd1: {  	s13 =	sadd.s32 s28, s30  }
0xd2: {  	[tilespmem:s14], [sflag:$0xF] =	stream.linear.gather [hbm4b:s13+s3], $0x80, $0x38;
	[tilespmem:$0x18A60] =	vst v63  }
0xd3: {  	_ = 	snop  }
0xd4: {  	[tilespmem:s15], [sflag:$0x3] =	stream.indirect.gather [hbm4b:s4+s24], $0x40, s29, s24, $0xb8;
	[tilespmem:$0x18A60] =	vst v63  }
0xd5: {  	_ =	swait.ge [sflag:s6], $0x80  }
0xd6: {  	[sflag:s6] =	ssyncset.done $0x0  }
0xd7: {  	[sflag:s6] =	ssyncadd.s32 $0xFFFFFF80  }
0xd8: {  	_ =	swait.ge [sflag:s2], $0x2000  }
0xd9: {  	[sflag:s2] =	ssyncset.done $0x0  }
0xda: {  	[sflag:s2] =	ssyncadd.s32 $0xFFFFE000  }
0xdb: {  	[spmem:s1] =	stream.indirect.scatter.add.f32 [tilespmem:s17], [sflag:$0xA], $0x40, s16, s24, $0xb8;
	[tilespmem:$0x18A60] =	vst v63  }
0xdc: {  	_ =	swait.ge [sflag:s5], $0x80  }
0xdd: {  	[sflag:s5] =	ssyncset.done $0x0  }
0xde: {  	[sflag:s5] =	ssyncadd.s32 $0xFFFFFF80  }
0xdf: {  	_ =	swait.ge [sflag:s8], $0x2000  }
0xe0: {  	[sflag:s8] =	ssyncset.done $0x0  }
0xe1: {  	[sflag:s8] =	ssyncadd.s32 $0xFFFFE000  }
0xe2: {  	[spmem:s1] =	stream.indirect.scatter.add.f32 [tilespmem:s19], [sflag:$0xB], $0x40, s18, s24, $0xb8;
	[tilespmem:$0x18A60] =	vst v63  }
0xe3: {  	_ =	swait.ge [sflag:s7], $0x80  }
0xe4: {  	[sflag:s7] =	ssyncset.done $0x0  }
0xe5: {  	[sflag:s7] =	ssyncadd.s32 $0xFFFFFF80  }
0xe6: {  	_ =	swait.ge [sflag:s21], $0x2000  }
0xe7: {  	[sflag:s21] =	ssyncset.done $0x0  }
0xe8: {  	[sflag:s21] =	ssyncadd.s32 $0xFFFFE000  }
0xe9: {  	[spmem:s1] =	stream.indirect.scatter.add.f32 [tilespmem:s22], [sflag:$0xC], $0x40, s20, s24, $0xb8;
	[tilespmem:$0x18A60] =	vst v63  }
0xea: {  	_ =	swait.ge [sflag:s23], $0x2000  }
0xeb: {  	[sflag:s23] =	ssyncset.done $0x0  }
0xec: {  	p5 =	sne.s32 s31, $0x420;
	[sflag:s23] =	ssyncadd.s32 $0xFFFFE000  }
.Ltmp0:
0xed: {  	_ =	swait.ge [sflag:s25], $0x2000;
	(pc) =	sbr.rel @p5 .LBB2_2-.Ltmp0, $4  }
0xee: {  	[sflag:s25] =	ssyncset.done $0x0  }
0xef: {  	[sflag:s25] =	ssyncadd.s32 $0xFFFFE000  }
0xf0: {  	s0 =	smov.u32 s31;
	s31 =	sadd.s32 $0x60, s31;
	_ =	swait.ge [sflag:s26], $0x2000  }
0xf1: {  	s28 =	smov.u32 s0;
	s30 =	rddreg [dreg:$0x8];
	[sflag:s26] =	ssyncset.done $0x0  }
0xf2: {  	[sflag:s26] =	ssyncadd.s32 $0xFFFFE000  }
0xf3: {  	s0 =	sadd.s32 $0x300, s29;
	s9 =	sadd.s32 s28, s30;
	s10 =	simm.s32 $0x2890  }
0xf4: {  	[tilespmem:s10], [sflag:$0x10] =	stream.linear.gather [hbm4b:s9+s3], $0x80, $0x38;
	[tilespmem:$0x18A60] =	vst v63  }
0xf5: {  	s29 =	rddreg [dreg:$0x7];
	s19 =	simm.s32 $0x8A20;
	s18 =	sadd.s32 $0xFFFFFD80, s0  }
0xf6: {  	[tilespmem:s19], [sflag:$0x4] =	stream.indirect.gather [hbm4b:s4+s24], $0x40, s18, s24, $0xb8;
	[tilespmem:$0x18A60] =	vst v63  }
0xf7: {  	s22 =	simm.s32 $0x2910;
	s20 =	sadd.s32 s28, s29  }
0xf8: {  	[tilespmem:s22], [sflag:$0x11] =	stream.linear.gather [hbm4b:s20+s3], $0x80, $0x38;
	[tilespmem:$0x18A60] =	vst v63  }
0xf9: {  	s11 =	simm.s32 $0xAA20;
	s29 =	rddreg [dreg:$0x6];
	s10 =	sadd.s32 $0xFFFFFE00, s0  }
0xfa: {  	[tilespmem:s11], [sflag:$0x5] =	stream.indirect.gather [hbm4b:s4+s24], $0x40, s10, s24, $0xb8;
	[tilespmem:$0x18A60] =	vst v63  }
0xfb: {  	s13 =	simm.s32 $0x2990;
	s12 =	sadd.s32 s28, s29  }
0xfc: {  	[tilespmem:s13], [sflag:$0x12] =	stream.linear.gather [hbm4b:s12+s3], $0x80, $0x38;
	[tilespmem:$0x18A60] =	vst v63  }
0xfd: {  	s15 =	simm.s32 $0xCA20;
	s14 =	sadd.s32 $0xFFFFFE80, s0;
	s22 =	simm.s32 $0xD  }
0xfe: {  	[tilespmem:s15], [sflag:$0x6] =	stream.indirect.gather [hbm4b:s4+s24], $0x40, s14, s24, $0xb8;
	[tilespmem:$0x18A60] =	vst v63  }
0xff: {  	_ =	swait.ge [sflag:s22], $0x80  }
0x100: {  	[sflag:s22] =	ssyncset.done $0x0  }
0x101: {  	s31 =	simm.s32 $0x1;
	[sflag:s22] =	ssyncadd.s32 $0xFFFFFF80  }
0x102: {  	_ =	swait.ge [sflag:s31], $0x2000  }
0x103: {  	[sflag:s31] =	ssyncset.done $0x0  }
0x104: {  	s16 =	simm.s32 $0x2710;
	s17 =	simm.s32 $0x2A20;
	[sflag:s31] =	ssyncadd.s32 $0xFFFFE000  }
0x105: {  	[spmem:s1] =	stream.indirect.scatter.add.f32 [tilespmem:s17], [sflag:$0x7], $0x40, s16, s24, $0xb8;
	[tilespmem:$0x18A60] =	vst v63  }
0x106: {  	s16 =	simm.s32 $0xE  }
0x107: {  	_ =	swait.ge [sflag:s16], $0x80  }
0x108: {  	[sflag:s16] =	ssyncset.done $0x0  }
0x109: {  	s11 =	simm.s32 $0x2;
	[sflag:s16] =	ssyncadd.s32 $0xFFFFFF80  }
0x10a: {  	_ =	swait.ge [sflag:s11], $0x2000  }
0x10b: {  	s30 =	simm.s32 $0x4A20;
	[sflag:s11] =	ssyncset.done $0x0  }
0x10c: {  	s18 =	simm.s32 $0x2790;
	s12 =	simm.s32 $0xF;
	[sflag:s11] =	ssyncadd.s32 $0xFFFFE000  }
0x10d: {  	[spmem:s1] =	stream.indirect.scatter.add.f32 [tilespmem:s30], [sflag:$0x8], $0x40, s18, s24, $0xb8;
	[tilespmem:$0x18A60] =	vst v63  }
0x10e: {  	_ =	swait.ge [sflag:s12], $0x80  }
0x10f: {  	[sflag:s12] =	ssyncset.done $0x0  }
0x110: {  	s13 =	simm.s32 $0x3;
	[sflag:s12] =	ssyncadd.s32 $0xFFFFFF80  }
0x111: {  	_ =	swait.ge [sflag:s13], $0x2000  }
0x112: {  	s19 =	simm.s32 $0x2810;
	[sflag:s13] =	ssyncset.done $0x0  }
0x113: {  	s20 =	simm.s32 $0x6A20;
	s17 =	simm.s32 $0x7;
	[sflag:s13] =	ssyncadd.s32 $0xFFFFE000  }
0x114: {  	[spmem:s1] =	stream.indirect.scatter.add.f32 [tilespmem:s20], [sflag:$0x9], $0x40, s19, s24, $0xb8;
	[tilespmem:$0x18A60] =	vst v63  }
0x115: {  	_ =	swait.ge [sflag:s17], $0x2000  }
0x116: {  	[sflag:s17] =	ssyncset.done $0x0  }
0x117: {  	s14 =	simm.s32 $0x8;
	[sflag:s17] =	ssyncadd.s32 $0xFFFFE000  }
0x118: {  	_ =	swait.ge [sflag:s14], $0x2000  }
0x119: {  	[sflag:s14] =	ssyncset.done $0x0  }
0x11a: {  	s15 =	simm.s32 $0x9;
	[sflag:s14] =	ssyncadd.s32 $0xFFFFE000  }
0x11b: {  	_ =	swait.ge [sflag:s15], $0x2000  }
0x11c: {  	s9 =	rddreg [dreg:$0x3];
	[sflag:s15] =	ssyncset.done $0x0  }
0x11d: {  	s10 =	simm.s32 $0x2710;
	[sflag:s15] =	ssyncadd.s32 $0xFFFFE000;
	s9 =	sadd.s32 s28, s9  }
0x11e: {  	[tilespmem:s10], [sflag:$0xD] =	stream.linear.gather [hbm4b:s9+s3], $0x80, $0x38;
	[tilespmem:$0x18A60] =	vst v63  }
0x11f: {  	s29 =	rddreg [dreg:$0x4];
	s9 =	sadd.s32 $0xFFFFFF00, s0;
	s10 =	simm.s32 $0x2A20  }
0x120: {  	[tilespmem:s10], [sflag:$0x1] =	stream.indirect.gather [hbm4b:s4+s24], $0x40, s9, s24, $0xb8;
	[tilespmem:$0x18A60] =	vst v63  }
0x121: {  	s18 =	simm.s32 $0x2790;
	s10 =	sadd.s32 s28, s29  }
0x122: {  	[tilespmem:s18], [sflag:$0xE] =	stream.linear.gather [hbm4b:s10+s3], $0x80, $0x38;
	[tilespmem:$0x18A60] =	vst v63  }
0x123: {  	s29 =	rddreg [dreg:$0x5];
	s10 =	sadd.s32 $0xFFFFFF80, s0  }
0x124: {  	[tilespmem:s30], [sflag:$0x2] =	stream.indirect.gather [hbm4b:s4+s24], $0x40, s10, s24, $0xb8;
	[tilespmem:$0x18A60] =	vst v63  }
0x125: {  	s19 =	simm.s32 $0x2810;
	s18 =	sadd.s32 s28, s29  }
0x126: {  	[tilespmem:s19], [sflag:$0xF] =	stream.linear.gather [hbm4b:s18+s3], $0x80, $0x38;
	[tilespmem:$0x18A60] =	vst v63  }
0x127: {  	_ = 	snop  }
0x128: {  	[tilespmem:s20], [sflag:$0x3] =	stream.indirect.gather [hbm4b:s4+s24], $0x40, s0, s24, $0xb8;
	[tilespmem:$0x18A60] =	vst v63  }
0x129: {  	_ =	swait.ge [sflag:s6], $0x80  }
0x12a: {  	[sflag:s6] =	ssyncset.done $0x0  }
0x12b: {  	[sflag:s6] =	ssyncadd.s32 $0xFFFFFF80  }
0x12c: {  	_ =	swait.ge [sflag:s2], $0x2000  }
0x12d: {  	[sflag:s2] =	ssyncset.done $0x0  }
0x12e: {  	s18 =	simm.s32 $0x2890;
	s19 =	simm.s32 $0x8A20;
	[sflag:s2] =	ssyncadd.s32 $0xFFFFE000  }
0x12f: {  	[spmem:s1] =	stream.indirect.scatter.add.f32 [tilespmem:s19], [sflag:$0xA], $0x40, s18, s24, $0xb8;
	[tilespmem:$0x18A60] =	vst v63  }
0x130: {  	_ =	swait.ge [sflag:s5], $0x80  }
0x131: {  	[sflag:s5] =	ssyncset.done $0x0  }
0x132: {  	[sflag:s5] =	ssyncadd.s32 $0xFFFFFF80  }
0x133: {  	_ =	swait.ge [sflag:s8], $0x2000  }
0x134: {  	[sflag:s8] =	ssyncset.done $0x0  }
0x135: {  	s29 =	simm.s32 $0x2910;
	s10 =	simm.s32 $0xAA20;
	[sflag:s8] =	ssyncadd.s32 $0xFFFFE000  }
0x136: {  	[spmem:s1] =	stream.indirect.scatter.add.f32 [tilespmem:s10], [sflag:$0xB], $0x40, s29, s24, $0xb8;
	[tilespmem:$0x18A60] =	vst v63  }
0x137: {  	_ =	swait.ge [sflag:s7], $0x80  }
0x138: {  	[sflag:s7] =	ssyncset.done $0x0  }
0x139: {  	[sflag:s7] =	ssyncadd.s32 $0xFFFFFF80  }
0x13a: {  	_ =	swait.ge [sflag:s21], $0x2000  }
0x13b: {  	[sflag:s21] =	ssyncset.done $0x0  }
0x13c: {  	s9 =	simm.s32 $0x2990;
	s28 =	simm.s32 $0xCA20;
	[sflag:s21] =	ssyncadd.s32 $0xFFFFE000  }
0x13d: {  	[spmem:s1] =	stream.indirect.scatter.add.f32 [tilespmem:s28], [sflag:$0xC], $0x40, s9, s24, $0xb8;
	[tilespmem:$0x18A60] =	vst v63  }
0x13e: {  	_ =	swait.ge [sflag:s23], $0x2000  }
0x13f: {  	[sflag:s23] =	ssyncset.done $0x0  }
0x140: {  	[sflag:s23] =	ssyncadd.s32 $0xFFFFE000  }
0x141: {  	_ =	swait.ge [sflag:s25], $0x2000  }
0x142: {  	[sflag:s25] =	ssyncset.done $0x0  }
0x143: {  	[sflag:s25] =	ssyncadd.s32 $0xFFFFE000  }
0x144: {  	_ =	swait.ge [sflag:s26], $0x2000  }
0x145: {  	[sflag:s26] =	ssyncset.done $0x0  }
0x146: {  	s0 =	rddreg [dreg:$0x12];
	[sflag:s26] =	ssyncadd.s32 $0xFFFFE000  }
0x147: {  	[tilespmem:s18], [sflag:$0x10] =	stream.linear.gather [hbm4b:s0+s3], $0x80, $0x38;
	[tilespmem:$0x18A60] =	vst v63  }
0x148: {  	s0 =	simm.s32 $0x2580  }
0x149: {  	[tilespmem:s19], [sflag:$0x4] =	stream.indirect.gather [hbm4b:s4+s24], $0x40, s0, s24, $0xb8;
	[tilespmem:$0x18A60] =	vst v63  }
0x14a: {  	s0 =	rddreg [dreg:$0x13]  }
0x14b: {  	[tilespmem:s29], [sflag:$0x11] =	stream.linear.gather [hbm4b:s0+s3], $0x80, $0x38;
	[tilespmem:$0x18A60] =	vst v63  }
0x14c: {  	s0 =	simm.s32 $0x2600  }
0x14d: {  	[tilespmem:s10], [sflag:$0x5] =	stream.indirect.gather [hbm4b:s4+s24], $0x40, s0, s24, $0xb8;
	[tilespmem:$0x18A60] =	vst v63  }
0x14e: {  	s0 =	rddreg [dreg:$0x15]  }
0x14f: {  	[tilespmem:s9], [sflag:$0x12] =	stream.linear.gather [hbm4b:s0+s3], $0x80, $0x38;
	[tilespmem:$0x18A60] =	vst v63  }
0x150: {  	s0 =	simm.s32 $0x2680  }
0x151: {  	[tilespmem:s28], [sflag:$0x6] =	stream.indirect.gather [hbm4b:s4+s24], $0x40, s0, s24, $0xb8;
	[tilespmem:$0x18A60] =	vst v63  }
0x152: {  	_ =	swait.ge [sflag:s22], $0x80  }
0x153: {  	[sflag:s22] =	ssyncset.done $0x0  }
0x154: {  	[sflag:s22] =	ssyncadd.s32 $0xFFFFFF80  }
0x155: {  	_ =	swait.ge [sflag:s31], $0x2000  }
0x156: {  	[sflag:s31] =	ssyncset.done $0x0  }
0x157: {  	s28 =	simm.s32 $0x2A20;
	s22 =	simm.s32 $0x2710;
	[sflag:s31] =	ssyncadd.s32 $0xFFFFE000  }
0x158: {  	[spmem:s1] =	stream.indirect.scatter.add.f32 [tilespmem:s28], [sflag:$0x7], $0x40, s22, s24, $0xb8;
	[tilespmem:$0x18A60] =	vst v63  }
0x159: {  	_ =	swait.ge [sflag:s16], $0x80  }
0x15a: {  	[sflag:s16] =	ssyncset.done $0x0  }
0x15b: {  	[sflag:s16] =	ssyncadd.s32 $0xFFFFFF80  }
0x15c: {  	_ =	swait.ge [sflag:s11], $0x2000  }
0x15d: {  	[sflag:s11] =	ssyncset.done $0x0  }
0x15e: {  	s28 =	simm.s32 $0x2790;
	[sflag:s11] =	ssyncadd.s32 $0xFFFFE000  }
0x15f: {  	[spmem:s1] =	stream.indirect.scatter.add.f32 [tilespmem:s30], [sflag:$0x8], $0x40, s28, s24, $0xb8;
	[tilespmem:$0x18A60] =	vst v63  }
0x160: {  	_ =	swait.ge [sflag:s12], $0x80  }
0x161: {  	[sflag:s12] =	ssyncset.done $0x0  }
0x162: {  	[sflag:s12] =	ssyncadd.s32 $0xFFFFFF80  }
0x163: {  	_ =	swait.ge [sflag:s13], $0x2000  }
0x164: {  	[sflag:s13] =	ssyncset.done $0x0  }
0x165: {  	[sflag:s13] =	ssyncadd.s32 $0xFFFFE000;
	s13 =	simm.s32 $0x2810  }
0x166: {  	[spmem:s1] =	stream.indirect.scatter.add.f32 [tilespmem:s20], [sflag:$0x9], $0x40, s13, s24, $0xb8;
	[tilespmem:$0x18A60] =	vst v63  }
0x167: {  	_ =	swait.ge [sflag:s17], $0x2000  }
0x168: {  	[sflag:s17] =	ssyncset.done $0x0  }
0x169: {  	[sflag:s17] =	ssyncadd.s32 $0xFFFFE000  }
0x16a: {  	_ =	swait.ge [sflag:s14], $0x2000  }
0x16b: {  	[sflag:s14] =	ssyncset.done $0x0  }
0x16c: {  	[sflag:s14] =	ssyncadd.s32 $0xFFFFE000  }
0x16d: {  	_ =	swait.ge [sflag:s15], $0x2000  }
0x16e: {  	[sflag:s15] =	ssyncset.done $0x0  }
0x16f: {  	[sflag:s15] =	ssyncadd.s32 $0xFFFFE000  }
0x170: {  	_ =	swait.ge [sflag:s6], $0x80  }
0x171: {  	[sflag:s6] =	ssyncset.done $0x0  }
0x172: {  	[sflag:s6] =	ssyncadd.s32 $0xFFFFFF80  }
0x173: {  	_ =	swait.ge [sflag:s2], $0x2000  }
0x174: {  	[sflag:s2] =	ssyncset.done $0x0  }
0x175: {  	s18 =	simm.s32 $0x2890;
	s19 =	simm.s32 $0x8A20;
	[sflag:s2] =	ssyncadd.s32 $0xFFFFE000  }
0x176: {  	[spmem:s1] =	stream.indirect.scatter.add.f32 [tilespmem:s19], [sflag:$0xA], $0x40, s18, s24, $0xb8;
	[tilespmem:$0x18A60] =	vst v63  }
0x177: {  	_ =	swait.ge [sflag:s5], $0x80  }
0x178: {  	[sflag:s5] =	ssyncset.done $0x0  }
0x179: {  	[sflag:s5] =	ssyncadd.s32 $0xFFFFFF80  }
0x17a: {  	_ =	swait.ge [sflag:s8], $0x2000  }
0x17b: {  	[sflag:s8] =	ssyncset.done $0x0  }
0x17c: {  	s29 =	simm.s32 $0x2910;
	s10 =	simm.s32 $0xAA20;
	[sflag:s8] =	ssyncadd.s32 $0xFFFFE000  }
0x17d: {  	[spmem:s1] =	stream.indirect.scatter.add.f32 [tilespmem:s10], [sflag:$0xB], $0x40, s29, s24, $0xb8;
	[tilespmem:$0x18A60] =	vst v63  }
0x17e: {  	_ =	swait.ge [sflag:s7], $0x80  }
0x17f: {  	[sflag:s7] =	ssyncset.done $0x0  }
0x180: {  	[sflag:s7] =	ssyncadd.s32 $0xFFFFFF80  }
0x181: {  	_ =	swait.ge [sflag:s21], $0x2000  }
0x182: {  	[sflag:s21] =	ssyncset.done $0x0  }
0x183: {  	s9 =	simm.s32 $0x2990;
	s0 =	simm.s32 $0xCA20;
	[sflag:s21] =	ssyncadd.s32 $0xFFFFE000  }
0x184: {  	[spmem:s1] =	stream.indirect.scatter.add.f32 [tilespmem:s0], [sflag:$0xC], $0x40, s9, s24, $0xb8;
	[tilespmem:$0x18A60] =	vst v63  }
0x185: {  	_ =	swait.ge [sflag:s23], $0x2000  }
0x186: {  	[sflag:s23] =	ssyncset.done $0x0  }
0x187: {  	[sflag:s23] =	ssyncadd.s32 $0xFFFFE000  }
0x188: {  	_ =	swait.ge [sflag:s25], $0x2000  }
0x189: {  	[sflag:s25] =	ssyncset.done $0x0  }
0x18a: {  	[sflag:s25] =	ssyncadd.s32 $0xFFFFE000  }
0x18b: {  	_ =	swait.ge [sflag:s26], $0x2000  }
0x18c: {  	s16 =	simm.s32 $0x2A10;
	[sflag:s26] =	ssyncset.done $0x0  }
0x18d: {  	s18 =	simm.s32 $0x13;
	s15 =	rddreg [dreg:$0x16];
	[sflag:s26] =	ssyncadd.s32 $0xFFFFE000  }
0x18e: {  	[tilespmem:s16], [sflag:$0x13] =	stream.linear.gather [hbm4b:s15+s3], $0x10, $0x38;
	[tilespmem:$0x18A60] =	vst v63  }
0x18f: {  	_ =	swait.ge [sflag:s18], $0x10  }
0x190: {  	[sflag:s18] =	ssyncset.done $0x0  }
0x191: {  	s20 =	simm.s32 $0xEA20;
	s19 =	simm.s32 $0x2700;
	[sflag:s18] =	ssyncadd.s32 $0xFFFFFFF0  }
0x192: {  	[tilespmem:s20], [sflag:$0x1] =	stream.indirect.gather [hbm4b:s4+s6], $0x40, s19, s6, $0xb8;
	[tilespmem:$0x18A60] =	vst v63  }
0x193: {  	_ =	swait.ge [sflag:s31], $0x400  }
0x194: {  	[sflag:s31] =	ssyncset.done $0x0  }
0x195: {  	[sflag:s31] =	ssyncadd.s32 $0xFFFFFC00  }
0x196: {  	[spmem:s1] =	stream.indirect.scatter.add.f32 [tilespmem:s20], [sflag:$0x7], $0x40, s16, s6, $0xb8;
	[tilespmem:$0x18A60] =	vst v63  }
0x197: {  	_ =	swait.ge [sflag:s17], $0x400  }
0x198: {  	[sflag:s17] =	ssyncset.done $0x0  }
0x199: {  	[sflag:s17] =	ssyncadd.s32 $0xFFFFFC00  }
0x19a: {  	[bflag:$0x0] =	sbarrier.arrive $0xFFFF  }
0x19b: {  	s30 =	rddreg [dreg:$0xb]  }
0x19c: {  	s9 =	simm.s32 @p4 $0x1FD3;
	s28 =	rddreg [dreg:$0x17];
	s0 =	sshrl.u32 @p4 s30, $0x3  }
0x19d: {  	[hbm:s28], [sflag:s9] =	dma.local @p4 [spmem:s0], $0x1400  }
0x19e: {  	s0 =	simm.s32 @p4 $0x13  }
0x19f: {  	_ =	swait.ge @p4 [sflag:s0], $0x1400  }
0x1a0: {  	s29 =	stileid.u32;
	s31 =	rddreg [dreg:$0xc]  }
0x1a1: {  	s9 =	sshll.u32 @!p4 s29, $0x6;
	[sflag:s0] =	ssyncset.done @p4 $0x0;
	s28 =	rddreg [dreg:$0x14]  }
0x1a2: {  	[sflag:s0] =	ssyncadd.s32 @p4 $0xFFFFEC00;
	s0 =	sor.u32 @!p4 $0x1C13, s9;
	s9 =	sshrl.u32 @!p4 s31, $0x3  }
0x1a3: {  	[hbm:s28], [sflag:s0] =	dma.local @!p4 [spmem:s9], $0x1380  }
0x1a4: {  	s0 =	simm.s32 @!p4 $0x13  }
0x1a5: {  	_ =	swait.ge @!p4 [sflag:s0], $0x1380  }
0x1a6: {  	s22 =	rddreg [dreg:$0x1a]  }
0x1a7: {  	s28 =	rddreg [dreg:$0x18];
	s10 =	sadd.s32 $0x1, s22  }
0x1a8: {  	p5 =	sne.s32 s10, s28  }
.Ltmp1:
0x1a9: {  	_ = 	snop;
	(pc) =	sbr.rel @p5 .LBB2_1-.Ltmp1, $3  }
0x1aa: {  	_ =	sdelay $0x1  }
0x1ab: {  	[sflag:s0] =	ssyncset.done @!p4 $0x0  }
0x1ac: {  	s9 =	simm.s32 $0x13;
	[sflag:s0] =	ssyncadd.s32 @!p4 $0xFFFFEC80  }
0x1ad: {  	_ =	sfence.sel $0x180000  }
0x1ae: {  	[bflag:$0x0] =	sbarrier.arrive $0xFFFF  }
0x1af: {  	_ =	strace $0x9000004A  }
0x1b0: {  	[bflag:$0x2] =	sbarrier.arrive $0xFFFF  }
0x1b1: {  	p0 =	sne.s32 s29, $0x0;
	s0 =	rddreg [dreg:$0x2]  }
0x1b2: {  	s0 =	sadd.s32 @!p0 $0x100000, s0  }
0x1b3: {  	[sflag:s0] =	ssyncadd.tile.s32 @!p0 $0x1;
	_ =	shalt  }
.Lfunc_end2:
_tile_overlayer_lowered:
.L_overlay_start_2:
0x1b4: {  	(tag) =	ssettag $0x2  }
0x1b5: {  	s0 =	rddreg [dreg:$0x0];
	s2 =	stileid.u32  }
0x1b6: {  	s1 =	rddreg [dreg:$0x1];
	p0 =	sne.s32 s2, $0x0  }
0x1b7: {  	s3 =	rddreg [dreg:$0x2];
	[bflag:$0x3] =	sbarrier.arrive $0xFFFF;
	s2 =	simm.s32 @!p0 $0x1C13  }
0x1b8: {  	[timem:s3], [sflag:s2] =	dma.local @!p0 [hbm:s0], s1  }
0x1b9: {  	s0 =	simm.s32 @!p0 $0x13  }
0x1ba: {  	_ =	swait.ge @!p0 [sflag:s0], s1  }
0x1bb: {  	s1 =	ssub.s32 @!p0 $0x0, s1;
	[sflag:s0] =	ssyncset.done @!p0 $0x0  }
0x1bc: {  	[sflag:s0] =	ssyncadd.s32 @!p0 s1  }
0x1bd: {  	[bflag:$0x3] =	sbarrier.arrive $0xFFFF  }
0x1be: {  	_ =	shalt  }

// kernel: kernel.15.cloned.1.call-start
scs
__scs_entry_jumppad:
0x0: {  	(pc) =	sbr.rel $0x88, $3  }
0x1: {  	(tag) =	ssettag $0x0;
	lr =	simm.s32 $0x1  }
0x2: {  	[smem:$0x3F98] =	sst lr;
	_ =	strace $0xD0000000  }
0x3: {  	_ = 	snop  }
0x4: {  	_ = 	snop  }
0x5: {  	_ = 	snop  }
0x6: {  	_ = 	snop  }
0x7: {  	_ = 	snop  }
__scs_overlays_trampoline_lowered:
0x8: {  	[smem:$0x3FA7] =	sst s0  }
0x9: {  	[smem:$0x3FA8] =	sst s1  }
0xa: {  	[smem:$0x3FA9] =	sst s2  }
0xb: {  	[smem:$0x3FAA] =	sst s3  }
0xc: {  	[smem:$0x3FAB] =	sst s4  }
0xd: {  	[smem:$0x3FAC] =	sst s5  }
0xe: {  	[smem:$0x3FAD] =	sst s6  }
0xf: {  	[smem:$0x3FAE] =	sst s7  }
0x10: {  	[smem:$0x3FAF] =	sst s8  }
0x11: {  	[smem:$0x3FB0] =	sst s9;
	s0 =	simm.s32 @!p0 $0x0  }
0x12: {  	s1 =	sld [smem:$0x3F96];
	s0 =	simm.s32 @p0 $0x1  }
0x13: {  	[smem:$0x3FB1] =	sst s0;
	s0 =	simm.s32 @!p1 $0x0  }
0x14: {  	s2 =	sld [smem:$0x3F95];
	s0 =	simm.s32 @p1 $0x1  }
0x15: {  	[smem:$0x3FB2] =	sst s0;
	s0 =	simm.s32 @!p2 $0x0  }
0x16: {  	s3 =	sld [smem:$0x3FDB];
	s0 =	simm.s32 @p2 $0x1  }
0x17: {  	s4 =	simm.s32 $0x1BF5;
	[smem:$0x3FB4] =	sst s0  }
0x18: {  	s0 =	sld [smem:$0x3F97];
	_ =	swait.ge [sflag:s4], $0x0  }
0x19: {  	s7 =	sld [smem:$0x3F98]  }
0x1a: {  	s8 =	sadd.s32 $0xFFFFE003, lr  }
0x1b: {  	s9 =	sadd.s32 $0xFFFFFEF7, lr;
	s5 =	simm.s32 $0xFFFFFFFF;
	p2 =	slt.u32 s8, $0xFFFFF086  }
0x1c: {  	p1 =	slt.u32 s9, $0xF7A;
	s5 =	simm.s32 @!p2 $0x0  }
0x1d: {  	s5 =	simm.s32 @p1 $0x1;
	p0 =	seq.s32 s7, s2  }
0x1e: {  	s7 =	smul.u32 @!p0 $0xF7A, s2;
	p2 =	seq.s32 @!p0 s5, $0x0  }
0x1f: {  	s9 =	smul.u32 $0xF7A, s1;
	s8 =	simm.s32 @!p0 $0x1BF5;
	p2 =	por !p2, p0  }
0x20: {  	[sflag:s8] =	ssyncset.s32 @!p0 $0xFFFFF086;
	s6 =	sadd.s32 @!p0 s3, s7;
	s7 =	simm.s32 @!p0 $0x108  }
0x21: {  	s3 =	sadd.s32 s3, s9;
	s6 =	sadd.s32 @!p0 $0x88, s6;
	s7 =	simm.s32 @p2 $0x1082  }
0x22: {  	[simem:s7], [sflag:s8] =	dma.local @!p0 [hbm:s6], $0xF7A  }
0x23: {  	s9 =	sor.u32 $0xD0000000, s2;
	s6 =	simm.s32 $0x108;
	_ =	swait.ge @!p0 [sflag:s8], $0x0  }
0x24: {  	s3 =	sadd.s32 $0x88, s3;
	s6 =	simm.s32 @!p1 $0x1082;
	[sflag:s4] =	ssyncset.s32 $0xFFFFF086  }
0x25: {  	[simem:s6], [sflag:s4] =	dma.local [hbm:s3], $0xF7A  }
0x26: {  	[smem:$0x3F98] =	sst s1;
	(tag) =	ssettag s2;
	_ =	strace s9  }
0x27: {  	s1 =	sld [smem:$0x3FA8]  }
0x28: {  	s2 =	sld [smem:$0x3FA9]  }
0x29: {  	s4 =	sld [smem:$0x3FAB]  }
0x2a: {  	p0 =	seq.s32 s5, $0x0;
	s5 =	sld [smem:$0x3FAC]  }
0x2b: {  	s6 =	sld [smem:$0x3FAD]  }
0x2c: {  	s7 =	sld [smem:$0x3FAE]  }
0x2d: {  	s3 =	simm.s32 $0x108;
	s8 =	sld [smem:$0x3FAF]  }
0x2e: {  	s3 =	simm.s32 @!p0 $0x1082;
	s9 =	sld [smem:$0x3FB0]  }
0x2f: {  	lr =	sadd.s32 s0, s3;
	s0 =	sld [smem:$0x3FA7]  }
0x30: {  	s3 =	sld [smem:$0x3FAA]  }
0x31: {  	[smem:$0x3FB3] =	sst s10  }
0x32: {  	s10 =	sld [smem:$0x3FB1];
	_ =	sdelay $0x3  }
0x33: {  	p0 =	seq.s32 s10, $0x1;
	s10 =	sld [smem:$0x3FB3];
	_ =	sdelay $0x3  }
0x34: {  	[smem:$0x3FB3] =	sst s10  }
0x35: {  	s10 =	sld [smem:$0x3FB2];
	_ =	sdelay $0x3  }
0x36: {  	p1 =	seq.s32 s10, $0x1;
	s10 =	sld [smem:$0x3FB3];
	_ =	sdelay $0x3  }
0x37: {  	[smem:$0x3FB3] =	sst s10  }
0x38: {  	s10 =	sld [smem:$0x3FB4]  }
0x39: {  	_ = 	snop;
	(pc) =	sbr.ind lr, $3  }
0x3a: {  	_ = 	snop  }
0x3b: {  	_ = 	snop  }
0x3c: {  	p2 =	seq.s32 s10, $0x1;
	s10 =	sld [smem:$0x3FB3]  }
0x3d: {  	_ =	shalt  }
0x3e: {  	_ =	shalt  }
0x3f: {  	_ =	shalt  }
0x40: {  	_ =	shalt  }
0x41: {  	_ =	shalt  }
0x42: {  	_ =	shalt  }
0x43: {  	_ =	shalt  }
0x44: {  	_ =	shalt  }
0x45: {  	_ =	shalt  }
0x46: {  	_ =	shalt  }
0x47: {  	_ =	shalt  }
0x48: {  	_ =	shalt  }
0x49: {  	_ =	shalt  }
0x4a: {  	_ =	shalt  }
0x4b: {  	_ =	shalt  }
0x4c: {  	_ =	shalt  }
0x4d: {  	_ =	shalt  }
0x4e: {  	_ =	shalt  }
0x4f: {  	_ =	shalt  }
0x50: {  	_ =	shalt  }
0x51: {  	_ =	shalt  }
0x52: {  	_ =	shalt  }
0x53: {  	_ =	shalt  }
0x54: {  	_ =	shalt  }
0x55: {  	_ =	shalt  }
0x56: {  	_ =	shalt  }
0x57: {  	_ =	shalt  }
0x58: {  	_ =	shalt  }
0x59: {  	_ =	shalt  }
0x5a: {  	_ =	shalt  }
0x5b: {  	_ =	shalt  }
0x5c: {  	_ =	shalt  }
0x5d: {  	_ =	shalt  }
0x5e: {  	_ =	shalt  }
0x5f: {  	_ =	shalt  }
0x60: {  	_ =	shalt  }
0x61: {  	_ =	shalt  }
0x62: {  	_ =	shalt  }
0x63: {  	_ =	shalt  }
0x64: {  	_ =	shalt  }
0x65: {  	_ =	shalt  }
0x66: {  	_ =	shalt  }
0x67: {  	_ =	shalt  }
0x68: {  	_ =	shalt  }
0x69: {  	_ =	shalt  }
0x6a: {  	_ =	shalt  }
0x6b: {  	_ =	shalt  }
0x6c: {  	_ =	shalt  }
0x6d: {  	_ =	shalt  }
0x6e: {  	_ =	shalt  }
0x6f: {  	_ =	shalt  }
0x70: {  	_ =	shalt  }
0x71: {  	_ =	shalt  }
0x72: {  	_ =	shalt  }
0x73: {  	_ =	shalt  }
0x74: {  	_ =	shalt  }
0x75: {  	_ =	shalt  }
0x76: {  	_ =	shalt  }
0x77: {  	_ =	shalt  }
0x78: {  	_ =	shalt  }
0x79: {  	_ =	shalt  }
0x7a: {  	_ =	shalt  }
0x7b: {  	_ =	shalt  }
0x7c: {  	_ =	shalt  }
0x7d: {  	_ =	shalt  }
0x7e: {  	_ =	shalt  }
0x7f: {  	_ =	shalt  }
0x80: {  	_ =	shalt  }
0x81: {  	_ =	shalt  }
0x82: {  	_ =	shalt  }
0x83: {  	_ =	shalt  }
0x84: {  	_ =	shalt  }
0x85: {  	_ =	shalt  }
0x86: {  	_ =	shalt  }
0x87: {  	_ =	shalt  }
.Lfunc_end0:
.L_simem_size_0:
called_computation.2_lowered:
.L_overlay_start_0:
0x88: {  	s2 =	sld [smem:$0x3FD9]  }
0x89: {  	s3 =	sld [smem:$0x3FFE];
	_ =	sdelay $0x1  }
0x8a: {  	s1 =	srdreg.scid  }
0x8b: {  	s0 =	sand.u32 $0x1, s1  }
0x8c: {  	s16 =	sshll.u32 s0, $0xA;
	s2 =	sadd.s32 s3, s2  }
0x8d: {  	s2 =	sadd.s32 s2, s16  }
0x8e: {  	[smem:$0x3FBF] =	sst s2  }
0x8f: {  	_ = 	snop  }
0x90: {  	(tm) =	ssettm $0x1  }
0x91: {  	s17 =	sld [smem:$0x3FFB];
	_ =	sdelay $0x3  }
0x92: {  	_ =	strace s17  }
0x93: {  	s2 =	sld [smem:$0x3FFC];
	_ =	sdelay $0x3  }
0x94: {  	_ =	strace s2  }
0x95: {  	s2 =	sld [smem:$0x3FFD];
	_ =	sdelay $0x3  }
0x96: {  	_ =	strace s2  }
0x97: {  	_ =	strace $0x8FFFFFFF  }
0x98: {  	s18 =	sld [smem:$0x3FDB];
	_ =	sdelay $0x1  }
0x99: {  	s19 =	simm.s32 $_scs_section_size  }
0x9a: {  	s4 =	simm.s32 $_size__tile_overlayer_lowered;
	s5 =	simm.s32 $_tile_overlayer_lowered  }
0x9b: {  	s22 =	simm.s32 $0x1BFF;
	s21 =	sshll.u32 s5, $0x1;
	s2 =	sadd.s32 s19, s18  }
0x9c: {  	s6 =	simm.s32 $0x0;
	s20 =	sshll.u32 s4, $0x1;
	s4 =	sadd.s32 s21, s2  }
0x9d: {  	[timem:s6], [sflag:s22] =	dma.local [hbm:s4], s20  }
0x9e: {  	_ =	swait.ge [sflag:s22], s20  }
0x9f: {  	s3 =	ssub.s32 $0x0, s20;
	[sflag:s22] =	ssyncset.done $0x0  }
0xa0: {  	[sflag:s22] =	ssyncadd.s32 s3;
	_ =	sdelay $0x1  }
0xa1: {  	s23 =	simm.s32 $0x1B8B  }
0xa2: {  	_ =	swait.ge [sflag:s23], $0x1  }
0xa3: {  	[sflag:s23] =	ssyncset.done $0x0  }
0xa4: {  	s25 =	simm.s32 $0x1B8E;
	s24 =	sld [smem:$0x3FFE];
	[sflag:s23] =	ssyncadd.s32 $0xFFFFFFFF  }
0xa5: {  	s26 =	simm.s32 $execute0_lowered;
	[smem:$0x3FD2] =	sst s25  }
0xa6: {  	s4 =	sshll.u32 s26, $0x1;
	_ =	strace $0x8000004C;
	[dreg:$0x1] =	wrdreg $0xFFFFFFFF  }
0xa7: {  	s28 =	simm.s32 $_size_execute0_lowered;
	s2 =	sadd.s32 s2, s4;
	[dreg:$0x0] =	wrdreg $0x0  }
0xa8: {  	s4 =	sshll.u32 s28, $0x1;
	[dreg:$0x2] =	wrdreg s2  }
0xa9: {  	[dreg:$0x3] =	wrdreg s4  }
0xaa: {  	[dreg:$0x4] =	wrdreg $0xC0  }
0xab: {  	_ =	task [dreg:s6], $0x5FFFF  }
0xac: {  	[dreg:$0x1] =	wrdreg $0xFFFFFFFF  }
0xad: {  	[dreg:$0x0] =	wrdreg $0x60  }
0xae: {  	[dreg:$0x2] =	wrdreg s24  }
0xaf: {  	[dreg:$0x3] =	wrdreg $0xEE200  }
0xb0: {  	[dreg:$0x4] =	wrdreg $0x9  }
0xb1: {  	_ =	task.clear_ibuf [dreg:s6], $0x5FFFF;
	_ =	strace $0x9000004C  }
0xb2: {  	s29 =	simm.s32 $0x9;
	_ =	strace $0x8000004E  }
0xb3: {  	_ =	swait.ge [sflag:s29], $0x1  }
0xb4: {  	[sflag:s29] =	ssyncadd.s32 $0xFFFFFFFF  }
0xb5: {  	_ =	strace $0x9000004E  }
0xb6: {  	_ =	sfence  }
0xb7: {  	s30 =	sld [smem:$0x0];
	_ =	sdelay $0x2  }
0xb8: {  	s31 =	sshll.u32 s1, $0xD;
	s1 =	sshrl.u32 s1, $0x2  }
0xb9: {  	s3 =	sand.u32 $0x4000, s31;
	s1 =	sadd.s32 s1, s30  }
0xba: {  	s0 =	sor.u32 s3, s0;
	s1 =	sshll.u32 s1, $0x11  }
0xbb: {  	s0 =	sor.u32 s1, s0  }
0xbc: {  	s0 =	sadd.s32 $0x8F2B, s0  }
0xbd: {  	[sflag:s0] =	ssyncadd.remote.s32 $0x1  }
0xbe: {  	_ =	sfence.sel $0xFFFF  }
0xbf: {  	[dreg:$0x0] =	wrdreg $0xFFFFFFFF;
	(pc) =	sbr.abs _section_cstart, $3  }
0xc0: {  	[dreg:$0x1] =	wrdreg $0xFFFFFFFF  }
0xc1: {  	_ =	task.clear_ibuf [dreg:s6], $0x2FFFF;
	_ =	strace $0x9FFFFFFF  }
0xc2: {  	(tm) =	ssettm $0x7FFFFFFF  }
0xc3: {  	_ =	shalt  }
tec
execute0_lowered:
.L_overlay_start_1:
0x0: {  	(tag) =	ssettag $0x1  }
0x1: {  	s2 =	rddreg [dreg:$0x0]  }
0x2: {  	s1 =	rddreg [dreg:$0x1];
	s0 =	srdreg.scid;
	s3 =	simm.s32 $0x0  }
0x3: {  	s29 =	stileid.u32;
	s0 =	sand.u32 $0x1, s0;
	[smem:$0x7FF] =	sst s3  }
0x4: {  	s6 =	sadd.s32 $0x3000, s2;
	s8 =	smul.u32 $0x27000, s29;
	s9 =	sadd.s32 $0x78600, s2  }
0x5: {  	s20 =	sadd.s32 $0x79A00, s2;
	s11 =	smul.u32 $0x9C00, s29;
	s30 =	sadd.s32 $0x92400, s1  }
0x6: {  	s25 =	smul.u32 $0x2710, s29;
	s4 =	sshll.u32 s0, $0x4;
	_ =	strace $0x8000004D  }
0x7: {  	s7 =	ssub.s32 $0x2, s0;
	[dreg:$0x9] =	wrdreg s9;
	s22 =	smul.u32 $0x9C400, s0  }
0x8: {  	s23 =	smul.u32 $0x27100, s0;
	p3 =	sne.s32 s0, $0x0;
	[dreg:$0xb] =	wrdreg s30  }
0x9: {  	s5 =	sor.u32 s29, s4;
	s4 =	sadd.s32 $0x64C00, s2;
	s10 =	sshrl.u32 s7, $0x1  }
0xa: {  	s8 =	sshrl.u32 s8, $0x2;
	s21 =	sshrl.u32 s11, $0x3;
	s31 =	sadd.s32 s11, s1  }
0xb: {  	s2 =	sadd.s32 $0x77080, s2;
	p1 =	seq.s32 @p3 s29, $0xF;
	p4 =	seq.s32 @!p3 s29, $0xF  }
0xc: {  	s5 =	smul.u32 $0x2710, s5;
	s7 =	ssub.s32 s7, s10;
	[dreg:$0xe] =	wrdreg s2  }
0xd: {  	s11 =	sadd.s32 s11, s22;
	s2 =	sadd.s32 s25, s23;
	s10 =	sshrl.u32 s22, $0x3  }
0xe: {  	p0 =	por p1, !p3;
	p1 =	por !p1, !p3;
	p2 =	por !p4, p3  }
0xf: {  	p3 =	por p4, p3;
	p4 =	seq.s32 s29, $0xF;
	[dreg:$0xc] =	wrdreg s31  }
0x10: {  	s11 =	sshrl.u32 s11, $0x3;
	s15 =	sadd.s32 $0x4E500, s2;
	s16 =	sadd.s32 $0x4E580, s2  }
0x11: {  	s9 =	sadd.s32 s20, s10;
	s19 =	sadd.s32 $0x4E600, s2;
	s25 =	sadd.s32 $0x4E400, s2  }
0x12: {  	s7 =	smax.u32 s7, $0x1;
	s5 =	sshrl.u32 s5, $0x3;
	s14 =	sadd.s32 s20, s11  }
0x13: {  	s17 =	sshrl.u32 s16, $0x3;
	s20 =	sshrl.u32 s19, $0x3;
	[dreg:$0x18] =	wrdreg s7  }
0x14: {  	s9 =	sadd.s32 $0x12480, s9;
	s12 =	sadd.s32 s6, s5;
	[dreg:$0x14] =	wrdreg s14  }
0x15: {  	s5 =	sadd.s32 s8, s1;
	s8 =	sadd.s32 s4, s21;
	[dreg:$0x17] =	wrdreg s9  }
0x16: {  	s18 =	sadd.s32 s17, s6;
	s21 =	sadd.s32 $0x4E480, s2;
	[dreg:$0xd] =	wrdreg s8  }
0x17: {  	s2 =	sadd.s32 $0x4E380, s2;
	s9 =	simm.s32 $0x13;
	[dreg:$0x4] =	wrdreg s18  }
0x18: {  	s24 =	sadd.s32 $0x9C40, s12;
	s13 =	sadd.s32 $0x9C50, s12;
	[dreg:$0xa] =	wrdreg s12  }
0x19: {  	s26 =	sadd.s32 $0x9C60, s12;
	s28 =	sadd.s32 $0xA0F0, s12;
	[dreg:$0xf] =	wrdreg s24  }
0x1a: {  	s8 =	sshrl.u32 s15, $0x3;
	s22 =	sadd.s32 $0xA110, s12;
	[dreg:$0x10] =	wrdreg s13  }
0x1b: {  	s10 =	sshrl.u32 s21, $0x3;
	s23 =	sadd.s32 $0xA120, s12;
	[dreg:$0x11] =	wrdreg s26  }
0x1c: {  	s2 =	sshrl.u32 s2, $0x3;
	s0 =	sshrl.u32 @!p0 s5, $0x3;
	[dreg:$0x12] =	wrdreg s28  }
0x1d: {  	s5 =	simm.s32 $0x11;
	s21 =	simm.s32 $0x6;
	[dreg:$0x15] =	wrdreg s22  }
0x1e: {  	s13 =	sadd.s32 $0xA100, s12;
	s8 =	sadd.s32 s8, s6;
	[dreg:$0x16] =	wrdreg s23  }
0x1f: {  	s24 =	sadd.s32 s10, s6;
	s26 =	sshrl.u32 s25, $0x3;
	[dreg:$0x19] =	wrdreg s0  }
0x20: {  	s28 =	sadd.s32 s2, s6;
	s2 =	simm.s32 $0x4;
	[dreg:$0x13] =	wrdreg s13  }
0x21: {  	s23 =	simm.s32 $0xA;
	s25 =	simm.s32 $0xB;
	[dreg:$0x3] =	wrdreg s8  }
0x22: {  	s10 =	simm.s32 $0x0;
	s8 =	sadd.s32 s20, s6;
	[dreg:$0x6] =	wrdreg s24  }
0x23: {  	s7 =	sadd.s32 s26, s6;
	[dreg:$0x8] =	wrdreg s28;
	s24 =	simm.s32 $0x80  }
0x24: {  	s6 =	simm.s32 $0x10;
	s26 =	simm.s32 $0xC;
	[dreg:$0x5] =	wrdreg s8  }
0x25: {  	[dreg:$0x7] =	wrdreg s7;
	s8 =	simm.s32 $0x5;
	s7 =	simm.s32 $0x12  }
.LBB2_1:
0x26: {  	[dreg:$0x1a] =	wrdreg s10  }
0x27: {  	s0 =	rddreg [dreg:$0xa]  }
0x28: {  	[tilespmem:s3], [sflag:$0x13] =	stream.linear.gather [hbm4b:s0+s3], $0x2710, $0x38;
	[tilespmem:$0x18A60] =	vst v63  }
0x29: {  	_ =	swait.ge [sflag:s9], $0x2710  }
0x2a: {  	s28 =	simm.s32 @!p1 $0x1FD3;
	[sflag:s9] =	ssyncset.done $0x0  }
0x2b: {  	s0 =	sshrl.u32 @!p1 s30, $0x3;
	[sflag:s9] =	ssyncadd.s32 $0xFFFFD8F0;
	s9 =	rddreg [dreg:$0x9]  }
0x2c: {  	[spmem:s0], [sflag:s28] =	dma.local @!p1 [hbm:s9], $0x1400  }
0x2d: {  	s0 =	simm.s32 @!p1 $0x13  }
0x2e: {  	_ =	swait.ge @!p1 [sflag:s0], $0x1400  }
0x2f: {  	s28 =	sshll.u32 @!p0 s29, $0x6;
	[sflag:s0] =	ssyncset.done @!p1 $0x0  }
0x30: {  	[sflag:s0] =	ssyncadd.s32 @!p1 $0xFFFFEC00;
	s0 =	sor.u32 @!p0 $0x1C13, s28;
	s28 =	rddreg [dreg:$0x19]  }
0x31: {  	[spmem:s28], [sflag:s0] =	dma.local @!p0 [hbm:s9], $0x1380  }
0x32: {  	s0 =	simm.s32 @!p0 $0x13  }
0x33: {  	_ =	swait.ge @!p0 [sflag:s0], $0x1380  }
0x34: {  	s28 =	simm.s32 @!p2 $0x1FD3;
	[sflag:s0] =	ssyncset.done @!p0 $0x0  }
0x35: {  	s9 =	rddreg [dreg:$0xe];
	[sflag:s0] =	ssyncadd.s32 @!p0 $0xFFFFEC80;
	s0 =	sshrl.u32 @!p2 s30, $0x3  }
0x36: {  	[spmem:s0], [sflag:s28] =	dma.local @!p2 [hbm:s9], $0x1400  }
0x37: {  	s0 =	simm.s32 @!p2 $0x13  }
0x38: {  	_ =	swait.ge @!p2 [sflag:s0], $0x1400  }
0x39: {  	s28 =	sshll.u32 @!p3 s29, $0x6;
	[sflag:s0] =	ssyncset.done @!p2 $0x0;
	s9 =	rddreg [dreg:$0xd]  }
0x3a: {  	[sflag:s0] =	ssyncadd.s32 @!p2 $0xFFFFEC00;
	s0 =	sor.u32 @!p3 $0x1C13, s28;
	s28 =	sshrl.u32 @!p3 s31, $0x3  }
0x3b: {  	[spmem:s28], [sflag:s0] =	dma.local @!p3 [hbm:s9], $0x1380  }
0x3c: {  	s0 =	simm.s32 @!p3 $0x13  }
0x3d: {  	_ =	swait.ge @!p3 [sflag:s0], $0x1380  }
0x3e: {  	[sflag:s0] =	ssyncset.done @!p3 $0x0  }
0x3f: {  	[sflag:s0] =	ssyncadd.s32 @!p3 $0xFFFFEC80  }
0x40: {  	[bflag:$0x0] =	sbarrier.arrive $0xFFFF  }
0x41: {  	s9 =	simm.s32 $0x2710;
	s12 =	rddreg [dreg:$0xf]  }
0x42: {  	[tilespmem:s9], [sflag:$0xD] =	stream.linear.gather [hbm4b:s12+s3], $0x80, $0x38;
	[tilespmem:$0x18A60] =	vst v63  }
0x43: {  	s10 =	simm.s32 $0x2A20  }
0x44: {  	[tilespmem:s10], [sflag:$0x1] =	stream.indirect.gather [hbm4b:s4+s24], $0x40, s3, s24, $0xb8;
	[tilespmem:$0x18A60] =	vst v63  }
0x45: {  	s11 =	simm.s32 $0x2790;
	s13 =	rddreg [dreg:$0x10]  }
0x46: {  	[tilespmem:s11], [sflag:$0xE] =	stream.linear.gather [hbm4b:s13+s3], $0x80, $0x38;
	[tilespmem:$0x18A60] =	vst v63  }
0x47: {  	s12 =	simm.s32 $0x4A20  }
0x48: {  	[tilespmem:s12], [sflag:$0x2] =	stream.indirect.gather [hbm4b:s4+s24], $0x40, s24, s24, $0xb8;
	[tilespmem:$0x18A60] =	vst v63  }
0x49: {  	s14 =	rddreg [dreg:$0x11];
	s13 =	simm.s32 $0x2810  }
0x4a: {  	[tilespmem:s13], [sflag:$0xF] =	stream.linear.gather [hbm4b:s14+s3], $0x80, $0x38;
	[tilespmem:$0x18A60] =	vst v63  }
0x4b: {  	s30 =	simm.s32 $0x6A20;
	s15 =	rddreg [dreg:$0x8];
	s14 =	simm.s32 $0x100  }
0x4c: {  	[tilespmem:s30], [sflag:$0x3] =	stream.indirect.gather [hbm4b:s4+s24], $0x40, s14, s24, $0xb8;
	[tilespmem:$0x18A60] =	vst v63  }
0x4d: {  	s0 =	sadd.s32 $0x0, s15;
	s14 =	simm.s32 $0x2890  }
0x4e: {  	[tilespmem:s14], [sflag:$0x10] =	stream.linear.gather [hbm4b:s0+s3], $0x80, $0x38;
	[tilespmem:$0x18A60] =	vst v63  }
0x4f: {  	s16 =	simm.s32 $0x180;
	s28 =	rddreg [dreg:$0x7];
	s15 =	simm.s32 $0x8A20  }
0x50: {  	[tilespmem:s15], [sflag:$0x4] =	stream.indirect.gather [hbm4b:s4+s24], $0x40, s16, s24, $0xb8;
	[tilespmem:$0x18A60] =	vst v63  }
0x51: {  	s17 =	sadd.s32 $0x0, s28;
	s16 =	simm.s32 $0x2910  }
0x52: {  	[tilespmem:s16], [sflag:$0x11] =	stream.linear.gather [hbm4b:s17+s3], $0x80, $0x38;
	[tilespmem:$0x18A60] =	vst v63  }
0x53: {  	s18 =	simm.s32 $0x200;
	s28 =	rddreg [dreg:$0x6];
	s17 =	simm.s32 $0xAA20  }
0x54: {  	[tilespmem:s17], [sflag:$0x5] =	stream.indirect.gather [hbm4b:s4+s24], $0x40, s18, s24, $0xb8;
	[tilespmem:$0x18A60] =	vst v63  }
0x55: {  	s19 =	sadd.s32 $0x0, s28;
	s18 =	simm.s32 $0x2990  }
0x56: {  	[tilespmem:s18], [sflag:$0x12] =	stream.linear.gather [hbm4b:s19+s3], $0x80, $0x38;
	[tilespmem:$0x18A60] =	vst v63  }
0x57: {  	s20 =	simm.s32 $0x280;
	s22 =	simm.s32 $0xD;
	s19 =	simm.s32 $0xCA20  }
0x58: {  	[tilespmem:s19], [sflag:$0x6] =	stream.indirect.gather [hbm4b:s4+s24], $0x40, s20, s24, $0xb8;
	[tilespmem:$0x18A60] =	vst v63  }
0x59: {  	_ =	swait.ge [sflag:s22], $0x80  }
0x5a: {  	[sflag:s22] =	ssyncset.done $0x0  }
0x5b: {  	s20 =	simm.s32 $0x1;
	[sflag:s22] =	ssyncadd.s32 $0xFFFFFF80  }
0x5c: {  	_ =	swait.ge [sflag:s20], $0x2000  }
0x5d: {  	[sflag:s20] =	ssyncset.done $0x0  }
0x5e: {  	s22 =	simm.s32 $0xE;
	[sflag:s20] =	ssyncadd.s32 $0xFFFFE000  }
0x5f: {  	[spmem:s1] =	stream.indirect.scatter.add.f32 [tilespmem:s10], [sflag:$0x7], $0x40, s9, s24, $0xb8;
	[tilespmem:$0x18A60] =	vst v63  }
0x60: {  	_ =	swait.ge [sflag:s22], $0x80  }
0x61: {  	[sflag:s22] =	ssyncset.done $0x0  }
0x62: {  	s20 =	simm.s32 $0x2;
	[sflag:s22] =	ssyncadd.s32 $0xFFFFFF80  }
0x63: {  	_ =	swait.ge [sflag:s20], $0x2000  }
0x64: {  	[sflag:s20] =	ssyncset.done $0x0  }
0x65: {  	s22 =	simm.s32 $0xF;
	[sflag:s20] =	ssyncadd.s32 $0xFFFFE000  }
0x66: {  	[spmem:s1] =	stream.indirect.scatter.add.f32 [tilespmem:s12], [sflag:$0x8], $0x40, s11, s24, $0xb8;
	[tilespmem:$0x18A60] =	vst v63  }
0x67: {  	_ =	swait.ge [sflag:s22], $0x80  }
0x68: {  	[sflag:s22] =	ssyncset.done $0x0  }
0x69: {  	s20 =	simm.s32 $0x3;
	[sflag:s22] =	ssyncadd.s32 $0xFFFFFF80  }
0x6a: {  	_ =	swait.ge [sflag:s20], $0x2000  }
0x6b: {  	[sflag:s20] =	ssyncset.done $0x0  }
0x6c: {  	s22 =	simm.s32 $0x7;
	[sflag:s20] =	ssyncadd.s32 $0xFFFFE000  }
0x6d: {  	[spmem:s1] =	stream.indirect.scatter.add.f32 [tilespmem:s30], [sflag:$0x9], $0x40, s13, s24, $0xb8;
	[tilespmem:$0x18A60] =	vst v63  }
0x6e: {  	_ =	swait.ge [sflag:s22], $0x2000  }
0x6f: {  	[sflag:s22] =	ssyncset.done $0x0  }
0x70: {  	s20 =	simm.s32 $0x8;
	[sflag:s22] =	ssyncadd.s32 $0xFFFFE000  }
0x71: {  	_ =	swait.ge [sflag:s20], $0x2000  }
0x72: {  	[sflag:s20] =	ssyncset.done $0x0  }
0x73: {  	[sflag:s20] =	ssyncadd.s32 $0xFFFFE000;
	s20 =	simm.s32 $0x9  }
0x74: {  	_ =	swait.ge [sflag:s20], $0x2000  }
0x75: {  	s22 =	rddreg [dreg:$0x3];
	[sflag:s20] =	ssyncset.done $0x0  }
0x76: {  	[sflag:s20] =	ssyncadd.s32 $0xFFFFE000;
	s0 =	sadd.s32 $0x0, s22  }
0x77: {  	[tilespmem:s9], [sflag:$0xD] =	stream.linear.gather [hbm4b:s0+s3], $0x80, $0x38;
	[tilespmem:$0x18A60] =	vst v63  }
0x78: {  	s28 =	rddreg [dreg:$0x4];
	s9 =	simm.s32 $0x300  }
0x79: {  	[tilespmem:s10], [sflag:$0x1] =	stream.indirect.gather [hbm4b:s4+s24], $0x40, s9, s24, $0xb8;
	[tilespmem:$0x18A60] =	vst v63  }
0x7a: {  	s10 =	sadd.s32 $0x0, s28  }
0x7b: {  	[tilespmem:s11], [sflag:$0xE] =	stream.linear.gather [hbm4b:s10+s3], $0x80, $0x38;
	[tilespmem:$0x18A60] =	vst v63  }
0x7c: {  	s20 =	simm.s32 $0x380;
	s28 =	rddreg [dreg:$0x5]  }
0x7d: {  	[tilespmem:s12], [sflag:$0x2] =	stream.indirect.gather [hbm4b:s4+s24], $0x40, s20, s24, $0xb8;
	[tilespmem:$0x18A60] =	vst v63  }
0x7e: {  	s22 =	sadd.s32 $0x0, s28  }
0x7f: {  	[tilespmem:s13], [sflag:$0xF] =	stream.linear.gather [hbm4b:s22+s3], $0x80, $0x38;
	[tilespmem:$0x18A60] =	vst v63  }
0x80: {  	s29 =	simm.s32 $0x400  }
0x81: {  	[tilespmem:s30], [sflag:$0x3] =	stream.indirect.gather [hbm4b:s4+s24], $0x40, s29, s24, $0xb8;
	[tilespmem:$0x18A60] =	vst v63  }
0x82: {  	_ =	swait.ge [sflag:s6], $0x80  }
0x83: {  	[sflag:s6] =	ssyncset.done $0x0  }
0x84: {  	[sflag:s6] =	ssyncadd.s32 $0xFFFFFF80  }
0x85: {  	_ =	swait.ge [sflag:s2], $0x2000  }
0x86: {  	[sflag:s2] =	ssyncset.done $0x0  }
0x87: {  	[sflag:s2] =	ssyncadd.s32 $0xFFFFE000  }
0x88: {  	[spmem:s1] =	stream.indirect.scatter.add.f32 [tilespmem:s15], [sflag:$0xA], $0x40, s14, s24, $0xb8;
	[tilespmem:$0x18A60] =	vst v63  }
0x89: {  	_ =	swait.ge [sflag:s5], $0x80  }
0x8a: {  	[sflag:s5] =	ssyncset.done $0x0  }
0x8b: {  	[sflag:s5] =	ssyncadd.s32 $0xFFFFFF80  }
0x8c: {  	_ =	swait.ge [sflag:s8], $0x2000  }
0x8d: {  	[sflag:s8] =	ssyncset.done $0x0  }
0x8e: {  	[sflag:s8] =	ssyncadd.s32 $0xFFFFE000  }
0x8f: {  	[spmem:s1] =	stream.indirect.scatter.add.f32 [tilespmem:s17], [sflag:$0xB], $0x40, s16, s24, $0xb8;
	[tilespmem:$0x18A60] =	vst v63  }
0x90: {  	_ =	swait.ge [sflag:s7], $0x80  }
0x91: {  	[sflag:s7] =	ssyncset.done $0x0  }
0x92: {  	[sflag:s7] =	ssyncadd.s32 $0xFFFFFF80  }
0x93: {  	_ =	swait.ge [sflag:s21], $0x2000  }
0x94: {  	[sflag:s21] =	ssyncset.done $0x0  }
0x95: {  	[sflag:s21] =	ssyncadd.s32 $0xFFFFE000  }
0x96: {  	[spmem:s1] =	stream.indirect.scatter.add.f32 [tilespmem:s19], [sflag:$0xC], $0x40, s18, s24, $0xb8;
	[tilespmem:$0x18A60] =	vst v63  }
0x97: {  	_ =	swait.ge [sflag:s23], $0x2000  }
0x98: {  	[sflag:s23] =	ssyncset.done $0x0  }
0x99: {  	[sflag:s23] =	ssyncadd.s32 $0xFFFFE000  }
0x9a: {  	_ =	swait.ge [sflag:s25], $0x2000  }
0x9b: {  	[sflag:s25] =	ssyncset.done $0x0  }
0x9c: {  	[sflag:s25] =	ssyncadd.s32 $0xFFFFE000  }
0x9d: {  	s31 =	simm.s32 $0xC0;
	_ =	swait.ge [sflag:s26], $0x2000  }
0x9e: {  	s28 =	simm.s32 $0x60;
	s30 =	rddreg [dreg:$0x8];
	[sflag:s26] =	ssyncset.done $0x0  }
.LBB2_2:
0x9f: {  	[sflag:s26] =	ssyncadd.s32 $0xFFFFE000  }
0xa0: {  	s29 =	sadd.s32 $0x300, s29;
	s30 =	sadd.s32 s28, s30;
	s16 =	simm.s32 $0x2890  }
0xa1: {  	[tilespmem:s16], [sflag:$0x10] =	stream.linear.gather [hbm4b:s30+s3], $0x80, $0x38;
	[tilespmem:$0x18A60] =	vst v63  }
0xa2: {  	s9 =	rddreg [dreg:$0x7];
	s17 =	simm.s32 $0x8A20;
	s30 =	sadd.s32 $0xFFFFFD80, s29  }
0xa3: {  	[tilespmem:s17], [sflag:$0x4] =	stream.indirect.gather [hbm4b:s4+s24], $0x40, s30, s24, $0xb8;
	[tilespmem:$0x18A60] =	vst v63  }
0xa4: {  	s18 =	simm.s32 $0x2910;
	s9 =	sadd.s32 s28, s9  }
0xa5: {  	[tilespmem:s18], [sflag:$0x11] =	stream.linear.gather [hbm4b:s9+s3], $0x80, $0x38;
	[tilespmem:$0x18A60] =	vst v63  }
0xa6: {  	s19 =	simm.s32 $0xAA20;
	s13 =	sadd.s32 $0xFFFFFE00, s29;
	s30 =	rddreg [dreg:$0x6]  }
0xa7: {  	[tilespmem:s19], [sflag:$0x5] =	stream.indirect.gather [hbm4b:s4+s24], $0x40, s13, s24, $0xb8;
	[tilespmem:$0x18A60] =	vst v63  }
0xa8: {  	s20 =	simm.s32 $0x2990;
	s14 =	sadd.s32 s28, s30  }
0xa9: {  	[tilespmem:s20], [sflag:$0x12] =	stream.linear.gather [hbm4b:s14+s3], $0x80, $0x38;
	[tilespmem:$0x18A60] =	vst v63  }
0xaa: {  	s22 =	simm.s32 $0xCA20;
	s10 =	simm.s32 $0xD;
	s15 =	sadd.s32 $0xFFFFFE80, s29  }
0xab: {  	[tilespmem:s22], [sflag:$0x6] =	stream.indirect.gather [hbm4b:s4+s24], $0x40, s15, s24, $0xb8;
	[tilespmem:$0x18A60] =	vst v63  }
0xac: {  	_ =	swait.ge [sflag:s10], $0x80  }
0xad: {  	[sflag:s10] =	ssyncset.done $0x0  }
0xae: {  	s11 =	simm.s32 $0x1;
	[sflag:s10] =	ssyncadd.s32 $0xFFFFFF80  }
0xaf: {  	_ =	swait.ge [sflag:s11], $0x2000  }
0xb0: {  	s12 =	simm.s32 $0xE;
	[sflag:s11] =	ssyncset.done $0x0  }
0xb1: {  	s10 =	simm.s32 $0x2710;
	[sflag:s11] =	ssyncadd.s32 $0xFFFFE000;
	s11 =	simm.s32 $0x2A20  }
0xb2: {  	[spmem:s1] =	stream.indirect.scatter.add.f32 [tilespmem:s11], [sflag:$0x7], $0x40, s10, s24, $0xb8;
	[tilespmem:$0x18A60] =	vst v63  }
0xb3: {  	_ =	swait.ge [sflag:s12], $0x80  }
0xb4: {  	[sflag:s12] =	ssyncset.done $0x0  }
0xb5: {  	s13 =	simm.s32 $0x2;
	[sflag:s12] =	ssyncadd.s32 $0xFFFFFF80  }
0xb6: {  	_ =	swait.ge [sflag:s13], $0x2000  }
0xb7: {  	s14 =	simm.s32 $0xF;
	[sflag:s13] =	ssyncset.done $0x0  }
0xb8: {  	s12 =	simm.s32 $0x2790;
	[sflag:s13] =	ssyncadd.s32 $0xFFFFE000;
	s13 =	simm.s32 $0x4A20  }
0xb9: {  	[spmem:s1] =	stream.indirect.scatter.add.f32 [tilespmem:s13], [sflag:$0x8], $0x40, s12, s24, $0xb8;
	[tilespmem:$0x18A60] =	vst v63  }
0xba: {  	_ =	swait.ge [sflag:s14], $0x80  }
0xbb: {  	[sflag:s14] =	ssyncset.done $0x0  }
0xbc: {  	s15 =	simm.s32 $0x3;
	[sflag:s14] =	ssyncadd.s32 $0xFFFFFF80  }
0xbd: {  	_ =	swait.ge [sflag:s15], $0x2000  }
0xbe: {  	s9 =	simm.s32 $0x7;
	[sflag:s15] =	ssyncset.done $0x0  }
0xbf: {  	s14 =	simm.s32 $0x2810;
	[sflag:s15] =	ssyncadd.s32 $0xFFFFE000;
	s15 =	simm.s32 $0x6A20  }
0xc0: {  	[spmem:s1] =	stream.indirect.scatter.add.f32 [tilespmem:s15], [sflag:$0x9], $0x40, s14, s24, $0xb8;
	[tilespmem:$0x18A60] =	vst v63  }
0xc1: {  	_ =	swait.ge [sflag:s9], $0x2000  }
0xc2: {  	[sflag:s9] =	ssyncset.done $0x0  }
0xc3: {  	[sflag:s9] =	ssyncadd.s32 $0xFFFFE000;
	s9 =	simm.s32 $0x8  }
0xc4: {  	_ =	swait.ge [sflag:s9], $0x2000  }
0xc5: {  	[sflag:s9] =	ssyncset.done $0x0  }
0xc6: {  	s30 =	simm.s32 $0x9;
	[sflag:s9] =	ssyncadd.s32 $0xFFFFE000  }
0xc7: {  	_ =	swait.ge [sflag:s30], $0x2000  }
0xc8: {  	s9 =	rddreg [dreg:$0x3];
	[sflag:s30] =	ssyncset.done $0x0  }
0xc9: {  	[sflag:s30] =	ssyncadd.s32 $0xFFFFE000;
	s9 =	sadd.s32 s28, s9  }
0xca: {  	[tilespmem:s10], [sflag:$0xD] =	stream.linear.gather [hbm4b:s9+s3], $0x80, $0x38;
	[tilespmem:$0x18A60] =	vst v63  }
0xcb: {  	s30 =	rddreg [dreg:$0x4];
	s10 =	sadd.s32 $0xFFFFFF00, s29  }
0xcc: {  	[tilespmem:s11], [sflag:$0x1] =	stream.indirect.gather [hbm4b:s4+s24], $0x40, s10, s24, $0xb8;
	[tilespmem:$0x18A60] =	vst v63  }
0xcd: {  	s11 =	sadd.s32 s28, s30  }
0xce: {  	[tilespmem:s12], [sflag:$0xE] =	stream.linear.gather [hbm4b:s11+s3], $0x80, $0x38;
	[tilespmem:$0x18A60] =	vst v63  }
0xcf: {  	s30 =	rddreg [dreg:$0x5];
	s12 =	sadd.s32 $0xFFFFFF80, s29  }
0xd0: {  	[tilespmem:s13], [sflag:$0x2] =	stream.indirect.gather [hbm4b:s4+s24], $0x40, s12, s24, $0xb8;
	[tilespmem:$0x18A60] =	vst v63  }
0xd1: {  	s13 =	sadd.s32 s28, s30  }
0xd2: {  	[tilespmem:s14], [sflag:$0xF] =	stream.linear.gather [hbm4b:s13+s3], $0x80, $0x38;
	[tilespmem:$0x18A60] =	vst v63  }
0xd3: {  	_ = 	snop  }
0xd4: {  	[tilespmem:s15], [sflag:$0x3] =	stream.indirect.gather [hbm4b:s4+s24], $0x40, s29, s24, $0xb8;
	[tilespmem:$0x18A60] =	vst v63  }
0xd5: {  	_ =	swait.ge [sflag:s6], $0x80  }
0xd6: {  	[sflag:s6] =	ssyncset.done $0x0  }
0xd7: {  	[sflag:s6] =	ssyncadd.s32 $0xFFFFFF80  }
0xd8: {  	_ =	swait.ge [sflag:s2], $0x2000  }
0xd9: {  	[sflag:s2] =	ssyncset.done $0x0  }
0xda: {  	[sflag:s2] =	ssyncadd.s32 $0xFFFFE000  }
0xdb: {  	[spmem:s1] =	stream.indirect.scatter.add.f32 [tilespmem:s17], [sflag:$0xA], $0x40, s16, s24, $0xb8;
	[tilespmem:$0x18A60] =	vst v63  }
0xdc: {  	_ =	swait.ge [sflag:s5], $0x80  }
0xdd: {  	[sflag:s5] =	ssyncset.done $0x0  }
0xde: {  	[sflag:s5] =	ssyncadd.s32 $0xFFFFFF80  }
0xdf: {  	_ =	swait.ge [sflag:s8], $0x2000  }
0xe0: {  	[sflag:s8] =	ssyncset.done $0x0  }
0xe1: {  	[sflag:s8] =	ssyncadd.s32 $0xFFFFE000  }
0xe2: {  	[spmem:s1] =	stream.indirect.scatter.add.f32 [tilespmem:s19], [sflag:$0xB], $0x40, s18, s24, $0xb8;
	[tilespmem:$0x18A60] =	vst v63  }
0xe3: {  	_ =	swait.ge [sflag:s7], $0x80  }
0xe4: {  	[sflag:s7] =	ssyncset.done $0x0  }
0xe5: {  	[sflag:s7] =	ssyncadd.s32 $0xFFFFFF80  }
0xe6: {  	_ =	swait.ge [sflag:s21], $0x2000  }
0xe7: {  	[sflag:s21] =	ssyncset.done $0x0  }
0xe8: {  	[sflag:s21] =	ssyncadd.s32 $0xFFFFE000  }
0xe9: {  	[spmem:s1] =	stream.indirect.scatter.add.f32 [tilespmem:s22], [sflag:$0xC], $0x40, s20, s24, $0xb8;
	[tilespmem:$0x18A60] =	vst v63  }
0xea: {  	_ =	swait.ge [sflag:s23], $0x2000  }
0xeb: {  	[sflag:s23] =	ssyncset.done $0x0  }
0xec: {  	p5 =	sne.s32 s31, $0x420;
	[sflag:s23] =	ssyncadd.s32 $0xFFFFE000  }
.Ltmp0:
0xed: {  	_ =	swait.ge [sflag:s25], $0x2000;
	(pc) =	sbr.rel @p5 .LBB2_2-.Ltmp0, $4  }
0xee: {  	[sflag:s25] =	ssyncset.done $0x0  }
0xef: {  	[sflag:s25] =	ssyncadd.s32 $0xFFFFE000  }
0xf0: {  	s0 =	smov.u32 s31;
	s31 =	sadd.s32 $0x60, s31;
	_ =	swait.ge [sflag:s26], $0x2000  }
0xf1: {  	s28 =	smov.u32 s0;
	s30 =	rddreg [dreg:$0x8];
	[sflag:s26] =	ssyncset.done $0x0  }
0xf2: {  	[sflag:s26] =	ssyncadd.s32 $0xFFFFE000  }
0xf3: {  	s0 =	sadd.s32 $0x300, s29;
	s9 =	sadd.s32 s28, s30;
	s10 =	simm.s32 $0x2890  }
0xf4: {  	[tilespmem:s10], [sflag:$0x10] =	stream.linear.gather [hbm4b:s9+s3], $0x80, $0x38;
	[tilespmem:$0x18A60] =	vst v63  }
0xf5: {  	s29 =	rddreg [dreg:$0x7];
	s19 =	simm.s32 $0x8A20;
	s18 =	sadd.s32 $0xFFFFFD80, s0  }
0xf6: {  	[tilespmem:s19], [sflag:$0x4] =	stream.indirect.gather [hbm4b:s4+s24], $0x40, s18, s24, $0xb8;
	[tilespmem:$0x18A60] =	vst v63  }
0xf7: {  	s22 =	simm.s32 $0x2910;
	s20 =	sadd.s32 s28, s29  }
0xf8: {  	[tilespmem:s22], [sflag:$0x11] =	stream.linear.gather [hbm4b:s20+s3], $0x80, $0x38;
	[tilespmem:$0x18A60] =	vst v63  }
0xf9: {  	s11 =	simm.s32 $0xAA20;
	s29 =	rddreg [dreg:$0x6];
	s10 =	sadd.s32 $0xFFFFFE00, s0  }
0xfa: {  	[tilespmem:s11], [sflag:$0x5] =	stream.indirect.gather [hbm4b:s4+s24], $0x40, s10, s24, $0xb8;
	[tilespmem:$0x18A60] =	vst v63  }
0xfb: {  	s13 =	simm.s32 $0x2990;
	s12 =	sadd.s32 s28, s29  }
0xfc: {  	[tilespmem:s13], [sflag:$0x12] =	stream.linear.gather [hbm4b:s12+s3], $0x80, $0x38;
	[tilespmem:$0x18A60] =	vst v63  }
0xfd: {  	s15 =	simm.s32 $0xCA20;
	s14 =	sadd.s32 $0xFFFFFE80, s0;
	s22 =	simm.s32 $0xD  }
0xfe: {  	[tilespmem:s15], [sflag:$0x6] =	stream.indirect.gather [hbm4b:s4+s24], $0x40, s14, s24, $0xb8;
	[tilespmem:$0x18A60] =	vst v63  }
0xff: {  	_ =	swait.ge [sflag:s22], $0x80  }
0x100: {  	[sflag:s22] =	ssyncset.done $0x0  }
0x101: {  	s31 =	simm.s32 $0x1;
	[sflag:s22] =	ssyncadd.s32 $0xFFFFFF80  }
0x102: {  	_ =	swait.ge [sflag:s31], $0x2000  }
0x103: {  	[sflag:s31] =	ssyncset.done $0x0  }
0x104: {  	s16 =	simm.s32 $0x2710;
	s17 =	simm.s32 $0x2A20;
	[sflag:s31] =	ssyncadd.s32 $0xFFFFE000  }
0x105: {  	[spmem:s1] =	stream.indirect.scatter.add.f32 [tilespmem:s17], [sflag:$0x7], $0x40, s16, s24, $0xb8;
	[tilespmem:$0x18A60] =	vst v63  }
0x106: {  	s16 =	simm.s32 $0xE  }
0x107: {  	_ =	swait.ge [sflag:s16], $0x80  }
0x108: {  	[sflag:s16] =	ssyncset.done $0x0  }
0x109: {  	s11 =	simm.s32 $0x2;
	[sflag:s16] =	ssyncadd.s32 $0xFFFFFF80  }
0x10a: {  	_ =	swait.ge [sflag:s11], $0x2000  }
0x10b: {  	s30 =	simm.s32 $0x4A20;
	[sflag:s11] =	ssyncset.done $0x0  }
0x10c: {  	s18 =	simm.s32 $0x2790;
	s12 =	simm.s32 $0xF;
	[sflag:s11] =	ssyncadd.s32 $0xFFFFE000  }
0x10d: {  	[spmem:s1] =	stream.indirect.scatter.add.f32 [tilespmem:s30], [sflag:$0x8], $0x40, s18, s24, $0xb8;
	[tilespmem:$0x18A60] =	vst v63  }
0x10e: {  	_ =	swait.ge [sflag:s12], $0x80  }
0x10f: {  	[sflag:s12] =	ssyncset.done $0x0  }
0x110: {  	s13 =	simm.s32 $0x3;
	[sflag:s12] =	ssyncadd.s32 $0xFFFFFF80  }
0x111: {  	_ =	swait.ge [sflag:s13], $0x2000  }
0x112: {  	s19 =	simm.s32 $0x2810;
	[sflag:s13] =	ssyncset.done $0x0  }
0x113: {  	s20 =	simm.s32 $0x6A20;
	s17 =	simm.s32 $0x7;
	[sflag:s13] =	ssyncadd.s32 $0xFFFFE000  }
0x114: {  	[spmem:s1] =	stream.indirect.scatter.add.f32 [tilespmem:s20], [sflag:$0x9], $0x40, s19, s24, $0xb8;
	[tilespmem:$0x18A60] =	vst v63  }
0x115: {  	_ =	swait.ge [sflag:s17], $0x2000  }
0x116: {  	[sflag:s17] =	ssyncset.done $0x0  }
0x117: {  	s14 =	simm.s32 $0x8;
	[sflag:s17] =	ssyncadd.s32 $0xFFFFE000  }
0x118: {  	_ =	swait.ge [sflag:s14], $0x2000  }
0x119: {  	[sflag:s14] =	ssyncset.done $0x0  }
0x11a: {  	s15 =	simm.s32 $0x9;
	[sflag:s14] =	ssyncadd.s32 $0xFFFFE000  }
0x11b: {  	_ =	swait.ge [sflag:s15], $0x2000  }
0x11c: {  	s9 =	rddreg [dreg:$0x3];
	[sflag:s15] =	ssyncset.done $0x0  }
0x11d: {  	s10 =	simm.s32 $0x2710;
	[sflag:s15] =	ssyncadd.s32 $0xFFFFE000;
	s9 =	sadd.s32 s28, s9  }
0x11e: {  	[tilespmem:s10], [sflag:$0xD] =	stream.linear.gather [hbm4b:s9+s3], $0x80, $0x38;
	[tilespmem:$0x18A60] =	vst v63  }
0x11f: {  	s29 =	rddreg [dreg:$0x4];
	s9 =	sadd.s32 $0xFFFFFF00, s0;
	s10 =	simm.s32 $0x2A20  }
0x120: {  	[tilespmem:s10], [sflag:$0x1] =	stream.indirect.gather [hbm4b:s4+s24], $0x40, s9, s24, $0xb8;
	[tilespmem:$0x18A60] =	vst v63  }
0x121: {  	s18 =	simm.s32 $0x2790;
	s10 =	sadd.s32 s28, s29  }
0x122: {  	[tilespmem:s18], [sflag:$0xE] =	stream.linear.gather [hbm4b:s10+s3], $0x80, $0x38;
	[tilespmem:$0x18A60] =	vst v63  }
0x123: {  	s29 =	rddreg [dreg:$0x5];
	s10 =	sadd.s32 $0xFFFFFF80, s0  }
0x124: {  	[tilespmem:s30], [sflag:$0x2] =	stream.indirect.gather [hbm4b:s4+s24], $0x40, s10, s24, $0xb8;
	[tilespmem:$0x18A60] =	vst v63  }
0x125: {  	s19 =	simm.s32 $0x2810;
	s18 =	sadd.s32 s28, s29  }
0x126: {  	[tilespmem:s19], [sflag:$0xF] =	stream.linear.gather [hbm4b:s18+s3], $0x80, $0x38;
	[tilespmem:$0x18A60] =	vst v63  }
0x127: {  	_ = 	snop  }
0x128: {  	[tilespmem:s20], [sflag:$0x3] =	stream.indirect.gather [hbm4b:s4+s24], $0x40, s0, s24, $0xb8;
	[tilespmem:$0x18A60] =	vst v63  }
0x129: {  	_ =	swait.ge [sflag:s6], $0x80  }
0x12a: {  	[sflag:s6] =	ssyncset.done $0x0  }
0x12b: {  	[sflag:s6] =	ssyncadd.s32 $0xFFFFFF80  }
0x12c: {  	_ =	swait.ge [sflag:s2], $0x2000  }
0x12d: {  	[sflag:s2] =	ssyncset.done $0x0  }
0x12e: {  	s18 =	simm.s32 $0x2890;
	s19 =	simm.s32 $0x8A20;
	[sflag:s2] =	ssyncadd.s32 $0xFFFFE000  }
0x12f: {  	[spmem:s1] =	stream.indirect.scatter.add.f32 [tilespmem:s19], [sflag:$0xA], $0x40, s18, s24, $0xb8;
	[tilespmem:$0x18A60] =	vst v63  }
0x130: {  	_ =	swait.ge [sflag:s5], $0x80  }
0x131: {  	[sflag:s5] =	ssyncset.done $0x0  }
0x132: {  	[sflag:s5] =	ssyncadd.s32 $0xFFFFFF80  }
0x133: {  	_ =	swait.ge [sflag:s8], $0x2000  }
0x134: {  	[sflag:s8] =	ssyncset.done $0x0  }
0x135: {  	s29 =	simm.s32 $0x2910;
	s10 =	simm.s32 $0xAA20;
	[sflag:s8] =	ssyncadd.s32 $0xFFFFE000  }
0x136: {  	[spmem:s1] =	stream.indirect.scatter.add.f32 [tilespmem:s10], [sflag:$0xB], $0x40, s29, s24, $0xb8;
	[tilespmem:$0x18A60] =	vst v63  }
0x137: {  	_ =	swait.ge [sflag:s7], $0x80  }
0x138: {  	[sflag:s7] =	ssyncset.done $0x0  }
0x139: {  	[sflag:s7] =	ssyncadd.s32 $0xFFFFFF80  }
0x13a: {  	_ =	swait.ge [sflag:s21], $0x2000  }
0x13b: {  	[sflag:s21] =	ssyncset.done $0x0  }
0x13c: {  	s9 =	simm.s32 $0x2990;
	s28 =	simm.s32 $0xCA20;
	[sflag:s21] =	ssyncadd.s32 $0xFFFFE000  }
0x13d: {  	[spmem:s1] =	stream.indirect.scatter.add.f32 [tilespmem:s28], [sflag:$0xC], $0x40, s9, s24, $0xb8;
	[tilespmem:$0x18A60] =	vst v63  }
0x13e: {  	_ =	swait.ge [sflag:s23], $0x2000  }
0x13f: {  	[sflag:s23] =	ssyncset.done $0x0  }
0x140: {  	[sflag:s23] =	ssyncadd.s32 $0xFFFFE000  }
0x141: {  	_ =	swait.ge [sflag:s25], $0x2000  }
0x142: {  	[sflag:s25] =	ssyncset.done $0x0  }
0x143: {  	[sflag:s25] =	ssyncadd.s32 $0xFFFFE000  }
0x144: {  	_ =	swait.ge [sflag:s26], $0x2000  }
0x145: {  	[sflag:s26] =	ssyncset.done $0x0  }
0x146: {  	s0 =	rddreg [dreg:$0x12];
	[sflag:s26] =	ssyncadd.s32 $0xFFFFE000  }
0x147: {  	[tilespmem:s18], [sflag:$0x10] =	stream.linear.gather [hbm4b:s0+s3], $0x80, $0x38;
	[tilespmem:$0x18A60] =	vst v63  }
0x148: {  	s0 =	simm.s32 $0x2580  }
0x149: {  	[tilespmem:s19], [sflag:$0x4] =	stream.indirect.gather [hbm4b:s4+s24], $0x40, s0, s24, $0xb8;
	[tilespmem:$0x18A60] =	vst v63  }
0x14a: {  	s0 =	rddreg [dreg:$0x13]  }
0x14b: {  	[tilespmem:s29], [sflag:$0x11] =	stream.linear.gather [hbm4b:s0+s3], $0x80, $0x38;
	[tilespmem:$0x18A60] =	vst v63  }
0x14c: {  	s0 =	simm.s32 $0x2600  }
0x14d: {  	[tilespmem:s10], [sflag:$0x5] =	stream.indirect.gather [hbm4b:s4+s24], $0x40, s0, s24, $0xb8;
	[tilespmem:$0x18A60] =	vst v63  }
0x14e: {  	s0 =	rddreg [dreg:$0x15]  }
0x14f: {  	[tilespmem:s9], [sflag:$0x12] =	stream.linear.gather [hbm4b:s0+s3], $0x80, $0x38;
	[tilespmem:$0x18A60] =	vst v63  }
0x150: {  	s0 =	simm.s32 $0x2680  }
0x151: {  	[tilespmem:s28], [sflag:$0x6] =	stream.indirect.gather [hbm4b:s4+s24], $0x40, s0, s24, $0xb8;
	[tilespmem:$0x18A60] =	vst v63  }
0x152: {  	_ =	swait.ge [sflag:s22], $0x80  }
0x153: {  	[sflag:s22] =	ssyncset.done $0x0  }
0x154: {  	[sflag:s22] =	ssyncadd.s32 $0xFFFFFF80  }
0x155: {  	_ =	swait.ge [sflag:s31], $0x2000  }
0x156: {  	[sflag:s31] =	ssyncset.done $0x0  }
0x157: {  	s28 =	simm.s32 $0x2A20;
	s22 =	simm.s32 $0x2710;
	[sflag:s31] =	ssyncadd.s32 $0xFFFFE000  }
0x158: {  	[spmem:s1] =	stream.indirect.scatter.add.f32 [tilespmem:s28], [sflag:$0x7], $0x40, s22, s24, $0xb8;
	[tilespmem:$0x18A60] =	vst v63  }
0x159: {  	_ =	swait.ge [sflag:s16], $0x80  }
0x15a: {  	[sflag:s16] =	ssyncset.done $0x0  }
0x15b: {  	[sflag:s16] =	ssyncadd.s32 $0xFFFFFF80  }
0x15c: {  	_ =	swait.ge [sflag:s11], $0x2000  }
0x15d: {  	[sflag:s11] =	ssyncset.done $0x0  }
0x15e: {  	s28 =	simm.s32 $0x2790;
	[sflag:s11] =	ssyncadd.s32 $0xFFFFE000  }
0x15f: {  	[spmem:s1] =	stream.indirect.scatter.add.f32 [tilespmem:s30], [sflag:$0x8], $0x40, s28, s24, $0xb8;
	[tilespmem:$0x18A60] =	vst v63  }
0x160: {  	_ =	swait.ge [sflag:s12], $0x80  }
0x161: {  	[sflag:s12] =	ssyncset.done $0x0  }
0x162: {  	[sflag:s12] =	ssyncadd.s32 $0xFFFFFF80  }
0x163: {  	_ =	swait.ge [sflag:s13], $0x2000  }
0x164: {  	[sflag:s13] =	ssyncset.done $0x0  }
0x165: {  	[sflag:s13] =	ssyncadd.s32 $0xFFFFE000;
	s13 =	simm.s32 $0x2810  }
0x166: {  	[spmem:s1] =	stream.indirect.scatter.add.f32 [tilespmem:s20], [sflag:$0x9], $0x40, s13, s24, $0xb8;
	[tilespmem:$0x18A60] =	vst v63  }
0x167: {  	_ =	swait.ge [sflag:s17], $0x2000  }
0x168: {  	[sflag:s17] =	ssyncset.done $0x0  }
0x169: {  	[sflag:s17] =	ssyncadd.s32 $0xFFFFE000  }
0x16a: {  	_ =	swait.ge [sflag:s14], $0x2000  }
0x16b: {  	[sflag:s14] =	ssyncset.done $0x0  }
0x16c: {  	[sflag:s14] =	ssyncadd.s32 $0xFFFFE000  }
0x16d: {  	_ =	swait.ge [sflag:s15], $0x2000  }
0x16e: {  	[sflag:s15] =	ssyncset.done $0x0  }
0x16f: {  	[sflag:s15] =	ssyncadd.s32 $0xFFFFE000  }
0x170: {  	_ =	swait.ge [sflag:s6], $0x80  }
0x171: {  	[sflag:s6] =	ssyncset.done $0x0  }
0x172: {  	[sflag:s6] =	ssyncadd.s32 $0xFFFFFF80  }
0x173: {  	_ =	swait.ge [sflag:s2], $0x2000  }
0x174: {  	[sflag:s2] =	ssyncset.done $0x0  }
0x175: {  	s18 =	simm.s32 $0x2890;
	s19 =	simm.s32 $0x8A20;
	[sflag:s2] =	ssyncadd.s32 $0xFFFFE000  }
0x176: {  	[spmem:s1] =	stream.indirect.scatter.add.f32 [tilespmem:s19], [sflag:$0xA], $0x40, s18, s24, $0xb8;
	[tilespmem:$0x18A60] =	vst v63  }
0x177: {  	_ =	swait.ge [sflag:s5], $0x80  }
0x178: {  	[sflag:s5] =	ssyncset.done $0x0  }
0x179: {  	[sflag:s5] =	ssyncadd.s32 $0xFFFFFF80  }
0x17a: {  	_ =	swait.ge [sflag:s8], $0x2000  }
0x17b: {  	[sflag:s8] =	ssyncset.done $0x0  }
0x17c: {  	s29 =	simm.s32 $0x2910;
	s10 =	simm.s32 $0xAA20;
	[sflag:s8] =	ssyncadd.s32 $0xFFFFE000  }
0x17d: {  	[spmem:s1] =	stream.indirect.scatter.add.f32 [tilespmem:s10], [sflag:$0xB], $0x40, s29, s24, $0xb8;
	[tilespmem:$0x18A60] =	vst v63  }
0x17e: {  	_ =	swait.ge [sflag:s7], $0x80  }
0x17f: {  	[sflag:s7] =	ssyncset.done $0x0  }
0x180: {  	[sflag:s7] =	ssyncadd.s32 $0xFFFFFF80  }
0x181: {  	_ =	swait.ge [sflag:s21], $0x2000  }
0x182: {  	[sflag:s21] =	ssyncset.done $0x0  }
0x183: {  	s9 =	simm.s32 $0x2990;
	s0 =	simm.s32 $0xCA20;
	[sflag:s21] =	ssyncadd.s32 $0xFFFFE000  }
0x184: {  	[spmem:s1] =	stream.indirect.scatter.add.f32 [tilespmem:s0], [sflag:$0xC], $0x40, s9, s24, $0xb8;
	[tilespmem:$0x18A60] =	vst v63  }
0x185: {  	_ =	swait.ge [sflag:s23], $0x2000  }
0x186: {  	[sflag:s23] =	ssyncset.done $0x0  }
0x187: {  	[sflag:s23] =	ssyncadd.s32 $0xFFFFE000  }
0x188: {  	_ =	swait.ge [sflag:s25], $0x2000  }
0x189: {  	[sflag:s25] =	ssyncset.done $0x0  }
0x18a: {  	[sflag:s25] =	ssyncadd.s32 $0xFFFFE000  }
0x18b: {  	_ =	swait.ge [sflag:s26], $0x2000  }
0x18c: {  	s16 =	simm.s32 $0x2A10;
	[sflag:s26] =	ssyncset.done $0x0  }
0x18d: {  	s18 =	simm.s32 $0x13;
	s15 =	rddreg [dreg:$0x16];
	[sflag:s26] =	ssyncadd.s32 $0xFFFFE000  }
0x18e: {  	[tilespmem:s16], [sflag:$0x13] =	stream.linear.gather [hbm4b:s15+s3], $0x10, $0x38;
	[tilespmem:$0x18A60] =	vst v63  }
0x18f: {  	_ =	swait.ge [sflag:s18], $0x10  }
0x190: {  	[sflag:s18] =	ssyncset.done $0x0  }
0x191: {  	s20 =	simm.s32 $0xEA20;
	s19 =	simm.s32 $0x2700;
	[sflag:s18] =	ssyncadd.s32 $0xFFFFFFF0  }
0x192: {  	[tilespmem:s20], [sflag:$0x1] =	stream.indirect.gather [hbm4b:s4+s6], $0x40, s19, s6, $0xb8;
	[tilespmem:$0x18A60] =	vst v63  }
0x193: {  	_ =	swait.ge [sflag:s31], $0x400  }
0x194: {  	[sflag:s31] =	ssyncset.done $0x0  }
0x195: {  	[sflag:s31] =	ssyncadd.s32 $0xFFFFFC00  }
0x196: {  	[spmem:s1] =	stream.indirect.scatter.add.f32 [tilespmem:s20], [sflag:$0x7], $0x40, s16, s6, $0xb8;
	[tilespmem:$0x18A60] =	vst v63  }
0x197: {  	_ =	swait.ge [sflag:s17], $0x400  }
0x198: {  	[sflag:s17] =	ssyncset.done $0x0  }
0x199: {  	[sflag:s17] =	ssyncadd.s32 $0xFFFFFC00  }
0x19a: {  	[bflag:$0x0] =	sbarrier.arrive $0xFFFF  }
0x19b: {  	s30 =	rddreg [dreg:$0xb]  }
0x19c: {  	s9 =	simm.s32 @p4 $0x1FD3;
	s28 =	rddreg [dreg:$0x17];
	s0 =	sshrl.u32 @p4 s30, $0x3  }
0x19d: {  	[hbm:s28], [sflag:s9] =	dma.local @p4 [spmem:s0], $0x1400  }
0x19e: {  	s0 =	simm.s32 @p4 $0x13  }
0x19f: {  	_ =	swait.ge @p4 [sflag:s0], $0x1400  }
0x1a0: {  	s29 =	stileid.u32;
	s31 =	rddreg [dreg:$0xc]  }
0x1a1: {  	s9 =	sshll.u32 @!p4 s29, $0x6;
	[sflag:s0] =	ssyncset.done @p4 $0x0;
	s28 =	rddreg [dreg:$0x14]  }
0x1a2: {  	[sflag:s0] =	ssyncadd.s32 @p4 $0xFFFFEC00;
	s0 =	sor.u32 @!p4 $0x1C13, s9;
	s9 =	sshrl.u32 @!p4 s31, $0x3  }
0x1a3: {  	[hbm:s28], [sflag:s0] =	dma.local @!p4 [spmem:s9], $0x1380  }
0x1a4: {  	s0 =	simm.s32 @!p4 $0x13  }
0x1a5: {  	_ =	swait.ge @!p4 [sflag:s0], $0x1380  }
0x1a6: {  	s22 =	rddreg [dreg:$0x1a]  }
0x1a7: {  	s28 =	rddreg [dreg:$0x18];
	s10 =	sadd.s32 $0x1, s22  }
0x1a8: {  	p5 =	sne.s32 s10, s28  }
.Ltmp1:
0x1a9: {  	_ = 	snop;
	(pc) =	sbr.rel @p5 .LBB2_1-.Ltmp1, $3  }
0x1aa: {  	_ =	sdelay $0x1  }
0x1ab: {  	[sflag:s0] =	ssyncset.done @!p4 $0x0  }
0x1ac: {  	s9 =	simm.s32 $0x13;
	[sflag:s0] =	ssyncadd.s32 @!p4 $0xFFFFEC80  }
0x1ad: {  	_ =	sfence.sel $0x180000  }
0x1ae: {  	[bflag:$0x0] =	sbarrier.arrive $0xFFFF  }
0x1af: {  	_ =	strace $0x9000004D  }
0x1b0: {  	[bflag:$0x2] =	sbarrier.arrive $0xFFFF  }
0x1b1: {  	p0 =	sne.s32 s29, $0x0;
	s0 =	rddreg [dreg:$0x2]  }
0x1b2: {  	s0 =	sadd.s32 @!p0 $0x100000, s0  }
0x1b3: {  	[sflag:s0] =	ssyncadd.tile.s32 @!p0 $0x1;
	_ =	shalt  }
.Lfunc_end2:
_tile_overlayer_lowered:
.L_overlay_start_2:
0x1b4: {  	(tag) =	ssettag $0x2  }
0x1b5: {  	s0 =	rddreg [dreg:$0x0];
	s2 =	stileid.u32  }
0x1b6: {  	s1 =	rddreg [dreg:$0x1];
	p0 =	sne.s32 s2, $0x0  }
0x1b7: {  	s3 =	rddreg [dreg:$0x2];
	[bflag:$0x3] =	sbarrier.arrive $0xFFFF;
	s2 =	simm.s32 @!p0 $0x1C13  }
0x1b8: {  	[timem:s3], [sflag:s2] =	dma.local @!p0 [hbm:s0], s1  }
0x1b9: {  	s0 =	simm.s32 @!p0 $0x13  }
0x1ba: {  	_ =	swait.ge @!p0 [sflag:s0], s1  }
0x1bb: {  	s1 =	ssub.s32 @!p0 $0x0, s1;
	[sflag:s0] =	ssyncset.done @!p0 $0x0  }
0x1bc: {  	[sflag:s0] =	ssyncadd.s32 @!p0 s1  }
0x1bd: {  	[bflag:$0x3] =	sbarrier.arrive $0xFFFF  }
0x1be: {  	_ =	shalt  }

// kernel: kernel.9.cloned.1.call-start
scs
__scs_entry_jumppad:
0x0: {  	(pc) =	sbr.rel $0x88, $3  }
0x1: {  	(tag) =	ssettag $0x0;
	lr =	simm.s32 $0x1  }
0x2: {  	[smem:$0x3F98] =	sst lr;
	_ =	strace $0xD0000000  }
0x3: {  	_ = 	snop  }
0x4: {  	_ = 	snop  }
0x5: {  	_ = 	snop  }
0x6: {  	_ = 	snop  }
0x7: {  	_ = 	snop  }
__scs_overlays_trampoline_lowered:
0x8: {  	[smem:$0x3FA7] =	sst s0  }
0x9: {  	[smem:$0x3FA8] =	sst s1  }
0xa: {  	[smem:$0x3FA9] =	sst s2  }
0xb: {  	[smem:$0x3FAA] =	sst s3  }
0xc: {  	[smem:$0x3FAB] =	sst s4  }
0xd: {  	[smem:$0x3FAC] =	sst s5  }
0xe: {  	[smem:$0x3FAD] =	sst s6  }
0xf: {  	[smem:$0x3FAE] =	sst s7  }
0x10: {  	[smem:$0x3FAF] =	sst s8  }
0x11: {  	[smem:$0x3FB0] =	sst s9;
	s0 =	simm.s32 @!p0 $0x0  }
0x12: {  	s1 =	sld [smem:$0x3F96];
	s0 =	simm.s32 @p0 $0x1  }
0x13: {  	[smem:$0x3FB1] =	sst s0;
	s0 =	simm.s32 @!p1 $0x0  }
0x14: {  	s2 =	sld [smem:$0x3F95];
	s0 =	simm.s32 @p1 $0x1  }
0x15: {  	[smem:$0x3FB2] =	sst s0;
	s0 =	simm.s32 @!p2 $0x0  }
0x16: {  	s3 =	sld [smem:$0x3FDB];
	s0 =	simm.s32 @p2 $0x1  }
0x17: {  	s4 =	simm.s32 $0x1BF5;
	[smem:$0x3FB4] =	sst s0  }
0x18: {  	s0 =	sld [smem:$0x3F97];
	_ =	swait.ge [sflag:s4], $0x0  }
0x19: {  	s7 =	sld [smem:$0x3F98]  }
0x1a: {  	s8 =	sadd.s32 $0xFFFFE003, lr  }
0x1b: {  	s9 =	sadd.s32 $0xFFFFFEF7, lr;
	s5 =	simm.s32 $0xFFFFFFFF;
	p2 =	slt.u32 s8, $0xFFFFF086  }
0x1c: {  	p1 =	slt.u32 s9, $0xF7A;
	s5 =	simm.s32 @!p2 $0x0  }
0x1d: {  	s5 =	simm.s32 @p1 $0x1;
	p0 =	seq.s32 s7, s2  }
0x1e: {  	s7 =	smul.u32 @!p0 $0xF7A, s2;
	p2 =	seq.s32 @!p0 s5, $0x0  }
0x1f: {  	s9 =	smul.u32 $0xF7A, s1;
	s8 =	simm.s32 @!p0 $0x1BF5;
	p2 =	por !p2, p0  }
0x20: {  	[sflag:s8] =	ssyncset.s32 @!p0 $0xFFFFF086;
	s6 =	sadd.s32 @!p0 s3, s7;
	s7 =	simm.s32 @!p0 $0x108  }
0x21: {  	s3 =	sadd.s32 s3, s9;
	s6 =	sadd.s32 @!p0 $0x88, s6;
	s7 =	simm.s32 @p2 $0x1082  }
0x22: {  	[simem:s7], [sflag:s8] =	dma.local @!p0 [hbm:s6], $0xF7A  }
0x23: {  	s9 =	sor.u32 $0xD0000000, s2;
	s6 =	simm.s32 $0x108;
	_ =	swait.ge @!p0 [sflag:s8], $0x0  }
0x24: {  	s3 =	sadd.s32 $0x88, s3;
	s6 =	simm.s32 @!p1 $0x1082;
	[sflag:s4] =	ssyncset.s32 $0xFFFFF086  }
0x25: {  	[simem:s6], [sflag:s4] =	dma.local [hbm:s3], $0xF7A  }
0x26: {  	[smem:$0x3F98] =	sst s1;
	(tag) =	ssettag s2;
	_ =	strace s9  }
0x27: {  	s1 =	sld [smem:$0x3FA8]  }
0x28: {  	s2 =	sld [smem:$0x3FA9]  }
0x29: {  	s4 =	sld [smem:$0x3FAB]  }
0x2a: {  	p0 =	seq.s32 s5, $0x0;
	s5 =	sld [smem:$0x3FAC]  }
0x2b: {  	s6 =	sld [smem:$0x3FAD]  }
0x2c: {  	s7 =	sld [smem:$0x3FAE]  }
0x2d: {  	s3 =	simm.s32 $0x108;
	s8 =	sld [smem:$0x3FAF]  }
0x2e: {  	s3 =	simm.s32 @!p0 $0x1082;
	s9 =	sld [smem:$0x3FB0]  }
0x2f: {  	lr =	sadd.s32 s0, s3;
	s0 =	sld [smem:$0x3FA7]  }
0x30: {  	s3 =	sld [smem:$0x3FAA]  }
0x31: {  	[smem:$0x3FB3] =	sst s10  }
0x32: {  	s10 =	sld [smem:$0x3FB1];
	_ =	sdelay $0x3  }
0x33: {  	p0 =	seq.s32 s10, $0x1;
	s10 =	sld [smem:$0x3FB3];
	_ =	sdelay $0x3  }
0x34: {  	[smem:$0x3FB3] =	sst s10  }
0x35: {  	s10 =	sld [smem:$0x3FB2];
	_ =	sdelay $0x3  }
0x36: {  	p1 =	seq.s32 s10, $0x1;
	s10 =	sld [smem:$0x3FB3];
	_ =	sdelay $0x3  }
0x37: {  	[smem:$0x3FB3] =	sst s10  }
0x38: {  	s10 =	sld [smem:$0x3FB4]  }
0x39: {  	_ = 	snop;
	(pc) =	sbr.ind lr, $3  }
0x3a: {  	_ = 	snop  }
0x3b: {  	_ = 	snop  }
0x3c: {  	p2 =	seq.s32 s10, $0x1;
	s10 =	sld [smem:$0x3FB3]  }
0x3d: {  	_ =	shalt  }
0x3e: {  	_ =	shalt  }
0x3f: {  	_ =	shalt  }
0x40: {  	_ =	shalt  }
0x41: {  	_ =	shalt  }
0x42: {  	_ =	shalt  }
0x43: {  	_ =	shalt  }
0x44: {  	_ =	shalt  }
0x45: {  	_ =	shalt  }
0x46: {  	_ =	shalt  }
0x47: {  	_ =	shalt  }
0x48: {  	_ =	shalt  }
0x49: {  	_ =	shalt  }
0x4a: {  	_ =	shalt  }
0x4b: {  	_ =	shalt  }
0x4c: {  	_ =	shalt  }
0x4d: {  	_ =	shalt  }
0x4e: {  	_ =	shalt  }
0x4f: {  	_ =	shalt  }
0x50: {  	_ =	shalt  }
0x51: {  	_ =	shalt  }
0x52: {  	_ =	shalt  }
0x53: {  	_ =	shalt  }
0x54: {  	_ =	shalt  }
0x55: {  	_ =	shalt  }
0x56: {  	_ =	shalt  }
0x57: {  	_ =	shalt  }
0x58: {  	_ =	shalt  }
0x59: {  	_ =	shalt  }
0x5a: {  	_ =	shalt  }
0x5b: {  	_ =	shalt  }
0x5c: {  	_ =	shalt  }
0x5d: {  	_ =	shalt  }
0x5e: {  	_ =	shalt  }
0x5f: {  	_ =	shalt  }
0x60: {  	_ =	shalt  }
0x61: {  	_ =	shalt  }
0x62: {  	_ =	shalt  }
0x63: {  	_ =	shalt  }
0x64: {  	_ =	shalt  }
0x65: {  	_ =	shalt  }
0x66: {  	_ =	shalt  }
0x67: {  	_ =	shalt  }
0x68: {  	_ =	shalt  }
0x69: {  	_ =	shalt  }
0x6a: {  	_ =	shalt  }
0x6b: {  	_ =	shalt  }
0x6c: {  	_ =	shalt  }
0x6d: {  	_ =	shalt  }
0x6e: {  	_ =	shalt  }
0x6f: {  	_ =	shalt  }
0x70: {  	_ =	shalt  }
0x71: {  	_ =	shalt  }
0x72: {  	_ =	shalt  }
0x73: {  	_ =	shalt  }
0x74: {  	_ =	shalt  }
0x75: {  	_ =	shalt  }
0x76: {  	_ =	shalt  }
0x77: {  	_ =	shalt  }
0x78: {  	_ =	shalt  }
0x79: {  	_ =	shalt  }
0x7a: {  	_ =	shalt  }
0x7b: {  	_ =	shalt  }
0x7c: {  	_ =	shalt  }
0x7d: {  	_ =	shalt  }
0x7e: {  	_ =	shalt  }
0x7f: {  	_ =	shalt  }
0x80: {  	_ =	shalt  }
0x81: {  	_ =	shalt  }
0x82: {  	_ =	shalt  }
0x83: {  	_ =	shalt  }
0x84: {  	_ =	shalt  }
0x85: {  	_ =	shalt  }
0x86: {  	_ =	shalt  }
0x87: {  	_ =	shalt  }
.Lfunc_end0:
.L_simem_size_0:
called_computation_lowered:
.L_overlay_start_0:
0x88: {  	s2 =	sld [smem:$0x3FD9]  }
0x89: {  	s3 =	sld [smem:$0x3FFE];
	_ =	sdelay $0x1  }
0x8a: {  	s1 =	srdreg.scid  }
0x8b: {  	s0 =	sand.u32 $0x1, s1  }
0x8c: {  	s16 =	sshll.u32 s0, $0xA;
	s2 =	sadd.s32 s3, s2  }
0x8d: {  	s2 =	sadd.s32 s2, s16  }
0x8e: {  	[smem:$0x3FBF] =	sst s2  }
0x8f: {  	_ = 	snop  }
0x90: {  	(tm) =	ssettm $0x1  }
0x91: {  	s17 =	sld [smem:$0x3FFB];
	_ =	sdelay $0x3  }
0x92: {  	_ =	strace s17  }
0x93: {  	s2 =	sld [smem:$0x3FFC];
	_ =	sdelay $0x3  }
0x94: {  	_ =	strace s2  }
0x95: {  	s2 =	sld [smem:$0x3FFD];
	_ =	sdelay $0x3  }
0x96: {  	_ =	strace s2  }
0x97: {  	_ =	strace $0x8FFFFFFF  }
0x98: {  	s18 =	sld [smem:$0x3FDB];
	_ =	sdelay $0x1  }
0x99: {  	s19 =	simm.s32 $_scs_section_size  }
0x9a: {  	s4 =	simm.s32 $_size__tile_overlayer_lowered;
	s5 =	simm.s32 $_tile_overlayer_lowered  }
0x9b: {  	s22 =	simm.s32 $0x1BFF;
	s21 =	sshll.u32 s5, $0x1;
	s2 =	sadd.s32 s19, s18  }
0x9c: {  	s6 =	simm.s32 $0x0;
	s20 =	sshll.u32 s4, $0x1;
	s4 =	sadd.s32 s21, s2  }
0x9d: {  	[timem:s6], [sflag:s22] =	dma.local [hbm:s4], s20  }
0x9e: {  	_ =	swait.ge [sflag:s22], s20  }
0x9f: {  	s3 =	ssub.s32 $0x0, s20;
	[sflag:s22] =	ssyncset.done $0x0  }
0xa0: {  	[sflag:s22] =	ssyncadd.s32 s3;
	_ =	sdelay $0x1  }
0xa1: {  	s23 =	simm.s32 $0x1B8B  }
0xa2: {  	_ =	swait.ge [sflag:s23], $0x1  }
0xa3: {  	[sflag:s23] =	ssyncset.done $0x0  }
0xa4: {  	s25 =	simm.s32 $0x1B8E;
	s24 =	sld [smem:$0x3FFE];
	[sflag:s23] =	ssyncadd.s32 $0xFFFFFFFF  }
0xa5: {  	s26 =	simm.s32 $execute0_lowered;
	[smem:$0x3FD2] =	sst s25  }
0xa6: {  	s4 =	sshll.u32 s26, $0x1;
	_ =	strace $0x80000046;
	[dreg:$0x1] =	wrdreg $0xFFFFFFFF  }
0xa7: {  	s28 =	simm.s32 $_size_execute0_lowered;
	s2 =	sadd.s32 s2, s4;
	[dreg:$0x0] =	wrdreg $0x0  }
0xa8: {  	s4 =	sshll.u32 s28, $0x1;
	[dreg:$0x2] =	wrdreg s2  }
0xa9: {  	[dreg:$0x3] =	wrdreg s4  }
0xaa: {  	[dreg:$0x4] =	wrdreg $0xC0  }
0xab: {  	_ =	task [dreg:s6], $0x5FFFF  }
0xac: {  	[dreg:$0x1] =	wrdreg $0xFFFFFFFF  }
0xad: {  	[dreg:$0x0] =	wrdreg $0x60  }
0xae: {  	[dreg:$0x2] =	wrdreg s24  }
0xaf: {  	[dreg:$0x3] =	wrdreg $0xA100  }
0xb0: {  	[dreg:$0x4] =	wrdreg $0x9  }
0xb1: {  	_ =	task.clear_ibuf [dreg:s6], $0x5FFFF;
	_ =	strace $0x90000046  }
0xb2: {  	s29 =	simm.s32 $0x9;
	_ =	strace $0x80000048  }
0xb3: {  	_ =	swait.ge [sflag:s29], $0x1  }
0xb4: {  	[sflag:s29] =	ssyncadd.s32 $0xFFFFFFFF  }
0xb5: {  	_ =	strace $0x90000048  }
0xb6: {  	_ =	sfence  }
0xb7: {  	s30 =	sld [smem:$0x0];
	_ =	sdelay $0x2  }
0xb8: {  	s31 =	sshll.u32 s1, $0xD;
	s1 =	sshrl.u32 s1, $0x2  }
0xb9: {  	s3 =	sand.u32 $0x4000, s31;
	s1 =	sadd.s32 s1, s30  }
0xba: {  	s0 =	sor.u32 s3, s0;
	s1 =	sshll.u32 s1, $0x11  }
0xbb: {  	s0 =	sor.u32 s1, s0  }
0xbc: {  	s0 =	sadd.s32 $0x8F2B, s0  }
0xbd: {  	[sflag:s0] =	ssyncadd.remote.s32 $0x1  }
0xbe: {  	_ =	sfence.sel $0xFFFF  }
0xbf: {  	[dreg:$0x0] =	wrdreg $0xFFFFFFFF;
	(pc) =	sbr.abs _section_cstart, $3  }
0xc0: {  	[dreg:$0x1] =	wrdreg $0xFFFFFFFF  }
0xc1: {  	_ =	task.clear_ibuf [dreg:s6], $0x2FFFF;
	_ =	strace $0x9FFFFFFF  }
0xc2: {  	(tm) =	ssettm $0x7FFFFFFF  }
0xc3: {  	_ =	shalt  }
tec
execute0_lowered:
.L_overlay_start_1:
0x0: {  	(tag) =	ssettag $0x1  }
0x1: {  	s3 =	rddreg [dreg:$0x0]  }
0x2: {  	s1 =	rddreg [dreg:$0x1];
	s2 =	simm.s32 $0x0  }
0x3: {  	s0 =	srdreg.scid;
	s12 =	stileid.u32;
	s31 =	simm.s32 $0x400  }
0x4: {  	[smem:$0x7FF] =	sst s2;
	s5 =	sand.u32 $0x1, s0;
	s0 =	sadd.s32 $0x3000, s3  }
0x5: {  	s6 =	sadd.s32 $0x16E00, s3;
	s11 =	smul.u32 $0x4E00, s12;
	s7 =	sadd.s32 $0x16A00, s3  }
0x6: {  	s9 =	sadd.s32 $0x17000, s3;
	s16 =	sadd.s32 $0x12480, s1;
	s20 =	smul.u32 $0x1380, s12  }
0x7: {  	p0 =	seq.s32 s12, $0xF;
	_ =	strace $0x80000047;
	[dreg:$0xf] =	wrdreg s6  }
0x8: {  	s4 =	sshll.u32 s5, $0x4;
	[dreg:$0x10] =	wrdreg s7;
	s17 =	smul.u32 $0x13880, s5  }
0x9: {  	s13 =	ssub.s32 $0x2, s5;
	[dreg:$0x11] =	wrdreg s16;
	s5 =	smul.u32 $0x27100, s5  }
0xa: {  	s4 =	sor.u32 s12, s4;
	s14 =	sshrl.u32 s13, $0x1;
	s6 =	sshrl.u32 s11, $0x2  }
0xb: {  	s11 =	smul.u32 $0x2710, s12;
	s7 =	sadd.s32 s20, s1;
	s12 =	simm.s32 $0x9  }
0xc: {  	s8 =	smul.u32 $0x2710, s4;
	s4 =	ssub.s32 s13, s14;
	s23 =	sadd.s32 s20, s17  }
0xd: {  	s3 =	sadd.s32 s6, s1;
	s25 =	sshrl.u32 s17, $0x3;
	s24 =	sshrl.u32 s23, $0x3  }
0xe: {  	s5 =	sadd.s32 s11, s5;
	s4 =	smax.u32 s4, $0x1;
	s15 =	sshrl.u32 s8, $0x3  }
0xf: {  	s26 =	sadd.s32 $0x4E980, s5;
	s29 =	sadd.s32 $0x4E900, s5;
	s30 =	sadd.s32 $0x4E880, s5  }
0x10: {  	s11 =	sadd.s32 $0x4E800, s5;
	s14 =	sadd.s32 $0x4EA00, s5;
	s6 =	sadd.s32 s0, s15  }
0x11: {  	[dreg:$0x1b] =	wrdreg s4;
	s28 =	sshrl.u32 s26, $0x3;
	s18 =	sadd.s32 $0x9C40, s6  }
0x12: {  	s8 =	sshrl.u32 s29, $0x3;
	s19 =	sadd.s32 $0x9C50, s6;
	[dreg:$0x12] =	wrdreg s18  }
0x13: {  	s15 =	sadd.s32 $0x4EA80, s5;
	s10 =	sadd.s32 $0x9C60, s6;
	[dreg:$0x13] =	wrdreg s19  }
0x14: {  	s26 =	sadd.s32 $0x4E600, s5;
	s21 =	sadd.s32 $0x9C70, s6;
	[dreg:$0x14] =	wrdreg s10  }
0x15: {  	s29 =	sadd.s32 $0x4E580, s5;
	s22 =	sadd.s32 $0x9C80, s6;
	[dreg:$0x15] =	wrdreg s21  }
0x16: {  	s13 =	sadd.s32 $0x9C90, s6;
	s6 =	sadd.s32 $0xA120, s6;
	[dreg:$0x16] =	wrdreg s22  }
0x17: {  	s8 =	sadd.s32 s8, s0;
	s17 =	sshrl.u32 s15, $0x3;
	[dreg:$0x17] =	wrdreg s13  }
0x18: {  	s15 =	simm.s32 $0xC;
	[dreg:$0x18] =	wrdreg s6;
	s6 =	sadd.s32 s9, s24  }
0x19: {  	[dreg:$0x4] =	wrdreg s8;
	s13 =	sshrl.u32 s11, $0x3;
	s8 =	sshrl.u32 s14, $0x3  }
0x1a: {  	s18 =	sadd.s32 s17, s0;
	s19 =	sadd.s32 $0x4E780, s5;
	s21 =	sadd.s32 $0x4E700, s5  }
0x1b: {  	s22 =	sadd.s32 $0x4E680, s5;
	s5 =	sadd.s32 $0x4E500, s5;
	s11 =	simm.s32 $0x8  }
0x1c: {  	s14 =	simm.s32 $0xB;
	[dreg:$0x19] =	wrdreg s6;
	s6 =	sadd.s32 s9, s25  }
0x1d: {  	s9 =	sshrl.u32 s30, $0x3;
	s16 =	sadd.s32 s8, s0;
	[dreg:$0x8] =	wrdreg s18  }
0x1e: {  	s20 =	sshrl.u32 s19, $0x3;
	s8 =	sshrl.u32 s21, $0x3;
	s24 =	sshrl.u32 s22, $0x3  }
0x1f: {  	s5 =	sshrl.u32 s5, $0x3;
	s6 =	sadd.s32 $0x2490, s6;
	[dreg:$0x7] =	wrdreg s16  }
0x20: {  	s18 =	simm.s32 $0x610;
	s10 =	sadd.s32 s9, s0;
	[dreg:$0x1a] =	wrdreg s6  }
0x21: {  	s21 =	simm.s32 $0xE;
	s23 =	sadd.s32 s8, s0;
	[dreg:$0x5] =	wrdreg s10  }
0x22: {  	s25 =	sadd.s32 s24, s0;
	s8 =	sshrl.u32 s29, $0x3;
	[dreg:$0xa] =	wrdreg s23  }
0x23: {  	s9 =	simm.s32 $0x7;
	s6 =	sadd.s32 s28, s0;
	[dreg:$0xb] =	wrdreg s25  }
0x24: {  	s16 =	simm.s32 $0xD;
	s30 =	sadd.s32 s8, s0;
	[dreg:$0x3] =	wrdreg s6  }
0x25: {  	s28 =	sshrl.u32 s26, $0x3;
	s6 =	sadd.s32 s13, s0;
	[dreg:$0xd] =	wrdreg s30  }
0x26: {  	s8 =	simm.s32 $0x6;
	[dreg:$0x6] =	wrdreg s6;
	s6 =	sadd.s32 s20, s0  }
0x27: {  	s10 =	simm.s32 $0x1;
	[dreg:$0x9] =	wrdreg s6;
	s6 =	sadd.s32 s28, s0  }
0x28: {  	s13 =	simm.s32 $0xA;
	s0 =	sadd.s32 s5, s0;
	[dreg:$0xc] =	wrdreg s6  }
0x29: {  	s20 =	simm.s32 $0x80;
	[dreg:$0xe] =	wrdreg s0;
	s0 =	sshrl.u32 @!p0 s3, $0x3  }
0x2a: {  	s6 =	simm.s32 $0x4;
	[dreg:$0x1c] =	wrdreg s0;
	s0 =	sshrl.u32 @!p0 s7, $0x3  }
0x2b: {  	s7 =	simm.s32 $0x5;
	[dreg:$0x1d] =	wrdreg s0;
	s0 =	simm.s32 $0x0  }
.LBB2_1:
0x2c: {  	[dreg:$0x1e] =	wrdreg s0  }
0x2d: {  	s5 =	rddreg [dreg:$0x11]  }
0x2e: {  	s19 =	rddreg [dreg:$0x10];
	s0 =	sshrl.u32 @p0 s5, $0x3  }
0x2f: {  	s17 =	stileid.u32;
	s5 =	simm.s32 @p0 $0x1FCE;
	[dreg:$0x1f] =	wrdreg s0  }
0x30: {  	[spmem:s0], [sflag:s5] =	dma.local @p0 [hbm:s19], $0x280  }
0x31: {  	s17 =	sshll.u32 @!p0 s17, $0x6;
	s5 =	simm.s32 @p0 $0xE  }
0x32: {  	s0 =	sor.u32 @!p0 $0x1C0E, s17;
	_ =	swait.ge @p0 [sflag:s5], $0x280  }
0x33: {  	[sflag:s5] =	ssyncset.done @p0 $0x0;
	[smem:$0x7FD] =	sst s0  }
0x34: {  	[sflag:s5] =	ssyncadd.s32 @p0 $0xFFFFFD80;
	s5 =	rddreg [dreg:$0x1c]  }
0x35: {  	[spmem:s5], [sflag:s0] =	dma.local @!p0 [hbm:s19], $0x270  }
0x36: {  	s5 =	simm.s32 @!p0 $0xE  }
0x37: {  	_ =	swait.ge @!p0 [sflag:s5], $0x270  }
0x38: {  	[sflag:s5] =	ssyncset.done @!p0 $0x0  }
0x39: {  	s17 =	rddreg [dreg:$0xf];
	[sflag:s5] =	ssyncadd.s32 @!p0 $0xFFFFFD90  }
0x3a: {  	[tilespmem:s18], [sflag:$0xE] =	stream.linear.gather [hbm4b:s17+s2], $0x400, $0x38;
	[tilespmem:$0x1D98] =	vst v63  }
0x3b: {  	_ =	swait.ge [sflag:s21], $0x400  }
0x3c: {  	[sflag:s21] =	ssyncset.done $0x0  }
0x3d: {  	[sflag:s21] =	ssyncadd.s32 $0xFFFFFC00  }
0x3e: {  	[bflag:$0x0] =	sbarrier.arrive $0xFFFF  }
0x3f: {  	s19 =	rddreg [dreg:$0x12]  }
0x40: {  	s21 =	rddreg [dreg:$0x13]  }
0x41: {  	[tilespmem:s2], [sflag:$0x2] =	stream.linear.gather [hbm4b:s19+s2], $0x80, $0x38;
	[tilespmem:$0x1D98] =	vst v63  }
0x42: {  	s22 =	rddreg [dreg:$0x14]  }
0x43: {  	[tilespmem:s20], [sflag:$0x3] =	stream.linear.gather [hbm4b:s21+s2], $0x80, $0x38;
	[tilespmem:$0x1D98] =	vst v63  }
0x44: {  	s23 =	rddreg [dreg:$0x15];
	s21 =	simm.s32 $0x100  }
0x45: {  	[tilespmem:s21], [sflag:$0x4] =	stream.linear.gather [hbm4b:s22+s2], $0x80, $0x38;
	[tilespmem:$0x1D98] =	vst v63  }
0x46: {  	s24 =	rddreg [dreg:$0x16];
	s22 =	simm.s32 $0x180  }
0x47: {  	[tilespmem:s22], [sflag:$0x5] =	stream.linear.gather [hbm4b:s23+s2], $0x80, $0x38;
	[tilespmem:$0x1D98] =	vst v63  }
0x48: {  	s25 =	rddreg [dreg:$0xe];
	s23 =	simm.s32 $0x200  }
0x49: {  	[tilespmem:s23], [sflag:$0x6] =	stream.linear.gather [hbm4b:s24+s2], $0x80, $0x38;
	[tilespmem:$0x1D98] =	vst v63  }
0x4a: {  	s26 =	rddreg [dreg:$0x17];
	s24 =	simm.s32 $0x280  }
0x4b: {  	[tilespmem:s24], [sflag:$0x7] =	stream.linear.gather [hbm4b:s26+s2], $0x80, $0x38;
	[tilespmem:$0x1D98] =	vst v63  }
0x4c: {  	s28 =	rddreg [dreg:$0xd];
	s5 =	sadd.s32 $0x0, s25;
	s25 =	simm.s32 $0x300  }
0x4d: {  	[tilespmem:s25], [sflag:$0x8] =	stream.linear.gather [hbm4b:s5+s2], $0x80, $0x38;
	[tilespmem:$0x1D98] =	vst v63  }
0x4e: {  	s29 =	rddreg [dreg:$0xc];
	s30 =	sadd.s32 $0x0, s28;
	s26 =	simm.s32 $0x380  }
0x4f: {  	[tilespmem:s26], [sflag:$0x9] =	stream.linear.gather [hbm4b:s30+s2], $0x80, $0x38;
	[tilespmem:$0x1D98] =	vst v63  }
0x50: {  	s0 =	rddreg [dreg:$0xb];
	s3 =	sadd.s32 $0x0, s29;
	s28 =	simm.s32 $0x400  }
0x51: {  	[tilespmem:s28], [sflag:$0xA] =	stream.linear.gather [hbm4b:s3+s2], $0x80, $0x38;
	[tilespmem:$0x1D98] =	vst v63  }
0x52: {  	s4 =	rddreg [dreg:$0xa];
	s29 =	sadd.s32 $0x0, s0;
	s0 =	simm.s32 $0x480  }
0x53: {  	[tilespmem:s0], [sflag:$0xB] =	stream.linear.gather [hbm4b:s29+s2], $0x80, $0x38;
	[tilespmem:$0x1D98] =	vst v63  }
0x54: {  	s4 =	sadd.s32 $0x0, s4;
	s30 =	rddreg [dreg:$0x9];
	s3 =	simm.s32 $0x500  }
0x55: {  	[tilespmem:s3], [sflag:$0xC] =	stream.linear.gather [hbm4b:s4+s2], $0x80, $0x38;
	[tilespmem:$0x1D98] =	vst v63  }
0x56: {  	s19 =	sadd.s32 $0x0, s30;
	s29 =	simm.s32 $0x2;
	s4 =	simm.s32 $0x580  }
0x57: {  	[tilespmem:s4], [sflag:$0xD] =	stream.linear.gather [hbm4b:s19+s2], $0x80, $0x38;
	[tilespmem:$0x1D98] =	vst v63  }
0x58: {  	_ =	swait.ge [sflag:s29], $0x80  }
0x59: {  	[sflag:s29] =	ssyncset.done $0x0  }
0x5a: {  	s30 =	simm.s32 $0x3;
	[sflag:s29] =	ssyncadd.s32 $0xFFFFFF80  }
0x5b: {  	[spmem:s1] =	stream.indirect.scatter.add.f32 [tilespmem:s18], [sflag:$0x1], $0x8, s2, s20, $0xb8;
	[tilespmem:$0x1D98] =	vst v63  }
0x5c: {  	_ =	swait.ge [sflag:s30], $0x80  }
0x5d: {  	[sflag:s30] =	ssyncset.done $0x0  }
0x5e: {  	[sflag:s30] =	ssyncadd.s32 $0xFFFFFF80  }
0x5f: {  	[spmem:s1] =	stream.indirect.scatter.add.f32 [tilespmem:s18], [sflag:$0x1], $0x8, s20, s20, $0xb8;
	[tilespmem:$0x1D98] =	vst v63  }
0x60: {  	_ =	swait.ge [sflag:s6], $0x80  }
0x61: {  	[sflag:s6] =	ssyncset.done $0x0  }
0x62: {  	[sflag:s6] =	ssyncadd.s32 $0xFFFFFF80  }
0x63: {  	[spmem:s1] =	stream.indirect.scatter.add.f32 [tilespmem:s18], [sflag:$0x1], $0x8, s21, s20, $0xb8;
	[tilespmem:$0x1D98] =	vst v63  }
0x64: {  	_ =	swait.ge [sflag:s7], $0x80  }
0x65: {  	[sflag:s7] =	ssyncset.done $0x0  }
0x66: {  	[sflag:s7] =	ssyncadd.s32 $0xFFFFFF80  }
0x67: {  	[spmem:s1] =	stream.indirect.scatter.add.f32 [tilespmem:s18], [sflag:$0x1], $0x8, s22, s20, $0xb8;
	[tilespmem:$0x1D98] =	vst v63  }
0x68: {  	_ =	swait.ge [sflag:s8], $0x80  }
0x69: {  	[sflag:s8] =	ssyncset.done $0x0  }
0x6a: {  	[sflag:s8] =	ssyncadd.s32 $0xFFFFFF80  }
0x6b: {  	[spmem:s1] =	stream.indirect.scatter.add.f32 [tilespmem:s18], [sflag:$0x1], $0x8, s23, s20, $0xb8;
	[tilespmem:$0x1D98] =	vst v63  }
0x6c: {  	_ =	swait.ge [sflag:s9], $0x80  }
0x6d: {  	[sflag:s9] =	ssyncset.done $0x0  }
0x6e: {  	[sflag:s9] =	ssyncadd.s32 $0xFFFFFF80  }
0x6f: {  	[spmem:s1] =	stream.indirect.scatter.add.f32 [tilespmem:s18], [sflag:$0x1], $0x8, s24, s20, $0xb8;
	[tilespmem:$0x1D98] =	vst v63  }
0x70: {  	_ =	swait.ge [sflag:s10], $0x400  }
0x71: {  	[sflag:s10] =	ssyncset.done $0x0  }
0x72: {  	[sflag:s10] =	ssyncadd.s32 $0xFFFFFC00  }
0x73: {  	_ =	swait.ge [sflag:s10], $0x400  }
0x74: {  	[sflag:s10] =	ssyncset.done $0x0  }
0x75: {  	[sflag:s10] =	ssyncadd.s32 $0xFFFFFC00  }
0x76: {  	_ =	swait.ge [sflag:s10], $0x400  }
0x77: {  	[sflag:s10] =	ssyncset.done $0x0  }
0x78: {  	[sflag:s10] =	ssyncadd.s32 $0xFFFFFC00  }
0x79: {  	_ =	swait.ge [sflag:s10], $0x400  }
0x7a: {  	[sflag:s10] =	ssyncset.done $0x0  }
0x7b: {  	[sflag:s10] =	ssyncadd.s32 $0xFFFFFC00  }
0x7c: {  	_ =	swait.ge [sflag:s10], $0x400  }
0x7d: {  	[sflag:s10] =	ssyncset.done $0x0  }
0x7e: {  	[sflag:s10] =	ssyncadd.s32 $0xFFFFFC00  }
0x7f: {  	_ =	swait.ge [sflag:s10], $0x400  }
0x80: {  	s17 =	rddreg [dreg:$0x6];
	[sflag:s10] =	ssyncset.done $0x0  }
0x81: {  	s19 =	rddreg [dreg:$0x5];
	[sflag:s10] =	ssyncadd.s32 $0xFFFFFC00;
	s5 =	sadd.s32 $0x0, s17  }
0x82: {  	[tilespmem:s2], [sflag:$0x2] =	stream.linear.gather [hbm4b:s5+s2], $0x80, $0x38;
	[tilespmem:$0x1D98] =	vst v63  }
0x83: {  	s29 =	rddreg [dreg:$0x4];
	s30 =	sadd.s32 $0x0, s19  }
0x84: {  	[tilespmem:s20], [sflag:$0x3] =	stream.linear.gather [hbm4b:s30+s2], $0x80, $0x38;
	[tilespmem:$0x1D98] =	vst v63  }
0x85: {  	s17 =	rddreg [dreg:$0x3];
	s29 =	sadd.s32 $0x0, s29  }
0x86: {  	[tilespmem:s21], [sflag:$0x4] =	stream.linear.gather [hbm4b:s29+s2], $0x80, $0x38;
	[tilespmem:$0x1D98] =	vst v63  }
0x87: {  	s17 =	sadd.s32 $0x0, s17;
	s30 =	rddreg [dreg:$0x7]  }
0x88: {  	[tilespmem:s22], [sflag:$0x5] =	stream.linear.gather [hbm4b:s17+s2], $0x80, $0x38;
	[tilespmem:$0x1D98] =	vst v63  }
0x89: {  	s21 =	rddreg [dreg:$0x8];
	s29 =	sadd.s32 $0x0, s30  }
0x8a: {  	[tilespmem:s23], [sflag:$0x6] =	stream.linear.gather [hbm4b:s29+s2], $0x80, $0x38;
	[tilespmem:$0x1D98] =	vst v63  }
0x8b: {  	s30 =	sadd.s32 $0x0, s21  }
0x8c: {  	[tilespmem:s24], [sflag:$0x7] =	stream.linear.gather [hbm4b:s30+s2], $0x80, $0x38;
	[tilespmem:$0x1D98] =	vst v63  }
0x8d: {  	_ =	swait.ge [sflag:s11], $0x80  }
0x8e: {  	[sflag:s11] =	ssyncset.done $0x0  }
0x8f: {  	[sflag:s11] =	ssyncadd.s32 $0xFFFFFF80  }
0x90: {  	[spmem:s1] =	stream.indirect.scatter.add.f32 [tilespmem:s18], [sflag:$0x1], $0x8, s25, s20, $0xb8;
	[tilespmem:$0x1D98] =	vst v63  }
0x91: {  	_ =	swait.ge [sflag:s12], $0x80  }
0x92: {  	[sflag:s12] =	ssyncset.done $0x0  }
0x93: {  	[sflag:s12] =	ssyncadd.s32 $0xFFFFFF80  }
0x94: {  	[spmem:s1] =	stream.indirect.scatter.add.f32 [tilespmem:s18], [sflag:$0x1], $0x8, s26, s20, $0xb8;
	[tilespmem:$0x1D98] =	vst v63  }
0x95: {  	_ =	swait.ge [sflag:s13], $0x80  }
0x96: {  	[sflag:s13] =	ssyncset.done $0x0  }
0x97: {  	[sflag:s13] =	ssyncadd.s32 $0xFFFFFF80  }
0x98: {  	[spmem:s1] =	stream.indirect.scatter.add.f32 [tilespmem:s18], [sflag:$0x1], $0x8, s28, s20, $0xb8;
	[tilespmem:$0x1D98] =	vst v63  }
0x99: {  	_ =	swait.ge [sflag:s14], $0x80  }
0x9a: {  	[sflag:s14] =	ssyncset.done $0x0  }
0x9b: {  	[sflag:s14] =	ssyncadd.s32 $0xFFFFFF80  }
0x9c: {  	[spmem:s1] =	stream.indirect.scatter.add.f32 [tilespmem:s18], [sflag:$0x1], $0x8, s0, s20, $0xb8;
	[tilespmem:$0x1D98] =	vst v63  }
0x9d: {  	_ =	swait.ge [sflag:s15], $0x80  }
0x9e: {  	[sflag:s15] =	ssyncset.done $0x0  }
0x9f: {  	[sflag:s15] =	ssyncadd.s32 $0xFFFFFF80  }
0xa0: {  	[spmem:s1] =	stream.indirect.scatter.add.f32 [tilespmem:s18], [sflag:$0x1], $0x8, s3, s20, $0xb8;
	[tilespmem:$0x1D98] =	vst v63  }
0xa1: {  	_ =	swait.ge [sflag:s16], $0x80  }
0xa2: {  	[sflag:s16] =	ssyncset.done $0x0  }
0xa3: {  	[sflag:s16] =	ssyncadd.s32 $0xFFFFFF80  }
0xa4: {  	[spmem:s1] =	stream.indirect.scatter.add.f32 [tilespmem:s18], [sflag:$0x1], $0x8, s4, s20, $0xb8;
	[tilespmem:$0x1D98] =	vst v63  }
0xa5: {  	_ =	swait.ge [sflag:s10], $0x400  }
0xa6: {  	[sflag:s10] =	ssyncset.done $0x0  }
0xa7: {  	[sflag:s10] =	ssyncadd.s32 $0xFFFFFC00  }
0xa8: {  	_ =	swait.ge [sflag:s10], $0x400  }
0xa9: {  	[sflag:s10] =	ssyncset.done $0x0  }
0xaa: {  	[sflag:s10] =	ssyncadd.s32 $0xFFFFFC00  }
0xab: {  	_ =	swait.ge [sflag:s10], $0x400  }
0xac: {  	[sflag:s10] =	ssyncset.done $0x0  }
0xad: {  	[sflag:s10] =	ssyncadd.s32 $0xFFFFFC00  }
0xae: {  	_ =	swait.ge [sflag:s10], $0x400  }
0xaf: {  	[sflag:s10] =	ssyncset.done $0x0  }
0xb0: {  	[sflag:s10] =	ssyncadd.s32 $0xFFFFFC00  }
0xb1: {  	_ =	swait.ge [sflag:s10], $0x400  }
0xb2: {  	[sflag:s10] =	ssyncset.done $0x0  }
0xb3: {  	[sflag:s10] =	ssyncadd.s32 $0xFFFFFC00  }
0xb4: {  	s19 =	simm.s32 $0xC0;
	_ =	swait.ge [sflag:s10], $0x400  }
0xb5: {  	s17 =	simm.s32 $0x180;
	s25 =	rddreg [dreg:$0xe];
	[sflag:s10] =	ssyncset.done $0x0  }
.LBB2_2:
0xb6: {  	[sflag:s10] =	ssyncadd.s32 $0xFFFFFC00  }
0xb7: {  	s21 =	rddreg [dreg:$0xd];
	s25 =	sadd.s32 s19, s25;
	s29 =	simm.s32 $0x300  }
0xb8: {  	[tilespmem:s29], [sflag:$0x8] =	stream.linear.gather [hbm4b:s25+s2], $0x80, $0x38;
	[tilespmem:$0x1D98] =	vst v63  }
0xb9: {  	s22 =	rddreg [dreg:$0xc];
	s30 =	simm.s32 $0x380;
	s21 =	sadd.s32 s19, s21  }
0xba: {  	[tilespmem:s30], [sflag:$0x9] =	stream.linear.gather [hbm4b:s21+s2], $0x80, $0x38;
	[tilespmem:$0x1D98] =	vst v63  }
0xbb: {  	s4 =	rddreg [dreg:$0xb];
	s23 =	sadd.s32 s19, s22  }
0xbc: {  	[tilespmem:s31], [sflag:$0xA] =	stream.linear.gather [hbm4b:s23+s2], $0x80, $0x38;
	[tilespmem:$0x1D98] =	vst v63  }
0xbd: {  	s24 =	rddreg [dreg:$0xa];
	s0 =	simm.s32 $0x480;
	s26 =	sadd.s32 s19, s4  }
0xbe: {  	[tilespmem:s0], [sflag:$0xB] =	stream.linear.gather [hbm4b:s26+s2], $0x80, $0x38;
	[tilespmem:$0x1D98] =	vst v63  }
0xbf: {  	s28 =	rddreg [dreg:$0x9];
	s3 =	simm.s32 $0x500;
	s4 =	sadd.s32 s19, s24  }
0xc0: {  	[tilespmem:s3], [sflag:$0xC] =	stream.linear.gather [hbm4b:s4+s2], $0x80, $0x38;
	[tilespmem:$0x1D98] =	vst v63  }
0xc1: {  	s22 =	sadd.s32 s19, s28;
	s23 =	simm.s32 $0x2;
	s4 =	simm.s32 $0x580  }
0xc2: {  	[tilespmem:s4], [sflag:$0xD] =	stream.linear.gather [hbm4b:s22+s2], $0x80, $0x38;
	[tilespmem:$0x1D98] =	vst v63  }
0xc3: {  	_ =	swait.ge [sflag:s23], $0x80  }
0xc4: {  	[sflag:s23] =	ssyncset.done $0x0  }
0xc5: {  	s24 =	simm.s32 $0x3;
	[sflag:s23] =	ssyncadd.s32 $0xFFFFFF80  }
0xc6: {  	[spmem:s1] =	stream.indirect.scatter.add.f32 [tilespmem:s18], [sflag:$0x1], $0x8, s2, s20, $0xb8;
	[tilespmem:$0x1D98] =	vst v63  }
0xc7: {  	_ =	swait.ge [sflag:s24], $0x80  }
0xc8: {  	[sflag:s24] =	ssyncset.done $0x0  }
0xc9: {  	[sflag:s24] =	ssyncadd.s32 $0xFFFFFF80  }
0xca: {  	[spmem:s1] =	stream.indirect.scatter.add.f32 [tilespmem:s18], [sflag:$0x1], $0x8, s20, s20, $0xb8;
	[tilespmem:$0x1D98] =	vst v63  }
0xcb: {  	_ =	swait.ge [sflag:s6], $0x80  }
0xcc: {  	[sflag:s6] =	ssyncset.done $0x0  }
0xcd: {  	s23 =	simm.s32 $0x100;
	[sflag:s6] =	ssyncadd.s32 $0xFFFFFF80  }
0xce: {  	[spmem:s1] =	stream.indirect.scatter.add.f32 [tilespmem:s18], [sflag:$0x1], $0x8, s23, s20, $0xb8;
	[tilespmem:$0x1D98] =	vst v63  }
0xcf: {  	_ =	swait.ge [sflag:s7], $0x80  }
0xd0: {  	[sflag:s7] =	ssyncset.done $0x0  }
0xd1: {  	s24 =	simm.s32 $0x180;
	[sflag:s7] =	ssyncadd.s32 $0xFFFFFF80  }
0xd2: {  	[spmem:s1] =	stream.indirect.scatter.add.f32 [tilespmem:s18], [sflag:$0x1], $0x8, s24, s20, $0xb8;
	[tilespmem:$0x1D98] =	vst v63  }
0xd3: {  	_ =	swait.ge [sflag:s8], $0x80  }
0xd4: {  	[sflag:s8] =	ssyncset.done $0x0  }
0xd5: {  	s26 =	simm.s32 $0x200;
	[sflag:s8] =	ssyncadd.s32 $0xFFFFFF80  }
0xd6: {  	[spmem:s1] =	stream.indirect.scatter.add.f32 [tilespmem:s18], [sflag:$0x1], $0x8, s26, s20, $0xb8;
	[tilespmem:$0x1D98] =	vst v63  }
0xd7: {  	_ =	swait.ge [sflag:s9], $0x80  }
0xd8: {  	[sflag:s9] =	ssyncset.done $0x0  }
0xd9: {  	s28 =	simm.s32 $0x280;
	[sflag:s9] =	ssyncadd.s32 $0xFFFFFF80  }
0xda: {  	[spmem:s1] =	stream.indirect.scatter.add.f32 [tilespmem:s18], [sflag:$0x1], $0x8, s28, s20, $0xb8;
	[tilespmem:$0x1D98] =	vst v63  }
0xdb: {  	_ =	swait.ge [sflag:s10], $0x400  }
0xdc: {  	[sflag:s10] =	ssyncset.done $0x0  }
0xdd: {  	[sflag:s10] =	ssyncadd.s32 $0xFFFFFC00  }
0xde: {  	_ =	swait.ge [sflag:s10], $0x400  }
0xdf: {  	[sflag:s10] =	ssyncset.done $0x0  }
0xe0: {  	[sflag:s10] =	ssyncadd.s32 $0xFFFFFC00  }
0xe1: {  	_ =	swait.ge [sflag:s10], $0x400  }
0xe2: {  	[sflag:s10] =	ssyncset.done $0x0  }
0xe3: {  	[sflag:s10] =	ssyncadd.s32 $0xFFFFFC00  }
0xe4: {  	_ =	swait.ge [sflag:s10], $0x400  }
0xe5: {  	[sflag:s10] =	ssyncset.done $0x0  }
0xe6: {  	[sflag:s10] =	ssyncadd.s32 $0xFFFFFC00  }
0xe7: {  	_ =	swait.ge [sflag:s10], $0x400  }
0xe8: {  	[sflag:s10] =	ssyncset.done $0x0  }
0xe9: {  	[sflag:s10] =	ssyncadd.s32 $0xFFFFFC00  }
0xea: {  	_ =	swait.ge [sflag:s10], $0x400  }
0xeb: {  	s25 =	rddreg [dreg:$0x6];
	[sflag:s10] =	ssyncset.done $0x0  }
0xec: {  	s22 =	rddreg [dreg:$0x5];
	[sflag:s10] =	ssyncadd.s32 $0xFFFFFC00;
	s21 =	sadd.s32 s19, s25  }
0xed: {  	[tilespmem:s2], [sflag:$0x2] =	stream.linear.gather [hbm4b:s21+s2], $0x80, $0x38;
	[tilespmem:$0x1D98] =	vst v63  }
0xee: {  	s25 =	rddreg [dreg:$0x4];
	s21 =	sadd.s32 s19, s22  }
0xef: {  	[tilespmem:s20], [sflag:$0x3] =	stream.linear.gather [hbm4b:s21+s2], $0x80, $0x38;
	[tilespmem:$0x1D98] =	vst v63  }
0xf0: {  	s22 =	rddreg [dreg:$0x3];
	s21 =	sadd.s32 s19, s25  }
0xf1: {  	[tilespmem:s23], [sflag:$0x4] =	stream.linear.gather [hbm4b:s21+s2], $0x80, $0x38;
	[tilespmem:$0x1D98] =	vst v63  }
0xf2: {  	s22 =	sadd.s32 s19, s22;
	s25 =	rddreg [dreg:$0x7]  }
0xf3: {  	[tilespmem:s24], [sflag:$0x5] =	stream.linear.gather [hbm4b:s22+s2], $0x80, $0x38;
	[tilespmem:$0x1D98] =	vst v63  }
0xf4: {  	s25 =	sadd.s32 s19, s25;
	s23 =	rddreg [dreg:$0x8]  }
0xf5: {  	[tilespmem:s26], [sflag:$0x6] =	stream.linear.gather [hbm4b:s25+s2], $0x80, $0x38;
	[tilespmem:$0x1D98] =	vst v63  }
0xf6: {  	s26 =	sadd.s32 s19, s23  }
0xf7: {  	[tilespmem:s28], [sflag:$0x7] =	stream.linear.gather [hbm4b:s26+s2], $0x80, $0x38;
	[tilespmem:$0x1D98] =	vst v63  }
0xf8: {  	_ =	swait.ge [sflag:s11], $0x80  }
0xf9: {  	[sflag:s11] =	ssyncset.done $0x0  }
0xfa: {  	[sflag:s11] =	ssyncadd.s32 $0xFFFFFF80  }
0xfb: {  	[spmem:s1] =	stream.indirect.scatter.add.f32 [tilespmem:s18], [sflag:$0x1], $0x8, s29, s20, $0xb8;
	[tilespmem:$0x1D98] =	vst v63  }
0xfc: {  	_ =	swait.ge [sflag:s12], $0x80  }
0xfd: {  	[sflag:s12] =	ssyncset.done $0x0  }
0xfe: {  	[sflag:s12] =	ssyncadd.s32 $0xFFFFFF80  }
0xff: {  	[spmem:s1] =	stream.indirect.scatter.add.f32 [tilespmem:s18], [sflag:$0x1], $0x8, s30, s20, $0xb8;
	[tilespmem:$0x1D98] =	vst v63  }
0x100: {  	_ =	swait.ge [sflag:s13], $0x80  }
0x101: {  	[sflag:s13] =	ssyncset.done $0x0  }
0x102: {  	[sflag:s13] =	ssyncadd.s32 $0xFFFFFF80  }
0x103: {  	[spmem:s1] =	stream.indirect.scatter.add.f32 [tilespmem:s18], [sflag:$0x1], $0x8, s31, s20, $0xb8;
	[tilespmem:$0x1D98] =	vst v63  }
0x104: {  	_ =	swait.ge [sflag:s14], $0x80  }
0x105: {  	[sflag:s14] =	ssyncset.done $0x0  }
0x106: {  	[sflag:s14] =	ssyncadd.s32 $0xFFFFFF80  }
0x107: {  	[spmem:s1] =	stream.indirect.scatter.add.f32 [tilespmem:s18], [sflag:$0x1], $0x8, s0, s20, $0xb8;
	[tilespmem:$0x1D98] =	vst v63  }
0x108: {  	_ =	swait.ge [sflag:s15], $0x80  }
0x109: {  	[sflag:s15] =	ssyncset.done $0x0  }
0x10a: {  	[sflag:s15] =	ssyncadd.s32 $0xFFFFFF80  }
0x10b: {  	[spmem:s1] =	stream.indirect.scatter.add.f32 [tilespmem:s18], [sflag:$0x1], $0x8, s3, s20, $0xb8;
	[tilespmem:$0x1D98] =	vst v63  }
0x10c: {  	_ =	swait.ge [sflag:s16], $0x80  }
0x10d: {  	[sflag:s16] =	ssyncset.done $0x0  }
0x10e: {  	[sflag:s16] =	ssyncadd.s32 $0xFFFFFF80  }
0x10f: {  	[spmem:s1] =	stream.indirect.scatter.add.f32 [tilespmem:s18], [sflag:$0x1], $0x8, s4, s20, $0xb8;
	[tilespmem:$0x1D98] =	vst v63  }
0x110: {  	_ =	swait.ge [sflag:s10], $0x400  }
0x111: {  	[sflag:s10] =	ssyncset.done $0x0  }
0x112: {  	[sflag:s10] =	ssyncadd.s32 $0xFFFFFC00  }
0x113: {  	_ =	swait.ge [sflag:s10], $0x400  }
0x114: {  	[sflag:s10] =	ssyncset.done $0x0  }
0x115: {  	[sflag:s10] =	ssyncadd.s32 $0xFFFFFC00  }
0x116: {  	_ =	swait.ge [sflag:s10], $0x400  }
0x117: {  	[sflag:s10] =	ssyncset.done $0x0  }
0x118: {  	[sflag:s10] =	ssyncadd.s32 $0xFFFFFC00  }
0x119: {  	_ =	swait.ge [sflag:s10], $0x400  }
0x11a: {  	[sflag:s10] =	ssyncset.done $0x0  }
0x11b: {  	p1 =	sne.s32 s17, $0x3C0;
	[sflag:s10] =	ssyncadd.s32 $0xFFFFFC00  }
.Ltmp0:
0x11c: {  	_ =	swait.ge [sflag:s10], $0x400;
	(pc) =	sbr.rel @p1 .LBB2_2-.Ltmp0, $4  }
0x11d: {  	[sflag:s10] =	ssyncset.done $0x0  }
0x11e: {  	[sflag:s10] =	ssyncadd.s32 $0xFFFFFC00  }
0x11f: {  	s5 =	smov.u32 s17;
	s17 =	sadd.s32 $0xC0, s17;
	_ =	swait.ge [sflag:s10], $0x400  }
0x120: {  	s19 =	smov.u32 s5;
	s25 =	rddreg [dreg:$0xe];
	[sflag:s10] =	ssyncset.done $0x0  }
0x121: {  	s5 =	rddreg [dreg:$0xd]  }
0x122: {  	[sflag:s10] =	ssyncadd.s32 $0xFFFFFC00;
	s17 =	sadd.s32 s19, s25;
	s25 =	simm.s32 $0x300  }
0x123: {  	[tilespmem:s25], [sflag:$0x8] =	stream.linear.gather [hbm4b:s17+s2], $0x80, $0x38;
	[tilespmem:$0x1D98] =	vst v63  }
0x124: {  	s30 =	rddreg [dreg:$0xc];
	s26 =	simm.s32 $0x380;
	s5 =	sadd.s32 s19, s5  }
0x125: {  	[tilespmem:s26], [sflag:$0x9] =	stream.linear.gather [hbm4b:s5+s2], $0x80, $0x38;
	[tilespmem:$0x1D98] =	vst v63  }
0x126: {  	s0 =	rddreg [dreg:$0xb];
	s28 =	simm.s32 $0x400;
	s17 =	sadd.s32 s19, s30  }
0x127: {  	[tilespmem:s28], [sflag:$0xA] =	stream.linear.gather [hbm4b:s17+s2], $0x80, $0x38;
	[tilespmem:$0x1D98] =	vst v63  }
0x128: {  	s3 =	rddreg [dreg:$0xa];
	s5 =	sadd.s32 s19, s0;
	s0 =	simm.s32 $0x480  }
0x129: {  	[tilespmem:s0], [sflag:$0xB] =	stream.linear.gather [hbm4b:s5+s2], $0x80, $0x38;
	[tilespmem:$0x1D98] =	vst v63  }
0x12a: {  	s4 =	rddreg [dreg:$0x9];
	s17 =	sadd.s32 s19, s3;
	s3 =	simm.s32 $0x500  }
0x12b: {  	[tilespmem:s3], [sflag:$0xC] =	stream.linear.gather [hbm4b:s17+s2], $0x80, $0x38;
	[tilespmem:$0x1D98] =	vst v63  }
0x12c: {  	s29 =	simm.s32 $0x2;
	s5 =	sadd.s32 s19, s4;
	s4 =	simm.s32 $0x580  }
0x12d: {  	[tilespmem:s4], [sflag:$0xD] =	stream.linear.gather [hbm4b:s5+s2], $0x80, $0x38;
	[tilespmem:$0x1D98] =	vst v63  }
0x12e: {  	_ =	swait.ge [sflag:s29], $0x80  }
0x12f: {  	[sflag:s29] =	ssyncset.done $0x0  }
0x130: {  	s30 =	simm.s32 $0x3;
	[sflag:s29] =	ssyncadd.s32 $0xFFFFFF80  }
0x131: {  	[spmem:s1] =	stream.indirect.scatter.add.f32 [tilespmem:s18], [sflag:$0x1], $0x8, s2, s20, $0xb8;
	[tilespmem:$0x1D98] =	vst v63  }
0x132: {  	_ =	swait.ge [sflag:s30], $0x80  }
0x133: {  	[sflag:s30] =	ssyncset.done $0x0  }
0x134: {  	[sflag:s30] =	ssyncadd.s32 $0xFFFFFF80  }
0x135: {  	[spmem:s1] =	stream.indirect.scatter.add.f32 [tilespmem:s18], [sflag:$0x1], $0x8, s20, s20, $0xb8;
	[tilespmem:$0x1D98] =	vst v63  }
0x136: {  	_ =	swait.ge [sflag:s6], $0x80  }
0x137: {  	[sflag:s6] =	ssyncset.done $0x0  }
0x138: {  	s21 =	simm.s32 $0x100;
	[sflag:s6] =	ssyncadd.s32 $0xFFFFFF80  }
0x139: {  	[spmem:s1] =	stream.indirect.scatter.add.f32 [tilespmem:s18], [sflag:$0x1], $0x8, s21, s20, $0xb8;
	[tilespmem:$0x1D98] =	vst v63  }
0x13a: {  	_ =	swait.ge [sflag:s7], $0x80  }
0x13b: {  	[sflag:s7] =	ssyncset.done $0x0  }
0x13c: {  	s22 =	simm.s32 $0x180;
	[sflag:s7] =	ssyncadd.s32 $0xFFFFFF80  }
0x13d: {  	[spmem:s1] =	stream.indirect.scatter.add.f32 [tilespmem:s18], [sflag:$0x1], $0x8, s22, s20, $0xb8;
	[tilespmem:$0x1D98] =	vst v63  }
0x13e: {  	_ =	swait.ge [sflag:s8], $0x80  }
0x13f: {  	[sflag:s8] =	ssyncset.done $0x0  }
0x140: {  	s23 =	simm.s32 $0x200;
	[sflag:s8] =	ssyncadd.s32 $0xFFFFFF80  }
0x141: {  	[spmem:s1] =	stream.indirect.scatter.add.f32 [tilespmem:s18], [sflag:$0x1], $0x8, s23, s20, $0xb8;
	[tilespmem:$0x1D98] =	vst v63  }
0x142: {  	_ =	swait.ge [sflag:s9], $0x80  }
0x143: {  	[sflag:s9] =	ssyncset.done $0x0  }
0x144: {  	s24 =	simm.s32 $0x280;
	[sflag:s9] =	ssyncadd.s32 $0xFFFFFF80  }
0x145: {  	[spmem:s1] =	stream.indirect.scatter.add.f32 [tilespmem:s18], [sflag:$0x1], $0x8, s24, s20, $0xb8;
	[tilespmem:$0x1D98] =	vst v63  }
0x146: {  	_ =	swait.ge [sflag:s10], $0x400  }
0x147: {  	[sflag:s10] =	ssyncset.done $0x0  }
0x148: {  	[sflag:s10] =	ssyncadd.s32 $0xFFFFFC00  }
0x149: {  	_ =	swait.ge [sflag:s10], $0x400  }
0x14a: {  	[sflag:s10] =	ssyncset.done $0x0  }
0x14b: {  	[sflag:s10] =	ssyncadd.s32 $0xFFFFFC00  }
0x14c: {  	_ =	swait.ge [sflag:s10], $0x400  }
0x14d: {  	[sflag:s10] =	ssyncset.done $0x0  }
0x14e: {  	[sflag:s10] =	ssyncadd.s32 $0xFFFFFC00  }
0x14f: {  	_ =	swait.ge [sflag:s10], $0x400  }
0x150: {  	[sflag:s10] =	ssyncset.done $0x0  }
0x151: {  	[sflag:s10] =	ssyncadd.s32 $0xFFFFFC00  }
0x152: {  	_ =	swait.ge [sflag:s10], $0x400  }
0x153: {  	[sflag:s10] =	ssyncset.done $0x0  }
0x154: {  	[sflag:s10] =	ssyncadd.s32 $0xFFFFFC00  }
0x155: {  	_ =	swait.ge [sflag:s10], $0x400  }
0x156: {  	s5 =	rddreg [dreg:$0x6];
	[sflag:s10] =	ssyncset.done $0x0  }
0x157: {  	s17 =	rddreg [dreg:$0x5];
	[sflag:s10] =	ssyncadd.s32 $0xFFFFFC00;
	s5 =	sadd.s32 s19, s5  }
0x158: {  	[tilespmem:s2], [sflag:$0x2] =	stream.linear.gather [hbm4b:s5+s2], $0x80, $0x38;
	[tilespmem:$0x1D98] =	vst v63  }
0x159: {  	s17 =	sadd.s32 s19, s17;
	s5 =	rddreg [dreg:$0x4]  }
0x15a: {  	[tilespmem:s20], [sflag:$0x3] =	stream.linear.gather [hbm4b:s17+s2], $0x80, $0x38;
	[tilespmem:$0x1D98] =	vst v63  }
0x15b: {  	s5 =	sadd.s32 s19, s5;
	s17 =	rddreg [dreg:$0x3]  }
0x15c: {  	[tilespmem:s21], [sflag:$0x4] =	stream.linear.gather [hbm4b:s5+s2], $0x80, $0x38;
	[tilespmem:$0x1D98] =	vst v63  }
0x15d: {  	s17 =	sadd.s32 s19, s17;
	s5 =	rddreg [dreg:$0x7]  }
0x15e: {  	[tilespmem:s22], [sflag:$0x5] =	stream.linear.gather [hbm4b:s17+s2], $0x80, $0x38;
	[tilespmem:$0x1D98] =	vst v63  }
0x15f: {  	s5 =	sadd.s32 s19, s5;
	s17 =	rddreg [dreg:$0x8]  }
0x160: {  	[tilespmem:s23], [sflag:$0x6] =	stream.linear.gather [hbm4b:s5+s2], $0x80, $0x38;
	[tilespmem:$0x1D98] =	vst v63  }
0x161: {  	s19 =	sadd.s32 s19, s17  }
0x162: {  	[tilespmem:s24], [sflag:$0x7] =	stream.linear.gather [hbm4b:s19+s2], $0x80, $0x38;
	[tilespmem:$0x1D98] =	vst v63  }
0x163: {  	_ =	swait.ge [sflag:s11], $0x80  }
0x164: {  	[sflag:s11] =	ssyncset.done $0x0  }
0x165: {  	[sflag:s11] =	ssyncadd.s32 $0xFFFFFF80  }
0x166: {  	[spmem:s1] =	stream.indirect.scatter.add.f32 [tilespmem:s18], [sflag:$0x1], $0x8, s25, s20, $0xb8;
	[tilespmem:$0x1D98] =	vst v63  }
0x167: {  	_ =	swait.ge [sflag:s12], $0x80  }
0x168: {  	[sflag:s12] =	ssyncset.done $0x0  }
0x169: {  	[sflag:s12] =	ssyncadd.s32 $0xFFFFFF80  }
0x16a: {  	[spmem:s1] =	stream.indirect.scatter.add.f32 [tilespmem:s18], [sflag:$0x1], $0x8, s26, s20, $0xb8;
	[tilespmem:$0x1D98] =	vst v63  }
0x16b: {  	_ =	swait.ge [sflag:s13], $0x80  }
0x16c: {  	[sflag:s13] =	ssyncset.done $0x0  }
0x16d: {  	[sflag:s13] =	ssyncadd.s32 $0xFFFFFF80  }
0x16e: {  	[spmem:s1] =	stream.indirect.scatter.add.f32 [tilespmem:s18], [sflag:$0x1], $0x8, s28, s20, $0xb8;
	[tilespmem:$0x1D98] =	vst v63  }
0x16f: {  	_ =	swait.ge [sflag:s14], $0x80  }
0x170: {  	[sflag:s14] =	ssyncset.done $0x0  }
0x171: {  	[sflag:s14] =	ssyncadd.s32 $0xFFFFFF80  }
0x172: {  	[spmem:s1] =	stream.indirect.scatter.add.f32 [tilespmem:s18], [sflag:$0x1], $0x8, s0, s20, $0xb8;
	[tilespmem:$0x1D98] =	vst v63  }
0x173: {  	_ =	swait.ge [sflag:s15], $0x80  }
0x174: {  	[sflag:s15] =	ssyncset.done $0x0  }
0x175: {  	[sflag:s15] =	ssyncadd.s32 $0xFFFFFF80  }
0x176: {  	[spmem:s1] =	stream.indirect.scatter.add.f32 [tilespmem:s18], [sflag:$0x1], $0x8, s3, s20, $0xb8;
	[tilespmem:$0x1D98] =	vst v63  }
0x177: {  	_ =	swait.ge [sflag:s16], $0x80  }
0x178: {  	[sflag:s16] =	ssyncset.done $0x0  }
0x179: {  	[sflag:s16] =	ssyncadd.s32 $0xFFFFFF80  }
0x17a: {  	[spmem:s1] =	stream.indirect.scatter.add.f32 [tilespmem:s18], [sflag:$0x1], $0x8, s4, s20, $0xb8;
	[tilespmem:$0x1D98] =	vst v63  }
0x17b: {  	_ =	swait.ge [sflag:s10], $0x400  }
0x17c: {  	[sflag:s10] =	ssyncset.done $0x0  }
0x17d: {  	[sflag:s10] =	ssyncadd.s32 $0xFFFFFC00  }
0x17e: {  	_ =	swait.ge [sflag:s10], $0x400  }
0x17f: {  	[sflag:s10] =	ssyncset.done $0x0  }
0x180: {  	[sflag:s10] =	ssyncadd.s32 $0xFFFFFC00  }
0x181: {  	_ =	swait.ge [sflag:s10], $0x400  }
0x182: {  	[sflag:s10] =	ssyncset.done $0x0  }
0x183: {  	[sflag:s10] =	ssyncadd.s32 $0xFFFFFC00  }
0x184: {  	_ =	swait.ge [sflag:s10], $0x400  }
0x185: {  	[sflag:s10] =	ssyncset.done $0x0  }
0x186: {  	[sflag:s10] =	ssyncadd.s32 $0xFFFFFC00  }
0x187: {  	_ =	swait.ge [sflag:s10], $0x400  }
0x188: {  	[sflag:s10] =	ssyncset.done $0x0  }
0x189: {  	[sflag:s10] =	ssyncadd.s32 $0xFFFFFC00  }
0x18a: {  	_ =	swait.ge [sflag:s10], $0x400  }
0x18b: {  	[sflag:s10] =	ssyncset.done $0x0  }
0x18c: {  	[sflag:s10] =	ssyncadd.s32 $0xFFFFFC00  }
0x18d: {  	_ =	swait.ge [sflag:s29], $0x80  }
0x18e: {  	[sflag:s29] =	ssyncset.done $0x0  }
0x18f: {  	[sflag:s29] =	ssyncadd.s32 $0xFFFFFF80  }
0x190: {  	[spmem:s1] =	stream.indirect.scatter.add.f32 [tilespmem:s18], [sflag:$0x1], $0x8, s2, s20, $0xb8;
	[tilespmem:$0x1D98] =	vst v63  }
0x191: {  	_ =	swait.ge [sflag:s30], $0x80  }
0x192: {  	[sflag:s30] =	ssyncset.done $0x0  }
0x193: {  	[sflag:s30] =	ssyncadd.s32 $0xFFFFFF80  }
0x194: {  	[spmem:s1] =	stream.indirect.scatter.add.f32 [tilespmem:s18], [sflag:$0x1], $0x8, s20, s20, $0xb8;
	[tilespmem:$0x1D98] =	vst v63  }
0x195: {  	_ =	swait.ge [sflag:s6], $0x80  }
0x196: {  	[sflag:s6] =	ssyncset.done $0x0  }
0x197: {  	[sflag:s6] =	ssyncadd.s32 $0xFFFFFF80  }
0x198: {  	[spmem:s1] =	stream.indirect.scatter.add.f32 [tilespmem:s18], [sflag:$0x1], $0x8, s21, s20, $0xb8;
	[tilespmem:$0x1D98] =	vst v63  }
0x199: {  	_ =	swait.ge [sflag:s7], $0x80  }
0x19a: {  	[sflag:s7] =	ssyncset.done $0x0  }
0x19b: {  	[sflag:s7] =	ssyncadd.s32 $0xFFFFFF80  }
0x19c: {  	[spmem:s1] =	stream.indirect.scatter.add.f32 [tilespmem:s18], [sflag:$0x1], $0x8, s22, s20, $0xb8;
	[tilespmem:$0x1D98] =	vst v63  }
0x19d: {  	_ =	swait.ge [sflag:s8], $0x80  }
0x19e: {  	[sflag:s8] =	ssyncset.done $0x0  }
0x19f: {  	[sflag:s8] =	ssyncadd.s32 $0xFFFFFF80  }
0x1a0: {  	[spmem:s1] =	stream.indirect.scatter.add.f32 [tilespmem:s18], [sflag:$0x1], $0x8, s23, s20, $0xb8;
	[tilespmem:$0x1D98] =	vst v63  }
0x1a1: {  	_ =	swait.ge [sflag:s9], $0x80  }
0x1a2: {  	[sflag:s9] =	ssyncset.done $0x0  }
0x1a3: {  	[sflag:s9] =	ssyncadd.s32 $0xFFFFFF80  }
0x1a4: {  	[spmem:s1] =	stream.indirect.scatter.add.f32 [tilespmem:s18], [sflag:$0x1], $0x8, s24, s20, $0xb8;
	[tilespmem:$0x1D98] =	vst v63  }
0x1a5: {  	_ =	swait.ge [sflag:s10], $0x400  }
0x1a6: {  	[sflag:s10] =	ssyncset.done $0x0  }
0x1a7: {  	[sflag:s10] =	ssyncadd.s32 $0xFFFFFC00  }
0x1a8: {  	_ =	swait.ge [sflag:s10], $0x400  }
0x1a9: {  	[sflag:s10] =	ssyncset.done $0x0  }
0x1aa: {  	[sflag:s10] =	ssyncadd.s32 $0xFFFFFC00  }
0x1ab: {  	_ =	swait.ge [sflag:s10], $0x400  }
0x1ac: {  	[sflag:s10] =	ssyncset.done $0x0  }
0x1ad: {  	[sflag:s10] =	ssyncadd.s32 $0xFFFFFC00  }
0x1ae: {  	_ =	swait.ge [sflag:s10], $0x400  }
0x1af: {  	[sflag:s10] =	ssyncset.done $0x0  }
0x1b0: {  	[sflag:s10] =	ssyncadd.s32 $0xFFFFFC00  }
0x1b1: {  	_ =	swait.ge [sflag:s10], $0x400  }
0x1b2: {  	[sflag:s10] =	ssyncset.done $0x0  }
0x1b3: {  	[sflag:s10] =	ssyncadd.s32 $0xFFFFFC00  }
0x1b4: {  	_ =	swait.ge [sflag:s10], $0x400  }
0x1b5: {  	s26 =	simm.s32 $0x600;
	[sflag:s10] =	ssyncset.done $0x0  }
0x1b6: {  	s21 =	simm.s32 $0xE;
	s25 =	rddreg [dreg:$0x18];
	[sflag:s10] =	ssyncadd.s32 $0xFFFFFC00  }
0x1b7: {  	[tilespmem:s26], [sflag:$0xE] =	stream.linear.gather [hbm4b:s25+s2], $0x10, $0x38;
	[tilespmem:$0x1D98] =	vst v63  }
0x1b8: {  	_ =	swait.ge [sflag:s21], $0x10  }
0x1b9: {  	[sflag:s21] =	ssyncset.done $0x0  }
0x1ba: {  	s28 =	simm.s32 $0x10;
	[sflag:s21] =	ssyncadd.s32 $0xFFFFFFF0  }
0x1bb: {  	[spmem:s1] =	stream.indirect.scatter.add.f32 [tilespmem:s18], [sflag:$0x1], $0x8, s26, s28, $0xb8;
	[tilespmem:$0x1D98] =	vst v63  }
0x1bc: {  	_ =	swait.ge [sflag:s10], $0x80  }
0x1bd: {  	[sflag:s10] =	ssyncset.done $0x0  }
0x1be: {  	[sflag:s10] =	ssyncadd.s32 $0xFFFFFF80  }
0x1bf: {  	[bflag:$0x0] =	sbarrier.arrive $0xFFFF  }
0x1c0: {  	s17 =	rddreg [dreg:$0x1a]  }
0x1c1: {  	s5 =	simm.s32 @p0 $0x1FCE;
	s0 =	rddreg [dreg:$0x1f]  }
0x1c2: {  	[hbm:s17], [sflag:s5] =	dma.local @p0 [spmem:s0], $0x280  }
0x1c3: {  	s5 =	simm.s32 @p0 $0xE  }
0x1c4: {  	_ =	swait.ge @p0 [sflag:s5], $0x280  }
0x1c5: {  	s0 =	sld [smem:$0x7FD]  }
0x1c6: {  	[sflag:s5] =	ssyncset.done @p0 $0x0;
	s17 =	rddreg [dreg:$0x1d]  }
0x1c7: {  	[sflag:s5] =	ssyncadd.s32 @p0 $0xFFFFFD80;
	s5 =	rddreg [dreg:$0x19]  }
0x1c8: {  	[hbm:s5], [sflag:s0] =	dma.local @!p0 [spmem:s17], $0x270  }
0x1c9: {  	s5 =	simm.s32 @!p0 $0xE  }
0x1ca: {  	_ =	swait.ge @!p0 [sflag:s5], $0x270  }
0x1cb: {  	s29 =	rddreg [dreg:$0x1e]  }
0x1cc: {  	s30 =	rddreg [dreg:$0x1b];
	s0 =	sadd.s32 $0x1, s29  }
0x1cd: {  	p1 =	sne.s32 s0, s30  }
.Ltmp1:
0x1ce: {  	_ = 	snop;
	(pc) =	sbr.rel @p1 .LBB2_1-.Ltmp1, $3  }
0x1cf: {  	_ =	sdelay $0x1  }
0x1d0: {  	[sflag:s5] =	ssyncset.done @!p0 $0x0  }
0x1d1: {  	[sflag:s5] =	ssyncadd.s32 @!p0 $0xFFFFFD90  }
0x1d2: {  	_ =	sfence.sel $0x180000  }
0x1d3: {  	[bflag:$0x0] =	sbarrier.arrive $0xFFFF  }
0x1d4: {  	_ =	strace $0x90000047  }
0x1d5: {  	s0 =	stileid.u32;
	[bflag:$0x2] =	sbarrier.arrive $0xFFFF  }
0x1d6: {  	p0 =	sne.s32 s0, $0x0;
	s0 =	rddreg [dreg:$0x2]  }
0x1d7: {  	s0 =	sadd.s32 @!p0 $0x100000, s0  }
0x1d8: {  	[sflag:s0] =	ssyncadd.tile.s32 @!p0 $0x1;
	_ =	shalt  }
.Lfunc_end2:
_tile_overlayer_lowered:
.L_overlay_start_2:
0x1d9: {  	(tag) =	ssettag $0x2  }
0x1da: {  	s0 =	rddreg [dreg:$0x0];
	s2 =	stileid.u32  }
0x1db: {  	s1 =	rddreg [dreg:$0x1];
	p0 =	sne.s32 s2, $0x0  }
0x1dc: {  	s3 =	rddreg [dreg:$0x2];
	[bflag:$0x3] =	sbarrier.arrive $0xFFFF;
	s2 =	simm.s32 @!p0 $0x1C0E  }
0x1dd: {  	[timem:s3], [sflag:s2] =	dma.local @!p0 [hbm:s0], s1  }
0x1de: {  	s0 =	simm.s32 @!p0 $0xE  }
0x1df: {  	_ =	swait.ge @!p0 [sflag:s0], s1  }
0x1e0: {  	s1 =	ssub.s32 @!p0 $0x0, s1;
	[sflag:s0] =	ssyncset.done @!p0 $0x0  }
0x1e1: {  	[sflag:s0] =	ssyncadd.s32 @!p0 s1  }
0x1e2: {  	[bflag:$0x3] =	sbarrier.arrive $0xFFFF  }
0x1e3: {  	_ =	shalt  }

</sc_bundles>
